<compile_context>
chip_gen: v7x
topology: tpu7x:2x2x1
jax: 0.10.2.dev20260603
libtpu: 0.0.44.dev20260713+nightly
codegen_flags: <defaults>
</compile_context>

<pallas_src>
import functools

import jax
import jax.numpy as jnp
from jax import lax
from jax.experimental import pallas as pl
from jax.experimental.pallas import tpu as pltpu
from jax.experimental.pallas import tpu_sc as plsc

HOT_NUMS = 50000
HASH_SIZE = 450000
EMBED_DIM = 64
BATCH = 16384

NC = 2
NS = 16
NW = NC * NS
BPW = BATCH // NW
CHUNK = 128
NCHUNK = BPW // CHUNK
LANES = 16


def _sc_body(inp_hbm, wh_hbm, whash_hbm, out_hbm,
             inp_v, idx_v, mf_v, buf0, buf1, sem0, sem1):
    wid = lax.axis_index("s") * NC + lax.axis_index("c")
    base = wid * BPW

    pltpu.sync_copy(inp_hbm.at[pl.ds(base, BPW)], inp_v)

    def idx_body(j, carry):
        sl = pl.ds(j * LANES, LANES)
        v = inp_v[sl]
        a = jnp.abs(v)
        hot = lax.rem(v, 10) == 0
        mf_v[sl] = jnp.where(hot, 1, 0)
        idx_v[sl] = jnp.where(hot, lax.rem(a, HOT_NUMS), lax.rem(a, HASH_SIZE))
        return carry

    lax.fori_loop(0, BPW // LANES, idx_body, 0)

    bufs = (buf0, buf1)
    sems = (sem0, sem1)

    def fill(c, buf, sem):
        def group_body(g, carry):
            sl = pl.ds(c * CHUNK + g * LANES, LANES)
            v = idx_v[sl]
            m = mf_v[sl]
            for k in range(LANES):
                s = v[k]
                r = g * LANES + k

                @pl.when(m[k] != 0)
                def _():
                    pltpu.async_copy(
                        wh_hbm.at[pl.ds(s, 1)], buf.at[pl.ds(r, 1)], sem)

                @pl.when(m[k] == 0)
                def _():
                    pltpu.async_copy(
                        whash_hbm.at[pl.ds(s, 1)], buf.at[pl.ds(r, 1)], sem)
            return carry

        lax.fori_loop(0, CHUNK // LANES, group_body, 0)

    def drain_and_flush(c, buf, sem):
        pltpu.make_async_copy(wh_hbm.at[pl.ds(0, CHUNK)], buf, sem).wait()
        pltpu.sync_copy(buf, out_hbm.at[pl.ds(base + c * CHUNK, CHUNK)])

    for c in range(NCHUNK):
        fill(c, bufs[c % 2], sems[c % 2])
        if c > 0:
            drain_and_flush(c - 1, bufs[(c - 1) % 2], sems[(c - 1) % 2])
    drain_and_flush(NCHUNK - 1, bufs[(NCHUNK - 1) % 2], sems[(NCHUNK - 1) % 2])


_lookup = functools.partial(
    pl.kernel,
    out_type=jax.ShapeDtypeStruct((BATCH, EMBED_DIM), jnp.float32),
    mesh=plsc.VectorSubcoreMesh(core_axis_name="c", subcore_axis_name="s"),
    compiler_params=pltpu.CompilerParams(needs_layout_passes=False),
    scratch_types=[
        pltpu.VMEM((BPW,), jnp.int32),
        pltpu.VMEM((BPW,), jnp.int32),
        pltpu.VMEM((BPW,), jnp.int32),
        pltpu.VMEM((CHUNK, EMBED_DIM), jnp.float32),
        pltpu.VMEM((CHUNK, EMBED_DIM), jnp.float32),
        pltpu.SemaphoreType.DMA,
        pltpu.SemaphoreType.DMA,
    ],
)(_sc_body)


def kernel(input, offsets, weight_h, weight_hash):
    del offsets
    return _lookup(input, weight_h, weight_hash)

# --- scband reference (transcript-rebuilt; emitter-appended) ---
"""Pipeline reference for scband-skembedding-bag-24704651886800 (READ-ONLY COPY).

The authoritative reference and input builder live on the scoring server;
editing this copy changes nothing except your own understanding.
"""

import jax, jax.numpy as jnp
import numpy as np

NUM_CATEGORIES = 1000000
HOT_NUMS = 50000      # num_categories * compress_rate(0.5) * hot_rate(0.1)
HASH_SIZE = 450000    # num_categories * compress_rate(0.5) * (1 - hot_rate)
EMBED_DIM = 64
BATCH = 16384


def setup_inputs(seed: int = 0) -> dict:
    key = jax.random.key(seed)
    k1, k2, k3 = jax.random.split(key, 3)
    inp = jax.random.randint(k1, (BATCH,), 0, NUM_CATEGORIES, dtype=jnp.int32)
    offsets = jnp.arange(BATCH, dtype=jnp.int32)  # bag size 1 per bag
    bound = float(np.sqrt(1.0 / NUM_CATEGORIES))
    weight_h = jax.random.uniform(k2, (HOT_NUMS, EMBED_DIM), minval=-bound, maxval=bound, dtype=jnp.float32)
    weight_hash = jax.random.uniform(k3, (HASH_SIZE, EMBED_DIM), minval=-bound, maxval=bound, dtype=jnp.float32)
    return {"input": inp, "offsets": offsets, "weight_h": weight_h, "weight_hash": weight_hash}


def reference(input, offsets, weight_h, weight_hash):
    # self.query(input): the C sketch returns (dic_mask, dic). We model the sketch
    # deterministically: ~hot_rate fraction of ids are 'hot' (dic_mask True), and
    # dic is the (abs) sketch id, modeled as the raw id.
    dic = jnp.abs(input)
    dic_mask = (input % 10) == 0  # hot_rate = 0.1 fraction marked hot

    N = dic.shape[0]
    B = offsets.shape[0]

    # F.embedding_bag(..., mode='mean') equivalent: gather rows then segment-mean per bag
    rows_high = jnp.take(weight_h, dic % HOT_NUMS, axis=0)
    rows_hash = jnp.take(weight_hash, dic % HASH_SIZE, axis=0)

    seg_ids = jnp.searchsorted(offsets, jnp.arange(N, dtype=offsets.dtype), side='right') - 1
    embed_high = jax.ops.segment_sum(rows_high, seg_ids, num_segments=B)
    embed_hash = jax.ops.segment_sum(rows_hash, seg_ids, num_segments=B)
    counts = jax.ops.segment_sum(jnp.ones((N,), dtype=jnp.float32), seg_ids, num_segments=B)
    counts = jnp.maximum(counts, 1.0)
    embed_high = embed_high / counts[:, None]
    embed_hash = embed_hash / counts[:, None]

    # torch.where(dic_mask.unsqueeze(1), embed_high, embed_hash) -- valid since N == B here
    embed = jnp.where(dic_mask[:, None], embed_high, embed_hash)
    return embed

if __name__ == "__main__":
    import jax
    _d = setup_inputs()
    print(jax.jit(kernel)(*tuple(_d.values())))

</pallas_src>

<mosaic_0001>
#map = affine_map<(d0, d1) -> (0)>
#map1 = affine_map<(d0, d1) -> (0, 0)>
module attributes {stable_mosaic.version = 14 : i64} {
  func.func @_sc_body(%arg0: i32, %arg1: i32, %arg2: memref<16384xi32, #tpu.memory_space<hbm>>, %arg3: memref<50000x64xf32, #tpu.memory_space<hbm>>, %arg4: memref<450000x64xf32, #tpu.memory_space<hbm>>, %arg5: memref<16384x64xf32, #tpu.memory_space<hbm>>, %arg6: memref<512xi32, #tpu.memory_space<vmem>>, %arg7: memref<512xi32, #tpu.memory_space<vmem>>, %arg8: memref<512xi32, #tpu.memory_space<vmem>>, %arg9: memref<128x64xf32, #tpu.memory_space<vmem>>, %arg10: memref<128x64xf32, #tpu.memory_space<vmem>>, %arg11: memref<!tpu.dma_semaphore, #tpu.memory_space<semaphore_mem>>, %arg12: memref<!tpu.dma_semaphore, #tpu.memory_space<semaphore_mem>>) attributes {dimension_semantics = [#tpu.dimension_semantics<core_parallel>, #tpu.dimension_semantics<subcore_parallel>], iteration_bounds = array<i64: 2, 16>, scalar_prefetch = 0 : i64, scratch_operands = 7 : i64, tpu.core_type = #tpu.core_type<sc_vector_subcore>, window_params = [{transform_indices = #map}, {transform_indices = #map1}, {transform_indices = #map1}, {transform_indices = #map1}]} {
    %mul3A = arith.constant 2 : i32
    %mul3A_0 = arith.muli %arg1, %mul3A : i32
    %add3A = arith.addi %mul3A_0, %arg0 : i32
    %mul3A_1 = arith.constant 512 : i32
    %mul3A_2 = arith.muli %add3A, %mul3A_1 : i32
    "tpu.region"() ({
      %run_scoped3A = tpu.sem_alloc : memref<!tpu.dma_semaphore, #tpu.memory_space<semaphore_mem>>
      %dma_start3A = tpu.memref_slice %arg2[%mul3A_2] : memref<16384xi32, #tpu.memory_space<hbm>> -> memref<512xi32, #tpu.memory_space<hbm>>
      %dma_start3A_63 = tpu.memref_slice %arg2[%mul3A_2] : memref<16384xi32, #tpu.memory_space<hbm>> -> memref<512xi32, #tpu.memory_space<hbm>>
      tpu.enqueue_dma source(%dma_start3A_63 : memref<512xi32, #tpu.memory_space<hbm>>) target(%arg6 : memref<512xi32, #tpu.memory_space<vmem>>) target_semaphore(%run_scoped3A : memref<!tpu.dma_semaphore, #tpu.memory_space<semaphore_mem>>)
      %dma_wait3A_64 = tpu.memref_slice %arg2[%mul3A_2] : memref<16384xi32, #tpu.memory_space<hbm>> -> memref<512xi32, #tpu.memory_space<hbm>>
      %dma_wait3A_65 = tpu.memref_slice %arg2[%mul3A_2] : memref<16384xi32, #tpu.memory_space<hbm>> -> memref<512xi32, #tpu.memory_space<hbm>>
      tpu.wait_dma2 semaphore(%run_scoped3A : memref<!tpu.dma_semaphore, #tpu.memory_space<semaphore_mem>>) src(%dma_wait3A_65 : memref<512xi32, #tpu.memory_space<hbm>>) dst(%arg6 : memref<512xi32, #tpu.memory_space<vmem>>)
      tpu.yield
    }) : () -> ()
    %scan3A = arith.constant 0 : i32
    %scan3A_3 = arith.constant 0 : i32
    %scan3A_4 = arith.constant 32 : i32
    %scan3A_5 = arith.addi %scan3A_3, %scan3A_4 : i32
    %scan3A_6 = arith.constant 1 : i32
    scf.for %scan3A_63 = %scan3A_3 to %scan3A_5 step %scan3A_6  : i32 {
      %mul3A_64 = arith.constant 16 : i32
      %mul3A_65 = arith.muli %scan3A_63, %mul3A_64 : i32
      %get3A = arith.index_cast %mul3A_65 : i32 to index
      %get3A_66 = tpu.vector_load %arg6[%get3A] {strides = array<i32>} : memref<512xi32, #tpu.memory_space<vmem>>, vector<16xi32>,
      %abs3A = math.absi %get3A_66 : vector<16xi32>
      %rem3A = arith.constant 10 : i32
      %rem3A_67 = vector.broadcast %rem3A : i32 to vector<16xi32>
      %rem3A_68 = arith.remsi %get3A_66, %rem3A_67 : vector<16xi32>
      %eq3A = arith.constant 0 : i32
      %eq3A_69 = vector.broadcast %eq3A : i32 to vector<16xi32>
      %eq3A_70 = arith.cmpi eq, %rem3A_68, %eq3A_69 : vector<16xi32>
      %jit3A = arith.constant 1 : i32
      %jit3A_71 = arith.constant 0 : i32
      %broadcast_in_dim3A = vector.broadcast %jit3A : i32 to vector<16xi32>
      %broadcast_in_dim3A_72 = vector.broadcast %jit3A_71 : i32 to vector<16xi32>
      %select_n3A = arith.select %eq3A_70, %broadcast_in_dim3A, %broadcast_in_dim3A_72 : vector<16xi1>, vector<16xi32>
      %swap3A = arith.index_cast %mul3A_65 : i32 to index
      %swap3A_73 = tpu.vector_load %arg8[%swap3A] {strides = array<i32>} : memref<512xi32, #tpu.memory_space<vmem>>, vector<16xi32>,
      tpu.vector_store %arg8[%swap3A], %select_n3A {strides = array<i32>} : memref<512xi32, #tpu.memory_space<vmem>>, vector<16xi32>,
      %rem3A_74 = arith.constant 50000 : i32
      %rem3A_75 = vector.broadcast %rem3A_74 : i32 to vector<16xi32>
      %rem3A_76 = arith.remsi %abs3A, %rem3A_75 : vector<16xi32>
      %rem3A_77 = arith.constant 450000 : i32
      %rem3A_78 = vector.broadcast %rem3A_77 : i32 to vector<16xi32>
      %rem3A_79 = arith.remsi %abs3A, %rem3A_78 : vector<16xi32>
      %select_n3A_80 = arith.select %eq3A_70, %rem3A_76, %rem3A_79 : vector<16xi1>, vector<16xi32>
      %swap3A_81 = arith.index_cast %mul3A_65 : i32 to index
      %swap3A_82 = tpu.vector_load %arg7[%swap3A_81] {strides = array<i32>} : memref<512xi32, #tpu.memory_space<vmem>>, vector<16xi32>,
      tpu.vector_store %arg7[%swap3A_81], %select_n3A_80 {strides = array<i32>} : memref<512xi32, #tpu.memory_space<vmem>>, vector<16xi32>,
    }
    %scan3A_7 = arith.constant 32 : i32
    %scan3A_8 = arith.constant 0 : i32
    %scan3A_9 = arith.constant 0 : i32
    %scan3A_10 = arith.constant 8 : i32
    %scan3A_11 = arith.addi %scan3A_9, %scan3A_10 : i32
    %scan3A_12 = arith.constant 1 : i32
    scf.for %scan3A_63 = %scan3A_9 to %scan3A_11 step %scan3A_12  : i32 {
      %mul3A_64 = arith.constant 16 : i32
      %mul3A_65 = arith.muli %scan3A_63, %mul3A_64 : i32
      %add3A_66 = arith.constant 0 : i32
      %add3A_67 = arith.addi %add3A_66, %mul3A_65 : i32
      %get3A = arith.index_cast %add3A_67 : i32 to index
      %get3A_68 = tpu.vector_load %arg7[%get3A] {strides = array<i32>} : memref<512xi32, #tpu.memory_space<vmem>>, vector<16xi32>,
      %get3A_69 = arith.index_cast %add3A_67 : i32 to index
      %get3A_70 = tpu.vector_load %arg8[%get3A_69] {strides = array<i32>} : memref<512xi32, #tpu.memory_space<vmem>>, vector<16xi32>,
      %slice3A = vector.extract_strided_slice %get3A_68 {offsets = [0], sizes = [1], strides = [1]} : vector<16xi32> to vector<1xi32>
      %squeeze3A = vector.extract %slice3A[0] : i32 from vector<1xi32>
      %mul3A_71 = arith.constant 16 : i32
      %mul3A_72 = arith.muli %scan3A_63, %mul3A_71 : i32
      %add3A_73 = arith.constant 0 : i32
      %add3A_74 = arith.addi %mul3A_72, %add3A_73 : i32
      %slice3A_75 = vector.extract_strided_slice %get3A_70 {offsets = [0], sizes = [1], strides = [1]} : vector<16xi32> to vector<1xi32>
      %squeeze3A_76 = vector.extract %slice3A_75[0] : i32 from vector<1xi32>
      %ne3A = arith.constant 0 : i32
      %ne3A_77 = arith.cmpi ne, %squeeze3A_76, %ne3A : i32
      %convert_element_type3A = arith.extui %ne3A_77 : i1 to i32
      %cond3A = arith.constant 0 : i32
      %cond3A_78 = arith.cmpi ne, %convert_element_type3A, %cond3A : i32
      scf.if %cond3A_78 {
        %dma_start3A = arith.constant 0 : i32
        %dma_start3A_385 = tpu.memref_slice %arg9[%add3A_74, %dma_start3A] : memref<128x64xf32, #tpu.memory_space<vmem>> -> memref<1x64xf32, #tpu.memory_space<vmem>>
        %dma_start3A_386 = arith.constant 0 : i32
        %dma_start3A_387 = tpu.memref_slice %arg3[%squeeze3A, %dma_start3A_386] : memref<50000x64xf32, #tpu.memory_space<hbm>> -> memref<1x64xf32, #tpu.memory_space<hbm>>
        %dma_start3A_388 = arith.constant 0 : i32
        %dma_start3A_389 = tpu.memref_slice %arg9[%add3A_74, %dma_start3A_388] : memref<128x64xf32, #tpu.memory_space<vmem>> -> memref<1x64xf32, #tpu.memory_space<vmem>>
        %dma_start3A_390 = arith.constant 0 : i32
        %dma_start3A_391 = tpu.memref_slice %arg3[%squeeze3A, %dma_start3A_390] : memref<50000x64xf32, #tpu.memory_space<hbm>> -> memref<1x64xf32, #tpu.memory_space<hbm>>
        tpu.enqueue_dma source(%dma_start3A_391 : memref<1x64xf32, #tpu.memory_space<hbm>>) target(%dma_start3A_389 : memref<1x64xf32, #tpu.memory_space<vmem>>) target_semaphore(%arg11 : memref<!tpu.dma_semaphore, #tpu.memory_space<semaphore_mem>>)
      } else {
      }
      %slice3A_79 = vector.extract_strided_slice %get3A_70 {offsets = [0], sizes = [1], strides = [1]} : vector<16xi32> to vector<1xi32>
      %squeeze3A_80 = vector.extract %slice3A_79[0] : i32 from vector<1xi32>
      %eq3A = arith.constant 0 : i32
      %eq3A_81 = arith.cmpi eq, %squeeze3A_80, %eq3A : i32
      %convert_element_type3A_82 = arith.extui %eq3A_81 : i1 to i32
      %cond3A_83 = arith.constant 0 : i32
      %cond3A_84 = arith.cmpi ne, %convert_element_type3A_82, %cond3A_83 : i32
      scf.if %cond3A_84 {
        %dma_start3A = arith.constant 0 : i32
        %dma_start3A_385 = tpu.memref_slice %arg9[%add3A_74, %dma_start3A] : memref<128x64xf32, #tpu.memory_space<vmem>> -> memref<1x64xf32, #tpu.memory_space<vmem>>
        %dma_start3A_386 = arith.constant 0 : i32
        %dma_start3A_387 = tpu.memref_slice %arg4[%squeeze3A, %dma_start3A_386] : memref<450000x64xf32, #tpu.memory_space<hbm>> -> memref<1x64xf32, #tpu.memory_space<hbm>>
        %dma_start3A_388 = arith.constant 0 : i32
        %dma_start3A_389 = tpu.memref_slice %arg9[%add3A_74, %dma_start3A_388] : memref<128x64xf32, #tpu.memory_space<vmem>> -> memref<1x64xf32, #tpu.memory_space<vmem>>
        %dma_start3A_390 = arith.constant 0 : i32
        %dma_start3A_391 = tpu.memref_slice %arg4[%squeeze3A, %dma_start3A_390] : memref<450000x64xf32, #tpu.memory_space<hbm>> -> memref<1x64xf32, #tpu.memory_space<hbm>>
        tpu.enqueue_dma source(%dma_start3A_391 : memref<1x64xf32, #tpu.memory_space<hbm>>) target(%dma_start3A_389 : memref<1x64xf32, #tpu.memory_space<vmem>>) target_semaphore(%arg11 : memref<!tpu.dma_semaphore, #tpu.memory_space<semaphore_mem>>)
      } else {
      }
      %slice3A_85 = vector.extract_strided_slice %get3A_68 {offsets = [1], sizes = [1], strides = [1]} : vector<16xi32> to vector<1xi32>
      %squeeze3A_86 = vector.extract %slice3A_85[0] : i32 from vector<1xi32>
      %mul3A_87 = arith.constant 16 : i32
      %mul3A_88 = arith.muli %scan3A_63, %mul3A_87 : i32
      %add3A_89 = arith.constant 1 : i32
      %add3A_90 = arith.addi %mul3A_88, %add3A_89 : i32
      %slice3A_91 = vector.extract_strided_slice %get3A_70 {offsets = [1], sizes = [1], strides = [1]} : vector<16xi32> to vector<1xi32>
      %squeeze3A_92 = vector.extract %slice3A_91[0] : i32 from vector<1xi32>
      %ne3A_93 = arith.constant 0 : i32
      %ne3A_94 = arith.cmpi ne, %squeeze3A_92, %ne3A_93 : i32
      %convert_element_type3A_95 = arith.extui %ne3A_94 : i1 to i32
      %cond3A_96 = arith.constant 0 : i32
      %cond3A_97 = arith.cmpi ne, %convert_element_type3A_95, %cond3A_96 : i32
      scf.if %cond3A_97 {
        %dma_start3A = arith.constant 0 : i32
        %dma_start3A_385 = tpu.memref_slice %arg9[%add3A_90, %dma_start3A] : memref<128x64xf32, #tpu.memory_space<vmem>> -> memref<1x64xf32, #tpu.memory_space<vmem>>
        %dma_start3A_386 = arith.constant 0 : i32
        %dma_start3A_387 = tpu.memref_slice %arg3[%squeeze3A_86, %dma_start3A_386] : memref<50000x64xf32, #tpu.memory_space<hbm>> -> memref<1x64xf32, #tpu.memory_space<hbm>>
        %dma_start3A_388 = arith.constant 0 : i32
        %dma_start3A_389 = tpu.memref_slice %arg9[%add3A_90, %dma_start3A_388] : memref<128x64xf32, #tpu.memory_space<vmem>> -> memref<1x64xf32, #tpu.memory_space<vmem>>
        %dma_start3A_390 = arith.constant 0 : i32
        %dma_start3A_391 = tpu.memref_slice %arg3[%squeeze3A_86, %dma_start3A_390] : memref<50000x64xf32, #tpu.memory_space<hbm>> -> memref<1x64xf32, #tpu.memory_space<hbm>>
        tpu.enqueue_dma source(%dma_start3A_391 : memref<1x64xf32, #tpu.memory_space<hbm>>) target(%dma_start3A_389 : memref<1x64xf32, #tpu.memory_space<vmem>>) target_semaphore(%arg11 : memref<!tpu.dma_semaphore, #tpu.memory_space<semaphore_mem>>)
      } else {
      }
      %slice3A_98 = vector.extract_strided_slice %get3A_70 {offsets = [1], sizes = [1], strides = [1]} : vector<16xi32> to vector<1xi32>
      %squeeze3A_99 = vector.extract %slice3A_98[0] : i32 from vector<1xi32>
      %eq3A_100 = arith.constant 0 : i32
      %eq3A_101 = arith.cmpi eq, %squeeze3A_99, %eq3A_100 : i32
      %convert_element_type3A_102 = arith.extui %eq3A_101 : i1 to i32
      %cond3A_103 = arith.constant 0 : i32
      %cond3A_104 = arith.cmpi ne, %convert_element_type3A_102, %cond3A_103 : i32
      scf.if %cond3A_104 {
        %dma_start3A = arith.constant 0 : i32
        %dma_start3A_385 = tpu.memref_slice %arg9[%add3A_90, %dma_start3A] : memref<128x64xf32, #tpu.memory_space<vmem>> -> memref<1x64xf32, #tpu.memory_space<vmem>>
        %dma_start3A_386 = arith.constant 0 : i32
        %dma_start3A_387 = tpu.memref_slice %arg4[%squeeze3A_86, %dma_start3A_386] : memref<450000x64xf32, #tpu.memory_space<hbm>> -> memref<1x64xf32, #tpu.memory_space<hbm>>
        %dma_start3A_388 = arith.constant 0 : i32
        %dma_start3A_389 = tpu.memref_slice %arg9[%add3A_90, %dma_start3A_388] : memref<128x64xf32, #tpu.memory_space<vmem>> -> memref<1x64xf32, #tpu.memory_space<vmem>>
        %dma_start3A_390 = arith.constant 0 : i32
        %dma_start3A_391 = tpu.memref_slice %arg4[%squeeze3A_86, %dma_start3A_390] : memref<450000x64xf32, #tpu.memory_space<hbm>> -> memref<1x64xf32, #tpu.memory_space<hbm>>
        tpu.enqueue_dma source(%dma_start3A_391 : memref<1x64xf32, #tpu.memory_space<hbm>>) target(%dma_start3A_389 : memref<1x64xf32, #tpu.memory_space<vmem>>) target_semaphore(%arg11 : memref<!tpu.dma_semaphore, #tpu.memory_space<semaphore_mem>>)
      } else {
      }
      %slice3A_105 = vector.extract_strided_slice %get3A_68 {offsets = [2], sizes = [1], strides = [1]} : vector<16xi32> to vector<1xi32>
      %squeeze3A_106 = vector.extract %slice3A_105[0] : i32 from vector<1xi32>
      %mul3A_107 = arith.constant 16 : i32
      %mul3A_108 = arith.muli %scan3A_63, %mul3A_107 : i32
      %add3A_109 = arith.constant 2 : i32
      %add3A_110 = arith.addi %mul3A_108, %add3A_109 : i32
      %slice3A_111 = vector.extract_strided_slice %get3A_70 {offsets = [2], sizes = [1], strides = [1]} : vector<16xi32> to vector<1xi32>
      %squeeze3A_112 = vector.extract %slice3A_111[0] : i32 from vector<1xi32>
      %ne3A_113 = arith.constant 0 : i32
      %ne3A_114 = arith.cmpi ne, %squeeze3A_112, %ne3A_113 : i32
      %convert_element_type3A_115 = arith.extui %ne3A_114 : i1 to i32
      %cond3A_116 = arith.constant 0 : i32
      %cond3A_117 = arith.cmpi ne, %convert_element_type3A_115, %cond3A_116 : i32
      scf.if %cond3A_117 {
        %dma_start3A = arith.constant 0 : i32
        %dma_start3A_385 = tpu.memref_slice %arg9[%add3A_110, %dma_start3A] : memref<128x64xf32, #tpu.memory_space<vmem>> -> memref<1x64xf32, #tpu.memory_space<vmem>>
        %dma_start3A_386 = arith.constant 0 : i32
        %dma_start3A_387 = tpu.memref_slice %arg3[%squeeze3A_106, %dma_start3A_386] : memref<50000x64xf32, #tpu.memory_space<hbm>> -> memref<1x64xf32, #tpu.memory_space<hbm>>
        %dma_start3A_388 = arith.constant 0 : i32
        %dma_start3A_389 = tpu.memref_slice %arg9[%add3A_110, %dma_start3A_388] : memref<128x64xf32, #tpu.memory_space<vmem>> -> memref<1x64xf32, #tpu.memory_space<vmem>>
        %dma_start3A_390 = arith.constant 0 : i32
        %dma_start3A_391 = tpu.memref_slice %arg3[%squeeze3A_106, %dma_start3A_390] : memref<50000x64xf32, #tpu.memory_space<hbm>> -> memref<1x64xf32, #tpu.memory_space<hbm>>
        tpu.enqueue_dma source(%dma_start3A_391 : memref<1x64xf32, #tpu.memory_space<hbm>>) target(%dma_start3A_389 : memref<1x64xf32, #tpu.memory_space<vmem>>) target_semaphore(%arg11 : memref<!tpu.dma_semaphore, #tpu.memory_space<semaphore_mem>>)
      } else {
      }
      %slice3A_118 = vector.extract_strided_slice %get3A_70 {offsets = [2], sizes = [1], strides = [1]} : vector<16xi32> to vector<1xi32>
      %squeeze3A_119 = vector.extract %slice3A_118[0] : i32 from vector<1xi32>
      %eq3A_120 = arith.constant 0 : i32
      %eq3A_121 = arith.cmpi eq, %squeeze3A_119, %eq3A_120 : i32
      %convert_element_type3A_122 = arith.extui %eq3A_121 : i1 to i32
      %cond3A_123 = arith.constant 0 : i32
      %cond3A_124 = arith.cmpi ne, %convert_element_type3A_122, %cond3A_123 : i32
      scf.if %cond3A_124 {
        %dma_start3A = arith.constant 0 : i32
        %dma_start3A_385 = tpu.memref_slice %arg9[%add3A_110, %dma_start3A] : memref<128x64xf32, #tpu.memory_space<vmem>> -> memref<1x64xf32, #tpu.memory_space<vmem>>
        %dma_start3A_386 = arith.constant 0 : i32
        %dma_start3A_387 = tpu.memref_slice %arg4[%squeeze3A_106, %dma_start3A_386] : memref<450000x64xf32, #tpu.memory_space<hbm>> -> memref<1x64xf32, #tpu.memory_space<hbm>>
        %dma_start3A_388 = arith.constant 0 : i32
        %dma_start3A_389 = tpu.memref_slice %arg9[%add3A_110, %dma_start3A_388] : memref<128x64xf32, #tpu.memory_space<vmem>> -> memref<1x64xf32, #tpu.memory_space<vmem>>
        %dma_start3A_390 = arith.constant 0 : i32
        %dma_start3A_391 = tpu.memref_slice %arg4[%squeeze3A_106, %dma_start3A_390] : memref<450000x64xf32, #tpu.memory_space<hbm>> -> memref<1x64xf32, #tpu.memory_space<hbm>>
        tpu.enqueue_dma source(%dma_start3A_391 : memref<1x64xf32, #tpu.memory_space<hbm>>) target(%dma_start3A_389 : memref<1x64xf32, #tpu.memory_space<vmem>>) target_semaphore(%arg11 : memref<!tpu.dma_semaphore, #tpu.memory_space<semaphore_mem>>)
      } else {
      }
      %slice3A_125 = vector.extract_strided_slice %get3A_68 {offsets = [3], sizes = [1], strides = [1]} : vector<16xi32> to vector<1xi32>
      %squeeze3A_126 = vector.extract %slice3A_125[0] : i32 from vector<1xi32>
      %mul3A_127 = arith.constant 16 : i32
      %mul3A_128 = arith.muli %scan3A_63, %mul3A_127 : i32
      %add3A_129 = arith.constant 3 : i32
      %add3A_130 = arith.addi %mul3A_128, %add3A_129 : i32
      %slice3A_131 = vector.extract_strided_slice %get3A_70 {offsets = [3], sizes = [1], strides = [1]} : vector<16xi32> to vector<1xi32>
      %squeeze3A_132 = vector.extract %slice3A_131[0] : i32 from vector<1xi32>
      %ne3A_133 = arith.constant 0 : i32
      %ne3A_134 = arith.cmpi ne, %squeeze3A_132, %ne3A_133 : i32
      %convert_element_type3A_135 = arith.extui %ne3A_134 : i1 to i32
      %cond3A_136 = arith.constant 0 : i32
      %cond3A_137 = arith.cmpi ne, %convert_element_type3A_135, %cond3A_136 : i32
      scf.if %cond3A_137 {
        %dma_start3A = arith.constant 0 : i32
        %dma_start3A_385 = tpu.memref_slice %arg9[%add3A_130, %dma_start3A] : memref<128x64xf32, #tpu.memory_space<vmem>> -> memref<1x64xf32, #tpu.memory_space<vmem>>
        %dma_start3A_386 = arith.constant 0 : i32
        %dma_start3A_387 = tpu.memref_slice %arg3[%squeeze3A_126, %dma_start3A_386] : memref<50000x64xf32, #tpu.memory_space<hbm>> -> memref<1x64xf32, #tpu.memory_space<hbm>>
        %dma_start3A_388 = arith.constant 0 : i32
        %dma_start3A_389 = tpu.memref_slice %arg9[%add3A_130, %dma_start3A_388] : memref<128x64xf32, #tpu.memory_space<vmem>> -> memref<1x64xf32, #tpu.memory_space<vmem>>
        %dma_start3A_390 = arith.constant 0 : i32
        %dma_start3A_391 = tpu.memref_slice %arg3[%squeeze3A_126, %dma_start3A_390] : memref<50000x64xf32, #tpu.memory_space<hbm>> -> memref<1x64xf32, #tpu.memory_space<hbm>>
        tpu.enqueue_dma source(%dma_start3A_391 : memref<1x64xf32, #tpu.memory_space<hbm>>) target(%dma_start3A_389 : memref<1x64xf32, #tpu.memory_space<vmem>>) target_semaphore(%arg11 : memref<!tpu.dma_semaphore, #tpu.memory_space<semaphore_mem>>)
      } else {
      }
      %slice3A_138 = vector.extract_strided_slice %get3A_70 {offsets = [3], sizes = [1], strides = [1]} : vector<16xi32> to vector<1xi32>
      %squeeze3A_139 = vector.extract %slice3A_138[0] : i32 from vector<1xi32>
      %eq3A_140 = arith.constant 0 : i32
      %eq3A_141 = arith.cmpi eq, %squeeze3A_139, %eq3A_140 : i32
      %convert_element_type3A_142 = arith.extui %eq3A_141 : i1 to i32
      %cond3A_143 = arith.constant 0 : i32
      %cond3A_144 = arith.cmpi ne, %convert_element_type3A_142, %cond3A_143 : i32
      scf.if %cond3A_144 {
        %dma_start3A = arith.constant 0 : i32
        %dma_start3A_385 = tpu.memref_slice %arg9[%add3A_130, %dma_start3A] : memref<128x64xf32, #tpu.memory_space<vmem>> -> memref<1x64xf32, #tpu.memory_space<vmem>>
        %dma_start3A_386 = arith.constant 0 : i32
        %dma_start3A_387 = tpu.memref_slice %arg4[%squeeze3A_126, %dma_start3A_386] : memref<450000x64xf32, #tpu.memory_space<hbm>> -> memref<1x64xf32, #tpu.memory_space<hbm>>
        %dma_start3A_388 = arith.constant 0 : i32
        %dma_start3A_389 = tpu.memref_slice %arg9[%add3A_130, %dma_start3A_388] : memref<128x64xf32, #tpu.memory_space<vmem>> -> memref<1x64xf32, #tpu.memory_space<vmem>>
        %dma_start3A_390 = arith.constant 0 : i32
        %dma_start3A_391 = tpu.memref_slice %arg4[%squeeze3A_126, %dma_start3A_390] : memref<450000x64xf32, #tpu.memory_space<hbm>> -> memref<1x64xf32, #tpu.memory_space<hbm>>
        tpu.enqueue_dma source(%dma_start3A_391 : memref<1x64xf32, #tpu.memory_space<hbm>>) target(%dma_start3A_389 : memref<1x64xf32, #tpu.memory_space<vmem>>) target_semaphore(%arg11 : memref<!tpu.dma_semaphore, #tpu.memory_space<semaphore_mem>>)
      } else {
      }
      %slice3A_145 = vector.extract_strided_slice %get3A_68 {offsets = [4], sizes = [1], strides = [1]} : vector<16xi32> to vector<1xi32>
      %squeeze3A_146 = vector.extract %slice3A_145[0] : i32 from vector<1xi32>
      %mul3A_147 = arith.constant 16 : i32
      %mul3A_148 = arith.muli %scan3A_63, %mul3A_147 : i32
      %add3A_149 = arith.constant 4 : i32
      %add3A_150 = arith.addi %mul3A_148, %add3A_149 : i32
      %slice3A_151 = vector.extract_strided_slice %get3A_70 {offsets = [4], sizes = [1], strides = [1]} : vector<16xi32> to vector<1xi32>
      %squeeze3A_152 = vector.extract %slice3A_151[0] : i32 from vector<1xi32>
      %ne3A_153 = arith.constant 0 : i32
      %ne3A_154 = arith.cmpi ne, %squeeze3A_152, %ne3A_153 : i32
      %convert_element_type3A_155 = arith.extui %ne3A_154 : i1 to i32
      %cond3A_156 = arith.constant 0 : i32
      %cond3A_157 = arith.cmpi ne, %convert_element_type3A_155, %cond3A_156 : i32
      scf.if %cond3A_157 {
        %dma_start3A = arith.constant 0 : i32
        %dma_start3A_385 = tpu.memref_slice %arg9[%add3A_150, %dma_start3A] : memref<128x64xf32, #tpu.memory_space<vmem>> -> memref<1x64xf32, #tpu.memory_space<vmem>>
        %dma_start3A_386 = arith.constant 0 : i32
        %dma_start3A_387 = tpu.memref_slice %arg3[%squeeze3A_146, %dma_start3A_386] : memref<50000x64xf32, #tpu.memory_space<hbm>> -> memref<1x64xf32, #tpu.memory_space<hbm>>
        %dma_start3A_388 = arith.constant 0 : i32
        %dma_start3A_389 = tpu.memref_slice %arg9[%add3A_150, %dma_start3A_388] : memref<128x64xf32, #tpu.memory_space<vmem>> -> memref<1x64xf32, #tpu.memory_space<vmem>>
        %dma_start3A_390 = arith.constant 0 : i32
        %dma_start3A_391 = tpu.memref_slice %arg3[%squeeze3A_146, %dma_start3A_390] : memref<50000x64xf32, #tpu.memory_space<hbm>> -> memref<1x64xf32, #tpu.memory_space<hbm>>
        tpu.enqueue_dma source(%dma_start3A_391 : memref<1x64xf32, #tpu.memory_space<hbm>>) target(%dma_start3A_389 : memref<1x64xf32, #tpu.memory_space<vmem>>) target_semaphore(%arg11 : memref<!tpu.dma_semaphore, #tpu.memory_space<semaphore_mem>>)
      } else {
      }
      %slice3A_158 = vector.extract_strided_slice %get3A_70 {offsets = [4], sizes = [1], strides = [1]} : vector<16xi32> to vector<1xi32>
      %squeeze3A_159 = vector.extract %slice3A_158[0] : i32 from vector<1xi32>
      %eq3A_160 = arith.constant 0 : i32
      %eq3A_161 = arith.cmpi eq, %squeeze3A_159, %eq3A_160 : i32
      %convert_element_type3A_162 = arith.extui %eq3A_161 : i1 to i32
      %cond3A_163 = arith.constant 0 : i32
      %cond3A_164 = arith.cmpi ne, %convert_element_type3A_162, %cond3A_163 : i32
      scf.if %cond3A_164 {
        %dma_start3A = arith.constant 0 : i32
        %dma_start3A_385 = tpu.memref_slice %arg9[%add3A_150, %dma_start3A] : memref<128x64xf32, #tpu.memory_space<vmem>> -> memref<1x64xf32, #tpu.memory_space<vmem>>
        %dma_start3A_386 = arith.constant 0 : i32
        %dma_start3A_387 = tpu.memref_slice %arg4[%squeeze3A_146, %dma_start3A_386] : memref<450000x64xf32, #tpu.memory_space<hbm>> -> memref<1x64xf32, #tpu.memory_space<hbm>>
        %dma_start3A_388 = arith.constant 0 : i32
        %dma_start3A_389 = tpu.memref_slice %arg9[%add3A_150, %dma_start3A_388] : memref<128x64xf32, #tpu.memory_space<vmem>> -> memref<1x64xf32, #tpu.memory_space<vmem>>
        %dma_start3A_390 = arith.constant 0 : i32
        %dma_start3A_391 = tpu.memref_slice %arg4[%squeeze3A_146, %dma_start3A_390] : memref<450000x64xf32, #tpu.memory_space<hbm>> -> memref<1x64xf32, #tpu.memory_space<hbm>>
        tpu.enqueue_dma source(%dma_start3A_391 : memref<1x64xf32, #tpu.memory_space<hbm>>) target(%dma_start3A_389 : memref<1x64xf32, #tpu.memory_space<vmem>>) target_semaphore(%arg11 : memref<!tpu.dma_semaphore, #tpu.memory_space<semaphore_mem>>)
      } else {
      }
      %slice3A_165 = vector.extract_strided_slice %get3A_68 {offsets = [5], sizes = [1], strides = [1]} : vector<16xi32> to vector<1xi32>
      %squeeze3A_166 = vector.extract %slice3A_165[0] : i32 from vector<1xi32>
      %mul3A_167 = arith.constant 16 : i32
      %mul3A_168 = arith.muli %scan3A_63, %mul3A_167 : i32
      %add3A_169 = arith.constant 5 : i32
      %add3A_170 = arith.addi %mul3A_168, %add3A_169 : i32
      %slice3A_171 = vector.extract_strided_slice %get3A_70 {offsets = [5], sizes = [1], strides = [1]} : vector<16xi32> to vector<1xi32>
      %squeeze3A_172 = vector.extract %slice3A_171[0] : i32 from vector<1xi32>
      %ne3A_173 = arith.constant 0 : i32
      %ne3A_174 = arith.cmpi ne, %squeeze3A_172, %ne3A_173 : i32
      %convert_element_type3A_175 = arith.extui %ne3A_174 : i1 to i32
      %cond3A_176 = arith.constant 0 : i32
      %cond3A_177 = arith.cmpi ne, %convert_element_type3A_175, %cond3A_176 : i32
      scf.if %cond3A_177 {
        %dma_start3A = arith.constant 0 : i32
        %dma_start3A_385 = tpu.memref_slice %arg9[%add3A_170, %dma_start3A] : memref<128x64xf32, #tpu.memory_space<vmem>> -> memref<1x64xf32, #tpu.memory_space<vmem>>
        %dma_start3A_386 = arith.constant 0 : i32
        %dma_start3A_387 = tpu.memref_slice %arg3[%squeeze3A_166, %dma_start3A_386] : memref<50000x64xf32, #tpu.memory_space<hbm>> -> memref<1x64xf32, #tpu.memory_space<hbm>>
        %dma_start3A_388 = arith.constant 0 : i32
        %dma_start3A_389 = tpu.memref_slice %arg9[%add3A_170, %dma_start3A_388] : memref<128x64xf32, #tpu.memory_space<vmem>> -> memref<1x64xf32, #tpu.memory_space<vmem>>
        %dma_start3A_390 = arith.constant 0 : i32
        %dma_start3A_391 = tpu.memref_slice %arg3[%squeeze3A_166, %dma_start3A_390] : memref<50000x64xf32, #tpu.memory_space<hbm>> -> memref<1x64xf32, #tpu.memory_space<hbm>>
        tpu.enqueue_dma source(%dma_start3A_391 : memref<1x64xf32, #tpu.memory_space<hbm>>) target(%dma_start3A_389 : memref<1x64xf32, #tpu.memory_space<vmem>>) target_semaphore(%arg11 : memref<!tpu.dma_semaphore, #tpu.memory_space<semaphore_mem>>)
      } else {
      }
      %slice3A_178 = vector.extract_strided_slice %get3A_70 {offsets = [5], sizes = [1], strides = [1]} : vector<16xi32> to vector<1xi32>
      %squeeze3A_179 = vector.extract %slice3A_178[0] : i32 from vector<1xi32>
      %eq3A_180 = arith.constant 0 : i32
      %eq3A_181 = arith.cmpi eq, %squeeze3A_179, %eq3A_180 : i32
      %convert_element_type3A_182 = arith.extui %eq3A_181 : i1 to i32
      %cond3A_183 = arith.constant 0 : i32
      %cond3A_184 = arith.cmpi ne, %convert_element_type3A_182, %cond3A_183 : i32
      scf.if %cond3A_184 {
        %dma_start3A = arith.constant 0 : i32
        %dma_start3A_385 = tpu.memref_slice %arg9[%add3A_170, %dma_start3A] : memref<128x64xf32, #tpu.memory_space<vmem>> -> memref<1x64xf32, #tpu.memory_space<vmem>>
        %dma_start3A_386 = arith.constant 0 : i32
        %dma_start3A_387 = tpu.memref_slice %arg4[%squeeze3A_166, %dma_start3A_386] : memref<450000x64xf32, #tpu.memory_space<hbm>> -> memref<1x64xf32, #tpu.memory_space<hbm>>
        %dma_start3A_388 = arith.constant 0 : i32
        %dma_start3A_389 = tpu.memref_slice %arg9[%add3A_170, %dma_start3A_388] : memref<128x64xf32, #tpu.memory_space<vmem>> -> memref<1x64xf32, #tpu.memory_space<vmem>>
        %dma_start3A_390 = arith.constant 0 : i32
        %dma_start3A_391 = tpu.memref_slice %arg4[%squeeze3A_166, %dma_start3A_390] : memref<450000x64xf32, #tpu.memory_space<hbm>> -> memref<1x64xf32, #tpu.memory_space<hbm>>
        tpu.enqueue_dma source(%dma_start3A_391 : memref<1x64xf32, #tpu.memory_space<hbm>>) target(%dma_start3A_389 : memref<1x64xf32, #tpu.memory_space<vmem>>) target_semaphore(%arg11 : memref<!tpu.dma_semaphore, #tpu.memory_space<semaphore_mem>>)
      } else {
      }
      %slice3A_185 = vector.extract_strided_slice %get3A_68 {offsets = [6], sizes = [1], strides = [1]} : vector<16xi32> to vector<1xi32>
      %squeeze3A_186 = vector.extract %slice3A_185[0] : i32 from vector<1xi32>
      %mul3A_187 = arith.constant 16 : i32
      %mul3A_188 = arith.muli %scan3A_63, %mul3A_187 : i32
      %add3A_189 = arith.constant 6 : i32
      %add3A_190 = arith.addi %mul3A_188, %add3A_189 : i32
      %slice3A_191 = vector.extract_strided_slice %get3A_70 {offsets = [6], sizes = [1], strides = [1]} : vector<16xi32> to vector<1xi32>
      %squeeze3A_192 = vector.extract %slice3A_191[0] : i32 from vector<1xi32>
      %ne3A_193 = arith.constant 0 : i32
      %ne3A_194 = arith.cmpi ne, %squeeze3A_192, %ne3A_193 : i32
      %convert_element_type3A_195 = arith.extui %ne3A_194 : i1 to i32
      %cond3A_196 = arith.constant 0 : i32
      %cond3A_197 = arith.cmpi ne, %convert_element_type3A_195, %cond3A_196 : i32
      scf.if %cond3A_197 {
        %dma_start3A = arith.constant 0 : i32
        %dma_start3A_385 = tpu.memref_slice %arg9[%add3A_190, %dma_start3A] : memref<128x64xf32, #tpu.memory_space<vmem>> -> memref<1x64xf32, #tpu.memory_space<vmem>>
        %dma_start3A_386 = arith.constant 0 : i32
        %dma_start3A_387 = tpu.memref_slice %arg3[%squeeze3A_186, %dma_start3A_386] : memref<50000x64xf32, #tpu.memory_space<hbm>> -> memref<1x64xf32, #tpu.memory_space<hbm>>
        %dma_start3A_388 = arith.constant 0 : i32
        %dma_start3A_389 = tpu.memref_slice %arg9[%add3A_190, %dma_start3A_388] : memref<128x64xf32, #tpu.memory_space<vmem>> -> memref<1x64xf32, #tpu.memory_space<vmem>>
        %dma_start3A_390 = arith.constant 0 : i32
        %dma_start3A_391 = tpu.memref_slice %arg3[%squeeze3A_186, %dma_start3A_390] : memref<50000x64xf32, #tpu.memory_space<hbm>> -> memref<1x64xf32, #tpu.memory_space<hbm>>
        tpu.enqueue_dma source(%dma_start3A_391 : memref<1x64xf32, #tpu.memory_space<hbm>>) target(%dma_start3A_389 : memref<1x64xf32, #tpu.memory_space<vmem>>) target_semaphore(%arg11 : memref<!tpu.dma_semaphore, #tpu.memory_space<semaphore_mem>>)
      } else {
      }
      %slice3A_198 = vector.extract_strided_slice %get3A_70 {offsets = [6], sizes = [1], strides = [1]} : vector<16xi32> to vector<1xi32>
      %squeeze3A_199 = vector.extract %slice3A_198[0] : i32 from vector<1xi32>
      %eq3A_200 = arith.constant 0 : i32
      %eq3A_201 = arith.cmpi eq, %squeeze3A_199, %eq3A_200 : i32
      %convert_element_type3A_202 = arith.extui %eq3A_201 : i1 to i32
      %cond3A_203 = arith.constant 0 : i32
      %cond3A_204 = arith.cmpi ne, %convert_element_type3A_202, %cond3A_203 : i32
      scf.if %cond3A_204 {
        %dma_start3A = arith.constant 0 : i32
        %dma_start3A_385 = tpu.memref_slice %arg9[%add3A_190, %dma_start3A] : memref<128x64xf32, #tpu.memory_space<vmem>> -> memref<1x64xf32, #tpu.memory_space<vmem>>
        %dma_start3A_386 = arith.constant 0 : i32
        %dma_start3A_387 = tpu.memref_slice %arg4[%squeeze3A_186, %dma_start3A_386] : memref<450000x64xf32, #tpu.memory_space<hbm>> -> memref<1x64xf32, #tpu.memory_space<hbm>>
        %dma_start3A_388 = arith.constant 0 : i32
        %dma_start3A_389 = tpu.memref_slice %arg9[%add3A_190, %dma_start3A_388] : memref<128x64xf32, #tpu.memory_space<vmem>> -> memref<1x64xf32, #tpu.memory_space<vmem>>
        %dma_start3A_390 = arith.constant 0 : i32
        %dma_start3A_391 = tpu.memref_slice %arg4[%squeeze3A_186, %dma_start3A_390] : memref<450000x64xf32, #tpu.memory_space<hbm>> -> memref<1x64xf32, #tpu.memory_space<hbm>>
        tpu.enqueue_dma source(%dma_start3A_391 : memref<1x64xf32, #tpu.memory_space<hbm>>) target(%dma_start3A_389 : memref<1x64xf32, #tpu.memory_space<vmem>>) target_semaphore(%arg11 : memref<!tpu.dma_semaphore, #tpu.memory_space<semaphore_mem>>)
      } else {
      }
      %slice3A_205 = vector.extract_strided_slice %get3A_68 {offsets = [7], sizes = [1], strides = [1]} : vector<16xi32> to vector<1xi32>
      %squeeze3A_206 = vector.extract %slice3A_205[0] : i32 from vector<1xi32>
      %mul3A_207 = arith.constant 16 : i32
      %mul3A_208 = arith.muli %scan3A_63, %mul3A_207 : i32
      %add3A_209 = arith.constant 7 : i32
      %add3A_210 = arith.addi %mul3A_208, %add3A_209 : i32
      %slice3A_211 = vector.extract_strided_slice %get3A_70 {offsets = [7], sizes = [1], strides = [1]} : vector<16xi32> to vector<1xi32>
      %squeeze3A_212 = vector.extract %slice3A_211[0] : i32 from vector<1xi32>
      %ne3A_213 = arith.constant 0 : i32
      %ne3A_214 = arith.cmpi ne, %squeeze3A_212, %ne3A_213 : i32
      %convert_element_type3A_215 = arith.extui %ne3A_214 : i1 to i32
      %cond3A_216 = arith.constant 0 : i32
      %cond3A_217 = arith.cmpi ne, %convert_element_type3A_215, %cond3A_216 : i32
      scf.if %cond3A_217 {
        %dma_start3A = arith.constant 0 : i32
        %dma_start3A_385 = tpu.memref_slice %arg9[%add3A_210, %dma_start3A] : memref<128x64xf32, #tpu.memory_space<vmem>> -> memref<1x64xf32, #tpu.memory_space<vmem>>
        %dma_start3A_386 = arith.constant 0 : i32
        %dma_start3A_387 = tpu.memref_slice %arg3[%squeeze3A_206, %dma_start3A_386] : memref<50000x64xf32, #tpu.memory_space<hbm>> -> memref<1x64xf32, #tpu.memory_space<hbm>>
        %dma_start3A_388 = arith.constant 0 : i32
        %dma_start3A_389 = tpu.memref_slice %arg9[%add3A_210, %dma_start3A_388] : memref<128x64xf32, #tpu.memory_space<vmem>> -> memref<1x64xf32, #tpu.memory_space<vmem>>
        %dma_start3A_390 = arith.constant 0 : i32
        %dma_start3A_391 = tpu.memref_slice %arg3[%squeeze3A_206, %dma_start3A_390] : memref<50000x64xf32, #tpu.memory_space<hbm>> -> memref<1x64xf32, #tpu.memory_space<hbm>>
        tpu.enqueue_dma source(%dma_start3A_391 : memref<1x64xf32, #tpu.memory_space<hbm>>) target(%dma_start3A_389 : memref<1x64xf32, #tpu.memory_space<vmem>>) target_semaphore(%arg11 : memref<!tpu.dma_semaphore, #tpu.memory_space<semaphore_mem>>)
      } else {
      }
      %slice3A_218 = vector.extract_strided_slice %get3A_70 {offsets = [7], sizes = [1], strides = [1]} : vector<16xi32> to vector<1xi32>
      %squeeze3A_219 = vector.extract %slice3A_218[0] : i32 from vector<1xi32>
      %eq3A_220 = arith.constant 0 : i32
      %eq3A_221 = arith.cmpi eq, %squeeze3A_219, %eq3A_220 : i32
      %convert_element_type3A_222 = arith.extui %eq3A_221 : i1 to i32
      %cond3A_223 = arith.constant 0 : i32
      %cond3A_224 = arith.cmpi ne, %convert_element_type3A_222, %cond3A_223 : i32
      scf.if %cond3A_224 {
        %dma_start3A = arith.constant 0 : i32
        %dma_start3A_385 = tpu.memref_slice %arg9[%add3A_210, %dma_start3A] : memref<128x64xf32, #tpu.memory_space<vmem>> -> memref<1x64xf32, #tpu.memory_space<vmem>>
        %dma_start3A_386 = arith.constant 0 : i32
        %dma_start3A_387 = tpu.memref_slice %arg4[%squeeze3A_206, %dma_start3A_386] : memref<450000x64xf32, #tpu.memory_space<hbm>> -> memref<1x64xf32, #tpu.memory_space<hbm>>
        %dma_start3A_388 = arith.constant 0 : i32
        %dma_start3A_389 = tpu.memref_slice %arg9[%add3A_210, %dma_start3A_388] : memref<128x64xf32, #tpu.memory_space<vmem>> -> memref<1x64xf32, #tpu.memory_space<vmem>>
        %dma_start3A_390 = arith.constant 0 : i32
        %dma_start3A_391 = tpu.memref_slice %arg4[%squeeze3A_206, %dma_start3A_390] : memref<450000x64xf32, #tpu.memory_space<hbm>> -> memref<1x64xf32, #tpu.memory_space<hbm>>
        tpu.enqueue_dma source(%dma_start3A_391 : memref<1x64xf32, #tpu.memory_space<hbm>>) target(%dma_start3A_389 : memref<1x64xf32, #tpu.memory_space<vmem>>) target_semaphore(%arg11 : memref<!tpu.dma_semaphore, #tpu.memory_space<semaphore_mem>>)
      } else {
      }
      %slice3A_225 = vector.extract_strided_slice %get3A_68 {offsets = [8], sizes = [1], strides = [1]} : vector<16xi32> to vector<1xi32>
      %squeeze3A_226 = vector.extract %slice3A_225[0] : i32 from vector<1xi32>
      %mul3A_227 = arith.constant 16 : i32
      %mul3A_228 = arith.muli %scan3A_63, %mul3A_227 : i32
      %add3A_229 = arith.constant 8 : i32
      %add3A_230 = arith.addi %mul3A_228, %add3A_229 : i32
      %slice3A_231 = vector.extract_strided_slice %get3A_70 {offsets = [8], sizes = [1], strides = [1]} : vector<16xi32> to vector<1xi32>
      %squeeze3A_232 = vector.extract %slice3A_231[0] : i32 from vector<1xi32>
      %ne3A_233 = arith.constant 0 : i32
      %ne3A_234 = arith.cmpi ne, %squeeze3A_232, %ne3A_233 : i32
      %convert_element_type3A_235 = arith.extui %ne3A_234 : i1 to i32
      %cond3A_236 = arith.constant 0 : i32
      %cond3A_237 = arith.cmpi ne, %convert_element_type3A_235, %cond3A_236 : i32
      scf.if %cond3A_237 {
        %dma_start3A = arith.constant 0 : i32
        %dma_start3A_385 = tpu.memref_slice %arg9[%add3A_230, %dma_start3A] : memref<128x64xf32, #tpu.memory_space<vmem>> -> memref<1x64xf32, #tpu.memory_space<vmem>>
        %dma_start3A_386 = arith.constant 0 : i32
        %dma_start3A_387 = tpu.memref_slice %arg3[%squeeze3A_226, %dma_start3A_386] : memref<50000x64xf32, #tpu.memory_space<hbm>> -> memref<1x64xf32, #tpu.memory_space<hbm>>
        %dma_start3A_388 = arith.constant 0 : i32
        %dma_start3A_389 = tpu.memref_slice %arg9[%add3A_230, %dma_start3A_388] : memref<128x64xf32, #tpu.memory_space<vmem>> -> memref<1x64xf32, #tpu.memory_space<vmem>>
        %dma_start3A_390 = arith.constant 0 : i32
        %dma_start3A_391 = tpu.memref_slice %arg3[%squeeze3A_226, %dma_start3A_390] : memref<50000x64xf32, #tpu.memory_space<hbm>> -> memref<1x64xf32, #tpu.memory_space<hbm>>
        tpu.enqueue_dma source(%dma_start3A_391 : memref<1x64xf32, #tpu.memory_space<hbm>>) target(%dma_start3A_389 : memref<1x64xf32, #tpu.memory_space<vmem>>) target_semaphore(%arg11 : memref<!tpu.dma_semaphore, #tpu.memory_space<semaphore_mem>>)
      } else {
      }
      %slice3A_238 = vector.extract_strided_slice %get3A_70 {offsets = [8], sizes = [1], strides = [1]} : vector<16xi32> to vector<1xi32>
      %squeeze3A_239 = vector.extract %slice3A_238[0] : i32 from vector<1xi32>
      %eq3A_240 = arith.constant 0 : i32
      %eq3A_241 = arith.cmpi eq, %squeeze3A_239, %eq3A_240 : i32
      %convert_element_type3A_242 = arith.extui %eq3A_241 : i1 to i32
      %cond3A_243 = arith.constant 0 : i32
      %cond3A_244 = arith.cmpi ne, %convert_element_type3A_242, %cond3A_243 : i32
      scf.if %cond3A_244 {
        %dma_start3A = arith.constant 0 : i32
        %dma_start3A_385 = tpu.memref_slice %arg9[%add3A_230, %dma_start3A] : memref<128x64xf32, #tpu.memory_space<vmem>> -> memref<1x64xf32, #tpu.memory_space<vmem>>
        %dma_start3A_386 = arith.constant 0 : i32
        %dma_start3A_387 = tpu.memref_slice %arg4[%squeeze3A_226, %dma_start3A_386] : memref<450000x64xf32, #tpu.memory_space<hbm>> -> memref<1x64xf32, #tpu.memory_space<hbm>>
        %dma_start3A_388 = arith.constant 0 : i32
        %dma_start3A_389 = tpu.memref_slice %arg9[%add3A_230, %dma_start3A_388] : memref<128x64xf32, #tpu.memory_space<vmem>> -> memref<1x64xf32, #tpu.memory_space<vmem>>
        %dma_start3A_390 = arith.constant 0 : i32
        %dma_start3A_391 = tpu.memref_slice %arg4[%squeeze3A_226, %dma_start3A_390] : memref<450000x64xf32, #tpu.memory_space<hbm>> -> memref<1x64xf32, #tpu.memory_space<hbm>>
        tpu.enqueue_dma source(%dma_start3A_391 : memref<1x64xf32, #tpu.memory_space<hbm>>) target(%dma_start3A_389 : memref<1x64xf32, #tpu.memory_space<vmem>>) target_semaphore(%arg11 : memref<!tpu.dma_semaphore, #tpu.memory_space<semaphore_mem>>)
      } else {
      }
      %slice3A_245 = vector.extract_strided_slice %get3A_68 {offsets = [9], sizes = [1], strides = [1]} : vector<16xi32> to vector<1xi32>
      %squeeze3A_246 = vector.extract %slice3A_245[0] : i32 from vector<1xi32>
      %mul3A_247 = arith.constant 16 : i32
      %mul3A_248 = arith.muli %scan3A_63, %mul3A_247 : i32
      %add3A_249 = arith.constant 9 : i32
      %add3A_250 = arith.addi %mul3A_248, %add3A_249 : i32
      %slice3A_251 = vector.extract_strided_slice %get3A_70 {offsets = [9], sizes = [1], strides = [1]} : vector<16xi32> to vector<1xi32>
      %squeeze3A_252 = vector.extract %slice3A_251[0] : i32 from vector<1xi32>
      %ne3A_253 = arith.constant 0 : i32
      %ne3A_254 = arith.cmpi ne, %squeeze3A_252, %ne3A_253 : i32
      %convert_element_type3A_255 = arith.extui %ne3A_254 : i1 to i32
      %cond3A_256 = arith.constant 0 : i32
      %cond3A_257 = arith.cmpi ne, %convert_element_type3A_255, %cond3A_256 : i32
      scf.if %cond3A_257 {
        %dma_start3A = arith.constant 0 : i32
        %dma_start3A_385 = tpu.memref_slice %arg9[%add3A_250, %dma_start3A] : memref<128x64xf32, #tpu.memory_space<vmem>> -> memref<1x64xf32, #tpu.memory_space<vmem>>
        %dma_start3A_386 = arith.constant 0 : i32
        %dma_start3A_387 = tpu.memref_slice %arg3[%squeeze3A_246, %dma_start3A_386] : memref<50000x64xf32, #tpu.memory_space<hbm>> -> memref<1x64xf32, #tpu.memory_space<hbm>>
        %dma_start3A_388 = arith.constant 0 : i32
        %dma_start3A_389 = tpu.memref_slice %arg9[%add3A_250, %dma_start3A_388] : memref<128x64xf32, #tpu.memory_space<vmem>> -> memref<1x64xf32, #tpu.memory_space<vmem>>
        %dma_start3A_390 = arith.constant 0 : i32
        %dma_start3A_391 = tpu.memref_slice %arg3[%squeeze3A_246, %dma_start3A_390] : memref<50000x64xf32, #tpu.memory_space<hbm>> -> memref<1x64xf32, #tpu.memory_space<hbm>>
        tpu.enqueue_dma source(%dma_start3A_391 : memref<1x64xf32, #tpu.memory_space<hbm>>) target(%dma_start3A_389 : memref<1x64xf32, #tpu.memory_space<vmem>>) target_semaphore(%arg11 : memref<!tpu.dma_semaphore, #tpu.memory_space<semaphore_mem>>)
      } else {
      }
      %slice3A_258 = vector.extract_strided_slice %get3A_70 {offsets = [9], sizes = [1], strides = [1]} : vector<16xi32> to vector<1xi32>
      %squeeze3A_259 = vector.extract %slice3A_258[0] : i32 from vector<1xi32>
      %eq3A_260 = arith.constant 0 : i32
      %eq3A_261 = arith.cmpi eq, %squeeze3A_259, %eq3A_260 : i32
      %convert_element_type3A_262 = arith.extui %eq3A_261 : i1 to i32
      %cond3A_263 = arith.constant 0 : i32
      %cond3A_264 = arith.cmpi ne, %convert_element_type3A_262, %cond3A_263 : i32
      scf.if %cond3A_264 {
        %dma_start3A = arith.constant 0 : i32
        %dma_start3A_385 = tpu.memref_slice %arg9[%add3A_250, %dma_start3A] : memref<128x64xf32, #tpu.memory_space<vmem>> -> memref<1x64xf32, #tpu.memory_space<vmem>>
        %dma_start3A_386 = arith.constant 0 : i32
        %dma_start3A_387 = tpu.memref_slice %arg4[%squeeze3A_246, %dma_start3A_386] : memref<450000x64xf32, #tpu.memory_space<hbm>> -> memref<1x64xf32, #tpu.memory_space<hbm>>
        %dma_start3A_388 = arith.constant 0 : i32
        %dma_start3A_389 = tpu.memref_slice %arg9[%add3A_250, %dma_start3A_388] : memref<128x64xf32, #tpu.memory_space<vmem>> -> memref<1x64xf32, #tpu.memory_space<vmem>>
        %dma_start3A_390 = arith.constant 0 : i32
        %dma_start3A_391 = tpu.memref_slice %arg4[%squeeze3A_246, %dma_start3A_390] : memref<450000x64xf32, #tpu.memory_space<hbm>> -> memref<1x64xf32, #tpu.memory_space<hbm>>
        tpu.enqueue_dma source(%dma_start3A_391 : memref<1x64xf32, #tpu.memory_space<hbm>>) target(%dma_start3A_389 : memref<1x64xf32, #tpu.memory_space<vmem>>) target_semaphore(%arg11 : memref<!tpu.dma_semaphore, #tpu.memory_space<semaphore_mem>>)
      } else {
      }
      %slice3A_265 = vector.extract_strided_slice %get3A_68 {offsets = [10], sizes = [1], strides = [1]} : vector<16xi32> to vector<1xi32>
      %squeeze3A_266 = vector.extract %slice3A_265[0] : i32 from vector<1xi32>
      %mul3A_267 = arith.constant 16 : i32
      %mul3A_268 = arith.muli %scan3A_63, %mul3A_267 : i32
      %add3A_269 = arith.constant 10 : i32
      %add3A_270 = arith.addi %mul3A_268, %add3A_269 : i32
      %slice3A_271 = vector.extract_strided_slice %get3A_70 {offsets = [10], sizes = [1], strides = [1]} : vector<16xi32> to vector<1xi32>
      %squeeze3A_272 = vector.extract %slice3A_271[0] : i32 from vector<1xi32>
      %ne3A_273 = arith.constant 0 : i32
      %ne3A_274 = arith.cmpi ne, %squeeze3A_272, %ne3A_273 : i32
      %convert_element_type3A_275 = arith.extui %ne3A_274 : i1 to i32
      %cond3A_276 = arith.constant 0 : i32
      %cond3A_277 = arith.cmpi ne, %convert_element_type3A_275, %cond3A_276 : i32
      scf.if %cond3A_277 {
        %dma_start3A = arith.constant 0 : i32
        %dma_start3A_385 = tpu.memref_slice %arg9[%add3A_270, %dma_start3A] : memref<128x64xf32, #tpu.memory_space<vmem>> -> memref<1x64xf32, #tpu.memory_space<vmem>>
        %dma_start3A_386 = arith.constant 0 : i32
        %dma_start3A_387 = tpu.memref_slice %arg3[%squeeze3A_266, %dma_start3A_386] : memref<50000x64xf32, #tpu.memory_space<hbm>> -> memref<1x64xf32, #tpu.memory_space<hbm>>
        %dma_start3A_388 = arith.constant 0 : i32
        %dma_start3A_389 = tpu.memref_slice %arg9[%add3A_270, %dma_start3A_388] : memref<128x64xf32, #tpu.memory_space<vmem>> -> memref<1x64xf32, #tpu.memory_space<vmem>>
        %dma_start3A_390 = arith.constant 0 : i32
        %dma_start3A_391 = tpu.memref_slice %arg3[%squeeze3A_266, %dma_start3A_390] : memref<50000x64xf32, #tpu.memory_space<hbm>> -> memref<1x64xf32, #tpu.memory_space<hbm>>
        tpu.enqueue_dma source(%dma_start3A_391 : memref<1x64xf32, #tpu.memory_space<hbm>>) target(%dma_start3A_389 : memref<1x64xf32, #tpu.memory_space<vmem>>) target_semaphore(%arg11 : memref<!tpu.dma_semaphore, #tpu.memory_space<semaphore_mem>>)
      } else {
      }
      %slice3A_278 = vector.extract_strided_slice %get3A_70 {offsets = [10], sizes = [1], strides = [1]} : vector<16xi32> to vector<1xi32>
      %squeeze3A_279 = vector.extract %slice3A_278[0] : i32 from vector<1xi32>
      %eq3A_280 = arith.constant 0 : i32
      %eq3A_281 = arith.cmpi eq, %squeeze3A_279, %eq3A_280 : i32
      %convert_element_type3A_282 = arith.extui %eq3A_281 : i1 to i32
      %cond3A_283 = arith.constant 0 : i32
      %cond3A_284 = arith.cmpi ne, %convert_element_type3A_282, %cond3A_283 : i32
      scf.if %cond3A_284 {
        %dma_start3A = arith.constant 0 : i32
        %dma_start3A_385 = tpu.memref_slice %arg9[%add3A_270, %dma_start3A] : memref<128x64xf32, #tpu.memory_space<vmem>> -> memref<1x64xf32, #tpu.memory_space<vmem>>
        %dma_start3A_386 = arith.constant 0 : i32
        %dma_start3A_387 = tpu.memref_slice %arg4[%squeeze3A_266, %dma_start3A_386] : memref<450000x64xf32, #tpu.memory_space<hbm>> -> memref<1x64xf32, #tpu.memory_space<hbm>>
        %dma_start3A_388 = arith.constant 0 : i32
        %dma_start3A_389 = tpu.memref_slice %arg9[%add3A_270, %dma_start3A_388] : memref<128x64xf32, #tpu.memory_space<vmem>> -> memref<1x64xf32, #tpu.memory_space<vmem>>
        %dma_start3A_390 = arith.constant 0 : i32
        %dma_start3A_391 = tpu.memref_slice %arg4[%squeeze3A_266, %dma_start3A_390] : memref<450000x64xf32, #tpu.memory_space<hbm>> -> memref<1x64xf32, #tpu.memory_space<hbm>>
        tpu.enqueue_dma source(%dma_start3A_391 : memref<1x64xf32, #tpu.memory_space<hbm>>) target(%dma_start3A_389 : memref<1x64xf32, #tpu.memory_space<vmem>>) target_semaphore(%arg11 : memref<!tpu.dma_semaphore, #tpu.memory_space<semaphore_mem>>)
      } else {
      }
      %slice3A_285 = vector.extract_strided_slice %get3A_68 {offsets = [11], sizes = [1], strides = [1]} : vector<16xi32> to vector<1xi32>
      %squeeze3A_286 = vector.extract %slice3A_285[0] : i32 from vector<1xi32>
      %mul3A_287 = arith.constant 16 : i32
      %mul3A_288 = arith.muli %scan3A_63, %mul3A_287 : i32
      %add3A_289 = arith.constant 11 : i32
      %add3A_290 = arith.addi %mul3A_288, %add3A_289 : i32
      %slice3A_291 = vector.extract_strided_slice %get3A_70 {offsets = [11], sizes = [1], strides = [1]} : vector<16xi32> to vector<1xi32>
      %squeeze3A_292 = vector.extract %slice3A_291[0] : i32 from vector<1xi32>
      %ne3A_293 = arith.constant 0 : i32
      %ne3A_294 = arith.cmpi ne, %squeeze3A_292, %ne3A_293 : i32
      %convert_element_type3A_295 = arith.extui %ne3A_294 : i1 to i32
      %cond3A_296 = arith.constant 0 : i32
      %cond3A_297 = arith.cmpi ne, %convert_element_type3A_295, %cond3A_296 : i32
      scf.if %cond3A_297 {
        %dma_start3A = arith.constant 0 : i32
        %dma_start3A_385 = tpu.memref_slice %arg9[%add3A_290, %dma_start3A] : memref<128x64xf32, #tpu.memory_space<vmem>> -> memref<1x64xf32, #tpu.memory_space<vmem>>
        %dma_start3A_386 = arith.constant 0 : i32
        %dma_start3A_387 = tpu.memref_slice %arg3[%squeeze3A_286, %dma_start3A_386] : memref<50000x64xf32, #tpu.memory_space<hbm>> -> memref<1x64xf32, #tpu.memory_space<hbm>>
        %dma_start3A_388 = arith.constant 0 : i32
        %dma_start3A_389 = tpu.memref_slice %arg9[%add3A_290, %dma_start3A_388] : memref<128x64xf32, #tpu.memory_space<vmem>> -> memref<1x64xf32, #tpu.memory_space<vmem>>
        %dma_start3A_390 = arith.constant 0 : i32
        %dma_start3A_391 = tpu.memref_slice %arg3[%squeeze3A_286, %dma_start3A_390] : memref<50000x64xf32, #tpu.memory_space<hbm>> -> memref<1x64xf32, #tpu.memory_space<hbm>>
        tpu.enqueue_dma source(%dma_start3A_391 : memref<1x64xf32, #tpu.memory_space<hbm>>) target(%dma_start3A_389 : memref<1x64xf32, #tpu.memory_space<vmem>>) target_semaphore(%arg11 : memref<!tpu.dma_semaphore, #tpu.memory_space<semaphore_mem>>)
      } else {
      }
      %slice3A_298 = vector.extract_strided_slice %get3A_70 {offsets = [11], sizes = [1], strides = [1]} : vector<16xi32> to vector<1xi32>
      %squeeze3A_299 = vector.extract %slice3A_298[0] : i32 from vector<1xi32>
      %eq3A_300 = arith.constant 0 : i32
      %eq3A_301 = arith.cmpi eq, %squeeze3A_299, %eq3A_300 : i32
      %convert_element_type3A_302 = arith.extui %eq3A_301 : i1 to i32
      %cond3A_303 = arith.constant 0 : i32
      %cond3A_304 = arith.cmpi ne, %convert_element_type3A_302, %cond3A_303 : i32
      scf.if %cond3A_304 {
        %dma_start3A = arith.constant 0 : i32
        %dma_start3A_385 = tpu.memref_slice %arg9[%add3A_290, %dma_start3A] : memref<128x64xf32, #tpu.memory_space<vmem>> -> memref<1x64xf32, #tpu.memory_space<vmem>>
        %dma_start3A_386 = arith.constant 0 : i32
        %dma_start3A_387 = tpu.memref_slice %arg4[%squeeze3A_286, %dma_start3A_386] : memref<450000x64xf32, #tpu.memory_space<hbm>> -> memref<1x64xf32, #tpu.memory_space<hbm>>
        %dma_start3A_388 = arith.constant 0 : i32
        %dma_start3A_389 = tpu.memref_slice %arg9[%add3A_290, %dma_start3A_388] : memref<128x64xf32, #tpu.memory_space<vmem>> -> memref<1x64xf32, #tpu.memory_space<vmem>>
        %dma_start3A_390 = arith.constant 0 : i32
        %dma_start3A_391 = tpu.memref_slice %arg4[%squeeze3A_286, %dma_start3A_390] : memref<450000x64xf32, #tpu.memory_space<hbm>> -> memref<1x64xf32, #tpu.memory_space<hbm>>
        tpu.enqueue_dma source(%dma_start3A_391 : memref<1x64xf32, #tpu.memory_space<hbm>>) target(%dma_start3A_389 : memref<1x64xf32, #tpu.memory_space<vmem>>) target_semaphore(%arg11 : memref<!tpu.dma_semaphore, #tpu.memory_space<semaphore_mem>>)
      } else {
      }
      %slice3A_305 = vector.extract_strided_slice %get3A_68 {offsets = [12], sizes = [1], strides = [1]} : vector<16xi32> to vector<1xi32>
      %squeeze3A_306 = vector.extract %slice3A_305[0] : i32 from vector<1xi32>
      %mul3A_307 = arith.constant 16 : i32
      %mul3A_308 = arith.muli %scan3A_63, %mul3A_307 : i32
      %add3A_309 = arith.constant 12 : i32
      %add3A_310 = arith.addi %mul3A_308, %add3A_309 : i32
      %slice3A_311 = vector.extract_strided_slice %get3A_70 {offsets = [12], sizes = [1], strides = [1]} : vector<16xi32> to vector<1xi32>
      %squeeze3A_312 = vector.extract %slice3A_311[0] : i32 from vector<1xi32>
      %ne3A_313 = arith.constant 0 : i32
      %ne3A_314 = arith.cmpi ne, %squeeze3A_312, %ne3A_313 : i32
      %convert_element_type3A_315 = arith.extui %ne3A_314 : i1 to i32
      %cond3A_316 = arith.constant 0 : i32
      %cond3A_317 = arith.cmpi ne, %convert_element_type3A_315, %cond3A_316 : i32
      scf.if %cond3A_317 {
        %dma_start3A = arith.constant 0 : i32
        %dma_start3A_385 = tpu.memref_slice %arg9[%add3A_310, %dma_start3A] : memref<128x64xf32, #tpu.memory_space<vmem>> -> memref<1x64xf32, #tpu.memory_space<vmem>>
        %dma_start3A_386 = arith.constant 0 : i32
        %dma_start3A_387 = tpu.memref_slice %arg3[%squeeze3A_306, %dma_start3A_386] : memref<50000x64xf32, #tpu.memory_space<hbm>> -> memref<1x64xf32, #tpu.memory_space<hbm>>
        %dma_start3A_388 = arith.constant 0 : i32
        %dma_start3A_389 = tpu.memref_slice %arg9[%add3A_310, %dma_start3A_388] : memref<128x64xf32, #tpu.memory_space<vmem>> -> memref<1x64xf32, #tpu.memory_space<vmem>>
        %dma_start3A_390 = arith.constant 0 : i32
        %dma_start3A_391 = tpu.memref_slice %arg3[%squeeze3A_306, %dma_start3A_390] : memref<50000x64xf32, #tpu.memory_space<hbm>> -> memref<1x64xf32, #tpu.memory_space<hbm>>
        tpu.enqueue_dma source(%dma_start3A_391 : memref<1x64xf32, #tpu.memory_space<hbm>>) target(%dma_start3A_389 : memref<1x64xf32, #tpu.memory_space<vmem>>) target_semaphore(%arg11 : memref<!tpu.dma_semaphore, #tpu.memory_space<semaphore_mem>>)
      } else {
      }
      %slice3A_318 = vector.extract_strided_slice %get3A_70 {offsets = [12], sizes = [1], strides = [1]} : vector<16xi32> to vector<1xi32>
      %squeeze3A_319 = vector.extract %slice3A_318[0] : i32 from vector<1xi32>
      %eq3A_320 = arith.constant 0 : i32
      %eq3A_321 = arith.cmpi eq, %squeeze3A_319, %eq3A_320 : i32
      %convert_element_type3A_322 = arith.extui %eq3A_321 : i1 to i32
      %cond3A_323 = arith.constant 0 : i32
      %cond3A_324 = arith.cmpi ne, %convert_element_type3A_322, %cond3A_323 : i32
      scf.if %cond3A_324 {
        %dma_start3A = arith.constant 0 : i32
        %dma_start3A_385 = tpu.memref_slice %arg9[%add3A_310, %dma_start3A] : memref<128x64xf32, #tpu.memory_space<vmem>> -> memref<1x64xf32, #tpu.memory_space<vmem>>
        %dma_start3A_386 = arith.constant 0 : i32
        %dma_start3A_387 = tpu.memref_slice %arg4[%squeeze3A_306, %dma_start3A_386] : memref<450000x64xf32, #tpu.memory_space<hbm>> -> memref<1x64xf32, #tpu.memory_space<hbm>>
        %dma_start3A_388 = arith.constant 0 : i32
        %dma_start3A_389 = tpu.memref_slice %arg9[%add3A_310, %dma_start3A_388] : memref<128x64xf32, #tpu.memory_space<vmem>> -> memref<1x64xf32, #tpu.memory_space<vmem>>
        %dma_start3A_390 = arith.constant 0 : i32
        %dma_start3A_391 = tpu.memref_slice %arg4[%squeeze3A_306, %dma_start3A_390] : memref<450000x64xf32, #tpu.memory_space<hbm>> -> memref<1x64xf32, #tpu.memory_space<hbm>>
        tpu.enqueue_dma source(%dma_start3A_391 : memref<1x64xf32, #tpu.memory_space<hbm>>) target(%dma_start3A_389 : memref<1x64xf32, #tpu.memory_space<vmem>>) target_semaphore(%arg11 : memref<!tpu.dma_semaphore, #tpu.memory_space<semaphore_mem>>)
      } else {
      }
      %slice3A_325 = vector.extract_strided_slice %get3A_68 {offsets = [13], sizes = [1], strides = [1]} : vector<16xi32> to vector<1xi32>
      %squeeze3A_326 = vector.extract %slice3A_325[0] : i32 from vector<1xi32>
      %mul3A_327 = arith.constant 16 : i32
      %mul3A_328 = arith.muli %scan3A_63, %mul3A_327 : i32
      %add3A_329 = arith.constant 13 : i32
      %add3A_330 = arith.addi %mul3A_328, %add3A_329 : i32
      %slice3A_331 = vector.extract_strided_slice %get3A_70 {offsets = [13], sizes = [1], strides = [1]} : vector<16xi32> to vector<1xi32>
      %squeeze3A_332 = vector.extract %slice3A_331[0] : i32 from vector<1xi32>
      %ne3A_333 = arith.constant 0 : i32
      %ne3A_334 = arith.cmpi ne, %squeeze3A_332, %ne3A_333 : i32
      %convert_element_type3A_335 = arith.extui %ne3A_334 : i1 to i32
      %cond3A_336 = arith.constant 0 : i32
      %cond3A_337 = arith.cmpi ne, %convert_element_type3A_335, %cond3A_336 : i32
      scf.if %cond3A_337 {
        %dma_start3A = arith.constant 0 : i32
        %dma_start3A_385 = tpu.memref_slice %arg9[%add3A_330, %dma_start3A] : memref<128x64xf32, #tpu.memory_space<vmem>> -> memref<1x64xf32, #tpu.memory_space<vmem>>
        %dma_start3A_386 = arith.constant 0 : i32
        %dma_start3A_387 = tpu.memref_slice %arg3[%squeeze3A_326, %dma_start3A_386] : memref<50000x64xf32, #tpu.memory_space<hbm>> -> memref<1x64xf32, #tpu.memory_space<hbm>>
        %dma_start3A_388 = arith.constant 0 : i32
        %dma_start3A_389 = tpu.memref_slice %arg9[%add3A_330, %dma_start3A_388] : memref<128x64xf32, #tpu.memory_space<vmem>> -> memref<1x64xf32, #tpu.memory_space<vmem>>
        %dma_start3A_390 = arith.constant 0 : i32
        %dma_start3A_391 = tpu.memref_slice %arg3[%squeeze3A_326, %dma_start3A_390] : memref<50000x64xf32, #tpu.memory_space<hbm>> -> memref<1x64xf32, #tpu.memory_space<hbm>>
        tpu.enqueue_dma source(%dma_start3A_391 : memref<1x64xf32, #tpu.memory_space<hbm>>) target(%dma_start3A_389 : memref<1x64xf32, #tpu.memory_space<vmem>>) target_semaphore(%arg11 : memref<!tpu.dma_semaphore, #tpu.memory_space<semaphore_mem>>)
      } else {
      }
      %slice3A_338 = vector.extract_strided_slice %get3A_70 {offsets = [13], sizes = [1], strides = [1]} : vector<16xi32> to vector<1xi32>
      %squeeze3A_339 = vector.extract %slice3A_338[0] : i32 from vector<1xi32>
      %eq3A_340 = arith.constant 0 : i32
      %eq3A_341 = arith.cmpi eq, %squeeze3A_339, %eq3A_340 : i32
      %convert_element_type3A_342 = arith.extui %eq3A_341 : i1 to i32
      %cond3A_343 = arith.constant 0 : i32
      %cond3A_344 = arith.cmpi ne, %convert_element_type3A_342, %cond3A_343 : i32
      scf.if %cond3A_344 {
        %dma_start3A = arith.constant 0 : i32
        %dma_start3A_385 = tpu.memref_slice %arg9[%add3A_330, %dma_start3A] : memref<128x64xf32, #tpu.memory_space<vmem>> -> memref<1x64xf32, #tpu.memory_space<vmem>>
        %dma_start3A_386 = arith.constant 0 : i32
        %dma_start3A_387 = tpu.memref_slice %arg4[%squeeze3A_326, %dma_start3A_386] : memref<450000x64xf32, #tpu.memory_space<hbm>> -> memref<1x64xf32, #tpu.memory_space<hbm>>
        %dma_start3A_388 = arith.constant 0 : i32
        %dma_start3A_389 = tpu.memref_slice %arg9[%add3A_330, %dma_start3A_388] : memref<128x64xf32, #tpu.memory_space<vmem>> -> memref<1x64xf32, #tpu.memory_space<vmem>>
        %dma_start3A_390 = arith.constant 0 : i32
        %dma_start3A_391 = tpu.memref_slice %arg4[%squeeze3A_326, %dma_start3A_390] : memref<450000x64xf32, #tpu.memory_space<hbm>> -> memref<1x64xf32, #tpu.memory_space<hbm>>
        tpu.enqueue_dma source(%dma_start3A_391 : memref<1x64xf32, #tpu.memory_space<hbm>>) target(%dma_start3A_389 : memref<1x64xf32, #tpu.memory_space<vmem>>) target_semaphore(%arg11 : memref<!tpu.dma_semaphore, #tpu.memory_space<semaphore_mem>>)
      } else {
      }
      %slice3A_345 = vector.extract_strided_slice %get3A_68 {offsets = [14], sizes = [1], strides = [1]} : vector<16xi32> to vector<1xi32>
      %squeeze3A_346 = vector.extract %slice3A_345[0] : i32 from vector<1xi32>
      %mul3A_347 = arith.constant 16 : i32
      %mul3A_348 = arith.muli %scan3A_63, %mul3A_347 : i32
      %add3A_349 = arith.constant 14 : i32
      %add3A_350 = arith.addi %mul3A_348, %add3A_349 : i32
      %slice3A_351 = vector.extract_strided_slice %get3A_70 {offsets = [14], sizes = [1], strides = [1]} : vector<16xi32> to vector<1xi32>
      %squeeze3A_352 = vector.extract %slice3A_351[0] : i32 from vector<1xi32>
      %ne3A_353 = arith.constant 0 : i32
      %ne3A_354 = arith.cmpi ne, %squeeze3A_352, %ne3A_353 : i32
      %convert_element_type3A_355 = arith.extui %ne3A_354 : i1 to i32
      %cond3A_356 = arith.constant 0 : i32
      %cond3A_357 = arith.cmpi ne, %convert_element_type3A_355, %cond3A_356 : i32
      scf.if %cond3A_357 {
        %dma_start3A = arith.constant 0 : i32
        %dma_start3A_385 = tpu.memref_slice %arg9[%add3A_350, %dma_start3A] : memref<128x64xf32, #tpu.memory_space<vmem>> -> memref<1x64xf32, #tpu.memory_space<vmem>>
        %dma_start3A_386 = arith.constant 0 : i32
        %dma_start3A_387 = tpu.memref_slice %arg3[%squeeze3A_346, %dma_start3A_386] : memref<50000x64xf32, #tpu.memory_space<hbm>> -> memref<1x64xf32, #tpu.memory_space<hbm>>
        %dma_start3A_388 = arith.constant 0 : i32
        %dma_start3A_389 = tpu.memref_slice %arg9[%add3A_350, %dma_start3A_388] : memref<128x64xf32, #tpu.memory_space<vmem>> -> memref<1x64xf32, #tpu.memory_space<vmem>>
        %dma_start3A_390 = arith.constant 0 : i32
        %dma_start3A_391 = tpu.memref_slice %arg3[%squeeze3A_346, %dma_start3A_390] : memref<50000x64xf32, #tpu.memory_space<hbm>> -> memref<1x64xf32, #tpu.memory_space<hbm>>
        tpu.enqueue_dma source(%dma_start3A_391 : memref<1x64xf32, #tpu.memory_space<hbm>>) target(%dma_start3A_389 : memref<1x64xf32, #tpu.memory_space<vmem>>) target_semaphore(%arg11 : memref<!tpu.dma_semaphore, #tpu.memory_space<semaphore_mem>>)
      } else {
      }
      %slice3A_358 = vector.extract_strided_slice %get3A_70 {offsets = [14], sizes = [1], strides = [1]} : vector<16xi32> to vector<1xi32>
      %squeeze3A_359 = vector.extract %slice3A_358[0] : i32 from vector<1xi32>
      %eq3A_360 = arith.constant 0 : i32
      %eq3A_361 = arith.cmpi eq, %squeeze3A_359, %eq3A_360 : i32
      %convert_element_type3A_362 = arith.extui %eq3A_361 : i1 to i32
      %cond3A_363 = arith.constant 0 : i32
      %cond3A_364 = arith.cmpi ne, %convert_element_type3A_362, %cond3A_363 : i32
      scf.if %cond3A_364 {
        %dma_start3A = arith.constant 0 : i32
        %dma_start3A_385 = tpu.memref_slice %arg9[%add3A_350, %dma_start3A] : memref<128x64xf32, #tpu.memory_space<vmem>> -> memref<1x64xf32, #tpu.memory_space<vmem>>
        %dma_start3A_386 = arith.constant 0 : i32
        %dma_start3A_387 = tpu.memref_slice %arg4[%squeeze3A_346, %dma_start3A_386] : memref<450000x64xf32, #tpu.memory_space<hbm>> -> memref<1x64xf32, #tpu.memory_space<hbm>>
        %dma_start3A_388 = arith.constant 0 : i32
        %dma_start3A_389 = tpu.memref_slice %arg9[%add3A_350, %dma_start3A_388] : memref<128x64xf32, #tpu.memory_space<vmem>> -> memref<1x64xf32, #tpu.memory_space<vmem>>
        %dma_start3A_390 = arith.constant 0 : i32
        %dma_start3A_391 = tpu.memref_slice %arg4[%squeeze3A_346, %dma_start3A_390] : memref<450000x64xf32, #tpu.memory_space<hbm>> -> memref<1x64xf32, #tpu.memory_space<hbm>>
        tpu.enqueue_dma source(%dma_start3A_391 : memref<1x64xf32, #tpu.memory_space<hbm>>) target(%dma_start3A_389 : memref<1x64xf32, #tpu.memory_space<vmem>>) target_semaphore(%arg11 : memref<!tpu.dma_semaphore, #tpu.memory_space<semaphore_mem>>)
      } else {
      }
      %slice3A_365 = vector.extract_strided_slice %get3A_68 {offsets = [15], sizes = [1], strides = [1]} : vector<16xi32> to vector<1xi32>
      %squeeze3A_366 = vector.extract %slice3A_365[0] : i32 from vector<1xi32>
      %mul3A_367 = arith.constant 16 : i32
      %mul3A_368 = arith.muli %scan3A_63, %mul3A_367 : i32
      %add3A_369 = arith.constant 15 : i32
      %add3A_370 = arith.addi %mul3A_368, %add3A_369 : i32
      %slice3A_371 = vector.extract_strided_slice %get3A_70 {offsets = [15], sizes = [1], strides = [1]} : vector<16xi32> to vector<1xi32>
      %squeeze3A_372 = vector.extract %slice3A_371[0] : i32 from vector<1xi32>
      %ne3A_373 = arith.constant 0 : i32
      %ne3A_374 = arith.cmpi ne, %squeeze3A_372, %ne3A_373 : i32
      %convert_element_type3A_375 = arith.extui %ne3A_374 : i1 to i32
      %cond3A_376 = arith.constant 0 : i32
      %cond3A_377 = arith.cmpi ne, %convert_element_type3A_375, %cond3A_376 : i32
      scf.if %cond3A_377 {
        %dma_start3A = arith.constant 0 : i32
        %dma_start3A_385 = tpu.memref_slice %arg9[%add3A_370, %dma_start3A] : memref<128x64xf32, #tpu.memory_space<vmem>> -> memref<1x64xf32, #tpu.memory_space<vmem>>
        %dma_start3A_386 = arith.constant 0 : i32
        %dma_start3A_387 = tpu.memref_slice %arg3[%squeeze3A_366, %dma_start3A_386] : memref<50000x64xf32, #tpu.memory_space<hbm>> -> memref<1x64xf32, #tpu.memory_space<hbm>>
        %dma_start3A_388 = arith.constant 0 : i32
        %dma_start3A_389 = tpu.memref_slice %arg9[%add3A_370, %dma_start3A_388] : memref<128x64xf32, #tpu.memory_space<vmem>> -> memref<1x64xf32, #tpu.memory_space<vmem>>
        %dma_start3A_390 = arith.constant 0 : i32
        %dma_start3A_391 = tpu.memref_slice %arg3[%squeeze3A_366, %dma_start3A_390] : memref<50000x64xf32, #tpu.memory_space<hbm>> -> memref<1x64xf32, #tpu.memory_space<hbm>>
        tpu.enqueue_dma source(%dma_start3A_391 : memref<1x64xf32, #tpu.memory_space<hbm>>) target(%dma_start3A_389 : memref<1x64xf32, #tpu.memory_space<vmem>>) target_semaphore(%arg11 : memref<!tpu.dma_semaphore, #tpu.memory_space<semaphore_mem>>)
      } else {
      }
      %slice3A_378 = vector.extract_strided_slice %get3A_70 {offsets = [15], sizes = [1], strides = [1]} : vector<16xi32> to vector<1xi32>
      %squeeze3A_379 = vector.extract %slice3A_378[0] : i32 from vector<1xi32>
      %eq3A_380 = arith.constant 0 : i32
      %eq3A_381 = arith.cmpi eq, %squeeze3A_379, %eq3A_380 : i32
      %convert_element_type3A_382 = arith.extui %eq3A_381 : i1 to i32
      %cond3A_383 = arith.constant 0 : i32
      %cond3A_384 = arith.cmpi ne, %convert_element_type3A_382, %cond3A_383 : i32
      scf.if %cond3A_384 {
        %dma_start3A = arith.constant 0 : i32
        %dma_start3A_385 = tpu.memref_slice %arg9[%add3A_370, %dma_start3A] : memref<128x64xf32, #tpu.memory_space<vmem>> -> memref<1x64xf32, #tpu.memory_space<vmem>>
        %dma_start3A_386 = arith.constant 0 : i32
        %dma_start3A_387 = tpu.memref_slice %arg4[%squeeze3A_366, %dma_start3A_386] : memref<450000x64xf32, #tpu.memory_space<hbm>> -> memref<1x64xf32, #tpu.memory_space<hbm>>
        %dma_start3A_388 = arith.constant 0 : i32
        %dma_start3A_389 = tpu.memref_slice %arg9[%add3A_370, %dma_start3A_388] : memref<128x64xf32, #tpu.memory_space<vmem>> -> memref<1x64xf32, #tpu.memory_space<vmem>>
        %dma_start3A_390 = arith.constant 0 : i32
        %dma_start3A_391 = tpu.memref_slice %arg4[%squeeze3A_366, %dma_start3A_390] : memref<450000x64xf32, #tpu.memory_space<hbm>> -> memref<1x64xf32, #tpu.memory_space<hbm>>
        tpu.enqueue_dma source(%dma_start3A_391 : memref<1x64xf32, #tpu.memory_space<hbm>>) target(%dma_start3A_389 : memref<1x64xf32, #tpu.memory_space<vmem>>) target_semaphore(%arg11 : memref<!tpu.dma_semaphore, #tpu.memory_space<semaphore_mem>>)
      } else {
      }
    }
    %scan3A_13 = arith.constant 8 : i32
    %scan3A_14 = arith.constant 0 : i32
    %scan3A_15 = arith.constant 0 : i32
    %scan3A_16 = arith.constant 8 : i32
    %scan3A_17 = arith.addi %scan3A_15, %scan3A_16 : i32
    %scan3A_18 = arith.constant 1 : i32
    scf.for %scan3A_63 = %scan3A_15 to %scan3A_17 step %scan3A_18  : i32 {
      %mul3A_64 = arith.constant 16 : i32
      %mul3A_65 = arith.muli %scan3A_63, %mul3A_64 : i32
      %add3A_66 = arith.constant 128 : i32
      %add3A_67 = arith.addi %add3A_66, %mul3A_65 : i32
      %get3A = arith.index_cast %add3A_67 : i32 to index
      %get3A_68 = tpu.vector_load %arg7[%get3A] {strides = array<i32>} : memref<512xi32, #tpu.memory_space<vmem>>, vector<16xi32>,
      %get3A_69 = arith.index_cast %add3A_67 : i32 to index
      %get3A_70 = tpu.vector_load %arg8[%get3A_69] {strides = array<i32>} : memref<512xi32, #tpu.memory_space<vmem>>, vector<16xi32>,
      %slice3A = vector.extract_strided_slice %get3A_68 {offsets = [0], sizes = [1], strides = [1]} : vector<16xi32> to vector<1xi32>
      %squeeze3A = vector.extract %slice3A[0] : i32 from vector<1xi32>
      %mul3A_71 = arith.constant 16 : i32
      %mul3A_72 = arith.muli %scan3A_63, %mul3A_71 : i32
      %add3A_73 = arith.constant 0 : i32
      %add3A_74 = arith.addi %mul3A_72, %add3A_73 : i32
      %slice3A_75 = vector.extract_strided_slice %get3A_70 {offsets = [0], sizes = [1], strides = [1]} : vector<16xi32> to vector<1xi32>
      %squeeze3A_76 = vector.extract %slice3A_75[0] : i32 from vector<1xi32>
      %ne3A = arith.constant 0 : i32
      %ne3A_77 = arith.cmpi ne, %squeeze3A_76, %ne3A : i32
      %convert_element_type3A = arith.extui %ne3A_77 : i1 to i32
      %cond3A = arith.constant 0 : i32
      %cond3A_78 = arith.cmpi ne, %convert_element_type3A, %cond3A : i32
      scf.if %cond3A_78 {
        %dma_start3A = arith.constant 0 : i32
        %dma_start3A_385 = tpu.memref_slice %arg10[%add3A_74, %dma_start3A] : memref<128x64xf32, #tpu.memory_space<vmem>> -> memref<1x64xf32, #tpu.memory_space<vmem>>
        %dma_start3A_386 = arith.constant 0 : i32
        %dma_start3A_387 = tpu.memref_slice %arg3[%squeeze3A, %dma_start3A_386] : memref<50000x64xf32, #tpu.memory_space<hbm>> -> memref<1x64xf32, #tpu.memory_space<hbm>>
        %dma_start3A_388 = arith.constant 0 : i32
        %dma_start3A_389 = tpu.memref_slice %arg10[%add3A_74, %dma_start3A_388] : memref<128x64xf32, #tpu.memory_space<vmem>> -> memref<1x64xf32, #tpu.memory_space<vmem>>
        %dma_start3A_390 = arith.constant 0 : i32
        %dma_start3A_391 = tpu.memref_slice %arg3[%squeeze3A, %dma_start3A_390] : memref<50000x64xf32, #tpu.memory_space<hbm>> -> memref<1x64xf32, #tpu.memory_space<hbm>>
        tpu.enqueue_dma source(%dma_start3A_391 : memref<1x64xf32, #tpu.memory_space<hbm>>) target(%dma_start3A_389 : memref<1x64xf32, #tpu.memory_space<vmem>>) target_semaphore(%arg12 : memref<!tpu.dma_semaphore, #tpu.memory_space<semaphore_mem>>)
      } else {
      }
      %slice3A_79 = vector.extract_strided_slice %get3A_70 {offsets = [0], sizes = [1], strides = [1]} : vector<16xi32> to vector<1xi32>
      %squeeze3A_80 = vector.extract %slice3A_79[0] : i32 from vector<1xi32>
      %eq3A = arith.constant 0 : i32
      %eq3A_81 = arith.cmpi eq, %squeeze3A_80, %eq3A : i32
      %convert_element_type3A_82 = arith.extui %eq3A_81 : i1 to i32
      %cond3A_83 = arith.constant 0 : i32
      %cond3A_84 = arith.cmpi ne, %convert_element_type3A_82, %cond3A_83 : i32
      scf.if %cond3A_84 {
        %dma_start3A = arith.constant 0 : i32
        %dma_start3A_385 = tpu.memref_slice %arg10[%add3A_74, %dma_start3A] : memref<128x64xf32, #tpu.memory_space<vmem>> -> memref<1x64xf32, #tpu.memory_space<vmem>>
        %dma_start3A_386 = arith.constant 0 : i32
        %dma_start3A_387 = tpu.memref_slice %arg4[%squeeze3A, %dma_start3A_386] : memref<450000x64xf32, #tpu.memory_space<hbm>> -> memref<1x64xf32, #tpu.memory_space<hbm>>
        %dma_start3A_388 = arith.constant 0 : i32
        %dma_start3A_389 = tpu.memref_slice %arg10[%add3A_74, %dma_start3A_388] : memref<128x64xf32, #tpu.memory_space<vmem>> -> memref<1x64xf32, #tpu.memory_space<vmem>>
        %dma_start3A_390 = arith.constant 0 : i32
        %dma_start3A_391 = tpu.memref_slice %arg4[%squeeze3A, %dma_start3A_390] : memref<450000x64xf32, #tpu.memory_space<hbm>> -> memref<1x64xf32, #tpu.memory_space<hbm>>
        tpu.enqueue_dma source(%dma_start3A_391 : memref<1x64xf32, #tpu.memory_space<hbm>>) target(%dma_start3A_389 : memref<1x64xf32, #tpu.memory_space<vmem>>) target_semaphore(%arg12 : memref<!tpu.dma_semaphore, #tpu.memory_space<semaphore_mem>>)
      } else {
      }
      %slice3A_85 = vector.extract_strided_slice %get3A_68 {offsets = [1], sizes = [1], strides = [1]} : vector<16xi32> to vector<1xi32>
      %squeeze3A_86 = vector.extract %slice3A_85[0] : i32 from vector<1xi32>
      %mul3A_87 = arith.constant 16 : i32
      %mul3A_88 = arith.muli %scan3A_63, %mul3A_87 : i32
      %add3A_89 = arith.constant 1 : i32
      %add3A_90 = arith.addi %mul3A_88, %add3A_89 : i32
      %slice3A_91 = vector.extract_strided_slice %get3A_70 {offsets = [1], sizes = [1], strides = [1]} : vector<16xi32> to vector<1xi32>
      %squeeze3A_92 = vector.extract %slice3A_91[0] : i32 from vector<1xi32>
      %ne3A_93 = arith.constant 0 : i32
      %ne3A_94 = arith.cmpi ne, %squeeze3A_92, %ne3A_93 : i32
      %convert_element_type3A_95 = arith.extui %ne3A_94 : i1 to i32
      %cond3A_96 = arith.constant 0 : i32
      %cond3A_97 = arith.cmpi ne, %convert_element_type3A_95, %cond3A_96 : i32
      scf.if %cond3A_97 {
        %dma_start3A = arith.constant 0 : i32
        %dma_start3A_385 = tpu.memref_slice %arg10[%add3A_90, %dma_start3A] : memref<128x64xf32, #tpu.memory_space<vmem>> -> memref<1x64xf32, #tpu.memory_space<vmem>>
        %dma_start3A_386 = arith.constant 0 : i32
        %dma_start3A_387 = tpu.memref_slice %arg3[%squeeze3A_86, %dma_start3A_386] : memref<50000x64xf32, #tpu.memory_space<hbm>> -> memref<1x64xf32, #tpu.memory_space<hbm>>
        %dma_start3A_388 = arith.constant 0 : i32
        %dma_start3A_389 = tpu.memref_slice %arg10[%add3A_90, %dma_start3A_388] : memref<128x64xf32, #tpu.memory_space<vmem>> -> memref<1x64xf32, #tpu.memory_space<vmem>>
        %dma_start3A_390 = arith.constant 0 : i32
        %dma_start3A_391 = tpu.memref_slice %arg3[%squeeze3A_86, %dma_start3A_390] : memref<50000x64xf32, #tpu.memory_space<hbm>> -> memref<1x64xf32, #tpu.memory_space<hbm>>
        tpu.enqueue_dma source(%dma_start3A_391 : memref<1x64xf32, #tpu.memory_space<hbm>>) target(%dma_start3A_389 : memref<1x64xf32, #tpu.memory_space<vmem>>) target_semaphore(%arg12 : memref<!tpu.dma_semaphore, #tpu.memory_space<semaphore_mem>>)
      } else {
      }
      %slice3A_98 = vector.extract_strided_slice %get3A_70 {offsets = [1], sizes = [1], strides = [1]} : vector<16xi32> to vector<1xi32>
      %squeeze3A_99 = vector.extract %slice3A_98[0] : i32 from vector<1xi32>
      %eq3A_100 = arith.constant 0 : i32
      %eq3A_101 = arith.cmpi eq, %squeeze3A_99, %eq3A_100 : i32
      %convert_element_type3A_102 = arith.extui %eq3A_101 : i1 to i32
      %cond3A_103 = arith.constant 0 : i32
      %cond3A_104 = arith.cmpi ne, %convert_element_type3A_102, %cond3A_103 : i32
      scf.if %cond3A_104 {
        %dma_start3A = arith.constant 0 : i32
        %dma_start3A_385 = tpu.memref_slice %arg10[%add3A_90, %dma_start3A] : memref<128x64xf32, #tpu.memory_space<vmem>> -> memref<1x64xf32, #tpu.memory_space<vmem>>
        %dma_start3A_386 = arith.constant 0 : i32
        %dma_start3A_387 = tpu.memref_slice %arg4[%squeeze3A_86, %dma_start3A_386] : memref<450000x64xf32, #tpu.memory_space<hbm>> -> memref<1x64xf32, #tpu.memory_space<hbm>>
        %dma_start3A_388 = arith.constant 0 : i32
        %dma_start3A_389 = tpu.memref_slice %arg10[%add3A_90, %dma_start3A_388] : memref<128x64xf32, #tpu.memory_space<vmem>> -> memref<1x64xf32, #tpu.memory_space<vmem>>
        %dma_start3A_390 = arith.constant 0 : i32
        %dma_start3A_391 = tpu.memref_slice %arg4[%squeeze3A_86, %dma_start3A_390] : memref<450000x64xf32, #tpu.memory_space<hbm>> -> memref<1x64xf32, #tpu.memory_space<hbm>>
        tpu.enqueue_dma source(%dma_start3A_391 : memref<1x64xf32, #tpu.memory_space<hbm>>) target(%dma_start3A_389 : memref<1x64xf32, #tpu.memory_space<vmem>>) target_semaphore(%arg12 : memref<!tpu.dma_semaphore, #tpu.memory_space<semaphore_mem>>)
      } else {
      }
      %slice3A_105 = vector.extract_strided_slice %get3A_68 {offsets = [2], sizes = [1], strides = [1]} : vector<16xi32> to vector<1xi32>
      %squeeze3A_106 = vector.extract %slice3A_105[0] : i32 from vector<1xi32>
      %mul3A_107 = arith.constant 16 : i32
      %mul3A_108 = arith.muli %scan3A_63, %mul3A_107 : i32
      %add3A_109 = arith.constant 2 : i32
      %add3A_110 = arith.addi %mul3A_108, %add3A_109 : i32
      %slice3A_111 = vector.extract_strided_slice %get3A_70 {offsets = [2], sizes = [1], strides = [1]} : vector<16xi32> to vector<1xi32>
      %squeeze3A_112 = vector.extract %slice3A_111[0] : i32 from vector<1xi32>
      %ne3A_113 = arith.constant 0 : i32
      %ne3A_114 = arith.cmpi ne, %squeeze3A_112, %ne3A_113 : i32
      %convert_element_type3A_115 = arith.extui %ne3A_114 : i1 to i32
      %cond3A_116 = arith.constant 0 : i32
      %cond3A_117 = arith.cmpi ne, %convert_element_type3A_115, %cond3A_116 : i32
      scf.if %cond3A_117 {
        %dma_start3A = arith.constant 0 : i32
        %dma_start3A_385 = tpu.memref_slice %arg10[%add3A_110, %dma_start3A] : memref<128x64xf32, #tpu.memory_space<vmem>> -> memref<1x64xf32, #tpu.memory_space<vmem>>
        %dma_start3A_386 = arith.constant 0 : i32
        %dma_start3A_387 = tpu.memref_slice %arg3[%squeeze3A_106, %dma_start3A_386] : memref<50000x64xf32, #tpu.memory_space<hbm>> -> memref<1x64xf32, #tpu.memory_space<hbm>>
        %dma_start3A_388 = arith.constant 0 : i32
        %dma_start3A_389 = tpu.memref_slice %arg10[%add3A_110, %dma_start3A_388] : memref<128x64xf32, #tpu.memory_space<vmem>> -> memref<1x64xf32, #tpu.memory_space<vmem>>
        %dma_start3A_390 = arith.constant 0 : i32
        %dma_start3A_391 = tpu.memref_slice %arg3[%squeeze3A_106, %dma_start3A_390] : memref<50000x64xf32, #tpu.memory_space<hbm>> -> memref<1x64xf32, #tpu.memory_space<hbm>>
        tpu.enqueue_dma source(%dma_start3A_391 : memref<1x64xf32, #tpu.memory_space<hbm>>) target(%dma_start3A_389 : memref<1x64xf32, #tpu.memory_space<vmem>>) target_semaphore(%arg12 : memref<!tpu.dma_semaphore, #tpu.memory_space<semaphore_mem>>)
      } else {
      }
      %slice3A_118 = vector.extract_strided_slice %get3A_70 {offsets = [2], sizes = [1], strides = [1]} : vector<16xi32> to vector<1xi32>
      %squeeze3A_119 = vector.extract %slice3A_118[0] : i32 from vector<1xi32>
      %eq3A_120 = arith.constant 0 : i32
      %eq3A_121 = arith.cmpi eq, %squeeze3A_119, %eq3A_120 : i32
      %convert_element_type3A_122 = arith.extui %eq3A_121 : i1 to i32
      %cond3A_123 = arith.constant 0 : i32
      %cond3A_124 = arith.cmpi ne, %convert_element_type3A_122, %cond3A_123 : i32
      scf.if %cond3A_124 {
        %dma_start3A = arith.constant 0 : i32
        %dma_start3A_385 = tpu.memref_slice %arg10[%add3A_110, %dma_start3A] : memref<128x64xf32, #tpu.memory_space<vmem>> -> memref<1x64xf32, #tpu.memory_space<vmem>>
        %dma_start3A_386 = arith.constant 0 : i32
        %dma_start3A_387 = tpu.memref_slice %arg4[%squeeze3A_106, %dma_start3A_386] : memref<450000x64xf32, #tpu.memory_space<hbm>> -> memref<1x64xf32, #tpu.memory_space<hbm>>
        %dma_start3A_388 = arith.constant 0 : i32
        %dma_start3A_389 = tpu.memref_slice %arg10[%add3A_110, %dma_start3A_388] : memref<128x64xf32, #tpu.memory_space<vmem>> -> memref<1x64xf32, #tpu.memory_space<vmem>>
        %dma_start3A_390 = arith.constant 0 : i32
        %dma_start3A_391 = tpu.memref_slice %arg4[%squeeze3A_106, %dma_start3A_390] : memref<450000x64xf32, #tpu.memory_space<hbm>> -> memref<1x64xf32, #tpu.memory_space<hbm>>
        tpu.enqueue_dma source(%dma_start3A_391 : memref<1x64xf32, #tpu.memory_space<hbm>>) target(%dma_start3A_389 : memref<1x64xf32, #tpu.memory_space<vmem>>) target_semaphore(%arg12 : memref<!tpu.dma_semaphore, #tpu.memory_space<semaphore_mem>>)
      } else {
      }
      %slice3A_125 = vector.extract_strided_slice %get3A_68 {offsets = [3], sizes = [1], strides = [1]} : vector<16xi32> to vector<1xi32>
      %squeeze3A_126 = vector.extract %slice3A_125[0] : i32 from vector<1xi32>
      %mul3A_127 = arith.constant 16 : i32
      %mul3A_128 = arith.muli %scan3A_63, %mul3A_127 : i32
      %add3A_129 = arith.constant 3 : i32
      %add3A_130 = arith.addi %mul3A_128, %add3A_129 : i32
      %slice3A_131 = vector.extract_strided_slice %get3A_70 {offsets = [3], sizes = [1], strides = [1]} : vector<16xi32> to vector<1xi32>
      %squeeze3A_132 = vector.extract %slice3A_131[0] : i32 from vector<1xi32>
      %ne3A_133 = arith.constant 0 : i32
      %ne3A_134 = arith.cmpi ne, %squeeze3A_132, %ne3A_133 : i32
      %convert_element_type3A_135 = arith.extui %ne3A_134 : i1 to i32
      %cond3A_136 = arith.constant 0 : i32
      %cond3A_137 = arith.cmpi ne, %convert_element_type3A_135, %cond3A_136 : i32
      scf.if %cond3A_137 {
        %dma_start3A = arith.constant 0 : i32
        %dma_start3A_385 = tpu.memref_slice %arg10[%add3A_130, %dma_start3A] : memref<128x64xf32, #tpu.memory_space<vmem>> -> memref<1x64xf32, #tpu.memory_space<vmem>>
        %dma_start3A_386 = arith.constant 0 : i32
        %dma_start3A_387 = tpu.memref_slice %arg3[%squeeze3A_126, %dma_start3A_386] : memref<50000x64xf32, #tpu.memory_space<hbm>> -> memref<1x64xf32, #tpu.memory_space<hbm>>
        %dma_start3A_388 = arith.constant 0 : i32
        %dma_start3A_389 = tpu.memref_slice %arg10[%add3A_130, %dma_start3A_388] : memref<128x64xf32, #tpu.memory_space<vmem>> -> memref<1x64xf32, #tpu.memory_space<vmem>>
        %dma_start3A_390 = arith.constant 0 : i32
        %dma_start3A_391 = tpu.memref_slice %arg3[%squeeze3A_126, %dma_start3A_390] : memref<50000x64xf32, #tpu.memory_space<hbm>> -> memref<1x64xf32, #tpu.memory_space<hbm>>
        tpu.enqueue_dma source(%dma_start3A_391 : memref<1x64xf32, #tpu.memory_space<hbm>>) target(%dma_start3A_389 : memref<1x64xf32, #tpu.memory_space<vmem>>) target_semaphore(%arg12 : memref<!tpu.dma_semaphore, #tpu.memory_space<semaphore_mem>>)
      } else {
      }
      %slice3A_138 = vector.extract_strided_slice %get3A_70 {offsets = [3], sizes = [1], strides = [1]} : vector<16xi32> to vector<1xi32>
      %squeeze3A_139 = vector.extract %slice3A_138[0] : i32 from vector<1xi32>
      %eq3A_140 = arith.constant 0 : i32
      %eq3A_141 = arith.cmpi eq, %squeeze3A_139, %eq3A_140 : i32
      %convert_element_type3A_142 = arith.extui %eq3A_141 : i1 to i32
      %cond3A_143 = arith.constant 0 : i32
      %cond3A_144 = arith.cmpi ne, %convert_element_type3A_142, %cond3A_143 : i32
      scf.if %cond3A_144 {
        %dma_start3A = arith.constant 0 : i32
        %dma_start3A_385 = tpu.memref_slice %arg10[%add3A_130, %dma_start3A] : memref<128x64xf32, #tpu.memory_space<vmem>> -> memref<1x64xf32, #tpu.memory_space<vmem>>
        %dma_start3A_386 = arith.constant 0 : i32
        %dma_start3A_387 = tpu.memref_slice %arg4[%squeeze3A_126, %dma_start3A_386] : memref<450000x64xf32, #tpu.memory_space<hbm>> -> memref<1x64xf32, #tpu.memory_space<hbm>>
        %dma_start3A_388 = arith.constant 0 : i32
        %dma_start3A_389 = tpu.memref_slice %arg10[%add3A_130, %dma_start3A_388] : memref<128x64xf32, #tpu.memory_space<vmem>> -> memref<1x64xf32, #tpu.memory_space<vmem>>
        %dma_start3A_390 = arith.constant 0 : i32
        %dma_start3A_391 = tpu.memref_slice %arg4[%squeeze3A_126, %dma_start3A_390] : memref<450000x64xf32, #tpu.memory_space<hbm>> -> memref<1x64xf32, #tpu.memory_space<hbm>>
        tpu.enqueue_dma source(%dma_start3A_391 : memref<1x64xf32, #tpu.memory_space<hbm>>) target(%dma_start3A_389 : memref<1x64xf32, #tpu.memory_space<vmem>>) target_semaphore(%arg12 : memref<!tpu.dma_semaphore, #tpu.memory_space<semaphore_mem>>)
      } else {
      }
      %slice3A_145 = vector.extract_strided_slice %get3A_68 {offsets = [4], sizes = [1], strides = [1]} : vector<16xi32> to vector<1xi32>
      %squeeze3A_146 = vector.extract %slice3A_145[0] : i32 from vector<1xi32>
      %mul3A_147 = arith.constant 16 : i32
      %mul3A_148 = arith.muli %scan3A_63, %mul3A_147 : i32
      %add3A_149 = arith.constant 4 : i32
      %add3A_150 = arith.addi %mul3A_148, %add3A_149 : i32
      %slice3A_151 = vector.extract_strided_slice %get3A_70 {offsets = [4], sizes = [1], strides = [1]} : vector<16xi32> to vector<1xi32>
      %squeeze3A_152 = vector.extract %slice3A_151[0] : i32 from vector<1xi32>
      %ne3A_153 = arith.constant 0 : i32
      %ne3A_154 = arith.cmpi ne, %squeeze3A_152, %ne3A_153 : i32
      %convert_element_type3A_155 = arith.extui %ne3A_154 : i1 to i32
      %cond3A_156 = arith.constant 0 : i32
      %cond3A_157 = arith.cmpi ne, %convert_element_type3A_155, %cond3A_156 : i32
      scf.if %cond3A_157 {
        %dma_start3A = arith.constant 0 : i32
        %dma_start3A_385 = tpu.memref_slice %arg10[%add3A_150, %dma_start3A] : memref<128x64xf32, #tpu.memory_space<vmem>> -> memref<1x64xf32, #tpu.memory_space<vmem>>
        %dma_start3A_386 = arith.constant 0 : i32
        %dma_start3A_387 = tpu.memref_slice %arg3[%squeeze3A_146, %dma_start3A_386] : memref<50000x64xf32, #tpu.memory_space<hbm>> -> memref<1x64xf32, #tpu.memory_space<hbm>>
        %dma_start3A_388 = arith.constant 0 : i32
        %dma_start3A_389 = tpu.memref_slice %arg10[%add3A_150, %dma_start3A_388] : memref<128x64xf32, #tpu.memory_space<vmem>> -> memref<1x64xf32, #tpu.memory_space<vmem>>
        %dma_start3A_390 = arith.constant 0 : i32
        %dma_start3A_391 = tpu.memref_slice %arg3[%squeeze3A_146, %dma_start3A_390] : memref<50000x64xf32, #tpu.memory_space<hbm>> -> memref<1x64xf32, #tpu.memory_space<hbm>>
        tpu.enqueue_dma source(%dma_start3A_391 : memref<1x64xf32, #tpu.memory_space<hbm>>) target(%dma_start3A_389 : memref<1x64xf32, #tpu.memory_space<vmem>>) target_semaphore(%arg12 : memref<!tpu.dma_semaphore, #tpu.memory_space<semaphore_mem>>)
      } else {
      }
      %slice3A_158 = vector.extract_strided_slice %get3A_70 {offsets = [4], sizes = [1], strides = [1]} : vector<16xi32> to vector<1xi32>
      %squeeze3A_159 = vector.extract %slice3A_158[0] : i32 from vector<1xi32>
      %eq3A_160 = arith.constant 0 : i32
      %eq3A_161 = arith.cmpi eq, %squeeze3A_159, %eq3A_160 : i32
      %convert_element_type3A_162 = arith.extui %eq3A_161 : i1 to i32
      %cond3A_163 = arith.constant 0 : i32
      %cond3A_164 = arith.cmpi ne, %convert_element_type3A_162, %cond3A_163 : i32
      scf.if %cond3A_164 {
        %dma_start3A = arith.constant 0 : i32
        %dma_start3A_385 = tpu.memref_slice %arg10[%add3A_150, %dma_start3A] : memref<128x64xf32, #tpu.memory_space<vmem>> -> memref<1x64xf32, #tpu.memory_space<vmem>>
        %dma_start3A_386 = arith.constant 0 : i32
        %dma_start3A_387 = tpu.memref_slice %arg4[%squeeze3A_146, %dma_start3A_386] : memref<450000x64xf32, #tpu.memory_space<hbm>> -> memref<1x64xf32, #tpu.memory_space<hbm>>
        %dma_start3A_388 = arith.constant 0 : i32
        %dma_start3A_389 = tpu.memref_slice %arg10[%add3A_150, %dma_start3A_388] : memref<128x64xf32, #tpu.memory_space<vmem>> -> memref<1x64xf32, #tpu.memory_space<vmem>>
        %dma_start3A_390 = arith.constant 0 : i32
        %dma_start3A_391 = tpu.memref_slice %arg4[%squeeze3A_146, %dma_start3A_390] : memref<450000x64xf32, #tpu.memory_space<hbm>> -> memref<1x64xf32, #tpu.memory_space<hbm>>
        tpu.enqueue_dma source(%dma_start3A_391 : memref<1x64xf32, #tpu.memory_space<hbm>>) target(%dma_start3A_389 : memref<1x64xf32, #tpu.memory_space<vmem>>) target_semaphore(%arg12 : memref<!tpu.dma_semaphore, #tpu.memory_space<semaphore_mem>>)
      } else {
      }
      %slice3A_165 = vector.extract_strided_slice %get3A_68 {offsets = [5], sizes = [1], strides = [1]} : vector<16xi32> to vector<1xi32>
      %squeeze3A_166 = vector.extract %slice3A_165[0] : i32 from vector<1xi32>
      %mul3A_167 = arith.constant 16 : i32
      %mul3A_168 = arith.muli %scan3A_63, %mul3A_167 : i32
      %add3A_169 = arith.constant 5 : i32
      %add3A_170 = arith.addi %mul3A_168, %add3A_169 : i32
      %slice3A_171 = vector.extract_strided_slice %get3A_70 {offsets = [5], sizes = [1], strides = [1]} : vector<16xi32> to vector<1xi32>
      %squeeze3A_172 = vector.extract %slice3A_171[0] : i32 from vector<1xi32>
      %ne3A_173 = arith.constant 0 : i32
      %ne3A_174 = arith.cmpi ne, %squeeze3A_172, %ne3A_173 : i32
      %convert_element_type3A_175 = arith.extui %ne3A_174 : i1 to i32
      %cond3A_176 = arith.constant 0 : i32
      %cond3A_177 = arith.cmpi ne, %convert_element_type3A_175, %cond3A_176 : i32
      scf.if %cond3A_177 {
        %dma_start3A = arith.constant 0 : i32
        %dma_start3A_385 = tpu.memref_slice %arg10[%add3A_170, %dma_start3A] : memref<128x64xf32, #tpu.memory_space<vmem>> -> memref<1x64xf32, #tpu.memory_space<vmem>>
        %dma_start3A_386 = arith.constant 0 : i32
        %dma_start3A_387 = tpu.memref_slice %arg3[%squeeze3A_166, %dma_start3A_386] : memref<50000x64xf32, #tpu.memory_space<hbm>> -> memref<1x64xf32, #tpu.memory_space<hbm>>
        %dma_start3A_388 = arith.constant 0 : i32
        %dma_start3A_389 = tpu.memref_slice %arg10[%add3A_170, %dma_start3A_388] : memref<128x64xf32, #tpu.memory_space<vmem>> -> memref<1x64xf32, #tpu.memory_space<vmem>>
        %dma_start3A_390 = arith.constant 0 : i32
        %dma_start3A_391 = tpu.memref_slice %arg3[%squeeze3A_166, %dma_start3A_390] : memref<50000x64xf32, #tpu.memory_space<hbm>> -> memref<1x64xf32, #tpu.memory_space<hbm>>
        tpu.enqueue_dma source(%dma_start3A_391 : memref<1x64xf32, #tpu.memory_space<hbm>>) target(%dma_start3A_389 : memref<1x64xf32, #tpu.memory_space<vmem>>) target_semaphore(%arg12 : memref<!tpu.dma_semaphore, #tpu.memory_space<semaphore_mem>>)
      } else {
      }
      %slice3A_178 = vector.extract_strided_slice %get3A_70 {offsets = [5], sizes = [1], strides = [1]} : vector<16xi32> to vector<1xi32>
      %squeeze3A_179 = vector.extract %slice3A_178[0] : i32 from vector<1xi32>
      %eq3A_180 = arith.constant 0 : i32
      %eq3A_181 = arith.cmpi eq, %squeeze3A_179, %eq3A_180 : i32
      %convert_element_type3A_182 = arith.extui %eq3A_181 : i1 to i32
      %cond3A_183 = arith.constant 0 : i32
      %cond3A_184 = arith.cmpi ne, %convert_element_type3A_182, %cond3A_183 : i32
      scf.if %cond3A_184 {
        %dma_start3A = arith.constant 0 : i32
        %dma_start3A_385 = tpu.memref_slice %arg10[%add3A_170, %dma_start3A] : memref<128x64xf32, #tpu.memory_space<vmem>> -> memref<1x64xf32, #tpu.memory_space<vmem>>
        %dma_start3A_386 = arith.constant 0 : i32
        %dma_start3A_387 = tpu.memref_slice %arg4[%squeeze3A_166, %dma_start3A_386] : memref<450000x64xf32, #tpu.memory_space<hbm>> -> memref<1x64xf32, #tpu.memory_space<hbm>>
        %dma_start3A_388 = arith.constant 0 : i32
        %dma_start3A_389 = tpu.memref_slice %arg10[%add3A_170, %dma_start3A_388] : memref<128x64xf32, #tpu.memory_space<vmem>> -> memref<1x64xf32, #tpu.memory_space<vmem>>
        %dma_start3A_390 = arith.constant 0 : i32
        %dma_start3A_391 = tpu.memref_slice %arg4[%squeeze3A_166, %dma_start3A_390] : memref<450000x64xf32, #tpu.memory_space<hbm>> -> memref<1x64xf32, #tpu.memory_space<hbm>>
        tpu.enqueue_dma source(%dma_start3A_391 : memref<1x64xf32, #tpu.memory_space<hbm>>) target(%dma_start3A_389 : memref<1x64xf32, #tpu.memory_space<vmem>>) target_semaphore(%arg12 : memref<!tpu.dma_semaphore, #tpu.memory_space<semaphore_mem>>)
      } else {
      }
      %slice3A_185 = vector.extract_strided_slice %get3A_68 {offsets = [6], sizes = [1], strides = [1]} : vector<16xi32> to vector<1xi32>
      %squeeze3A_186 = vector.extract %slice3A_185[0] : i32 from vector<1xi32>
      %mul3A_187 = arith.constant 16 : i32
      %mul3A_188 = arith.muli %scan3A_63, %mul3A_187 : i32
      %add3A_189 = arith.constant 6 : i32
      %add3A_190 = arith.addi %mul3A_188, %add3A_189 : i32
      %slice3A_191 = vector.extract_strided_slice %get3A_70 {offsets = [6], sizes = [1], strides = [1]} : vector<16xi32> to vector<1xi32>
      %squeeze3A_192 = vector.extract %slice3A_191[0] : i32 from vector<1xi32>
      %ne3A_193 = arith.constant 0 : i32
      %ne3A_194 = arith.cmpi ne, %squeeze3A_192, %ne3A_193 : i32
      %convert_element_type3A_195 = arith.extui %ne3A_194 : i1 to i32
      %cond3A_196 = arith.constant 0 : i32
      %cond3A_197 = arith.cmpi ne, %convert_element_type3A_195, %cond3A_196 : i32
      scf.if %cond3A_197 {
        %dma_start3A = arith.constant 0 : i32
        %dma_start3A_385 = tpu.memref_slice %arg10[%add3A_190, %dma_start3A] : memref<128x64xf32, #tpu.memory_space<vmem>> -> memref<1x64xf32, #tpu.memory_space<vmem>>
        %dma_start3A_386 = arith.constant 0 : i32
        %dma_start3A_387 = tpu.memref_slice %arg3[%squeeze3A_186, %dma_start3A_386] : memref<50000x64xf32, #tpu.memory_space<hbm>> -> memref<1x64xf32, #tpu.memory_space<hbm>>
        %dma_start3A_388 = arith.constant 0 : i32
        %dma_start3A_389 = tpu.memref_slice %arg10[%add3A_190, %dma_start3A_388] : memref<128x64xf32, #tpu.memory_space<vmem>> -> memref<1x64xf32, #tpu.memory_space<vmem>>
        %dma_start3A_390 = arith.constant 0 : i32
        %dma_start3A_391 = tpu.memref_slice %arg3[%squeeze3A_186, %dma_start3A_390] : memref<50000x64xf32, #tpu.memory_space<hbm>> -> memref<1x64xf32, #tpu.memory_space<hbm>>
        tpu.enqueue_dma source(%dma_start3A_391 : memref<1x64xf32, #tpu.memory_space<hbm>>) target(%dma_start3A_389 : memref<1x64xf32, #tpu.memory_space<vmem>>) target_semaphore(%arg12 : memref<!tpu.dma_semaphore, #tpu.memory_space<semaphore_mem>>)
      } else {
      }
      %slice3A_198 = vector.extract_strided_slice %get3A_70 {offsets = [6], sizes = [1], strides = [1]} : vector<16xi32> to vector<1xi32>
      %squeeze3A_199 = vector.extract %slice3A_198[0] : i32 from vector<1xi32>
      %eq3A_200 = arith.constant 0 : i32
      %eq3A_201 = arith.cmpi eq, %squeeze3A_199, %eq3A_200 : i32
      %convert_element_type3A_202 = arith.extui %eq3A_201 : i1 to i32
      %cond3A_203 = arith.constant 0 : i32
      %cond3A_204 = arith.cmpi ne, %convert_element_type3A_202, %cond3A_203 : i32
      scf.if %cond3A_204 {
        %dma_start3A = arith.constant 0 : i32
        %dma_start3A_385 = tpu.memref_slice %arg10[%add3A_190, %dma_start3A] : memref<128x64xf32, #tpu.memory_space<vmem>> -> memref<1x64xf32, #tpu.memory_space<vmem>>
        %dma_start3A_386 = arith.constant 0 : i32
        %dma_start3A_387 = tpu.memref_slice %arg4[%squeeze3A_186, %dma_start3A_386] : memref<450000x64xf32, #tpu.memory_space<hbm>> -> memref<1x64xf32, #tpu.memory_space<hbm>>
        %dma_start3A_388 = arith.constant 0 : i32
        %dma_start3A_389 = tpu.memref_slice %arg10[%add3A_190, %dma_start3A_388] : memref<128x64xf32, #tpu.memory_space<vmem>> -> memref<1x64xf32, #tpu.memory_space<vmem>>
        %dma_start3A_390 = arith.constant 0 : i32
        %dma_start3A_391 = tpu.memref_slice %arg4[%squeeze3A_186, %dma_start3A_390] : memref<450000x64xf32, #tpu.memory_space<hbm>> -> memref<1x64xf32, #tpu.memory_space<hbm>>
        tpu.enqueue_dma source(%dma_start3A_391 : memref<1x64xf32, #tpu.memory_space<hbm>>) target(%dma_start3A_389 : memref<1x64xf32, #tpu.memory_space<vmem>>) target_semaphore(%arg12 : memref<!tpu.dma_semaphore, #tpu.memory_space<semaphore_mem>>)
      } else {
      }
      %slice3A_205 = vector.extract_strided_slice %get3A_68 {offsets = [7], sizes = [1], strides = [1]} : vector<16xi32> to vector<1xi32>
      %squeeze3A_206 = vector.extract %slice3A_205[0] : i32 from vector<1xi32>
      %mul3A_207 = arith.constant 16 : i32
      %mul3A_208 = arith.muli %scan3A_63, %mul3A_207 : i32
      %add3A_209 = arith.constant 7 : i32
      %add3A_210 = arith.addi %mul3A_208, %add3A_209 : i32
      %slice3A_211 = vector.extract_strided_slice %get3A_70 {offsets = [7], sizes = [1], strides = [1]} : vector<16xi32> to vector<1xi32>
      %squeeze3A_212 = vector.extract %slice3A_211[0] : i32 from vector<1xi32>
      %ne3A_213 = arith.constant 0 : i32
      %ne3A_214 = arith.cmpi ne, %squeeze3A_212, %ne3A_213 : i32
      %convert_element_type3A_215 = arith.extui %ne3A_214 : i1 to i32
      %cond3A_216 = arith.constant 0 : i32
      %cond3A_217 = arith.cmpi ne, %convert_element_type3A_215, %cond3A_216 : i32
      scf.if %cond3A_217 {
        %dma_start3A = arith.constant 0 : i32
        %dma_start3A_385 = tpu.memref_slice %arg10[%add3A_210, %dma_start3A] : memref<128x64xf32, #tpu.memory_space<vmem>> -> memref<1x64xf32, #tpu.memory_space<vmem>>
        %dma_start3A_386 = arith.constant 0 : i32
        %dma_start3A_387 = tpu.memref_slice %arg3[%squeeze3A_206, %dma_start3A_386] : memref<50000x64xf32, #tpu.memory_space<hbm>> -> memref<1x64xf32, #tpu.memory_space<hbm>>
        %dma_start3A_388 = arith.constant 0 : i32
        %dma_start3A_389 = tpu.memref_slice %arg10[%add3A_210, %dma_start3A_388] : memref<128x64xf32, #tpu.memory_space<vmem>> -> memref<1x64xf32, #tpu.memory_space<vmem>>
        %dma_start3A_390 = arith.constant 0 : i32
        %dma_start3A_391 = tpu.memref_slice %arg3[%squeeze3A_206, %dma_start3A_390] : memref<50000x64xf32, #tpu.memory_space<hbm>> -> memref<1x64xf32, #tpu.memory_space<hbm>>
        tpu.enqueue_dma source(%dma_start3A_391 : memref<1x64xf32, #tpu.memory_space<hbm>>) target(%dma_start3A_389 : memref<1x64xf32, #tpu.memory_space<vmem>>) target_semaphore(%arg12 : memref<!tpu.dma_semaphore, #tpu.memory_space<semaphore_mem>>)
      } else {
      }
      %slice3A_218 = vector.extract_strided_slice %get3A_70 {offsets = [7], sizes = [1], strides = [1]} : vector<16xi32> to vector<1xi32>
      %squeeze3A_219 = vector.extract %slice3A_218[0] : i32 from vector<1xi32>
      %eq3A_220 = arith.constant 0 : i32
      %eq3A_221 = arith.cmpi eq, %squeeze3A_219, %eq3A_220 : i32
      %convert_element_type3A_222 = arith.extui %eq3A_221 : i1 to i32
      %cond3A_223 = arith.constant 0 : i32
      %cond3A_224 = arith.cmpi ne, %convert_element_type3A_222, %cond3A_223 : i32
      scf.if %cond3A_224 {
        %dma_start3A = arith.constant 0 : i32
        %dma_start3A_385 = tpu.memref_slice %arg10[%add3A_210, %dma_start3A] : memref<128x64xf32, #tpu.memory_space<vmem>> -> memref<1x64xf32, #tpu.memory_space<vmem>>
        %dma_start3A_386 = arith.constant 0 : i32
        %dma_start3A_387 = tpu.memref_slice %arg4[%squeeze3A_206, %dma_start3A_386] : memref<450000x64xf32, #tpu.memory_space<hbm>> -> memref<1x64xf32, #tpu.memory_space<hbm>>
        %dma_start3A_388 = arith.constant 0 : i32
        %dma_start3A_389 = tpu.memref_slice %arg10[%add3A_210, %dma_start3A_388] : memref<128x64xf32, #tpu.memory_space<vmem>> -> memref<1x64xf32, #tpu.memory_space<vmem>>
        %dma_start3A_390 = arith.constant 0 : i32
        %dma_start3A_391 = tpu.memref_slice %arg4[%squeeze3A_206, %dma_start3A_390] : memref<450000x64xf32, #tpu.memory_space<hbm>> -> memref<1x64xf32, #tpu.memory_space<hbm>>
        tpu.enqueue_dma source(%dma_start3A_391 : memref<1x64xf32, #tpu.memory_space<hbm>>) target(%dma_start3A_389 : memref<1x64xf32, #tpu.memory_space<vmem>>) target_semaphore(%arg12 : memref<!tpu.dma_semaphore, #tpu.memory_space<semaphore_mem>>)
      } else {
      }
      %slice3A_225 = vector.extract_strided_slice %get3A_68 {offsets = [8], sizes = [1], strides = [1]} : vector<16xi32> to vector<1xi32>
      %squeeze3A_226 = vector.extract %slice3A_225[0] : i32 from vector<1xi32>
      %mul3A_227 = arith.constant 16 : i32
      %mul3A_228 = arith.muli %scan3A_63, %mul3A_227 : i32
      %add3A_229 = arith.constant 8 : i32
      %add3A_230 = arith.addi %mul3A_228, %add3A_229 : i32
      %slice3A_231 = vector.extract_strided_slice %get3A_70 {offsets = [8], sizes = [1], strides = [1]} : vector<16xi32> to vector<1xi32>
      %squeeze3A_232 = vector.extract %slice3A_231[0] : i32 from vector<1xi32>
      %ne3A_233 = arith.constant 0 : i32
      %ne3A_234 = arith.cmpi ne, %squeeze3A_232, %ne3A_233 : i32
      %convert_element_type3A_235 = arith.extui %ne3A_234 : i1 to i32
      %cond3A_236 = arith.constant 0 : i32
      %cond3A_237 = arith.cmpi ne, %convert_element_type3A_235, %cond3A_236 : i32
      scf.if %cond3A_237 {
        %dma_start3A = arith.constant 0 : i32
        %dma_start3A_385 = tpu.memref_slice %arg10[%add3A_230, %dma_start3A] : memref<128x64xf32, #tpu.memory_space<vmem>> -> memref<1x64xf32, #tpu.memory_space<vmem>>
        %dma_start3A_386 = arith.constant 0 : i32
        %dma_start3A_387 = tpu.memref_slice %arg3[%squeeze3A_226, %dma_start3A_386] : memref<50000x64xf32, #tpu.memory_space<hbm>> -> memref<1x64xf32, #tpu.memory_space<hbm>>
        %dma_start3A_388 = arith.constant 0 : i32
        %dma_start3A_389 = tpu.memref_slice %arg10[%add3A_230, %dma_start3A_388] : memref<128x64xf32, #tpu.memory_space<vmem>> -> memref<1x64xf32, #tpu.memory_space<vmem>>
        %dma_start3A_390 = arith.constant 0 : i32
        %dma_start3A_391 = tpu.memref_slice %arg3[%squeeze3A_226, %dma_start3A_390] : memref<50000x64xf32, #tpu.memory_space<hbm>> -> memref<1x64xf32, #tpu.memory_space<hbm>>
        tpu.enqueue_dma source(%dma_start3A_391 : memref<1x64xf32, #tpu.memory_space<hbm>>) target(%dma_start3A_389 : memref<1x64xf32, #tpu.memory_space<vmem>>) target_semaphore(%arg12 : memref<!tpu.dma_semaphore, #tpu.memory_space<semaphore_mem>>)
      } else {
      }
      %slice3A_238 = vector.extract_strided_slice %get3A_70 {offsets = [8], sizes = [1], strides = [1]} : vector<16xi32> to vector<1xi32>
      %squeeze3A_239 = vector.extract %slice3A_238[0] : i32 from vector<1xi32>
      %eq3A_240 = arith.constant 0 : i32
      %eq3A_241 = arith.cmpi eq, %squeeze3A_239, %eq3A_240 : i32
      %convert_element_type3A_242 = arith.extui %eq3A_241 : i1 to i32
      %cond3A_243 = arith.constant 0 : i32
      %cond3A_244 = arith.cmpi ne, %convert_element_type3A_242, %cond3A_243 : i32
      scf.if %cond3A_244 {
        %dma_start3A = arith.constant 0 : i32
        %dma_start3A_385 = tpu.memref_slice %arg10[%add3A_230, %dma_start3A] : memref<128x64xf32, #tpu.memory_space<vmem>> -> memref<1x64xf32, #tpu.memory_space<vmem>>
        %dma_start3A_386 = arith.constant 0 : i32
        %dma_start3A_387 = tpu.memref_slice %arg4[%squeeze3A_226, %dma_start3A_386] : memref<450000x64xf32, #tpu.memory_space<hbm>> -> memref<1x64xf32, #tpu.memory_space<hbm>>
        %dma_start3A_388 = arith.constant 0 : i32
        %dma_start3A_389 = tpu.memref_slice %arg10[%add3A_230, %dma_start3A_388] : memref<128x64xf32, #tpu.memory_space<vmem>> -> memref<1x64xf32, #tpu.memory_space<vmem>>
        %dma_start3A_390 = arith.constant 0 : i32
        %dma_start3A_391 = tpu.memref_slice %arg4[%squeeze3A_226, %dma_start3A_390] : memref<450000x64xf32, #tpu.memory_space<hbm>> -> memref<1x64xf32, #tpu.memory_space<hbm>>
        tpu.enqueue_dma source(%dma_start3A_391 : memref<1x64xf32, #tpu.memory_space<hbm>>) target(%dma_start3A_389 : memref<1x64xf32, #tpu.memory_space<vmem>>) target_semaphore(%arg12 : memref<!tpu.dma_semaphore, #tpu.memory_space<semaphore_mem>>)
      } else {
      }
      %slice3A_245 = vector.extract_strided_slice %get3A_68 {offsets = [9], sizes = [1], strides = [1]} : vector<16xi32> to vector<1xi32>
      %squeeze3A_246 = vector.extract %slice3A_245[0] : i32 from vector<1xi32>
      %mul3A_247 = arith.constant 16 : i32
      %mul3A_248 = arith.muli %scan3A_63, %mul3A_247 : i32
      %add3A_249 = arith.constant 9 : i32
      %add3A_250 = arith.addi %mul3A_248, %add3A_249 : i32
      %slice3A_251 = vector.extract_strided_slice %get3A_70 {offsets = [9], sizes = [1], strides = [1]} : vector<16xi32> to vector<1xi32>
      %squeeze3A_252 = vector.extract %slice3A_251[0] : i32 from vector<1xi32>
      %ne3A_253 = arith.constant 0 : i32
      %ne3A_254 = arith.cmpi ne, %squeeze3A_252, %ne3A_253 : i32
      %convert_element_type3A_255 = arith.extui %ne3A_254 : i1 to i32
      %cond3A_256 = arith.constant 0 : i32
      %cond3A_257 = arith.cmpi ne, %convert_element_type3A_255, %cond3A_256 : i32
      scf.if %cond3A_257 {
        %dma_start3A = arith.constant 0 : i32
        %dma_start3A_385 = tpu.memref_slice %arg10[%add3A_250, %dma_start3A] : memref<128x64xf32, #tpu.memory_space<vmem>> -> memref<1x64xf32, #tpu.memory_space<vmem>>
        %dma_start3A_386 = arith.constant 0 : i32
        %dma_start3A_387 = tpu.memref_slice %arg3[%squeeze3A_246, %dma_start3A_386] : memref<50000x64xf32, #tpu.memory_space<hbm>> -> memref<1x64xf32, #tpu.memory_space<hbm>>
        %dma_start3A_388 = arith.constant 0 : i32
        %dma_start3A_389 = tpu.memref_slice %arg10[%add3A_250, %dma_start3A_388] : memref<128x64xf32, #tpu.memory_space<vmem>> -> memref<1x64xf32, #tpu.memory_space<vmem>>
        %dma_start3A_390 = arith.constant 0 : i32
        %dma_start3A_391 = tpu.memref_slice %arg3[%squeeze3A_246, %dma_start3A_390] : memref<50000x64xf32, #tpu.memory_space<hbm>> -> memref<1x64xf32, #tpu.memory_space<hbm>>
        tpu.enqueue_dma source(%dma_start3A_391 : memref<1x64xf32, #tpu.memory_space<hbm>>) target(%dma_start3A_389 : memref<1x64xf32, #tpu.memory_space<vmem>>) target_semaphore(%arg12 : memref<!tpu.dma_semaphore, #tpu.memory_space<semaphore_mem>>)
      } else {
      }
      %slice3A_258 = vector.extract_strided_slice %get3A_70 {offsets = [9], sizes = [1], strides = [1]} : vector<16xi32> to vector<1xi32>
      %squeeze3A_259 = vector.extract %slice3A_258[0] : i32 from vector<1xi32>
      %eq3A_260 = arith.constant 0 : i32
      %eq3A_261 = arith.cmpi eq, %squeeze3A_259, %eq3A_260 : i32
      %convert_element_type3A_262 = arith.extui %eq3A_261 : i1 to i32
      %cond3A_263 = arith.constant 0 : i32
      %cond3A_264 = arith.cmpi ne, %convert_element_type3A_262, %cond3A_263 : i32
      scf.if %cond3A_264 {
        %dma_start3A = arith.constant 0 : i32
        %dma_start3A_385 = tpu.memref_slice %arg10[%add3A_250, %dma_start3A] : memref<128x64xf32, #tpu.memory_space<vmem>> -> memref<1x64xf32, #tpu.memory_space<vmem>>
        %dma_start3A_386 = arith.constant 0 : i32
        %dma_start3A_387 = tpu.memref_slice %arg4[%squeeze3A_246, %dma_start3A_386] : memref<450000x64xf32, #tpu.memory_space<hbm>> -> memref<1x64xf32, #tpu.memory_space<hbm>>
        %dma_start3A_388 = arith.constant 0 : i32
        %dma_start3A_389 = tpu.memref_slice %arg10[%add3A_250, %dma_start3A_388] : memref<128x64xf32, #tpu.memory_space<vmem>> -> memref<1x64xf32, #tpu.memory_space<vmem>>
        %dma_start3A_390 = arith.constant 0 : i32
        %dma_start3A_391 = tpu.memref_slice %arg4[%squeeze3A_246, %dma_start3A_390] : memref<450000x64xf32, #tpu.memory_space<hbm>> -> memref<1x64xf32, #tpu.memory_space<hbm>>
        tpu.enqueue_dma source(%dma_start3A_391 : memref<1x64xf32, #tpu.memory_space<hbm>>) target(%dma_start3A_389 : memref<1x64xf32, #tpu.memory_space<vmem>>) target_semaphore(%arg12 : memref<!tpu.dma_semaphore, #tpu.memory_space<semaphore_mem>>)
      } else {
      }
      %slice3A_265 = vector.extract_strided_slice %get3A_68 {offsets = [10], sizes = [1], strides = [1]} : vector<16xi32> to vector<1xi32>
      %squeeze3A_266 = vector.extract %slice3A_265[0] : i32 from vector<1xi32>
      %mul3A_267 = arith.constant 16 : i32
      %mul3A_268 = arith.muli %scan3A_63, %mul3A_267 : i32
      %add3A_269 = arith.constant 10 : i32
      %add3A_270 = arith.addi %mul3A_268, %add3A_269 : i32
      %slice3A_271 = vector.extract_strided_slice %get3A_70 {offsets = [10], sizes = [1], strides = [1]} : vector<16xi32> to vector<1xi32>
      %squeeze3A_272 = vector.extract %slice3A_271[0] : i32 from vector<1xi32>
      %ne3A_273 = arith.constant 0 : i32
      %ne3A_274 = arith.cmpi ne, %squeeze3A_272, %ne3A_273 : i32
      %convert_element_type3A_275 = arith.extui %ne3A_274 : i1 to i32
      %cond3A_276 = arith.constant 0 : i32
      %cond3A_277 = arith.cmpi ne, %convert_element_type3A_275, %cond3A_276 : i32
      scf.if %cond3A_277 {
        %dma_start3A = arith.constant 0 : i32
        %dma_start3A_385 = tpu.memref_slice %arg10[%add3A_270, %dma_start3A] : memref<128x64xf32, #tpu.memory_space<vmem>> -> memref<1x64xf32, #tpu.memory_space<vmem>>
        %dma_start3A_386 = arith.constant 0 : i32
        %dma_start3A_387 = tpu.memref_slice %arg3[%squeeze3A_266, %dma_start3A_386] : memref<50000x64xf32, #tpu.memory_space<hbm>> -> memref<1x64xf32, #tpu.memory_space<hbm>>
        %dma_start3A_388 = arith.constant 0 : i32
        %dma_start3A_389 = tpu.memref_slice %arg10[%add3A_270, %dma_start3A_388] : memref<128x64xf32, #tpu.memory_space<vmem>> -> memref<1x64xf32, #tpu.memory_space<vmem>>
        %dma_start3A_390 = arith.constant 0 : i32
        %dma_start3A_391 = tpu.memref_slice %arg3[%squeeze3A_266, %dma_start3A_390] : memref<50000x64xf32, #tpu.memory_space<hbm>> -> memref<1x64xf32, #tpu.memory_space<hbm>>
        tpu.enqueue_dma source(%dma_start3A_391 : memref<1x64xf32, #tpu.memory_space<hbm>>) target(%dma_start3A_389 : memref<1x64xf32, #tpu.memory_space<vmem>>) target_semaphore(%arg12 : memref<!tpu.dma_semaphore, #tpu.memory_space<semaphore_mem>>)
      } else {
      }
      %slice3A_278 = vector.extract_strided_slice %get3A_70 {offsets = [10], sizes = [1], strides = [1]} : vector<16xi32> to vector<1xi32>
      %squeeze3A_279 = vector.extract %slice3A_278[0] : i32 from vector<1xi32>
      %eq3A_280 = arith.constant 0 : i32
      %eq3A_281 = arith.cmpi eq, %squeeze3A_279, %eq3A_280 : i32
      %convert_element_type3A_282 = arith.extui %eq3A_281 : i1 to i32
      %cond3A_283 = arith.constant 0 : i32
      %cond3A_284 = arith.cmpi ne, %convert_element_type3A_282, %cond3A_283 : i32
      scf.if %cond3A_284 {
        %dma_start3A = arith.constant 0 : i32
        %dma_start3A_385 = tpu.memref_slice %arg10[%add3A_270, %dma_start3A] : memref<128x64xf32, #tpu.memory_space<vmem>> -> memref<1x64xf32, #tpu.memory_space<vmem>>
        %dma_start3A_386 = arith.constant 0 : i32
        %dma_start3A_387 = tpu.memref_slice %arg4[%squeeze3A_266, %dma_start3A_386] : memref<450000x64xf32, #tpu.memory_space<hbm>> -> memref<1x64xf32, #tpu.memory_space<hbm>>
        %dma_start3A_388 = arith.constant 0 : i32
        %dma_start3A_389 = tpu.memref_slice %arg10[%add3A_270, %dma_start3A_388] : memref<128x64xf32, #tpu.memory_space<vmem>> -> memref<1x64xf32, #tpu.memory_space<vmem>>
        %dma_start3A_390 = arith.constant 0 : i32
        %dma_start3A_391 = tpu.memref_slice %arg4[%squeeze3A_266, %dma_start3A_390] : memref<450000x64xf32, #tpu.memory_space<hbm>> -> memref<1x64xf32, #tpu.memory_space<hbm>>
        tpu.enqueue_dma source(%dma_start3A_391 : memref<1x64xf32, #tpu.memory_space<hbm>>) target(%dma_start3A_389 : memref<1x64xf32, #tpu.memory_space<vmem>>) target_semaphore(%arg12 : memref<!tpu.dma_semaphore, #tpu.memory_space<semaphore_mem>>)
      } else {
      }
      %slice3A_285 = vector.extract_strided_slice %get3A_68 {offsets = [11], sizes = [1], strides = [1]} : vector<16xi32> to vector<1xi32>
      %squeeze3A_286 = vector.extract %slice3A_285[0] : i32 from vector<1xi32>
      %mul3A_287 = arith.constant 16 : i32
      %mul3A_288 = arith.muli %scan3A_63, %mul3A_287 : i32
      %add3A_289 = arith.constant 11 : i32
      %add3A_290 = arith.addi %mul3A_288, %add3A_289 : i32
      %slice3A_291 = vector.extract_strided_slice %get3A_70 {offsets = [11], sizes = [1], strides = [1]} : vector<16xi32> to vector<1xi32>
      %squeeze3A_292 = vector.extract %slice3A_291[0] : i32 from vector<1xi32>
      %ne3A_293 = arith.constant 0 : i32
      %ne3A_294 = arith.cmpi ne, %squeeze3A_292, %ne3A_293 : i32
      %convert_element_type3A_295 = arith.extui %ne3A_294 : i1 to i32
      %cond3A_296 = arith.constant 0 : i32
      %cond3A_297 = arith.cmpi ne, %convert_element_type3A_295, %cond3A_296 : i32
      scf.if %cond3A_297 {
        %dma_start3A = arith.constant 0 : i32
        %dma_start3A_385 = tpu.memref_slice %arg10[%add3A_290, %dma_start3A] : memref<128x64xf32, #tpu.memory_space<vmem>> -> memref<1x64xf32, #tpu.memory_space<vmem>>
        %dma_start3A_386 = arith.constant 0 : i32
        %dma_start3A_387 = tpu.memref_slice %arg3[%squeeze3A_286, %dma_start3A_386] : memref<50000x64xf32, #tpu.memory_space<hbm>> -> memref<1x64xf32, #tpu.memory_space<hbm>>
        %dma_start3A_388 = arith.constant 0 : i32
        %dma_start3A_389 = tpu.memref_slice %arg10[%add3A_290, %dma_start3A_388] : memref<128x64xf32, #tpu.memory_space<vmem>> -> memref<1x64xf32, #tpu.memory_space<vmem>>
        %dma_start3A_390 = arith.constant 0 : i32
        %dma_start3A_391 = tpu.memref_slice %arg3[%squeeze3A_286, %dma_start3A_390] : memref<50000x64xf32, #tpu.memory_space<hbm>> -> memref<1x64xf32, #tpu.memory_space<hbm>>
        tpu.enqueue_dma source(%dma_start3A_391 : memref<1x64xf32, #tpu.memory_space<hbm>>) target(%dma_start3A_389 : memref<1x64xf32, #tpu.memory_space<vmem>>) target_semaphore(%arg12 : memref<!tpu.dma_semaphore, #tpu.memory_space<semaphore_mem>>)
      } else {
      }
      %slice3A_298 = vector.extract_strided_slice %get3A_70 {offsets = [11], sizes = [1], strides = [1]} : vector<16xi32> to vector<1xi32>
      %squeeze3A_299 = vector.extract %slice3A_298[0] : i32 from vector<1xi32>
      %eq3A_300 = arith.constant 0 : i32
      %eq3A_301 = arith.cmpi eq, %squeeze3A_299, %eq3A_300 : i32
      %convert_element_type3A_302 = arith.extui %eq3A_301 : i1 to i32
      %cond3A_303 = arith.constant 0 : i32
      %cond3A_304 = arith.cmpi ne, %convert_element_type3A_302, %cond3A_303 : i32
      scf.if %cond3A_304 {
        %dma_start3A = arith.constant 0 : i32
        %dma_start3A_385 = tpu.memref_slice %arg10[%add3A_290, %dma_start3A] : memref<128x64xf32, #tpu.memory_space<vmem>> -> memref<1x64xf32, #tpu.memory_space<vmem>>
        %dma_start3A_386 = arith.constant 0 : i32
        %dma_start3A_387 = tpu.memref_slice %arg4[%squeeze3A_286, %dma_start3A_386] : memref<450000x64xf32, #tpu.memory_space<hbm>> -> memref<1x64xf32, #tpu.memory_space<hbm>>
        %dma_start3A_388 = arith.constant 0 : i32
        %dma_start3A_389 = tpu.memref_slice %arg10[%add3A_290, %dma_start3A_388] : memref<128x64xf32, #tpu.memory_space<vmem>> -> memref<1x64xf32, #tpu.memory_space<vmem>>
        %dma_start3A_390 = arith.constant 0 : i32
        %dma_start3A_391 = tpu.memref_slice %arg4[%squeeze3A_286, %dma_start3A_390] : memref<450000x64xf32, #tpu.memory_space<hbm>> -> memref<1x64xf32, #tpu.memory_space<hbm>>
        tpu.enqueue_dma source(%dma_start3A_391 : memref<1x64xf32, #tpu.memory_space<hbm>>) target(%dma_start3A_389 : memref<1x64xf32, #tpu.memory_space<vmem>>) target_semaphore(%arg12 : memref<!tpu.dma_semaphore, #tpu.memory_space<semaphore_mem>>)
      } else {
      }
      %slice3A_305 = vector.extract_strided_slice %get3A_68 {offsets = [12], sizes = [1], strides = [1]} : vector<16xi32> to vector<1xi32>
      %squeeze3A_306 = vector.extract %slice3A_305[0] : i32 from vector<1xi32>
      %mul3A_307 = arith.constant 16 : i32
      %mul3A_308 = arith.muli %scan3A_63, %mul3A_307 : i32
      %add3A_309 = arith.constant 12 : i32
      %add3A_310 = arith.addi %mul3A_308, %add3A_309 : i32
      %slice3A_311 = vector.extract_strided_slice %get3A_70 {offsets = [12], sizes = [1], strides = [1]} : vector<16xi32> to vector<1xi32>
      %squeeze3A_312 = vector.extract %slice3A_311[0] : i32 from vector<1xi32>
      %ne3A_313 = arith.constant 0 : i32
      %ne3A_314 = arith.cmpi ne, %squeeze3A_312, %ne3A_313 : i32
      %convert_element_type3A_315 = arith.extui %ne3A_314 : i1 to i32
      %cond3A_316 = arith.constant 0 : i32
      %cond3A_317 = arith.cmpi ne, %convert_element_type3A_315, %cond3A_316 : i32
      scf.if %cond3A_317 {
        %dma_start3A = arith.constant 0 : i32
        %dma_start3A_385 = tpu.memref_slice %arg10[%add3A_310, %dma_start3A] : memref<128x64xf32, #tpu.memory_space<vmem>> -> memref<1x64xf32, #tpu.memory_space<vmem>>
        %dma_start3A_386 = arith.constant 0 : i32
        %dma_start3A_387 = tpu.memref_slice %arg3[%squeeze3A_306, %dma_start3A_386] : memref<50000x64xf32, #tpu.memory_space<hbm>> -> memref<1x64xf32, #tpu.memory_space<hbm>>
        %dma_start3A_388 = arith.constant 0 : i32
        %dma_start3A_389 = tpu.memref_slice %arg10[%add3A_310, %dma_start3A_388] : memref<128x64xf32, #tpu.memory_space<vmem>> -> memref<1x64xf32, #tpu.memory_space<vmem>>
        %dma_start3A_390 = arith.constant 0 : i32
        %dma_start3A_391 = tpu.memref_slice %arg3[%squeeze3A_306, %dma_start3A_390] : memref<50000x64xf32, #tpu.memory_space<hbm>> -> memref<1x64xf32, #tpu.memory_space<hbm>>
        tpu.enqueue_dma source(%dma_start3A_391 : memref<1x64xf32, #tpu.memory_space<hbm>>) target(%dma_start3A_389 : memref<1x64xf32, #tpu.memory_space<vmem>>) target_semaphore(%arg12 : memref<!tpu.dma_semaphore, #tpu.memory_space<semaphore_mem>>)
      } else {
      }
      %slice3A_318 = vector.extract_strided_slice %get3A_70 {offsets = [12], sizes = [1], strides = [1]} : vector<16xi32> to vector<1xi32>
      %squeeze3A_319 = vector.extract %slice3A_318[0] : i32 from vector<1xi32>
      %eq3A_320 = arith.constant 0 : i32
      %eq3A_321 = arith.cmpi eq, %squeeze3A_319, %eq3A_320 : i32
      %convert_element_type3A_322 = arith.extui %eq3A_321 : i1 to i32
      %cond3A_323 = arith.constant 0 : i32
      %cond3A_324 = arith.cmpi ne, %convert_element_type3A_322, %cond3A_323 : i32
      scf.if %cond3A_324 {
        %dma_start3A = arith.constant 0 : i32
        %dma_start3A_385 = tpu.memref_slice %arg10[%add3A_310, %dma_start3A] : memref<128x64xf32, #tpu.memory_space<vmem>> -> memref<1x64xf32, #tpu.memory_space<vmem>>
        %dma_start3A_386 = arith.constant 0 : i32
        %dma_start3A_387 = tpu.memref_slice %arg4[%squeeze3A_306, %dma_start3A_386] : memref<450000x64xf32, #tpu.memory_space<hbm>> -> memref<1x64xf32, #tpu.memory_space<hbm>>
        %dma_start3A_388 = arith.constant 0 : i32
        %dma_start3A_389 = tpu.memref_slice %arg10[%add3A_310, %dma_start3A_388] : memref<128x64xf32, #tpu.memory_space<vmem>> -> memref<1x64xf32, #tpu.memory_space<vmem>>
        %dma_start3A_390 = arith.constant 0 : i32
        %dma_start3A_391 = tpu.memref_slice %arg4[%squeeze3A_306, %dma_start3A_390] : memref<450000x64xf32, #tpu.memory_space<hbm>> -> memref<1x64xf32, #tpu.memory_space<hbm>>
        tpu.enqueue_dma source(%dma_start3A_391 : memref<1x64xf32, #tpu.memory_space<hbm>>) target(%dma_start3A_389 : memref<1x64xf32, #tpu.memory_space<vmem>>) target_semaphore(%arg12 : memref<!tpu.dma_semaphore, #tpu.memory_space<semaphore_mem>>)
      } else {
      }
      %slice3A_325 = vector.extract_strided_slice %get3A_68 {offsets = [13], sizes = [1], strides = [1]} : vector<16xi32> to vector<1xi32>
      %squeeze3A_326 = vector.extract %slice3A_325[0] : i32 from vector<1xi32>
      %mul3A_327 = arith.constant 16 : i32
      %mul3A_328 = arith.muli %scan3A_63, %mul3A_327 : i32
      %add3A_329 = arith.constant 13 : i32
      %add3A_330 = arith.addi %mul3A_328, %add3A_329 : i32
      %slice3A_331 = vector.extract_strided_slice %get3A_70 {offsets = [13], sizes = [1], strides = [1]} : vector<16xi32> to vector<1xi32>
      %squeeze3A_332 = vector.extract %slice3A_331[0] : i32 from vector<1xi32>
      %ne3A_333 = arith.constant 0 : i32
      %ne3A_334 = arith.cmpi ne, %squeeze3A_332, %ne3A_333 : i32
      %convert_element_type3A_335 = arith.extui %ne3A_334 : i1 to i32
      %cond3A_336 = arith.constant 0 : i32
      %cond3A_337 = arith.cmpi ne, %convert_element_type3A_335, %cond3A_336 : i32
      scf.if %cond3A_337 {
        %dma_start3A = arith.constant 0 : i32
        %dma_start3A_385 = tpu.memref_slice %arg10[%add3A_330, %dma_start3A] : memref<128x64xf32, #tpu.memory_space<vmem>> -> memref<1x64xf32, #tpu.memory_space<vmem>>
        %dma_start3A_386 = arith.constant 0 : i32
        %dma_start3A_387 = tpu.memref_slice %arg3[%squeeze3A_326, %dma_start3A_386] : memref<50000x64xf32, #tpu.memory_space<hbm>> -> memref<1x64xf32, #tpu.memory_space<hbm>>
        %dma_start3A_388 = arith.constant 0 : i32
        %dma_start3A_389 = tpu.memref_slice %arg10[%add3A_330, %dma_start3A_388] : memref<128x64xf32, #tpu.memory_space<vmem>> -> memref<1x64xf32, #tpu.memory_space<vmem>>
        %dma_start3A_390 = arith.constant 0 : i32
        %dma_start3A_391 = tpu.memref_slice %arg3[%squeeze3A_326, %dma_start3A_390] : memref<50000x64xf32, #tpu.memory_space<hbm>> -> memref<1x64xf32, #tpu.memory_space<hbm>>
        tpu.enqueue_dma source(%dma_start3A_391 : memref<1x64xf32, #tpu.memory_space<hbm>>) target(%dma_start3A_389 : memref<1x64xf32, #tpu.memory_space<vmem>>) target_semaphore(%arg12 : memref<!tpu.dma_semaphore, #tpu.memory_space<semaphore_mem>>)
      } else {
      }
      %slice3A_338 = vector.extract_strided_slice %get3A_70 {offsets = [13], sizes = [1], strides = [1]} : vector<16xi32> to vector<1xi32>
      %squeeze3A_339 = vector.extract %slice3A_338[0] : i32 from vector<1xi32>
      %eq3A_340 = arith.constant 0 : i32
      %eq3A_341 = arith.cmpi eq, %squeeze3A_339, %eq3A_340 : i32
      %convert_element_type3A_342 = arith.extui %eq3A_341 : i1 to i32
      %cond3A_343 = arith.constant 0 : i32
      %cond3A_344 = arith.cmpi ne, %convert_element_type3A_342, %cond3A_343 : i32
      scf.if %cond3A_344 {
        %dma_start3A = arith.constant 0 : i32
        %dma_start3A_385 = tpu.memref_slice %arg10[%add3A_330, %dma_start3A] : memref<128x64xf32, #tpu.memory_space<vmem>> -> memref<1x64xf32, #tpu.memory_space<vmem>>
        %dma_start3A_386 = arith.constant 0 : i32
        %dma_start3A_387 = tpu.memref_slice %arg4[%squeeze3A_326, %dma_start3A_386] : memref<450000x64xf32, #tpu.memory_space<hbm>> -> memref<1x64xf32, #tpu.memory_space<hbm>>
        %dma_start3A_388 = arith.constant 0 : i32
        %dma_start3A_389 = tpu.memref_slice %arg10[%add3A_330, %dma_start3A_388] : memref<128x64xf32, #tpu.memory_space<vmem>> -> memref<1x64xf32, #tpu.memory_space<vmem>>
        %dma_start3A_390 = arith.constant 0 : i32
        %dma_start3A_391 = tpu.memref_slice %arg4[%squeeze3A_326, %dma_start3A_390] : memref<450000x64xf32, #tpu.memory_space<hbm>> -> memref<1x64xf32, #tpu.memory_space<hbm>>
        tpu.enqueue_dma source(%dma_start3A_391 : memref<1x64xf32, #tpu.memory_space<hbm>>) target(%dma_start3A_389 : memref<1x64xf32, #tpu.memory_space<vmem>>) target_semaphore(%arg12 : memref<!tpu.dma_semaphore, #tpu.memory_space<semaphore_mem>>)
      } else {
      }
      %slice3A_345 = vector.extract_strided_slice %get3A_68 {offsets = [14], sizes = [1], strides = [1]} : vector<16xi32> to vector<1xi32>
      %squeeze3A_346 = vector.extract %slice3A_345[0] : i32 from vector<1xi32>
      %mul3A_347 = arith.constant 16 : i32
      %mul3A_348 = arith.muli %scan3A_63, %mul3A_347 : i32
      %add3A_349 = arith.constant 14 : i32
      %add3A_350 = arith.addi %mul3A_348, %add3A_349 : i32
      %slice3A_351 = vector.extract_strided_slice %get3A_70 {offsets = [14], sizes = [1], strides = [1]} : vector<16xi32> to vector<1xi32>
      %squeeze3A_352 = vector.extract %slice3A_351[0] : i32 from vector<1xi32>
      %ne3A_353 = arith.constant 0 : i32
      %ne3A_354 = arith.cmpi ne, %squeeze3A_352, %ne3A_353 : i32
      %convert_element_type3A_355 = arith.extui %ne3A_354 : i1 to i32
      %cond3A_356 = arith.constant 0 : i32
      %cond3A_357 = arith.cmpi ne, %convert_element_type3A_355, %cond3A_356 : i32
      scf.if %cond3A_357 {
        %dma_start3A = arith.constant 0 : i32
        %dma_start3A_385 = tpu.memref_slice %arg10[%add3A_350, %dma_start3A] : memref<128x64xf32, #tpu.memory_space<vmem>> -> memref<1x64xf32, #tpu.memory_space<vmem>>
        %dma_start3A_386 = arith.constant 0 : i32
        %dma_start3A_387 = tpu.memref_slice %arg3[%squeeze3A_346, %dma_start3A_386] : memref<50000x64xf32, #tpu.memory_space<hbm>> -> memref<1x64xf32, #tpu.memory_space<hbm>>
        %dma_start3A_388 = arith.constant 0 : i32
        %dma_start3A_389 = tpu.memref_slice %arg10[%add3A_350, %dma_start3A_388] : memref<128x64xf32, #tpu.memory_space<vmem>> -> memref<1x64xf32, #tpu.memory_space<vmem>>
        %dma_start3A_390 = arith.constant 0 : i32
        %dma_start3A_391 = tpu.memref_slice %arg3[%squeeze3A_346, %dma_start3A_390] : memref<50000x64xf32, #tpu.memory_space<hbm>> -> memref<1x64xf32, #tpu.memory_space<hbm>>
        tpu.enqueue_dma source(%dma_start3A_391 : memref<1x64xf32, #tpu.memory_space<hbm>>) target(%dma_start3A_389 : memref<1x64xf32, #tpu.memory_space<vmem>>) target_semaphore(%arg12 : memref<!tpu.dma_semaphore, #tpu.memory_space<semaphore_mem>>)
      } else {
      }
      %slice3A_358 = vector.extract_strided_slice %get3A_70 {offsets = [14], sizes = [1], strides = [1]} : vector<16xi32> to vector<1xi32>
      %squeeze3A_359 = vector.extract %slice3A_358[0] : i32 from vector<1xi32>
      %eq3A_360 = arith.constant 0 : i32
      %eq3A_361 = arith.cmpi eq, %squeeze3A_359, %eq3A_360 : i32
      %convert_element_type3A_362 = arith.extui %eq3A_361 : i1 to i32
      %cond3A_363 = arith.constant 0 : i32
      %cond3A_364 = arith.cmpi ne, %convert_element_type3A_362, %cond3A_363 : i32
      scf.if %cond3A_364 {
        %dma_start3A = arith.constant 0 : i32
        %dma_start3A_385 = tpu.memref_slice %arg10[%add3A_350, %dma_start3A] : memref<128x64xf32, #tpu.memory_space<vmem>> -> memref<1x64xf32, #tpu.memory_space<vmem>>
        %dma_start3A_386 = arith.constant 0 : i32
        %dma_start3A_387 = tpu.memref_slice %arg4[%squeeze3A_346, %dma_start3A_386] : memref<450000x64xf32, #tpu.memory_space<hbm>> -> memref<1x64xf32, #tpu.memory_space<hbm>>
        %dma_start3A_388 = arith.constant 0 : i32
        %dma_start3A_389 = tpu.memref_slice %arg10[%add3A_350, %dma_start3A_388] : memref<128x64xf32, #tpu.memory_space<vmem>> -> memref<1x64xf32, #tpu.memory_space<vmem>>
        %dma_start3A_390 = arith.constant 0 : i32
        %dma_start3A_391 = tpu.memref_slice %arg4[%squeeze3A_346, %dma_start3A_390] : memref<450000x64xf32, #tpu.memory_space<hbm>> -> memref<1x64xf32, #tpu.memory_space<hbm>>
        tpu.enqueue_dma source(%dma_start3A_391 : memref<1x64xf32, #tpu.memory_space<hbm>>) target(%dma_start3A_389 : memref<1x64xf32, #tpu.memory_space<vmem>>) target_semaphore(%arg12 : memref<!tpu.dma_semaphore, #tpu.memory_space<semaphore_mem>>)
      } else {
      }
      %slice3A_365 = vector.extract_strided_slice %get3A_68 {offsets = [15], sizes = [1], strides = [1]} : vector<16xi32> to vector<1xi32>
      %squeeze3A_366 = vector.extract %slice3A_365[0] : i32 from vector<1xi32>
      %mul3A_367 = arith.constant 16 : i32
      %mul3A_368 = arith.muli %scan3A_63, %mul3A_367 : i32
      %add3A_369 = arith.constant 15 : i32
      %add3A_370 = arith.addi %mul3A_368, %add3A_369 : i32
      %slice3A_371 = vector.extract_strided_slice %get3A_70 {offsets = [15], sizes = [1], strides = [1]} : vector<16xi32> to vector<1xi32>
      %squeeze3A_372 = vector.extract %slice3A_371[0] : i32 from vector<1xi32>
      %ne3A_373 = arith.constant 0 : i32
      %ne3A_374 = arith.cmpi ne, %squeeze3A_372, %ne3A_373 : i32
      %convert_element_type3A_375 = arith.extui %ne3A_374 : i1 to i32
      %cond3A_376 = arith.constant 0 : i32
      %cond3A_377 = arith.cmpi ne, %convert_element_type3A_375, %cond3A_376 : i32
      scf.if %cond3A_377 {
        %dma_start3A = arith.constant 0 : i32
        %dma_start3A_385 = tpu.memref_slice %arg10[%add3A_370, %dma_start3A] : memref<128x64xf32, #tpu.memory_space<vmem>> -> memref<1x64xf32, #tpu.memory_space<vmem>>
        %dma_start3A_386 = arith.constant 0 : i32
        %dma_start3A_387 = tpu.memref_slice %arg3[%squeeze3A_366, %dma_start3A_386] : memref<50000x64xf32, #tpu.memory_space<hbm>> -> memref<1x64xf32, #tpu.memory_space<hbm>>
        %dma_start3A_388 = arith.constant 0 : i32
        %dma_start3A_389 = tpu.memref_slice %arg10[%add3A_370, %dma_start3A_388] : memref<128x64xf32, #tpu.memory_space<vmem>> -> memref<1x64xf32, #tpu.memory_space<vmem>>
        %dma_start3A_390 = arith.constant 0 : i32
        %dma_start3A_391 = tpu.memref_slice %arg3[%squeeze3A_366, %dma_start3A_390] : memref<50000x64xf32, #tpu.memory_space<hbm>> -> memref<1x64xf32, #tpu.memory_space<hbm>>
        tpu.enqueue_dma source(%dma_start3A_391 : memref<1x64xf32, #tpu.memory_space<hbm>>) target(%dma_start3A_389 : memref<1x64xf32, #tpu.memory_space<vmem>>) target_semaphore(%arg12 : memref<!tpu.dma_semaphore, #tpu.memory_space<semaphore_mem>>)
      } else {
      }
      %slice3A_378 = vector.extract_strided_slice %get3A_70 {offsets = [15], sizes = [1], strides = [1]} : vector<16xi32> to vector<1xi32>
      %squeeze3A_379 = vector.extract %slice3A_378[0] : i32 from vector<1xi32>
      %eq3A_380 = arith.constant 0 : i32
      %eq3A_381 = arith.cmpi eq, %squeeze3A_379, %eq3A_380 : i32
      %convert_element_type3A_382 = arith.extui %eq3A_381 : i1 to i32
      %cond3A_383 = arith.constant 0 : i32
      %cond3A_384 = arith.cmpi ne, %convert_element_type3A_382, %cond3A_383 : i32
      scf.if %cond3A_384 {
        %dma_start3A = arith.constant 0 : i32
        %dma_start3A_385 = tpu.memref_slice %arg10[%add3A_370, %dma_start3A] : memref<128x64xf32, #tpu.memory_space<vmem>> -> memref<1x64xf32, #tpu.memory_space<vmem>>
        %dma_start3A_386 = arith.constant 0 : i32
        %dma_start3A_387 = tpu.memref_slice %arg4[%squeeze3A_366, %dma_start3A_386] : memref<450000x64xf32, #tpu.memory_space<hbm>> -> memref<1x64xf32, #tpu.memory_space<hbm>>
        %dma_start3A_388 = arith.constant 0 : i32
        %dma_start3A_389 = tpu.memref_slice %arg10[%add3A_370, %dma_start3A_388] : memref<128x64xf32, #tpu.memory_space<vmem>> -> memref<1x64xf32, #tpu.memory_space<vmem>>
        %dma_start3A_390 = arith.constant 0 : i32
        %dma_start3A_391 = tpu.memref_slice %arg4[%squeeze3A_366, %dma_start3A_390] : memref<450000x64xf32, #tpu.memory_space<hbm>> -> memref<1x64xf32, #tpu.memory_space<hbm>>
        tpu.enqueue_dma source(%dma_start3A_391 : memref<1x64xf32, #tpu.memory_space<hbm>>) target(%dma_start3A_389 : memref<1x64xf32, #tpu.memory_space<vmem>>) target_semaphore(%arg12 : memref<!tpu.dma_semaphore, #tpu.memory_space<semaphore_mem>>)
      } else {
      }
    }
    %scan3A_19 = arith.constant 8 : i32
    %dma_wait3A = arith.constant 0 : i32
    %dma_wait3A_20 = arith.constant 0 : i32
    %dma_wait3A_21 = tpu.memref_slice %arg3[%dma_wait3A, %dma_wait3A_20] : memref<50000x64xf32, #tpu.memory_space<hbm>> -> memref<128x64xf32, #tpu.memory_space<hbm>>
    %dma_wait3A_22 = arith.constant 0 : i32
    %dma_wait3A_23 = arith.constant 0 : i32
    %dma_wait3A_24 = tpu.memref_slice %arg3[%dma_wait3A_22, %dma_wait3A_23] : memref<50000x64xf32, #tpu.memory_space<hbm>> -> memref<128x64xf32, #tpu.memory_space<hbm>>
    tpu.wait_dma2 semaphore(%arg11 : memref<!tpu.dma_semaphore, #tpu.memory_space<semaphore_mem>>) src(%dma_wait3A_24 : memref<128x64xf32, #tpu.memory_space<hbm>>) dst(%arg9 : memref<128x64xf32, #tpu.memory_space<vmem>>)
    %add3A_25 = arith.constant 0 : i32
    %add3A_26 = arith.addi %mul3A_2, %add3A_25 : i32
    "tpu.region"() ({
      %run_scoped3A = tpu.sem_alloc : memref<!tpu.dma_semaphore, #tpu.memory_space<semaphore_mem>>
      %dma_start3A = arith.constant 0 : i32
      %dma_start3A_63 = tpu.memref_slice %arg5[%add3A_26, %dma_start3A] : memref<16384x64xf32, #tpu.memory_space<hbm>> -> memref<128x64xf32, #tpu.memory_space<hbm>>
      %dma_start3A_64 = arith.constant 0 : i32
      %dma_start3A_65 = tpu.memref_slice %arg5[%add3A_26, %dma_start3A_64] : memref<16384x64xf32, #tpu.memory_space<hbm>> -> memref<128x64xf32, #tpu.memory_space<hbm>>
      tpu.enqueue_dma source(%arg9 : memref<128x64xf32, #tpu.memory_space<vmem>>) target(%dma_start3A_65 : memref<128x64xf32, #tpu.memory_space<hbm>>) target_semaphore(%run_scoped3A : memref<!tpu.dma_semaphore, #tpu.memory_space<semaphore_mem>>)
      %dma_wait3A_66 = arith.constant 0 : i32
      %dma_wait3A_67 = tpu.memref_slice %arg5[%add3A_26, %dma_wait3A_66] : memref<16384x64xf32, #tpu.memory_space<hbm>> -> memref<128x64xf32, #tpu.memory_space<hbm>>
      %dma_wait3A_68 = arith.constant 0 : i32
      %dma_wait3A_69 = tpu.memref_slice %arg5[%add3A_26, %dma_wait3A_68] : memref<16384x64xf32, #tpu.memory_space<hbm>> -> memref<128x64xf32, #tpu.memory_space<hbm>>
      tpu.wait_dma2 semaphore(%run_scoped3A : memref<!tpu.dma_semaphore, #tpu.memory_space<semaphore_mem>>) src(%arg9 : memref<128x64xf32, #tpu.memory_space<vmem>>) dst(%dma_wait3A_69 : memref<128x64xf32, #tpu.memory_space<hbm>>)
      tpu.yield
    }) : () -> ()
    %scan3A_27 = arith.constant 0 : i32
    %scan3A_28 = arith.constant 0 : i32
    %scan3A_29 = arith.constant 8 : i32
    %scan3A_30 = arith.addi %scan3A_28, %scan3A_29 : i32
    %scan3A_31 = arith.constant 1 : i32
    scf.for %scan3A_63 = %scan3A_28 to %scan3A_30 step %scan3A_31  : i32 {
      %mul3A_64 = arith.constant 16 : i32
      %mul3A_65 = arith.muli %scan3A_63, %mul3A_64 : i32
      %add3A_66 = arith.constant 256 : i32
      %add3A_67 = arith.addi %add3A_66, %mul3A_65 : i32
      %get3A = arith.index_cast %add3A_67 : i32 to index
      %get3A_68 = tpu.vector_load %arg7[%get3A] {strides = array<i32>} : memref<512xi32, #tpu.memory_space<vmem>>, vector<16xi32>,
      %get3A_69 = arith.index_cast %add3A_67 : i32 to index
      %get3A_70 = tpu.vector_load %arg8[%get3A_69] {strides = array<i32>} : memref<512xi32, #tpu.memory_space<vmem>>, vector<16xi32>,
      %slice3A = vector.extract_strided_slice %get3A_68 {offsets = [0], sizes = [1], strides = [1]} : vector<16xi32> to vector<1xi32>
      %squeeze3A = vector.extract %slice3A[0] : i32 from vector<1xi32>
      %mul3A_71 = arith.constant 16 : i32
      %mul3A_72 = arith.muli %scan3A_63, %mul3A_71 : i32
      %add3A_73 = arith.constant 0 : i32
      %add3A_74 = arith.addi %mul3A_72, %add3A_73 : i32
      %slice3A_75 = vector.extract_strided_slice %get3A_70 {offsets = [0], sizes = [1], strides = [1]} : vector<16xi32> to vector<1xi32>
      %squeeze3A_76 = vector.extract %slice3A_75[0] : i32 from vector<1xi32>
      %ne3A = arith.constant 0 : i32
      %ne3A_77 = arith.cmpi ne, %squeeze3A_76, %ne3A : i32
      %convert_element_type3A = arith.extui %ne3A_77 : i1 to i32
      %cond3A = arith.constant 0 : i32
      %cond3A_78 = arith.cmpi ne, %convert_element_type3A, %cond3A : i32
      scf.if %cond3A_78 {
        %dma_start3A = arith.constant 0 : i32
        %dma_start3A_385 = tpu.memref_slice %arg9[%add3A_74, %dma_start3A] : memref<128x64xf32, #tpu.memory_space<vmem>> -> memref<1x64xf32, #tpu.memory_space<vmem>>
        %dma_start3A_386 = arith.constant 0 : i32
        %dma_start3A_387 = tpu.memref_slice %arg3[%squeeze3A, %dma_start3A_386] : memref<50000x64xf32, #tpu.memory_space<hbm>> -> memref<1x64xf32, #tpu.memory_space<hbm>>
        %dma_start3A_388 = arith.constant 0 : i32
        %dma_start3A_389 = tpu.memref_slice %arg9[%add3A_74, %dma_start3A_388] : memref<128x64xf32, #tpu.memory_space<vmem>> -> memref<1x64xf32, #tpu.memory_space<vmem>>
        %dma_start3A_390 = arith.constant 0 : i32
        %dma_start3A_391 = tpu.memref_slice %arg3[%squeeze3A, %dma_start3A_390] : memref<50000x64xf32, #tpu.memory_space<hbm>> -> memref<1x64xf32, #tpu.memory_space<hbm>>
        tpu.enqueue_dma source(%dma_start3A_391 : memref<1x64xf32, #tpu.memory_space<hbm>>) target(%dma_start3A_389 : memref<1x64xf32, #tpu.memory_space<vmem>>) target_semaphore(%arg11 : memref<!tpu.dma_semaphore, #tpu.memory_space<semaphore_mem>>)
      } else {
      }
      %slice3A_79 = vector.extract_strided_slice %get3A_70 {offsets = [0], sizes = [1], strides = [1]} : vector<16xi32> to vector<1xi32>
      %squeeze3A_80 = vector.extract %slice3A_79[0] : i32 from vector<1xi32>
      %eq3A = arith.constant 0 : i32
      %eq3A_81 = arith.cmpi eq, %squeeze3A_80, %eq3A : i32
      %convert_element_type3A_82 = arith.extui %eq3A_81 : i1 to i32
      %cond3A_83 = arith.constant 0 : i32
      %cond3A_84 = arith.cmpi ne, %convert_element_type3A_82, %cond3A_83 : i32
      scf.if %cond3A_84 {
        %dma_start3A = arith.constant 0 : i32
        %dma_start3A_385 = tpu.memref_slice %arg9[%add3A_74, %dma_start3A] : memref<128x64xf32, #tpu.memory_space<vmem>> -> memref<1x64xf32, #tpu.memory_space<vmem>>
        %dma_start3A_386 = arith.constant 0 : i32
        %dma_start3A_387 = tpu.memref_slice %arg4[%squeeze3A, %dma_start3A_386] : memref<450000x64xf32, #tpu.memory_space<hbm>> -> memref<1x64xf32, #tpu.memory_space<hbm>>
        %dma_start3A_388 = arith.constant 0 : i32
        %dma_start3A_389 = tpu.memref_slice %arg9[%add3A_74, %dma_start3A_388] : memref<128x64xf32, #tpu.memory_space<vmem>> -> memref<1x64xf32, #tpu.memory_space<vmem>>
        %dma_start3A_390 = arith.constant 0 : i32
        %dma_start3A_391 = tpu.memref_slice %arg4[%squeeze3A, %dma_start3A_390] : memref<450000x64xf32, #tpu.memory_space<hbm>> -> memref<1x64xf32, #tpu.memory_space<hbm>>
        tpu.enqueue_dma source(%dma_start3A_391 : memref<1x64xf32, #tpu.memory_space<hbm>>) target(%dma_start3A_389 : memref<1x64xf32, #tpu.memory_space<vmem>>) target_semaphore(%arg11 : memref<!tpu.dma_semaphore, #tpu.memory_space<semaphore_mem>>)
      } else {
      }
      %slice3A_85 = vector.extract_strided_slice %get3A_68 {offsets = [1], sizes = [1], strides = [1]} : vector<16xi32> to vector<1xi32>
      %squeeze3A_86 = vector.extract %slice3A_85[0] : i32 from vector<1xi32>
      %mul3A_87 = arith.constant 16 : i32
      %mul3A_88 = arith.muli %scan3A_63, %mul3A_87 : i32
      %add3A_89 = arith.constant 1 : i32
      %add3A_90 = arith.addi %mul3A_88, %add3A_89 : i32
      %slice3A_91 = vector.extract_strided_slice %get3A_70 {offsets = [1], sizes = [1], strides = [1]} : vector<16xi32> to vector<1xi32>
      %squeeze3A_92 = vector.extract %slice3A_91[0] : i32 from vector<1xi32>
      %ne3A_93 = arith.constant 0 : i32
      %ne3A_94 = arith.cmpi ne, %squeeze3A_92, %ne3A_93 : i32
      %convert_element_type3A_95 = arith.extui %ne3A_94 : i1 to i32
      %cond3A_96 = arith.constant 0 : i32
      %cond3A_97 = arith.cmpi ne, %convert_element_type3A_95, %cond3A_96 : i32
      scf.if %cond3A_97 {
        %dma_start3A = arith.constant 0 : i32
        %dma_start3A_385 = tpu.memref_slice %arg9[%add3A_90, %dma_start3A] : memref<128x64xf32, #tpu.memory_space<vmem>> -> memref<1x64xf32, #tpu.memory_space<vmem>>
        %dma_start3A_386 = arith.constant 0 : i32
        %dma_start3A_387 = tpu.memref_slice %arg3[%squeeze3A_86, %dma_start3A_386] : memref<50000x64xf32, #tpu.memory_space<hbm>> -> memref<1x64xf32, #tpu.memory_space<hbm>>
        %dma_start3A_388 = arith.constant 0 : i32
        %dma_start3A_389 = tpu.memref_slice %arg9[%add3A_90, %dma_start3A_388] : memref<128x64xf32, #tpu.memory_space<vmem>> -> memref<1x64xf32, #tpu.memory_space<vmem>>
        %dma_start3A_390 = arith.constant 0 : i32
        %dma_start3A_391 = tpu.memref_slice %arg3[%squeeze3A_86, %dma_start3A_390] : memref<50000x64xf32, #tpu.memory_space<hbm>> -> memref<1x64xf32, #tpu.memory_space<hbm>>
        tpu.enqueue_dma source(%dma_start3A_391 : memref<1x64xf32, #tpu.memory_space<hbm>>) target(%dma_start3A_389 : memref<1x64xf32, #tpu.memory_space<vmem>>) target_semaphore(%arg11 : memref<!tpu.dma_semaphore, #tpu.memory_space<semaphore_mem>>)
      } else {
      }
      %slice3A_98 = vector.extract_strided_slice %get3A_70 {offsets = [1], sizes = [1], strides = [1]} : vector<16xi32> to vector<1xi32>
      %squeeze3A_99 = vector.extract %slice3A_98[0] : i32 from vector<1xi32>
      %eq3A_100 = arith.constant 0 : i32
      %eq3A_101 = arith.cmpi eq, %squeeze3A_99, %eq3A_100 : i32
      %convert_element_type3A_102 = arith.extui %eq3A_101 : i1 to i32
      %cond3A_103 = arith.constant 0 : i32
      %cond3A_104 = arith.cmpi ne, %convert_element_type3A_102, %cond3A_103 : i32
      scf.if %cond3A_104 {
        %dma_start3A = arith.constant 0 : i32
        %dma_start3A_385 = tpu.memref_slice %arg9[%add3A_90, %dma_start3A] : memref<128x64xf32, #tpu.memory_space<vmem>> -> memref<1x64xf32, #tpu.memory_space<vmem>>
        %dma_start3A_386 = arith.constant 0 : i32
        %dma_start3A_387 = tpu.memref_slice %arg4[%squeeze3A_86, %dma_start3A_386] : memref<450000x64xf32, #tpu.memory_space<hbm>> -> memref<1x64xf32, #tpu.memory_space<hbm>>
        %dma_start3A_388 = arith.constant 0 : i32
        %dma_start3A_389 = tpu.memref_slice %arg9[%add3A_90, %dma_start3A_388] : memref<128x64xf32, #tpu.memory_space<vmem>> -> memref<1x64xf32, #tpu.memory_space<vmem>>
        %dma_start3A_390 = arith.constant 0 : i32
        %dma_start3A_391 = tpu.memref_slice %arg4[%squeeze3A_86, %dma_start3A_390] : memref<450000x64xf32, #tpu.memory_space<hbm>> -> memref<1x64xf32, #tpu.memory_space<hbm>>
        tpu.enqueue_dma source(%dma_start3A_391 : memref<1x64xf32, #tpu.memory_space<hbm>>) target(%dma_start3A_389 : memref<1x64xf32, #tpu.memory_space<vmem>>) target_semaphore(%arg11 : memref<!tpu.dma_semaphore, #tpu.memory_space<semaphore_mem>>)
      } else {
      }
      %slice3A_105 = vector.extract_strided_slice %get3A_68 {offsets = [2], sizes = [1], strides = [1]} : vector<16xi32> to vector<1xi32>
      %squeeze3A_106 = vector.extract %slice3A_105[0] : i32 from vector<1xi32>
      %mul3A_107 = arith.constant 16 : i32
      %mul3A_108 = arith.muli %scan3A_63, %mul3A_107 : i32
      %add3A_109 = arith.constant 2 : i32
      %add3A_110 = arith.addi %mul3A_108, %add3A_109 : i32
      %slice3A_111 = vector.extract_strided_slice %get3A_70 {offsets = [2], sizes = [1], strides = [1]} : vector<16xi32> to vector<1xi32>
      %squeeze3A_112 = vector.extract %slice3A_111[0] : i32 from vector<1xi32>
      %ne3A_113 = arith.constant 0 : i32
      %ne3A_114 = arith.cmpi ne, %squeeze3A_112, %ne3A_113 : i32
      %convert_element_type3A_115 = arith.extui %ne3A_114 : i1 to i32
      %cond3A_116 = arith.constant 0 : i32
      %cond3A_117 = arith.cmpi ne, %convert_element_type3A_115, %cond3A_116 : i32
      scf.if %cond3A_117 {
        %dma_start3A = arith.constant 0 : i32
        %dma_start3A_385 = tpu.memref_slice %arg9[%add3A_110, %dma_start3A] : memref<128x64xf32, #tpu.memory_space<vmem>> -> memref<1x64xf32, #tpu.memory_space<vmem>>
        %dma_start3A_386 = arith.constant 0 : i32
        %dma_start3A_387 = tpu.memref_slice %arg3[%squeeze3A_106, %dma_start3A_386] : memref<50000x64xf32, #tpu.memory_space<hbm>> -> memref<1x64xf32, #tpu.memory_space<hbm>>
        %dma_start3A_388 = arith.constant 0 : i32
        %dma_start3A_389 = tpu.memref_slice %arg9[%add3A_110, %dma_start3A_388] : memref<128x64xf32, #tpu.memory_space<vmem>> -> memref<1x64xf32, #tpu.memory_space<vmem>>
        %dma_start3A_390 = arith.constant 0 : i32
        %dma_start3A_391 = tpu.memref_slice %arg3[%squeeze3A_106, %dma_start3A_390] : memref<50000x64xf32, #tpu.memory_space<hbm>> -> memref<1x64xf32, #tpu.memory_space<hbm>>
        tpu.enqueue_dma source(%dma_start3A_391 : memref<1x64xf32, #tpu.memory_space<hbm>>) target(%dma_start3A_389 : memref<1x64xf32, #tpu.memory_space<vmem>>) target_semaphore(%arg11 : memref<!tpu.dma_semaphore, #tpu.memory_space<semaphore_mem>>)
      } else {
      }
      %slice3A_118 = vector.extract_strided_slice %get3A_70 {offsets = [2], sizes = [1], strides = [1]} : vector<16xi32> to vector<1xi32>
      %squeeze3A_119 = vector.extract %slice3A_118[0] : i32 from vector<1xi32>
      %eq3A_120 = arith.constant 0 : i32
      %eq3A_121 = arith.cmpi eq, %squeeze3A_119, %eq3A_120 : i32
      %convert_element_type3A_122 = arith.extui %eq3A_121 : i1 to i32
      %cond3A_123 = arith.constant 0 : i32
      %cond3A_124 = arith.cmpi ne, %convert_element_type3A_122, %cond3A_123 : i32
      scf.if %cond3A_124 {
        %dma_start3A = arith.constant 0 : i32
        %dma_start3A_385 = tpu.memref_slice %arg9[%add3A_110, %dma_start3A] : memref<128x64xf32, #tpu.memory_space<vmem>> -> memref<1x64xf32, #tpu.memory_space<vmem>>
        %dma_start3A_386 = arith.constant 0 : i32
        %dma_start3A_387 = tpu.memref_slice %arg4[%squeeze3A_106, %dma_start3A_386] : memref<450000x64xf32, #tpu.memory_space<hbm>> -> memref<1x64xf32, #tpu.memory_space<hbm>>
        %dma_start3A_388 = arith.constant 0 : i32
        %dma_start3A_389 = tpu.memref_slice %arg9[%add3A_110, %dma_start3A_388] : memref<128x64xf32, #tpu.memory_space<vmem>> -> memref<1x64xf32, #tpu.memory_space<vmem>>
        %dma_start3A_390 = arith.constant 0 : i32
        %dma_start3A_391 = tpu.memref_slice %arg4[%squeeze3A_106, %dma_start3A_390] : memref<450000x64xf32, #tpu.memory_space<hbm>> -> memref<1x64xf32, #tpu.memory_space<hbm>>
        tpu.enqueue_dma source(%dma_start3A_391 : memref<1x64xf32, #tpu.memory_space<hbm>>) target(%dma_start3A_389 : memref<1x64xf32, #tpu.memory_space<vmem>>) target_semaphore(%arg11 : memref<!tpu.dma_semaphore, #tpu.memory_space<semaphore_mem>>)
      } else {
      }
      %slice3A_125 = vector.extract_strided_slice %get3A_68 {offsets = [3], sizes = [1], strides = [1]} : vector<16xi32> to vector<1xi32>
      %squeeze3A_126 = vector.extract %slice3A_125[0] : i32 from vector<1xi32>
      %mul3A_127 = arith.constant 16 : i32
      %mul3A_128 = arith.muli %scan3A_63, %mul3A_127 : i32
      %add3A_129 = arith.constant 3 : i32
      %add3A_130 = arith.addi %mul3A_128, %add3A_129 : i32
      %slice3A_131 = vector.extract_strided_slice %get3A_70 {offsets = [3], sizes = [1], strides = [1]} : vector<16xi32> to vector<1xi32>
      %squeeze3A_132 = vector.extract %slice3A_131[0] : i32 from vector<1xi32>
      %ne3A_133 = arith.constant 0 : i32
      %ne3A_134 = arith.cmpi ne, %squeeze3A_132, %ne3A_133 : i32
      %convert_element_type3A_135 = arith.extui %ne3A_134 : i1 to i32
      %cond3A_136 = arith.constant 0 : i32
      %cond3A_137 = arith.cmpi ne, %convert_element_type3A_135, %cond3A_136 : i32
      scf.if %cond3A_137 {
        %dma_start3A = arith.constant 0 : i32
        %dma_start3A_385 = tpu.memref_slice %arg9[%add3A_130, %dma_start3A] : memref<128x64xf32, #tpu.memory_space<vmem>> -> memref<1x64xf32, #tpu.memory_space<vmem>>
        %dma_start3A_386 = arith.constant 0 : i32
        %dma_start3A_387 = tpu.memref_slice %arg3[%squeeze3A_126, %dma_start3A_386] : memref<50000x64xf32, #tpu.memory_space<hbm>> -> memref<1x64xf32, #tpu.memory_space<hbm>>
        %dma_start3A_388 = arith.constant 0 : i32
        %dma_start3A_389 = tpu.memref_slice %arg9[%add3A_130, %dma_start3A_388] : memref<128x64xf32, #tpu.memory_space<vmem>> -> memref<1x64xf32, #tpu.memory_space<vmem>>
        %dma_start3A_390 = arith.constant 0 : i32
        %dma_start3A_391 = tpu.memref_slice %arg3[%squeeze3A_126, %dma_start3A_390] : memref<50000x64xf32, #tpu.memory_space<hbm>> -> memref<1x64xf32, #tpu.memory_space<hbm>>
        tpu.enqueue_dma source(%dma_start3A_391 : memref<1x64xf32, #tpu.memory_space<hbm>>) target(%dma_start3A_389 : memref<1x64xf32, #tpu.memory_space<vmem>>) target_semaphore(%arg11 : memref<!tpu.dma_semaphore, #tpu.memory_space<semaphore_mem>>)
      } else {
      }
      %slice3A_138 = vector.extract_strided_slice %get3A_70 {offsets = [3], sizes = [1], strides = [1]} : vector<16xi32> to vector<1xi32>
      %squeeze3A_139 = vector.extract %slice3A_138[0] : i32 from vector<1xi32>
      %eq3A_140 = arith.constant 0 : i32
      %eq3A_141 = arith.cmpi eq, %squeeze3A_139, %eq3A_140 : i32
      %convert_element_type3A_142 = arith.extui %eq3A_141 : i1 to i32
      %cond3A_143 = arith.constant 0 : i32
      %cond3A_144 = arith.cmpi ne, %convert_element_type3A_142, %cond3A_143 : i32
      scf.if %cond3A_144 {
        %dma_start3A = arith.constant 0 : i32
        %dma_start3A_385 = tpu.memref_slice %arg9[%add3A_130, %dma_start3A] : memref<128x64xf32, #tpu.memory_space<vmem>> -> memref<1x64xf32, #tpu.memory_space<vmem>>
        %dma_start3A_386 = arith.constant 0 : i32
        %dma_start3A_387 = tpu.memref_slice %arg4[%squeeze3A_126, %dma_start3A_386] : memref<450000x64xf32, #tpu.memory_space<hbm>> -> memref<1x64xf32, #tpu.memory_space<hbm>>
        %dma_start3A_388 = arith.constant 0 : i32
        %dma_start3A_389 = tpu.memref_slice %arg9[%add3A_130, %dma_start3A_388] : memref<128x64xf32, #tpu.memory_space<vmem>> -> memref<1x64xf32, #tpu.memory_space<vmem>>
        %dma_start3A_390 = arith.constant 0 : i32
        %dma_start3A_391 = tpu.memref_slice %arg4[%squeeze3A_126, %dma_start3A_390] : memref<450000x64xf32, #tpu.memory_space<hbm>> -> memref<1x64xf32, #tpu.memory_space<hbm>>
        tpu.enqueue_dma source(%dma_start3A_391 : memref<1x64xf32, #tpu.memory_space<hbm>>) target(%dma_start3A_389 : memref<1x64xf32, #tpu.memory_space<vmem>>) target_semaphore(%arg11 : memref<!tpu.dma_semaphore, #tpu.memory_space<semaphore_mem>>)
      } else {
      }
      %slice3A_145 = vector.extract_strided_slice %get3A_68 {offsets = [4], sizes = [1], strides = [1]} : vector<16xi32> to vector<1xi32>
      %squeeze3A_146 = vector.extract %slice3A_145[0] : i32 from vector<1xi32>
      %mul3A_147 = arith.constant 16 : i32
      %mul3A_148 = arith.muli %scan3A_63, %mul3A_147 : i32
      %add3A_149 = arith.constant 4 : i32
      %add3A_150 = arith.addi %mul3A_148, %add3A_149 : i32
      %slice3A_151 = vector.extract_strided_slice %get3A_70 {offsets = [4], sizes = [1], strides = [1]} : vector<16xi32> to vector<1xi32>
      %squeeze3A_152 = vector.extract %slice3A_151[0] : i32 from vector<1xi32>
      %ne3A_153 = arith.constant 0 : i32
      %ne3A_154 = arith.cmpi ne, %squeeze3A_152, %ne3A_153 : i32
      %convert_element_type3A_155 = arith.extui %ne3A_154 : i1 to i32
      %cond3A_156 = arith.constant 0 : i32
      %cond3A_157 = arith.cmpi ne, %convert_element_type3A_155, %cond3A_156 : i32
      scf.if %cond3A_157 {
        %dma_start3A = arith.constant 0 : i32
        %dma_start3A_385 = tpu.memref_slice %arg9[%add3A_150, %dma_start3A] : memref<128x64xf32, #tpu.memory_space<vmem>> -> memref<1x64xf32, #tpu.memory_space<vmem>>
        %dma_start3A_386 = arith.constant 0 : i32
        %dma_start3A_387 = tpu.memref_slice %arg3[%squeeze3A_146, %dma_start3A_386] : memref<50000x64xf32, #tpu.memory_space<hbm>> -> memref<1x64xf32, #tpu.memory_space<hbm>>
        %dma_start3A_388 = arith.constant 0 : i32
        %dma_start3A_389 = tpu.memref_slice %arg9[%add3A_150, %dma_start3A_388] : memref<128x64xf32, #tpu.memory_space<vmem>> -> memref<1x64xf32, #tpu.memory_space<vmem>>
        %dma_start3A_390 = arith.constant 0 : i32
        %dma_start3A_391 = tpu.memref_slice %arg3[%squeeze3A_146, %dma_start3A_390] : memref<50000x64xf32, #tpu.memory_space<hbm>> -> memref<1x64xf32, #tpu.memory_space<hbm>>
        tpu.enqueue_dma source(%dma_start3A_391 : memref<1x64xf32, #tpu.memory_space<hbm>>) target(%dma_start3A_389 : memref<1x64xf32, #tpu.memory_space<vmem>>) target_semaphore(%arg11 : memref<!tpu.dma_semaphore, #tpu.memory_space<semaphore_mem>>)
      } else {
      }
      %slice3A_158 = vector.extract_strided_slice %get3A_70 {offsets = [4], sizes = [1], strides = [1]} : vector<16xi32> to vector<1xi32>
      %squeeze3A_159 = vector.extract %slice3A_158[0] : i32 from vector<1xi32>
      %eq3A_160 = arith.constant 0 : i32
      %eq3A_161 = arith.cmpi eq, %squeeze3A_159, %eq3A_160 : i32
      %convert_element_type3A_162 = arith.extui %eq3A_161 : i1 to i32
      %cond3A_163 = arith.constant 0 : i32
      %cond3A_164 = arith.cmpi ne, %convert_element_type3A_162, %cond3A_163 : i32
      scf.if %cond3A_164 {
        %dma_start3A = arith.constant 0 : i32
        %dma_start3A_385 = tpu.memref_slice %arg9[%add3A_150, %dma_start3A] : memref<128x64xf32, #tpu.memory_space<vmem>> -> memref<1x64xf32, #tpu.memory_space<vmem>>
        %dma_start3A_386 = arith.constant 0 : i32
        %dma_start3A_387 = tpu.memref_slice %arg4[%squeeze3A_146, %dma_start3A_386] : memref<450000x64xf32, #tpu.memory_space<hbm>> -> memref<1x64xf32, #tpu.memory_space<hbm>>
        %dma_start3A_388 = arith.constant 0 : i32
        %dma_start3A_389 = tpu.memref_slice %arg9[%add3A_150, %dma_start3A_388] : memref<128x64xf32, #tpu.memory_space<vmem>> -> memref<1x64xf32, #tpu.memory_space<vmem>>
        %dma_start3A_390 = arith.constant 0 : i32
        %dma_start3A_391 = tpu.memref_slice %arg4[%squeeze3A_146, %dma_start3A_390] : memref<450000x64xf32, #tpu.memory_space<hbm>> -> memref<1x64xf32, #tpu.memory_space<hbm>>
        tpu.enqueue_dma source(%dma_start3A_391 : memref<1x64xf32, #tpu.memory_space<hbm>>) target(%dma_start3A_389 : memref<1x64xf32, #tpu.memory_space<vmem>>) target_semaphore(%arg11 : memref<!tpu.dma_semaphore, #tpu.memory_space<semaphore_mem>>)
      } else {
      }
      %slice3A_165 = vector.extract_strided_slice %get3A_68 {offsets = [5], sizes = [1], strides = [1]} : vector<16xi32> to vector<1xi32>
      %squeeze3A_166 = vector.extract %slice3A_165[0] : i32 from vector<1xi32>
      %mul3A_167 = arith.constant 16 : i32
      %mul3A_168 = arith.muli %scan3A_63, %mul3A_167 : i32
      %add3A_169 = arith.constant 5 : i32
      %add3A_170 = arith.addi %mul3A_168, %add3A_169 : i32
      %slice3A_171 = vector.extract_strided_slice %get3A_70 {offsets = [5], sizes = [1], strides = [1]} : vector<16xi32> to vector<1xi32>
      %squeeze3A_172 = vector.extract %slice3A_171[0] : i32 from vector<1xi32>
      %ne3A_173 = arith.constant 0 : i32
      %ne3A_174 = arith.cmpi ne, %squeeze3A_172, %ne3A_173 : i32
      %convert_element_type3A_175 = arith.extui %ne3A_174 : i1 to i32
      %cond3A_176 = arith.constant 0 : i32
      %cond3A_177 = arith.cmpi ne, %convert_element_type3A_175, %cond3A_176 : i32
      scf.if %cond3A_177 {
        %dma_start3A = arith.constant 0 : i32
        %dma_start3A_385 = tpu.memref_slice %arg9[%add3A_170, %dma_start3A] : memref<128x64xf32, #tpu.memory_space<vmem>> -> memref<1x64xf32, #tpu.memory_space<vmem>>
        %dma_start3A_386 = arith.constant 0 : i32
        %dma_start3A_387 = tpu.memref_slice %arg3[%squeeze3A_166, %dma_start3A_386] : memref<50000x64xf32, #tpu.memory_space<hbm>> -> memref<1x64xf32, #tpu.memory_space<hbm>>
        %dma_start3A_388 = arith.constant 0 : i32
        %dma_start3A_389 = tpu.memref_slice %arg9[%add3A_170, %dma_start3A_388] : memref<128x64xf32, #tpu.memory_space<vmem>> -> memref<1x64xf32, #tpu.memory_space<vmem>>
        %dma_start3A_390 = arith.constant 0 : i32
        %dma_start3A_391 = tpu.memref_slice %arg3[%squeeze3A_166, %dma_start3A_390] : memref<50000x64xf32, #tpu.memory_space<hbm>> -> memref<1x64xf32, #tpu.memory_space<hbm>>
        tpu.enqueue_dma source(%dma_start3A_391 : memref<1x64xf32, #tpu.memory_space<hbm>>) target(%dma_start3A_389 : memref<1x64xf32, #tpu.memory_space<vmem>>) target_semaphore(%arg11 : memref<!tpu.dma_semaphore, #tpu.memory_space<semaphore_mem>>)
      } else {
      }
      %slice3A_178 = vector.extract_strided_slice %get3A_70 {offsets = [5], sizes = [1], strides = [1]} : vector<16xi32> to vector<1xi32>
      %squeeze3A_179 = vector.extract %slice3A_178[0] : i32 from vector<1xi32>
      %eq3A_180 = arith.constant 0 : i32
      %eq3A_181 = arith.cmpi eq, %squeeze3A_179, %eq3A_180 : i32
      %convert_element_type3A_182 = arith.extui %eq3A_181 : i1 to i32
      %cond3A_183 = arith.constant 0 : i32
      %cond3A_184 = arith.cmpi ne, %convert_element_type3A_182, %cond3A_183 : i32
      scf.if %cond3A_184 {
        %dma_start3A = arith.constant 0 : i32
        %dma_start3A_385 = tpu.memref_slice %arg9[%add3A_170, %dma_start3A] : memref<128x64xf32, #tpu.memory_space<vmem>> -> memref<1x64xf32, #tpu.memory_space<vmem>>
        %dma_start3A_386 = arith.constant 0 : i32
        %dma_start3A_387 = tpu.memref_slice %arg4[%squeeze3A_166, %dma_start3A_386] : memref<450000x64xf32, #tpu.memory_space<hbm>> -> memref<1x64xf32, #tpu.memory_space<hbm>>
        %dma_start3A_388 = arith.constant 0 : i32
        %dma_start3A_389 = tpu.memref_slice %arg9[%add3A_170, %dma_start3A_388] : memref<128x64xf32, #tpu.memory_space<vmem>> -> memref<1x64xf32, #tpu.memory_space<vmem>>
        %dma_start3A_390 = arith.constant 0 : i32
        %dma_start3A_391 = tpu.memref_slice %arg4[%squeeze3A_166, %dma_start3A_390] : memref<450000x64xf32, #tpu.memory_space<hbm>> -> memref<1x64xf32, #tpu.memory_space<hbm>>
        tpu.enqueue_dma source(%dma_start3A_391 : memref<1x64xf32, #tpu.memory_space<hbm>>) target(%dma_start3A_389 : memref<1x64xf32, #tpu.memory_space<vmem>>) target_semaphore(%arg11 : memref<!tpu.dma_semaphore, #tpu.memory_space<semaphore_mem>>)
      } else {
      }
      %slice3A_185 = vector.extract_strided_slice %get3A_68 {offsets = [6], sizes = [1], strides = [1]} : vector<16xi32> to vector<1xi32>
      %squeeze3A_186 = vector.extract %slice3A_185[0] : i32 from vector<1xi32>
      %mul3A_187 = arith.constant 16 : i32
      %mul3A_188 = arith.muli %scan3A_63, %mul3A_187 : i32
      %add3A_189 = arith.constant 6 : i32
      %add3A_190 = arith.addi %mul3A_188, %add3A_189 : i32
      %slice3A_191 = vector.extract_strided_slice %get3A_70 {offsets = [6], sizes = [1], strides = [1]} : vector<16xi32> to vector<1xi32>
      %squeeze3A_192 = vector.extract %slice3A_191[0] : i32 from vector<1xi32>
      %ne3A_193 = arith.constant 0 : i32
      %ne3A_194 = arith.cmpi ne, %squeeze3A_192, %ne3A_193 : i32
      %convert_element_type3A_195 = arith.extui %ne3A_194 : i1 to i32
      %cond3A_196 = arith.constant 0 : i32
      %cond3A_197 = arith.cmpi ne, %convert_element_type3A_195, %cond3A_196 : i32
      scf.if %cond3A_197 {
        %dma_start3A = arith.constant 0 : i32
        %dma_start3A_385 = tpu.memref_slice %arg9[%add3A_190, %dma_start3A] : memref<128x64xf32, #tpu.memory_space<vmem>> -> memref<1x64xf32, #tpu.memory_space<vmem>>
        %dma_start3A_386 = arith.constant 0 : i32
        %dma_start3A_387 = tpu.memref_slice %arg3[%squeeze3A_186, %dma_start3A_386] : memref<50000x64xf32, #tpu.memory_space<hbm>> -> memref<1x64xf32, #tpu.memory_space<hbm>>
        %dma_start3A_388 = arith.constant 0 : i32
        %dma_start3A_389 = tpu.memref_slice %arg9[%add3A_190, %dma_start3A_388] : memref<128x64xf32, #tpu.memory_space<vmem>> -> memref<1x64xf32, #tpu.memory_space<vmem>>
        %dma_start3A_390 = arith.constant 0 : i32
        %dma_start3A_391 = tpu.memref_slice %arg3[%squeeze3A_186, %dma_start3A_390] : memref<50000x64xf32, #tpu.memory_space<hbm>> -> memref<1x64xf32, #tpu.memory_space<hbm>>
        tpu.enqueue_dma source(%dma_start3A_391 : memref<1x64xf32, #tpu.memory_space<hbm>>) target(%dma_start3A_389 : memref<1x64xf32, #tpu.memory_space<vmem>>) target_semaphore(%arg11 : memref<!tpu.dma_semaphore, #tpu.memory_space<semaphore_mem>>)
      } else {
      }
      %slice3A_198 = vector.extract_strided_slice %get3A_70 {offsets = [6], sizes = [1], strides = [1]} : vector<16xi32> to vector<1xi32>
      %squeeze3A_199 = vector.extract %slice3A_198[0] : i32 from vector<1xi32>
      %eq3A_200 = arith.constant 0 : i32
      %eq3A_201 = arith.cmpi eq, %squeeze3A_199, %eq3A_200 : i32
      %convert_element_type3A_202 = arith.extui %eq3A_201 : i1 to i32
      %cond3A_203 = arith.constant 0 : i32
      %cond3A_204 = arith.cmpi ne, %convert_element_type3A_202, %cond3A_203 : i32
      scf.if %cond3A_204 {
        %dma_start3A = arith.constant 0 : i32
        %dma_start3A_385 = tpu.memref_slice %arg9[%add3A_190, %dma_start3A] : memref<128x64xf32, #tpu.memory_space<vmem>> -> memref<1x64xf32, #tpu.memory_space<vmem>>
        %dma_start3A_386 = arith.constant 0 : i32
        %dma_start3A_387 = tpu.memref_slice %arg4[%squeeze3A_186, %dma_start3A_386] : memref<450000x64xf32, #tpu.memory_space<hbm>> -> memref<1x64xf32, #tpu.memory_space<hbm>>
        %dma_start3A_388 = arith.constant 0 : i32
        %dma_start3A_389 = tpu.memref_slice %arg9[%add3A_190, %dma_start3A_388] : memref<128x64xf32, #tpu.memory_space<vmem>> -> memref<1x64xf32, #tpu.memory_space<vmem>>
        %dma_start3A_390 = arith.constant 0 : i32
        %dma_start3A_391 = tpu.memref_slice %arg4[%squeeze3A_186, %dma_start3A_390] : memref<450000x64xf32, #tpu.memory_space<hbm>> -> memref<1x64xf32, #tpu.memory_space<hbm>>
        tpu.enqueue_dma source(%dma_start3A_391 : memref<1x64xf32, #tpu.memory_space<hbm>>) target(%dma_start3A_389 : memref<1x64xf32, #tpu.memory_space<vmem>>) target_semaphore(%arg11 : memref<!tpu.dma_semaphore, #tpu.memory_space<semaphore_mem>>)
      } else {
      }
      %slice3A_205 = vector.extract_strided_slice %get3A_68 {offsets = [7], sizes = [1], strides = [1]} : vector<16xi32> to vector<1xi32>
      %squeeze3A_206 = vector.extract %slice3A_205[0] : i32 from vector<1xi32>
      %mul3A_207 = arith.constant 16 : i32
      %mul3A_208 = arith.muli %scan3A_63, %mul3A_207 : i32
      %add3A_209 = arith.constant 7 : i32
      %add3A_210 = arith.addi %mul3A_208, %add3A_209 : i32
      %slice3A_211 = vector.extract_strided_slice %get3A_70 {offsets = [7], sizes = [1], strides = [1]} : vector<16xi32> to vector<1xi32>
      %squeeze3A_212 = vector.extract %slice3A_211[0] : i32 from vector<1xi32>
      %ne3A_213 = arith.constant 0 : i32
      %ne3A_214 = arith.cmpi ne, %squeeze3A_212, %ne3A_213 : i32
      %convert_element_type3A_215 = arith.extui %ne3A_214 : i1 to i32
      %cond3A_216 = arith.constant 0 : i32
      %cond3A_217 = arith.cmpi ne, %convert_element_type3A_215, %cond3A_216 : i32
      scf.if %cond3A_217 {
        %dma_start3A = arith.constant 0 : i32
        %dma_start3A_385 = tpu.memref_slice %arg9[%add3A_210, %dma_start3A] : memref<128x64xf32, #tpu.memory_space<vmem>> -> memref<1x64xf32, #tpu.memory_space<vmem>>
        %dma_start3A_386 = arith.constant 0 : i32
        %dma_start3A_387 = tpu.memref_slice %arg3[%squeeze3A_206, %dma_start3A_386] : memref<50000x64xf32, #tpu.memory_space<hbm>> -> memref<1x64xf32, #tpu.memory_space<hbm>>
        %dma_start3A_388 = arith.constant 0 : i32
        %dma_start3A_389 = tpu.memref_slice %arg9[%add3A_210, %dma_start3A_388] : memref<128x64xf32, #tpu.memory_space<vmem>> -> memref<1x64xf32, #tpu.memory_space<vmem>>
        %dma_start3A_390 = arith.constant 0 : i32
        %dma_start3A_391 = tpu.memref_slice %arg3[%squeeze3A_206, %dma_start3A_390] : memref<50000x64xf32, #tpu.memory_space<hbm>> -> memref<1x64xf32, #tpu.memory_space<hbm>>
        tpu.enqueue_dma source(%dma_start3A_391 : memref<1x64xf32, #tpu.memory_space<hbm>>) target(%dma_start3A_389 : memref<1x64xf32, #tpu.memory_space<vmem>>) target_semaphore(%arg11 : memref<!tpu.dma_semaphore, #tpu.memory_space<semaphore_mem>>)
      } else {
      }
      %slice3A_218 = vector.extract_strided_slice %get3A_70 {offsets = [7], sizes = [1], strides = [1]} : vector<16xi32> to vector<1xi32>
      %squeeze3A_219 = vector.extract %slice3A_218[0] : i32 from vector<1xi32>
      %eq3A_220 = arith.constant 0 : i32
      %eq3A_221 = arith.cmpi eq, %squeeze3A_219, %eq3A_220 : i32
      %convert_element_type3A_222 = arith.extui %eq3A_221 : i1 to i32
      %cond3A_223 = arith.constant 0 : i32
      %cond3A_224 = arith.cmpi ne, %convert_element_type3A_222, %cond3A_223 : i32
      scf.if %cond3A_224 {
        %dma_start3A = arith.constant 0 : i32
        %dma_start3A_385 = tpu.memref_slice %arg9[%add3A_210, %dma_start3A] : memref<128x64xf32, #tpu.memory_space<vmem>> -> memref<1x64xf32, #tpu.memory_space<vmem>>
        %dma_start3A_386 = arith.constant 0 : i32
        %dma_start3A_387 = tpu.memref_slice %arg4[%squeeze3A_206, %dma_start3A_386] : memref<450000x64xf32, #tpu.memory_space<hbm>> -> memref<1x64xf32, #tpu.memory_space<hbm>>
        %dma_start3A_388 = arith.constant 0 : i32
        %dma_start3A_389 = tpu.memref_slice %arg9[%add3A_210, %dma_start3A_388] : memref<128x64xf32, #tpu.memory_space<vmem>> -> memref<1x64xf32, #tpu.memory_space<vmem>>
        %dma_start3A_390 = arith.constant 0 : i32
        %dma_start3A_391 = tpu.memref_slice %arg4[%squeeze3A_206, %dma_start3A_390] : memref<450000x64xf32, #tpu.memory_space<hbm>> -> memref<1x64xf32, #tpu.memory_space<hbm>>
        tpu.enqueue_dma source(%dma_start3A_391 : memref<1x64xf32, #tpu.memory_space<hbm>>) target(%dma_start3A_389 : memref<1x64xf32, #tpu.memory_space<vmem>>) target_semaphore(%arg11 : memref<!tpu.dma_semaphore, #tpu.memory_space<semaphore_mem>>)
      } else {
      }
      %slice3A_225 = vector.extract_strided_slice %get3A_68 {offsets = [8], sizes = [1], strides = [1]} : vector<16xi32> to vector<1xi32>
      %squeeze3A_226 = vector.extract %slice3A_225[0] : i32 from vector<1xi32>
      %mul3A_227 = arith.constant 16 : i32
      %mul3A_228 = arith.muli %scan3A_63, %mul3A_227 : i32
      %add3A_229 = arith.constant 8 : i32
      %add3A_230 = arith.addi %mul3A_228, %add3A_229 : i32
      %slice3A_231 = vector.extract_strided_slice %get3A_70 {offsets = [8], sizes = [1], strides = [1]} : vector<16xi32> to vector<1xi32>
      %squeeze3A_232 = vector.extract %slice3A_231[0] : i32 from vector<1xi32>
      %ne3A_233 = arith.constant 0 : i32
      %ne3A_234 = arith.cmpi ne, %squeeze3A_232, %ne3A_233 : i32
      %convert_element_type3A_235 = arith.extui %ne3A_234 : i1 to i32
      %cond3A_236 = arith.constant 0 : i32
      %cond3A_237 = arith.cmpi ne, %convert_element_type3A_235, %cond3A_236 : i32
      scf.if %cond3A_237 {
        %dma_start3A = arith.constant 0 : i32
        %dma_start3A_385 = tpu.memref_slice %arg9[%add3A_230, %dma_start3A] : memref<128x64xf32, #tpu.memory_space<vmem>> -> memref<1x64xf32, #tpu.memory_space<vmem>>
        %dma_start3A_386 = arith.constant 0 : i32
        %dma_start3A_387 = tpu.memref_slice %arg3[%squeeze3A_226, %dma_start3A_386] : memref<50000x64xf32, #tpu.memory_space<hbm>> -> memref<1x64xf32, #tpu.memory_space<hbm>>
        %dma_start3A_388 = arith.constant 0 : i32
        %dma_start3A_389 = tpu.memref_slice %arg9[%add3A_230, %dma_start3A_388] : memref<128x64xf32, #tpu.memory_space<vmem>> -> memref<1x64xf32, #tpu.memory_space<vmem>>
        %dma_start3A_390 = arith.constant 0 : i32
        %dma_start3A_391 = tpu.memref_slice %arg3[%squeeze3A_226, %dma_start3A_390] : memref<50000x64xf32, #tpu.memory_space<hbm>> -> memref<1x64xf32, #tpu.memory_space<hbm>>
        tpu.enqueue_dma source(%dma_start3A_391 : memref<1x64xf32, #tpu.memory_space<hbm>>) target(%dma_start3A_389 : memref<1x64xf32, #tpu.memory_space<vmem>>) target_semaphore(%arg11 : memref<!tpu.dma_semaphore, #tpu.memory_space<semaphore_mem>>)
      } else {
      }
      %slice3A_238 = vector.extract_strided_slice %get3A_70 {offsets = [8], sizes = [1], strides = [1]} : vector<16xi32> to vector<1xi32>
      %squeeze3A_239 = vector.extract %slice3A_238[0] : i32 from vector<1xi32>
      %eq3A_240 = arith.constant 0 : i32
      %eq3A_241 = arith.cmpi eq, %squeeze3A_239, %eq3A_240 : i32
      %convert_element_type3A_242 = arith.extui %eq3A_241 : i1 to i32
      %cond3A_243 = arith.constant 0 : i32
      %cond3A_244 = arith.cmpi ne, %convert_element_type3A_242, %cond3A_243 : i32
      scf.if %cond3A_244 {
        %dma_start3A = arith.constant 0 : i32
        %dma_start3A_385 = tpu.memref_slice %arg9[%add3A_230, %dma_start3A] : memref<128x64xf32, #tpu.memory_space<vmem>> -> memref<1x64xf32, #tpu.memory_space<vmem>>
        %dma_start3A_386 = arith.constant 0 : i32
        %dma_start3A_387 = tpu.memref_slice %arg4[%squeeze3A_226, %dma_start3A_386] : memref<450000x64xf32, #tpu.memory_space<hbm>> -> memref<1x64xf32, #tpu.memory_space<hbm>>
        %dma_start3A_388 = arith.constant 0 : i32
        %dma_start3A_389 = tpu.memref_slice %arg9[%add3A_230, %dma_start3A_388] : memref<128x64xf32, #tpu.memory_space<vmem>> -> memref<1x64xf32, #tpu.memory_space<vmem>>
        %dma_start3A_390 = arith.constant 0 : i32
        %dma_start3A_391 = tpu.memref_slice %arg4[%squeeze3A_226, %dma_start3A_390] : memref<450000x64xf32, #tpu.memory_space<hbm>> -> memref<1x64xf32, #tpu.memory_space<hbm>>
        tpu.enqueue_dma source(%dma_start3A_391 : memref<1x64xf32, #tpu.memory_space<hbm>>) target(%dma_start3A_389 : memref<1x64xf32, #tpu.memory_space<vmem>>) target_semaphore(%arg11 : memref<!tpu.dma_semaphore, #tpu.memory_space<semaphore_mem>>)
      } else {
      }
      %slice3A_245 = vector.extract_strided_slice %get3A_68 {offsets = [9], sizes = [1], strides = [1]} : vector<16xi32> to vector<1xi32>
      %squeeze3A_246 = vector.extract %slice3A_245[0] : i32 from vector<1xi32>
      %mul3A_247 = arith.constant 16 : i32
      %mul3A_248 = arith.muli %scan3A_63, %mul3A_247 : i32
      %add3A_249 = arith.constant 9 : i32
      %add3A_250 = arith.addi %mul3A_248, %add3A_249 : i32
      %slice3A_251 = vector.extract_strided_slice %get3A_70 {offsets = [9], sizes = [1], strides = [1]} : vector<16xi32> to vector<1xi32>
      %squeeze3A_252 = vector.extract %slice3A_251[0] : i32 from vector<1xi32>
      %ne3A_253 = arith.constant 0 : i32
      %ne3A_254 = arith.cmpi ne, %squeeze3A_252, %ne3A_253 : i32
      %convert_element_type3A_255 = arith.extui %ne3A_254 : i1 to i32
      %cond3A_256 = arith.constant 0 : i32
      %cond3A_257 = arith.cmpi ne, %convert_element_type3A_255, %cond3A_256 : i32
      scf.if %cond3A_257 {
        %dma_start3A = arith.constant 0 : i32
        %dma_start3A_385 = tpu.memref_slice %arg9[%add3A_250, %dma_start3A] : memref<128x64xf32, #tpu.memory_space<vmem>> -> memref<1x64xf32, #tpu.memory_space<vmem>>
        %dma_start3A_386 = arith.constant 0 : i32
        %dma_start3A_387 = tpu.memref_slice %arg3[%squeeze3A_246, %dma_start3A_386] : memref<50000x64xf32, #tpu.memory_space<hbm>> -> memref<1x64xf32, #tpu.memory_space<hbm>>
        %dma_start3A_388 = arith.constant 0 : i32
        %dma_start3A_389 = tpu.memref_slice %arg9[%add3A_250, %dma_start3A_388] : memref<128x64xf32, #tpu.memory_space<vmem>> -> memref<1x64xf32, #tpu.memory_space<vmem>>
        %dma_start3A_390 = arith.constant 0 : i32
        %dma_start3A_391 = tpu.memref_slice %arg3[%squeeze3A_246, %dma_start3A_390] : memref<50000x64xf32, #tpu.memory_space<hbm>> -> memref<1x64xf32, #tpu.memory_space<hbm>>
        tpu.enqueue_dma source(%dma_start3A_391 : memref<1x64xf32, #tpu.memory_space<hbm>>) target(%dma_start3A_389 : memref<1x64xf32, #tpu.memory_space<vmem>>) target_semaphore(%arg11 : memref<!tpu.dma_semaphore, #tpu.memory_space<semaphore_mem>>)
      } else {
      }
      %slice3A_258 = vector.extract_strided_slice %get3A_70 {offsets = [9], sizes = [1], strides = [1]} : vector<16xi32> to vector<1xi32>
      %squeeze3A_259 = vector.extract %slice3A_258[0] : i32 from vector<1xi32>
      %eq3A_260 = arith.constant 0 : i32
      %eq3A_261 = arith.cmpi eq, %squeeze3A_259, %eq3A_260 : i32
      %convert_element_type3A_262 = arith.extui %eq3A_261 : i1 to i32
      %cond3A_263 = arith.constant 0 : i32
      %cond3A_264 = arith.cmpi ne, %convert_element_type3A_262, %cond3A_263 : i32
      scf.if %cond3A_264 {
        %dma_start3A = arith.constant 0 : i32
        %dma_start3A_385 = tpu.memref_slice %arg9[%add3A_250, %dma_start3A] : memref<128x64xf32, #tpu.memory_space<vmem>> -> memref<1x64xf32, #tpu.memory_space<vmem>>
        %dma_start3A_386 = arith.constant 0 : i32
        %dma_start3A_387 = tpu.memref_slice %arg4[%squeeze3A_246, %dma_start3A_386] : memref<450000x64xf32, #tpu.memory_space<hbm>> -> memref<1x64xf32, #tpu.memory_space<hbm>>
        %dma_start3A_388 = arith.constant 0 : i32
        %dma_start3A_389 = tpu.memref_slice %arg9[%add3A_250, %dma_start3A_388] : memref<128x64xf32, #tpu.memory_space<vmem>> -> memref<1x64xf32, #tpu.memory_space<vmem>>
        %dma_start3A_390 = arith.constant 0 : i32
        %dma_start3A_391 = tpu.memref_slice %arg4[%squeeze3A_246, %dma_start3A_390] : memref<450000x64xf32, #tpu.memory_space<hbm>> -> memref<1x64xf32, #tpu.memory_space<hbm>>
        tpu.enqueue_dma source(%dma_start3A_391 : memref<1x64xf32, #tpu.memory_space<hbm>>) target(%dma_start3A_389 : memref<1x64xf32, #tpu.memory_space<vmem>>) target_semaphore(%arg11 : memref<!tpu.dma_semaphore, #tpu.memory_space<semaphore_mem>>)
      } else {
      }
      %slice3A_265 = vector.extract_strided_slice %get3A_68 {offsets = [10], sizes = [1], strides = [1]} : vector<16xi32> to vector<1xi32>
      %squeeze3A_266 = vector.extract %slice3A_265[0] : i32 from vector<1xi32>
      %mul3A_267 = arith.constant 16 : i32
      %mul3A_268 = arith.muli %scan3A_63, %mul3A_267 : i32
      %add3A_269 = arith.constant 10 : i32
      %add3A_270 = arith.addi %mul3A_268, %add3A_269 : i32
      %slice3A_271 = vector.extract_strided_slice %get3A_70 {offsets = [10], sizes = [1], strides = [1]} : vector<16xi32> to vector<1xi32>
      %squeeze3A_272 = vector.extract %slice3A_271[0] : i32 from vector<1xi32>
      %ne3A_273 = arith.constant 0 : i32
      %ne3A_274 = arith.cmpi ne, %squeeze3A_272, %ne3A_273 : i32
      %convert_element_type3A_275 = arith.extui %ne3A_274 : i1 to i32
      %cond3A_276 = arith.constant 0 : i32
      %cond3A_277 = arith.cmpi ne, %convert_element_type3A_275, %cond3A_276 : i32
      scf.if %cond3A_277 {
        %dma_start3A = arith.constant 0 : i32
        %dma_start3A_385 = tpu.memref_slice %arg9[%add3A_270, %dma_start3A] : memref<128x64xf32, #tpu.memory_space<vmem>> -> memref<1x64xf32, #tpu.memory_space<vmem>>
        %dma_start3A_386 = arith.constant 0 : i32
        %dma_start3A_387 = tpu.memref_slice %arg3[%squeeze3A_266, %dma_start3A_386] : memref<50000x64xf32, #tpu.memory_space<hbm>> -> memref<1x64xf32, #tpu.memory_space<hbm>>
        %dma_start3A_388 = arith.constant 0 : i32
        %dma_start3A_389 = tpu.memref_slice %arg9[%add3A_270, %dma_start3A_388] : memref<128x64xf32, #tpu.memory_space<vmem>> -> memref<1x64xf32, #tpu.memory_space<vmem>>
        %dma_start3A_390 = arith.constant 0 : i32
        %dma_start3A_391 = tpu.memref_slice %arg3[%squeeze3A_266, %dma_start3A_390] : memref<50000x64xf32, #tpu.memory_space<hbm>> -> memref<1x64xf32, #tpu.memory_space<hbm>>
        tpu.enqueue_dma source(%dma_start3A_391 : memref<1x64xf32, #tpu.memory_space<hbm>>) target(%dma_start3A_389 : memref<1x64xf32, #tpu.memory_space<vmem>>) target_semaphore(%arg11 : memref<!tpu.dma_semaphore, #tpu.memory_space<semaphore_mem>>)
      } else {
      }
      %slice3A_278 = vector.extract_strided_slice %get3A_70 {offsets = [10], sizes = [1], strides = [1]} : vector<16xi32> to vector<1xi32>
      %squeeze3A_279 = vector.extract %slice3A_278[0] : i32 from vector<1xi32>
      %eq3A_280 = arith.constant 0 : i32
      %eq3A_281 = arith.cmpi eq, %squeeze3A_279, %eq3A_280 : i32
      %convert_element_type3A_282 = arith.extui %eq3A_281 : i1 to i32
      %cond3A_283 = arith.constant 0 : i32
      %cond3A_284 = arith.cmpi ne, %convert_element_type3A_282, %cond3A_283 : i32
      scf.if %cond3A_284 {
        %dma_start3A = arith.constant 0 : i32
        %dma_start3A_385 = tpu.memref_slice %arg9[%add3A_270, %dma_start3A] : memref<128x64xf32, #tpu.memory_space<vmem>> -> memref<1x64xf32, #tpu.memory_space<vmem>>
        %dma_start3A_386 = arith.constant 0 : i32
        %dma_start3A_387 = tpu.memref_slice %arg4[%squeeze3A_266, %dma_start3A_386] : memref<450000x64xf32, #tpu.memory_space<hbm>> -> memref<1x64xf32, #tpu.memory_space<hbm>>
        %dma_start3A_388 = arith.constant 0 : i32
        %dma_start3A_389 = tpu.memref_slice %arg9[%add3A_270, %dma_start3A_388] : memref<128x64xf32, #tpu.memory_space<vmem>> -> memref<1x64xf32, #tpu.memory_space<vmem>>
        %dma_start3A_390 = arith.constant 0 : i32
        %dma_start3A_391 = tpu.memref_slice %arg4[%squeeze3A_266, %dma_start3A_390] : memref<450000x64xf32, #tpu.memory_space<hbm>> -> memref<1x64xf32, #tpu.memory_space<hbm>>
        tpu.enqueue_dma source(%dma_start3A_391 : memref<1x64xf32, #tpu.memory_space<hbm>>) target(%dma_start3A_389 : memref<1x64xf32, #tpu.memory_space<vmem>>) target_semaphore(%arg11 : memref<!tpu.dma_semaphore, #tpu.memory_space<semaphore_mem>>)
      } else {
      }
      %slice3A_285 = vector.extract_strided_slice %get3A_68 {offsets = [11], sizes = [1], strides = [1]} : vector<16xi32> to vector<1xi32>
      %squeeze3A_286 = vector.extract %slice3A_285[0] : i32 from vector<1xi32>
      %mul3A_287 = arith.constant 16 : i32
      %mul3A_288 = arith.muli %scan3A_63, %mul3A_287 : i32
      %add3A_289 = arith.constant 11 : i32
      %add3A_290 = arith.addi %mul3A_288, %add3A_289 : i32
      %slice3A_291 = vector.extract_strided_slice %get3A_70 {offsets = [11], sizes = [1], strides = [1]} : vector<16xi32> to vector<1xi32>
      %squeeze3A_292 = vector.extract %slice3A_291[0] : i32 from vector<1xi32>
      %ne3A_293 = arith.constant 0 : i32
      %ne3A_294 = arith.cmpi ne, %squeeze3A_292, %ne3A_293 : i32
      %convert_element_type3A_295 = arith.extui %ne3A_294 : i1 to i32
      %cond3A_296 = arith.constant 0 : i32
      %cond3A_297 = arith.cmpi ne, %convert_element_type3A_295, %cond3A_296 : i32
      scf.if %cond3A_297 {
        %dma_start3A = arith.constant 0 : i32
        %dma_start3A_385 = tpu.memref_slice %arg9[%add3A_290, %dma_start3A] : memref<128x64xf32, #tpu.memory_space<vmem>> -> memref<1x64xf32, #tpu.memory_space<vmem>>
        %dma_start3A_386 = arith.constant 0 : i32
        %dma_start3A_387 = tpu.memref_slice %arg3[%squeeze3A_286, %dma_start3A_386] : memref<50000x64xf32, #tpu.memory_space<hbm>> -> memref<1x64xf32, #tpu.memory_space<hbm>>
        %dma_start3A_388 = arith.constant 0 : i32
        %dma_start3A_389 = tpu.memref_slice %arg9[%add3A_290, %dma_start3A_388] : memref<128x64xf32, #tpu.memory_space<vmem>> -> memref<1x64xf32, #tpu.memory_space<vmem>>
        %dma_start3A_390 = arith.constant 0 : i32
        %dma_start3A_391 = tpu.memref_slice %arg3[%squeeze3A_286, %dma_start3A_390] : memref<50000x64xf32, #tpu.memory_space<hbm>> -> memref<1x64xf32, #tpu.memory_space<hbm>>
        tpu.enqueue_dma source(%dma_start3A_391 : memref<1x64xf32, #tpu.memory_space<hbm>>) target(%dma_start3A_389 : memref<1x64xf32, #tpu.memory_space<vmem>>) target_semaphore(%arg11 : memref<!tpu.dma_semaphore, #tpu.memory_space<semaphore_mem>>)
      } else {
      }
      %slice3A_298 = vector.extract_strided_slice %get3A_70 {offsets = [11], sizes = [1], strides = [1]} : vector<16xi32> to vector<1xi32>
      %squeeze3A_299 = vector.extract %slice3A_298[0] : i32 from vector<1xi32>
      %eq3A_300 = arith.constant 0 : i32
      %eq3A_301 = arith.cmpi eq, %squeeze3A_299, %eq3A_300 : i32
      %convert_element_type3A_302 = arith.extui %eq3A_301 : i1 to i32
      %cond3A_303 = arith.constant 0 : i32
      %cond3A_304 = arith.cmpi ne, %convert_element_type3A_302, %cond3A_303 : i32
      scf.if %cond3A_304 {
        %dma_start3A = arith.constant 0 : i32
        %dma_start3A_385 = tpu.memref_slice %arg9[%add3A_290, %dma_start3A] : memref<128x64xf32, #tpu.memory_space<vmem>> -> memref<1x64xf32, #tpu.memory_space<vmem>>
        %dma_start3A_386 = arith.constant 0 : i32
        %dma_start3A_387 = tpu.memref_slice %arg4[%squeeze3A_286, %dma_start3A_386] : memref<450000x64xf32, #tpu.memory_space<hbm>> -> memref<1x64xf32, #tpu.memory_space<hbm>>
        %dma_start3A_388 = arith.constant 0 : i32
        %dma_start3A_389 = tpu.memref_slice %arg9[%add3A_290, %dma_start3A_388] : memref<128x64xf32, #tpu.memory_space<vmem>> -> memref<1x64xf32, #tpu.memory_space<vmem>>
        %dma_start3A_390 = arith.constant 0 : i32
        %dma_start3A_391 = tpu.memref_slice %arg4[%squeeze3A_286, %dma_start3A_390] : memref<450000x64xf32, #tpu.memory_space<hbm>> -> memref<1x64xf32, #tpu.memory_space<hbm>>
        tpu.enqueue_dma source(%dma_start3A_391 : memref<1x64xf32, #tpu.memory_space<hbm>>) target(%dma_start3A_389 : memref<1x64xf32, #tpu.memory_space<vmem>>) target_semaphore(%arg11 : memref<!tpu.dma_semaphore, #tpu.memory_space<semaphore_mem>>)
      } else {
      }
      %slice3A_305 = vector.extract_strided_slice %get3A_68 {offsets = [12], sizes = [1], strides = [1]} : vector<16xi32> to vector<1xi32>
      %squeeze3A_306 = vector.extract %slice3A_305[0] : i32 from vector<1xi32>
      %mul3A_307 = arith.constant 16 : i32
      %mul3A_308 = arith.muli %scan3A_63, %mul3A_307 : i32
      %add3A_309 = arith.constant 12 : i32
      %add3A_310 = arith.addi %mul3A_308, %add3A_309 : i32
      %slice3A_311 = vector.extract_strided_slice %get3A_70 {offsets = [12], sizes = [1], strides = [1]} : vector<16xi32> to vector<1xi32>
      %squeeze3A_312 = vector.extract %slice3A_311[0] : i32 from vector<1xi32>
      %ne3A_313 = arith.constant 0 : i32
      %ne3A_314 = arith.cmpi ne, %squeeze3A_312, %ne3A_313 : i32
      %convert_element_type3A_315 = arith.extui %ne3A_314 : i1 to i32
      %cond3A_316 = arith.constant 0 : i32
      %cond3A_317 = arith.cmpi ne, %convert_element_type3A_315, %cond3A_316 : i32
      scf.if %cond3A_317 {
        %dma_start3A = arith.constant 0 : i32
        %dma_start3A_385 = tpu.memref_slice %arg9[%add3A_310, %dma_start3A] : memref<128x64xf32, #tpu.memory_space<vmem>> -> memref<1x64xf32, #tpu.memory_space<vmem>>
        %dma_start3A_386 = arith.constant 0 : i32
        %dma_start3A_387 = tpu.memref_slice %arg3[%squeeze3A_306, %dma_start3A_386] : memref<50000x64xf32, #tpu.memory_space<hbm>> -> memref<1x64xf32, #tpu.memory_space<hbm>>
        %dma_start3A_388 = arith.constant 0 : i32
        %dma_start3A_389 = tpu.memref_slice %arg9[%add3A_310, %dma_start3A_388] : memref<128x64xf32, #tpu.memory_space<vmem>> -> memref<1x64xf32, #tpu.memory_space<vmem>>
        %dma_start3A_390 = arith.constant 0 : i32
        %dma_start3A_391 = tpu.memref_slice %arg3[%squeeze3A_306, %dma_start3A_390] : memref<50000x64xf32, #tpu.memory_space<hbm>> -> memref<1x64xf32, #tpu.memory_space<hbm>>
        tpu.enqueue_dma source(%dma_start3A_391 : memref<1x64xf32, #tpu.memory_space<hbm>>) target(%dma_start3A_389 : memref<1x64xf32, #tpu.memory_space<vmem>>) target_semaphore(%arg11 : memref<!tpu.dma_semaphore, #tpu.memory_space<semaphore_mem>>)
      } else {
      }
      %slice3A_318 = vector.extract_strided_slice %get3A_70 {offsets = [12], sizes = [1], strides = [1]} : vector<16xi32> to vector<1xi32>
      %squeeze3A_319 = vector.extract %slice3A_318[0] : i32 from vector<1xi32>
      %eq3A_320 = arith.constant 0 : i32
      %eq3A_321 = arith.cmpi eq, %squeeze3A_319, %eq3A_320 : i32
      %convert_element_type3A_322 = arith.extui %eq3A_321 : i1 to i32
      %cond3A_323 = arith.constant 0 : i32
      %cond3A_324 = arith.cmpi ne, %convert_element_type3A_322, %cond3A_323 : i32
      scf.if %cond3A_324 {
        %dma_start3A = arith.constant 0 : i32
        %dma_start3A_385 = tpu.memref_slice %arg9[%add3A_310, %dma_start3A] : memref<128x64xf32, #tpu.memory_space<vmem>> -> memref<1x64xf32, #tpu.memory_space<vmem>>
        %dma_start3A_386 = arith.constant 0 : i32
        %dma_start3A_387 = tpu.memref_slice %arg4[%squeeze3A_306, %dma_start3A_386] : memref<450000x64xf32, #tpu.memory_space<hbm>> -> memref<1x64xf32, #tpu.memory_space<hbm>>
        %dma_start3A_388 = arith.constant 0 : i32
        %dma_start3A_389 = tpu.memref_slice %arg9[%add3A_310, %dma_start3A_388] : memref<128x64xf32, #tpu.memory_space<vmem>> -> memref<1x64xf32, #tpu.memory_space<vmem>>
        %dma_start3A_390 = arith.constant 0 : i32
        %dma_start3A_391 = tpu.memref_slice %arg4[%squeeze3A_306, %dma_start3A_390] : memref<450000x64xf32, #tpu.memory_space<hbm>> -> memref<1x64xf32, #tpu.memory_space<hbm>>
        tpu.enqueue_dma source(%dma_start3A_391 : memref<1x64xf32, #tpu.memory_space<hbm>>) target(%dma_start3A_389 : memref<1x64xf32, #tpu.memory_space<vmem>>) target_semaphore(%arg11 : memref<!tpu.dma_semaphore, #tpu.memory_space<semaphore_mem>>)
      } else {
      }
      %slice3A_325 = vector.extract_strided_slice %get3A_68 {offsets = [13], sizes = [1], strides = [1]} : vector<16xi32> to vector<1xi32>
      %squeeze3A_326 = vector.extract %slice3A_325[0] : i32 from vector<1xi32>
      %mul3A_327 = arith.constant 16 : i32
      %mul3A_328 = arith.muli %scan3A_63, %mul3A_327 : i32
      %add3A_329 = arith.constant 13 : i32
      %add3A_330 = arith.addi %mul3A_328, %add3A_329 : i32
      %slice3A_331 = vector.extract_strided_slice %get3A_70 {offsets = [13], sizes = [1], strides = [1]} : vector<16xi32> to vector<1xi32>
      %squeeze3A_332 = vector.extract %slice3A_331[0] : i32 from vector<1xi32>
      %ne3A_333 = arith.constant 0 : i32
      %ne3A_334 = arith.cmpi ne, %squeeze3A_332, %ne3A_333 : i32
      %convert_element_type3A_335 = arith.extui %ne3A_334 : i1 to i32
      %cond3A_336 = arith.constant 0 : i32
      %cond3A_337 = arith.cmpi ne, %convert_element_type3A_335, %cond3A_336 : i32
      scf.if %cond3A_337 {
        %dma_start3A = arith.constant 0 : i32
        %dma_start3A_385 = tpu.memref_slice %arg9[%add3A_330, %dma_start3A] : memref<128x64xf32, #tpu.memory_space<vmem>> -> memref<1x64xf32, #tpu.memory_space<vmem>>
        %dma_start3A_386 = arith.constant 0 : i32
        %dma_start3A_387 = tpu.memref_slice %arg3[%squeeze3A_326, %dma_start3A_386] : memref<50000x64xf32, #tpu.memory_space<hbm>> -> memref<1x64xf32, #tpu.memory_space<hbm>>
        %dma_start3A_388 = arith.constant 0 : i32
        %dma_start3A_389 = tpu.memref_slice %arg9[%add3A_330, %dma_start3A_388] : memref<128x64xf32, #tpu.memory_space<vmem>> -> memref<1x64xf32, #tpu.memory_space<vmem>>
        %dma_start3A_390 = arith.constant 0 : i32
        %dma_start3A_391 = tpu.memref_slice %arg3[%squeeze3A_326, %dma_start3A_390] : memref<50000x64xf32, #tpu.memory_space<hbm>> -> memref<1x64xf32, #tpu.memory_space<hbm>>
        tpu.enqueue_dma source(%dma_start3A_391 : memref<1x64xf32, #tpu.memory_space<hbm>>) target(%dma_start3A_389 : memref<1x64xf32, #tpu.memory_space<vmem>>) target_semaphore(%arg11 : memref<!tpu.dma_semaphore, #tpu.memory_space<semaphore_mem>>)
      } else {
      }
      %slice3A_338 = vector.extract_strided_slice %get3A_70 {offsets = [13], sizes = [1], strides = [1]} : vector<16xi32> to vector<1xi32>
      %squeeze3A_339 = vector.extract %slice3A_338[0] : i32 from vector<1xi32>
      %eq3A_340 = arith.constant 0 : i32
      %eq3A_341 = arith.cmpi eq, %squeeze3A_339, %eq3A_340 : i32
      %convert_element_type3A_342 = arith.extui %eq3A_341 : i1 to i32
      %cond3A_343 = arith.constant 0 : i32
      %cond3A_344 = arith.cmpi ne, %convert_element_type3A_342, %cond3A_343 : i32
      scf.if %cond3A_344 {
        %dma_start3A = arith.constant 0 : i32
        %dma_start3A_385 = tpu.memref_slice %arg9[%add3A_330, %dma_start3A] : memref<128x64xf32, #tpu.memory_space<vmem>> -> memref<1x64xf32, #tpu.memory_space<vmem>>
        %dma_start3A_386 = arith.constant 0 : i32
        %dma_start3A_387 = tpu.memref_slice %arg4[%squeeze3A_326, %dma_start3A_386] : memref<450000x64xf32, #tpu.memory_space<hbm>> -> memref<1x64xf32, #tpu.memory_space<hbm>>
        %dma_start3A_388 = arith.constant 0 : i32
        %dma_start3A_389 = tpu.memref_slice %arg9[%add3A_330, %dma_start3A_388] : memref<128x64xf32, #tpu.memory_space<vmem>> -> memref<1x64xf32, #tpu.memory_space<vmem>>
        %dma_start3A_390 = arith.constant 0 : i32
        %dma_start3A_391 = tpu.memref_slice %arg4[%squeeze3A_326, %dma_start3A_390] : memref<450000x64xf32, #tpu.memory_space<hbm>> -> memref<1x64xf32, #tpu.memory_space<hbm>>
        tpu.enqueue_dma source(%dma_start3A_391 : memref<1x64xf32, #tpu.memory_space<hbm>>) target(%dma_start3A_389 : memref<1x64xf32, #tpu.memory_space<vmem>>) target_semaphore(%arg11 : memref<!tpu.dma_semaphore, #tpu.memory_space<semaphore_mem>>)
      } else {
      }
      %slice3A_345 = vector.extract_strided_slice %get3A_68 {offsets = [14], sizes = [1], strides = [1]} : vector<16xi32> to vector<1xi32>
      %squeeze3A_346 = vector.extract %slice3A_345[0] : i32 from vector<1xi32>
      %mul3A_347 = arith.constant 16 : i32
      %mul3A_348 = arith.muli %scan3A_63, %mul3A_347 : i32
      %add3A_349 = arith.constant 14 : i32
      %add3A_350 = arith.addi %mul3A_348, %add3A_349 : i32
      %slice3A_351 = vector.extract_strided_slice %get3A_70 {offsets = [14], sizes = [1], strides = [1]} : vector<16xi32> to vector<1xi32>
      %squeeze3A_352 = vector.extract %slice3A_351[0] : i32 from vector<1xi32>
      %ne3A_353 = arith.constant 0 : i32
      %ne3A_354 = arith.cmpi ne, %squeeze3A_352, %ne3A_353 : i32
      %convert_element_type3A_355 = arith.extui %ne3A_354 : i1 to i32
      %cond3A_356 = arith.constant 0 : i32
      %cond3A_357 = arith.cmpi ne, %convert_element_type3A_355, %cond3A_356 : i32
      scf.if %cond3A_357 {
        %dma_start3A = arith.constant 0 : i32
        %dma_start3A_385 = tpu.memref_slice %arg9[%add3A_350, %dma_start3A] : memref<128x64xf32, #tpu.memory_space<vmem>> -> memref<1x64xf32, #tpu.memory_space<vmem>>
        %dma_start3A_386 = arith.constant 0 : i32
        %dma_start3A_387 = tpu.memref_slice %arg3[%squeeze3A_346, %dma_start3A_386] : memref<50000x64xf32, #tpu.memory_space<hbm>> -> memref<1x64xf32, #tpu.memory_space<hbm>>
        %dma_start3A_388 = arith.constant 0 : i32
        %dma_start3A_389 = tpu.memref_slice %arg9[%add3A_350, %dma_start3A_388] : memref<128x64xf32, #tpu.memory_space<vmem>> -> memref<1x64xf32, #tpu.memory_space<vmem>>
        %dma_start3A_390 = arith.constant 0 : i32
        %dma_start3A_391 = tpu.memref_slice %arg3[%squeeze3A_346, %dma_start3A_390] : memref<50000x64xf32, #tpu.memory_space<hbm>> -> memref<1x64xf32, #tpu.memory_space<hbm>>
        tpu.enqueue_dma source(%dma_start3A_391 : memref<1x64xf32, #tpu.memory_space<hbm>>) target(%dma_start3A_389 : memref<1x64xf32, #tpu.memory_space<vmem>>) target_semaphore(%arg11 : memref<!tpu.dma_semaphore, #tpu.memory_space<semaphore_mem>>)
      } else {
      }
      %slice3A_358 = vector.extract_strided_slice %get3A_70 {offsets = [14], sizes = [1], strides = [1]} : vector<16xi32> to vector<1xi32>
      %squeeze3A_359 = vector.extract %slice3A_358[0] : i32 from vector<1xi32>
      %eq3A_360 = arith.constant 0 : i32
      %eq3A_361 = arith.cmpi eq, %squeeze3A_359, %eq3A_360 : i32
      %convert_element_type3A_362 = arith.extui %eq3A_361 : i1 to i32
      %cond3A_363 = arith.constant 0 : i32
      %cond3A_364 = arith.cmpi ne, %convert_element_type3A_362, %cond3A_363 : i32
      scf.if %cond3A_364 {
        %dma_start3A = arith.constant 0 : i32
        %dma_start3A_385 = tpu.memref_slice %arg9[%add3A_350, %dma_start3A] : memref<128x64xf32, #tpu.memory_space<vmem>> -> memref<1x64xf32, #tpu.memory_space<vmem>>
        %dma_start3A_386 = arith.constant 0 : i32
        %dma_start3A_387 = tpu.memref_slice %arg4[%squeeze3A_346, %dma_start3A_386] : memref<450000x64xf32, #tpu.memory_space<hbm>> -> memref<1x64xf32, #tpu.memory_space<hbm>>
        %dma_start3A_388 = arith.constant 0 : i32
        %dma_start3A_389 = tpu.memref_slice %arg9[%add3A_350, %dma_start3A_388] : memref<128x64xf32, #tpu.memory_space<vmem>> -> memref<1x64xf32, #tpu.memory_space<vmem>>
        %dma_start3A_390 = arith.constant 0 : i32
        %dma_start3A_391 = tpu.memref_slice %arg4[%squeeze3A_346, %dma_start3A_390] : memref<450000x64xf32, #tpu.memory_space<hbm>> -> memref<1x64xf32, #tpu.memory_space<hbm>>
        tpu.enqueue_dma source(%dma_start3A_391 : memref<1x64xf32, #tpu.memory_space<hbm>>) target(%dma_start3A_389 : memref<1x64xf32, #tpu.memory_space<vmem>>) target_semaphore(%arg11 : memref<!tpu.dma_semaphore, #tpu.memory_space<semaphore_mem>>)
      } else {
      }
      %slice3A_365 = vector.extract_strided_slice %get3A_68 {offsets = [15], sizes = [1], strides = [1]} : vector<16xi32> to vector<1xi32>
      %squeeze3A_366 = vector.extract %slice3A_365[0] : i32 from vector<1xi32>
      %mul3A_367 = arith.constant 16 : i32
      %mul3A_368 = arith.muli %scan3A_63, %mul3A_367 : i32
      %add3A_369 = arith.constant 15 : i32
      %add3A_370 = arith.addi %mul3A_368, %add3A_369 : i32
      %slice3A_371 = vector.extract_strided_slice %get3A_70 {offsets = [15], sizes = [1], strides = [1]} : vector<16xi32> to vector<1xi32>
      %squeeze3A_372 = vector.extract %slice3A_371[0] : i32 from vector<1xi32>
      %ne3A_373 = arith.constant 0 : i32
      %ne3A_374 = arith.cmpi ne, %squeeze3A_372, %ne3A_373 : i32
      %convert_element_type3A_375 = arith.extui %ne3A_374 : i1 to i32
      %cond3A_376 = arith.constant 0 : i32
      %cond3A_377 = arith.cmpi ne, %convert_element_type3A_375, %cond3A_376 : i32
      scf.if %cond3A_377 {
        %dma_start3A = arith.constant 0 : i32
        %dma_start3A_385 = tpu.memref_slice %arg9[%add3A_370, %dma_start3A] : memref<128x64xf32, #tpu.memory_space<vmem>> -> memref<1x64xf32, #tpu.memory_space<vmem>>
        %dma_start3A_386 = arith.constant 0 : i32
        %dma_start3A_387 = tpu.memref_slice %arg3[%squeeze3A_366, %dma_start3A_386] : memref<50000x64xf32, #tpu.memory_space<hbm>> -> memref<1x64xf32, #tpu.memory_space<hbm>>
        %dma_start3A_388 = arith.constant 0 : i32
        %dma_start3A_389 = tpu.memref_slice %arg9[%add3A_370, %dma_start3A_388] : memref<128x64xf32, #tpu.memory_space<vmem>> -> memref<1x64xf32, #tpu.memory_space<vmem>>
        %dma_start3A_390 = arith.constant 0 : i32
        %dma_start3A_391 = tpu.memref_slice %arg3[%squeeze3A_366, %dma_start3A_390] : memref<50000x64xf32, #tpu.memory_space<hbm>> -> memref<1x64xf32, #tpu.memory_space<hbm>>
        tpu.enqueue_dma source(%dma_start3A_391 : memref<1x64xf32, #tpu.memory_space<hbm>>) target(%dma_start3A_389 : memref<1x64xf32, #tpu.memory_space<vmem>>) target_semaphore(%arg11 : memref<!tpu.dma_semaphore, #tpu.memory_space<semaphore_mem>>)
      } else {
      }
      %slice3A_378 = vector.extract_strided_slice %get3A_70 {offsets = [15], sizes = [1], strides = [1]} : vector<16xi32> to vector<1xi32>
      %squeeze3A_379 = vector.extract %slice3A_378[0] : i32 from vector<1xi32>
      %eq3A_380 = arith.constant 0 : i32
      %eq3A_381 = arith.cmpi eq, %squeeze3A_379, %eq3A_380 : i32
      %convert_element_type3A_382 = arith.extui %eq3A_381 : i1 to i32
      %cond3A_383 = arith.constant 0 : i32
      %cond3A_384 = arith.cmpi ne, %convert_element_type3A_382, %cond3A_383 : i32
      scf.if %cond3A_384 {
        %dma_start3A = arith.constant 0 : i32
        %dma_start3A_385 = tpu.memref_slice %arg9[%add3A_370, %dma_start3A] : memref<128x64xf32, #tpu.memory_space<vmem>> -> memref<1x64xf32, #tpu.memory_space<vmem>>
        %dma_start3A_386 = arith.constant 0 : i32
        %dma_start3A_387 = tpu.memref_slice %arg4[%squeeze3A_366, %dma_start3A_386] : memref<450000x64xf32, #tpu.memory_space<hbm>> -> memref<1x64xf32, #tpu.memory_space<hbm>>
        %dma_start3A_388 = arith.constant 0 : i32
        %dma_start3A_389 = tpu.memref_slice %arg9[%add3A_370, %dma_start3A_388] : memref<128x64xf32, #tpu.memory_space<vmem>> -> memref<1x64xf32, #tpu.memory_space<vmem>>
        %dma_start3A_390 = arith.constant 0 : i32
        %dma_start3A_391 = tpu.memref_slice %arg4[%squeeze3A_366, %dma_start3A_390] : memref<450000x64xf32, #tpu.memory_space<hbm>> -> memref<1x64xf32, #tpu.memory_space<hbm>>
        tpu.enqueue_dma source(%dma_start3A_391 : memref<1x64xf32, #tpu.memory_space<hbm>>) target(%dma_start3A_389 : memref<1x64xf32, #tpu.memory_space<vmem>>) target_semaphore(%arg11 : memref<!tpu.dma_semaphore, #tpu.memory_space<semaphore_mem>>)
      } else {
      }
    }
    %scan3A_32 = arith.constant 8 : i32
    %dma_wait3A_33 = arith.constant 0 : i32
    %dma_wait3A_34 = arith.constant 0 : i32
    %dma_wait3A_35 = tpu.memref_slice %arg3[%dma_wait3A_33, %dma_wait3A_34] : memref<50000x64xf32, #tpu.memory_space<hbm>> -> memref<128x64xf32, #tpu.memory_space<hbm>>
    %dma_wait3A_36 = arith.constant 0 : i32
    %dma_wait3A_37 = arith.constant 0 : i32
    %dma_wait3A_38 = tpu.memref_slice %arg3[%dma_wait3A_36, %dma_wait3A_37] : memref<50000x64xf32, #tpu.memory_space<hbm>> -> memref<128x64xf32, #tpu.memory_space<hbm>>
    tpu.wait_dma2 semaphore(%arg12 : memref<!tpu.dma_semaphore, #tpu.memory_space<semaphore_mem>>) src(%dma_wait3A_38 : memref<128x64xf32, #tpu.memory_space<hbm>>) dst(%arg10 : memref<128x64xf32, #tpu.memory_space<vmem>>)
    %add3A_39 = arith.constant 128 : i32
    %add3A_40 = arith.addi %mul3A_2, %add3A_39 : i32
    "tpu.region"() ({
      %run_scoped3A = tpu.sem_alloc : memref<!tpu.dma_semaphore, #tpu.memory_space<semaphore_mem>>
      %dma_start3A = arith.constant 0 : i32
      %dma_start3A_63 = tpu.memref_slice %arg5[%add3A_40, %dma_start3A] : memref<16384x64xf32, #tpu.memory_space<hbm>> -> memref<128x64xf32, #tpu.memory_space<hbm>>
      %dma_start3A_64 = arith.constant 0 : i32
      %dma_start3A_65 = tpu.memref_slice %arg5[%add3A_40, %dma_start3A_64] : memref<16384x64xf32, #tpu.memory_space<hbm>> -> memref<128x64xf32, #tpu.memory_space<hbm>>
      tpu.enqueue_dma source(%arg10 : memref<128x64xf32, #tpu.memory_space<vmem>>) target(%dma_start3A_65 : memref<128x64xf32, #tpu.memory_space<hbm>>) target_semaphore(%run_scoped3A : memref<!tpu.dma_semaphore, #tpu.memory_space<semaphore_mem>>)
      %dma_wait3A_66 = arith.constant 0 : i32
      %dma_wait3A_67 = tpu.memref_slice %arg5[%add3A_40, %dma_wait3A_66] : memref<16384x64xf32, #tpu.memory_space<hbm>> -> memref<128x64xf32, #tpu.memory_space<hbm>>
      %dma_wait3A_68 = arith.constant 0 : i32
      %dma_wait3A_69 = tpu.memref_slice %arg5[%add3A_40, %dma_wait3A_68] : memref<16384x64xf32, #tpu.memory_space<hbm>> -> memref<128x64xf32, #tpu.memory_space<hbm>>
      tpu.wait_dma2 semaphore(%run_scoped3A : memref<!tpu.dma_semaphore, #tpu.memory_space<semaphore_mem>>) src(%arg10 : memref<128x64xf32, #tpu.memory_space<vmem>>) dst(%dma_wait3A_69 : memref<128x64xf32, #tpu.memory_space<hbm>>)
      tpu.yield
    }) : () -> ()
    %scan3A_41 = arith.constant 0 : i32
    %scan3A_42 = arith.constant 0 : i32
    %scan3A_43 = arith.constant 8 : i32
    %scan3A_44 = arith.addi %scan3A_42, %scan3A_43 : i32
    %scan3A_45 = arith.constant 1 : i32
    scf.for %scan3A_63 = %scan3A_42 to %scan3A_44 step %scan3A_45  : i32 {
      %mul3A_64 = arith.constant 16 : i32
      %mul3A_65 = arith.muli %scan3A_63, %mul3A_64 : i32
      %add3A_66 = arith.constant 384 : i32
      %add3A_67 = arith.addi %add3A_66, %mul3A_65 : i32
      %get3A = arith.index_cast %add3A_67 : i32 to index
      %get3A_68 = tpu.vector_load %arg7[%get3A] {strides = array<i32>} : memref<512xi32, #tpu.memory_space<vmem>>, vector<16xi32>,
      %get3A_69 = arith.index_cast %add3A_67 : i32 to index
      %get3A_70 = tpu.vector_load %arg8[%get3A_69] {strides = array<i32>} : memref<512xi32, #tpu.memory_space<vmem>>, vector<16xi32>,
      %slice3A = vector.extract_strided_slice %get3A_68 {offsets = [0], sizes = [1], strides = [1]} : vector<16xi32> to vector<1xi32>
      %squeeze3A = vector.extract %slice3A[0] : i32 from vector<1xi32>
      %mul3A_71 = arith.constant 16 : i32
      %mul3A_72 = arith.muli %scan3A_63, %mul3A_71 : i32
      %add3A_73 = arith.constant 0 : i32
      %add3A_74 = arith.addi %mul3A_72, %add3A_73 : i32
      %slice3A_75 = vector.extract_strided_slice %get3A_70 {offsets = [0], sizes = [1], strides = [1]} : vector<16xi32> to vector<1xi32>
      %squeeze3A_76 = vector.extract %slice3A_75[0] : i32 from vector<1xi32>
      %ne3A = arith.constant 0 : i32
      %ne3A_77 = arith.cmpi ne, %squeeze3A_76, %ne3A : i32
      %convert_element_type3A = arith.extui %ne3A_77 : i1 to i32
      %cond3A = arith.constant 0 : i32
      %cond3A_78 = arith.cmpi ne, %convert_element_type3A, %cond3A : i32
      scf.if %cond3A_78 {
        %dma_start3A = arith.constant 0 : i32
        %dma_start3A_385 = tpu.memref_slice %arg10[%add3A_74, %dma_start3A] : memref<128x64xf32, #tpu.memory_space<vmem>> -> memref<1x64xf32, #tpu.memory_space<vmem>>
        %dma_start3A_386 = arith.constant 0 : i32
        %dma_start3A_387 = tpu.memref_slice %arg3[%squeeze3A, %dma_start3A_386] : memref<50000x64xf32, #tpu.memory_space<hbm>> -> memref<1x64xf32, #tpu.memory_space<hbm>>
        %dma_start3A_388 = arith.constant 0 : i32
        %dma_start3A_389 = tpu.memref_slice %arg10[%add3A_74, %dma_start3A_388] : memref<128x64xf32, #tpu.memory_space<vmem>> -> memref<1x64xf32, #tpu.memory_space<vmem>>
        %dma_start3A_390 = arith.constant 0 : i32
        %dma_start3A_391 = tpu.memref_slice %arg3[%squeeze3A, %dma_start3A_390] : memref<50000x64xf32, #tpu.memory_space<hbm>> -> memref<1x64xf32, #tpu.memory_space<hbm>>
        tpu.enqueue_dma source(%dma_start3A_391 : memref<1x64xf32, #tpu.memory_space<hbm>>) target(%dma_start3A_389 : memref<1x64xf32, #tpu.memory_space<vmem>>) target_semaphore(%arg12 : memref<!tpu.dma_semaphore, #tpu.memory_space<semaphore_mem>>)
      } else {
      }
      %slice3A_79 = vector.extract_strided_slice %get3A_70 {offsets = [0], sizes = [1], strides = [1]} : vector<16xi32> to vector<1xi32>
      %squeeze3A_80 = vector.extract %slice3A_79[0] : i32 from vector<1xi32>
      %eq3A = arith.constant 0 : i32
      %eq3A_81 = arith.cmpi eq, %squeeze3A_80, %eq3A : i32
      %convert_element_type3A_82 = arith.extui %eq3A_81 : i1 to i32
      %cond3A_83 = arith.constant 0 : i32
      %cond3A_84 = arith.cmpi ne, %convert_element_type3A_82, %cond3A_83 : i32
      scf.if %cond3A_84 {
        %dma_start3A = arith.constant 0 : i32
        %dma_start3A_385 = tpu.memref_slice %arg10[%add3A_74, %dma_start3A] : memref<128x64xf32, #tpu.memory_space<vmem>> -> memref<1x64xf32, #tpu.memory_space<vmem>>
        %dma_start3A_386 = arith.constant 0 : i32
        %dma_start3A_387 = tpu.memref_slice %arg4[%squeeze3A, %dma_start3A_386] : memref<450000x64xf32, #tpu.memory_space<hbm>> -> memref<1x64xf32, #tpu.memory_space<hbm>>
        %dma_start3A_388 = arith.constant 0 : i32
        %dma_start3A_389 = tpu.memref_slice %arg10[%add3A_74, %dma_start3A_388] : memref<128x64xf32, #tpu.memory_space<vmem>> -> memref<1x64xf32, #tpu.memory_space<vmem>>
        %dma_start3A_390 = arith.constant 0 : i32
        %dma_start3A_391 = tpu.memref_slice %arg4[%squeeze3A, %dma_start3A_390] : memref<450000x64xf32, #tpu.memory_space<hbm>> -> memref<1x64xf32, #tpu.memory_space<hbm>>
        tpu.enqueue_dma source(%dma_start3A_391 : memref<1x64xf32, #tpu.memory_space<hbm>>) target(%dma_start3A_389 : memref<1x64xf32, #tpu.memory_space<vmem>>) target_semaphore(%arg12 : memref<!tpu.dma_semaphore, #tpu.memory_space<semaphore_mem>>)
      } else {
      }
      %slice3A_85 = vector.extract_strided_slice %get3A_68 {offsets = [1], sizes = [1], strides = [1]} : vector<16xi32> to vector<1xi32>
      %squeeze3A_86 = vector.extract %slice3A_85[0] : i32 from vector<1xi32>
      %mul3A_87 = arith.constant 16 : i32
      %mul3A_88 = arith.muli %scan3A_63, %mul3A_87 : i32
      %add3A_89 = arith.constant 1 : i32
      %add3A_90 = arith.addi %mul3A_88, %add3A_89 : i32
      %slice3A_91 = vector.extract_strided_slice %get3A_70 {offsets = [1], sizes = [1], strides = [1]} : vector<16xi32> to vector<1xi32>
      %squeeze3A_92 = vector.extract %slice3A_91[0] : i32 from vector<1xi32>
      %ne3A_93 = arith.constant 0 : i32
      %ne3A_94 = arith.cmpi ne, %squeeze3A_92, %ne3A_93 : i32
      %convert_element_type3A_95 = arith.extui %ne3A_94 : i1 to i32
      %cond3A_96 = arith.constant 0 : i32
      %cond3A_97 = arith.cmpi ne, %convert_element_type3A_95, %cond3A_96 : i32
      scf.if %cond3A_97 {
        %dma_start3A = arith.constant 0 : i32
        %dma_start3A_385 = tpu.memref_slice %arg10[%add3A_90, %dma_start3A] : memref<128x64xf32, #tpu.memory_space<vmem>> -> memref<1x64xf32, #tpu.memory_space<vmem>>
        %dma_start3A_386 = arith.constant 0 : i32
        %dma_start3A_387 = tpu.memref_slice %arg3[%squeeze3A_86, %dma_start3A_386] : memref<50000x64xf32, #tpu.memory_space<hbm>> -> memref<1x64xf32, #tpu.memory_space<hbm>>
        %dma_start3A_388 = arith.constant 0 : i32
        %dma_start3A_389 = tpu.memref_slice %arg10[%add3A_90, %dma_start3A_388] : memref<128x64xf32, #tpu.memory_space<vmem>> -> memref<1x64xf32, #tpu.memory_space<vmem>>
        %dma_start3A_390 = arith.constant 0 : i32
        %dma_start3A_391 = tpu.memref_slice %arg3[%squeeze3A_86, %dma_start3A_390] : memref<50000x64xf32, #tpu.memory_space<hbm>> -> memref<1x64xf32, #tpu.memory_space<hbm>>
        tpu.enqueue_dma source(%dma_start3A_391 : memref<1x64xf32, #tpu.memory_space<hbm>>) target(%dma_start3A_389 : memref<1x64xf32, #tpu.memory_space<vmem>>) target_semaphore(%arg12 : memref<!tpu.dma_semaphore, #tpu.memory_space<semaphore_mem>>)
      } else {
      }
      %slice3A_98 = vector.extract_strided_slice %get3A_70 {offsets = [1], sizes = [1], strides = [1]} : vector<16xi32> to vector<1xi32>
      %squeeze3A_99 = vector.extract %slice3A_98[0] : i32 from vector<1xi32>
      %eq3A_100 = arith.constant 0 : i32
      %eq3A_101 = arith.cmpi eq, %squeeze3A_99, %eq3A_100 : i32
      %convert_element_type3A_102 = arith.extui %eq3A_101 : i1 to i32
      %cond3A_103 = arith.constant 0 : i32
      %cond3A_104 = arith.cmpi ne, %convert_element_type3A_102, %cond3A_103 : i32
      scf.if %cond3A_104 {
        %dma_start3A = arith.constant 0 : i32
        %dma_start3A_385 = tpu.memref_slice %arg10[%add3A_90, %dma_start3A] : memref<128x64xf32, #tpu.memory_space<vmem>> -> memref<1x64xf32, #tpu.memory_space<vmem>>
        %dma_start3A_386 = arith.constant 0 : i32
        %dma_start3A_387 = tpu.memref_slice %arg4[%squeeze3A_86, %dma_start3A_386] : memref<450000x64xf32, #tpu.memory_space<hbm>> -> memref<1x64xf32, #tpu.memory_space<hbm>>
        %dma_start3A_388 = arith.constant 0 : i32
        %dma_start3A_389 = tpu.memref_slice %arg10[%add3A_90, %dma_start3A_388] : memref<128x64xf32, #tpu.memory_space<vmem>> -> memref<1x64xf32, #tpu.memory_space<vmem>>
        %dma_start3A_390 = arith.constant 0 : i32
        %dma_start3A_391 = tpu.memref_slice %arg4[%squeeze3A_86, %dma_start3A_390] : memref<450000x64xf32, #tpu.memory_space<hbm>> -> memref<1x64xf32, #tpu.memory_space<hbm>>
        tpu.enqueue_dma source(%dma_start3A_391 : memref<1x64xf32, #tpu.memory_space<hbm>>) target(%dma_start3A_389 : memref<1x64xf32, #tpu.memory_space<vmem>>) target_semaphore(%arg12 : memref<!tpu.dma_semaphore, #tpu.memory_space<semaphore_mem>>)
      } else {
      }
      %slice3A_105 = vector.extract_strided_slice %get3A_68 {offsets = [2], sizes = [1], strides = [1]} : vector<16xi32> to vector<1xi32>
      %squeeze3A_106 = vector.extract %slice3A_105[0] : i32 from vector<1xi32>
      %mul3A_107 = arith.constant 16 : i32
      %mul3A_108 = arith.muli %scan3A_63, %mul3A_107 : i32
      %add3A_109 = arith.constant 2 : i32
      %add3A_110 = arith.addi %mul3A_108, %add3A_109 : i32
      %slice3A_111 = vector.extract_strided_slice %get3A_70 {offsets = [2], sizes = [1], strides = [1]} : vector<16xi32> to vector<1xi32>
      %squeeze3A_112 = vector.extract %slice3A_111[0] : i32 from vector<1xi32>
      %ne3A_113 = arith.constant 0 : i32
      %ne3A_114 = arith.cmpi ne, %squeeze3A_112, %ne3A_113 : i32
      %convert_element_type3A_115 = arith.extui %ne3A_114 : i1 to i32
      %cond3A_116 = arith.constant 0 : i32
      %cond3A_117 = arith.cmpi ne, %convert_element_type3A_115, %cond3A_116 : i32
      scf.if %cond3A_117 {
        %dma_start3A = arith.constant 0 : i32
        %dma_start3A_385 = tpu.memref_slice %arg10[%add3A_110, %dma_start3A] : memref<128x64xf32, #tpu.memory_space<vmem>> -> memref<1x64xf32, #tpu.memory_space<vmem>>
        %dma_start3A_386 = arith.constant 0 : i32
        %dma_start3A_387 = tpu.memref_slice %arg3[%squeeze3A_106, %dma_start3A_386] : memref<50000x64xf32, #tpu.memory_space<hbm>> -> memref<1x64xf32, #tpu.memory_space<hbm>>
        %dma_start3A_388 = arith.constant 0 : i32
        %dma_start3A_389 = tpu.memref_slice %arg10[%add3A_110, %dma_start3A_388] : memref<128x64xf32, #tpu.memory_space<vmem>> -> memref<1x64xf32, #tpu.memory_space<vmem>>
        %dma_start3A_390 = arith.constant 0 : i32
        %dma_start3A_391 = tpu.memref_slice %arg3[%squeeze3A_106, %dma_start3A_390] : memref<50000x64xf32, #tpu.memory_space<hbm>> -> memref<1x64xf32, #tpu.memory_space<hbm>>
        tpu.enqueue_dma source(%dma_start3A_391 : memref<1x64xf32, #tpu.memory_space<hbm>>) target(%dma_start3A_389 : memref<1x64xf32, #tpu.memory_space<vmem>>) target_semaphore(%arg12 : memref<!tpu.dma_semaphore, #tpu.memory_space<semaphore_mem>>)
      } else {
      }
      %slice3A_118 = vector.extract_strided_slice %get3A_70 {offsets = [2], sizes = [1], strides = [1]} : vector<16xi32> to vector<1xi32>
      %squeeze3A_119 = vector.extract %slice3A_118[0] : i32 from vector<1xi32>
      %eq3A_120 = arith.constant 0 : i32
      %eq3A_121 = arith.cmpi eq, %squeeze3A_119, %eq3A_120 : i32
      %convert_element_type3A_122 = arith.extui %eq3A_121 : i1 to i32
      %cond3A_123 = arith.constant 0 : i32
      %cond3A_124 = arith.cmpi ne, %convert_element_type3A_122, %cond3A_123 : i32
      scf.if %cond3A_124 {
        %dma_start3A = arith.constant 0 : i32
        %dma_start3A_385 = tpu.memref_slice %arg10[%add3A_110, %dma_start3A] : memref<128x64xf32, #tpu.memory_space<vmem>> -> memref<1x64xf32, #tpu.memory_space<vmem>>
        %dma_start3A_386 = arith.constant 0 : i32
        %dma_start3A_387 = tpu.memref_slice %arg4[%squeeze3A_106, %dma_start3A_386] : memref<450000x64xf32, #tpu.memory_space<hbm>> -> memref<1x64xf32, #tpu.memory_space<hbm>>
        %dma_start3A_388 = arith.constant 0 : i32
        %dma_start3A_389 = tpu.memref_slice %arg10[%add3A_110, %dma_start3A_388] : memref<128x64xf32, #tpu.memory_space<vmem>> -> memref<1x64xf32, #tpu.memory_space<vmem>>
        %dma_start3A_390 = arith.constant 0 : i32
        %dma_start3A_391 = tpu.memref_slice %arg4[%squeeze3A_106, %dma_start3A_390] : memref<450000x64xf32, #tpu.memory_space<hbm>> -> memref<1x64xf32, #tpu.memory_space<hbm>>
        tpu.enqueue_dma source(%dma_start3A_391 : memref<1x64xf32, #tpu.memory_space<hbm>>) target(%dma_start3A_389 : memref<1x64xf32, #tpu.memory_space<vmem>>) target_semaphore(%arg12 : memref<!tpu.dma_semaphore, #tpu.memory_space<semaphore_mem>>)
      } else {
      }
      %slice3A_125 = vector.extract_strided_slice %get3A_68 {offsets = [3], sizes = [1], strides = [1]} : vector<16xi32> to vector<1xi32>
      %squeeze3A_126 = vector.extract %slice3A_125[0] : i32 from vector<1xi32>
      %mul3A_127 = arith.constant 16 : i32
      %mul3A_128 = arith.muli %scan3A_63, %mul3A_127 : i32
      %add3A_129 = arith.constant 3 : i32
      %add3A_130 = arith.addi %mul3A_128, %add3A_129 : i32
      %slice3A_131 = vector.extract_strided_slice %get3A_70 {offsets = [3], sizes = [1], strides = [1]} : vector<16xi32> to vector<1xi32>
      %squeeze3A_132 = vector.extract %slice3A_131[0] : i32 from vector<1xi32>
      %ne3A_133 = arith.constant 0 : i32
      %ne3A_134 = arith.cmpi ne, %squeeze3A_132, %ne3A_133 : i32
      %convert_element_type3A_135 = arith.extui %ne3A_134 : i1 to i32
      %cond3A_136 = arith.constant 0 : i32
      %cond3A_137 = arith.cmpi ne, %convert_element_type3A_135, %cond3A_136 : i32
      scf.if %cond3A_137 {
        %dma_start3A = arith.constant 0 : i32
        %dma_start3A_385 = tpu.memref_slice %arg10[%add3A_130, %dma_start3A] : memref<128x64xf32, #tpu.memory_space<vmem>> -> memref<1x64xf32, #tpu.memory_space<vmem>>
        %dma_start3A_386 = arith.constant 0 : i32
        %dma_start3A_387 = tpu.memref_slice %arg3[%squeeze3A_126, %dma_start3A_386] : memref<50000x64xf32, #tpu.memory_space<hbm>> -> memref<1x64xf32, #tpu.memory_space<hbm>>
        %dma_start3A_388 = arith.constant 0 : i32
        %dma_start3A_389 = tpu.memref_slice %arg10[%add3A_130, %dma_start3A_388] : memref<128x64xf32, #tpu.memory_space<vmem>> -> memref<1x64xf32, #tpu.memory_space<vmem>>
        %dma_start3A_390 = arith.constant 0 : i32
        %dma_start3A_391 = tpu.memref_slice %arg3[%squeeze3A_126, %dma_start3A_390] : memref<50000x64xf32, #tpu.memory_space<hbm>> -> memref<1x64xf32, #tpu.memory_space<hbm>>
        tpu.enqueue_dma source(%dma_start3A_391 : memref<1x64xf32, #tpu.memory_space<hbm>>) target(%dma_start3A_389 : memref<1x64xf32, #tpu.memory_space<vmem>>) target_semaphore(%arg12 : memref<!tpu.dma_semaphore, #tpu.memory_space<semaphore_mem>>)
      } else {
      }
      %slice3A_138 = vector.extract_strided_slice %get3A_70 {offsets = [3], sizes = [1], strides = [1]} : vector<16xi32> to vector<1xi32>
      %squeeze3A_139 = vector.extract %slice3A_138[0] : i32 from vector<1xi32>
      %eq3A_140 = arith.constant 0 : i32
      %eq3A_141 = arith.cmpi eq, %squeeze3A_139, %eq3A_140 : i32
      %convert_element_type3A_142 = arith.extui %eq3A_141 : i1 to i32
      %cond3A_143 = arith.constant 0 : i32
      %cond3A_144 = arith.cmpi ne, %convert_element_type3A_142, %cond3A_143 : i32
      scf.if %cond3A_144 {
        %dma_start3A = arith.constant 0 : i32
        %dma_start3A_385 = tpu.memref_slice %arg10[%add3A_130, %dma_start3A] : memref<128x64xf32, #tpu.memory_space<vmem>> -> memref<1x64xf32, #tpu.memory_space<vmem>>
        %dma_start3A_386 = arith.constant 0 : i32
        %dma_start3A_387 = tpu.memref_slice %arg4[%squeeze3A_126, %dma_start3A_386] : memref<450000x64xf32, #tpu.memory_space<hbm>> -> memref<1x64xf32, #tpu.memory_space<hbm>>
        %dma_start3A_388 = arith.constant 0 : i32
        %dma_start3A_389 = tpu.memref_slice %arg10[%add3A_130, %dma_start3A_388] : memref<128x64xf32, #tpu.memory_space<vmem>> -> memref<1x64xf32, #tpu.memory_space<vmem>>
        %dma_start3A_390 = arith.constant 0 : i32
        %dma_start3A_391 = tpu.memref_slice %arg4[%squeeze3A_126, %dma_start3A_390] : memref<450000x64xf32, #tpu.memory_space<hbm>> -> memref<1x64xf32, #tpu.memory_space<hbm>>
        tpu.enqueue_dma source(%dma_start3A_391 : memref<1x64xf32, #tpu.memory_space<hbm>>) target(%dma_start3A_389 : memref<1x64xf32, #tpu.memory_space<vmem>>) target_semaphore(%arg12 : memref<!tpu.dma_semaphore, #tpu.memory_space<semaphore_mem>>)
      } else {
      }
      %slice3A_145 = vector.extract_strided_slice %get3A_68 {offsets = [4], sizes = [1], strides = [1]} : vector<16xi32> to vector<1xi32>
      %squeeze3A_146 = vector.extract %slice3A_145[0] : i32 from vector<1xi32>
      %mul3A_147 = arith.constant 16 : i32
      %mul3A_148 = arith.muli %scan3A_63, %mul3A_147 : i32
      %add3A_149 = arith.constant 4 : i32
      %add3A_150 = arith.addi %mul3A_148, %add3A_149 : i32
      %slice3A_151 = vector.extract_strided_slice %get3A_70 {offsets = [4], sizes = [1], strides = [1]} : vector<16xi32> to vector<1xi32>
      %squeeze3A_152 = vector.extract %slice3A_151[0] : i32 from vector<1xi32>
      %ne3A_153 = arith.constant 0 : i32
      %ne3A_154 = arith.cmpi ne, %squeeze3A_152, %ne3A_153 : i32
      %convert_element_type3A_155 = arith.extui %ne3A_154 : i1 to i32
      %cond3A_156 = arith.constant 0 : i32
      %cond3A_157 = arith.cmpi ne, %convert_element_type3A_155, %cond3A_156 : i32
      scf.if %cond3A_157 {
        %dma_start3A = arith.constant 0 : i32
        %dma_start3A_385 = tpu.memref_slice %arg10[%add3A_150, %dma_start3A] : memref<128x64xf32, #tpu.memory_space<vmem>> -> memref<1x64xf32, #tpu.memory_space<vmem>>
        %dma_start3A_386 = arith.constant 0 : i32
        %dma_start3A_387 = tpu.memref_slice %arg3[%squeeze3A_146, %dma_start3A_386] : memref<50000x64xf32, #tpu.memory_space<hbm>> -> memref<1x64xf32, #tpu.memory_space<hbm>>
        %dma_start3A_388 = arith.constant 0 : i32
        %dma_start3A_389 = tpu.memref_slice %arg10[%add3A_150, %dma_start3A_388] : memref<128x64xf32, #tpu.memory_space<vmem>> -> memref<1x64xf32, #tpu.memory_space<vmem>>
        %dma_start3A_390 = arith.constant 0 : i32
        %dma_start3A_391 = tpu.memref_slice %arg3[%squeeze3A_146, %dma_start3A_390] : memref<50000x64xf32, #tpu.memory_space<hbm>> -> memref<1x64xf32, #tpu.memory_space<hbm>>
        tpu.enqueue_dma source(%dma_start3A_391 : memref<1x64xf32, #tpu.memory_space<hbm>>) target(%dma_start3A_389 : memref<1x64xf32, #tpu.memory_space<vmem>>) target_semaphore(%arg12 : memref<!tpu.dma_semaphore, #tpu.memory_space<semaphore_mem>>)
      } else {
      }
      %slice3A_158 = vector.extract_strided_slice %get3A_70 {offsets = [4], sizes = [1], strides = [1]} : vector<16xi32> to vector<1xi32>
      %squeeze3A_159 = vector.extract %slice3A_158[0] : i32 from vector<1xi32>
      %eq3A_160 = arith.constant 0 : i32
      %eq3A_161 = arith.cmpi eq, %squeeze3A_159, %eq3A_160 : i32
      %convert_element_type3A_162 = arith.extui %eq3A_161 : i1 to i32
      %cond3A_163 = arith.constant 0 : i32
      %cond3A_164 = arith.cmpi ne, %convert_element_type3A_162, %cond3A_163 : i32
      scf.if %cond3A_164 {
        %dma_start3A = arith.constant 0 : i32
        %dma_start3A_385 = tpu.memref_slice %arg10[%add3A_150, %dma_start3A] : memref<128x64xf32, #tpu.memory_space<vmem>> -> memref<1x64xf32, #tpu.memory_space<vmem>>
        %dma_start3A_386 = arith.constant 0 : i32
        %dma_start3A_387 = tpu.memref_slice %arg4[%squeeze3A_146, %dma_start3A_386] : memref<450000x64xf32, #tpu.memory_space<hbm>> -> memref<1x64xf32, #tpu.memory_space<hbm>>
        %dma_start3A_388 = arith.constant 0 : i32
        %dma_start3A_389 = tpu.memref_slice %arg10[%add3A_150, %dma_start3A_388] : memref<128x64xf32, #tpu.memory_space<vmem>> -> memref<1x64xf32, #tpu.memory_space<vmem>>
        %dma_start3A_390 = arith.constant 0 : i32
        %dma_start3A_391 = tpu.memref_slice %arg4[%squeeze3A_146, %dma_start3A_390] : memref<450000x64xf32, #tpu.memory_space<hbm>> -> memref<1x64xf32, #tpu.memory_space<hbm>>
        tpu.enqueue_dma source(%dma_start3A_391 : memref<1x64xf32, #tpu.memory_space<hbm>>) target(%dma_start3A_389 : memref<1x64xf32, #tpu.memory_space<vmem>>) target_semaphore(%arg12 : memref<!tpu.dma_semaphore, #tpu.memory_space<semaphore_mem>>)
      } else {
      }
      %slice3A_165 = vector.extract_strided_slice %get3A_68 {offsets = [5], sizes = [1], strides = [1]} : vector<16xi32> to vector<1xi32>
      %squeeze3A_166 = vector.extract %slice3A_165[0] : i32 from vector<1xi32>
      %mul3A_167 = arith.constant 16 : i32
      %mul3A_168 = arith.muli %scan3A_63, %mul3A_167 : i32
      %add3A_169 = arith.constant 5 : i32
      %add3A_170 = arith.addi %mul3A_168, %add3A_169 : i32
      %slice3A_171 = vector.extract_strided_slice %get3A_70 {offsets = [5], sizes = [1], strides = [1]} : vector<16xi32> to vector<1xi32>
      %squeeze3A_172 = vector.extract %slice3A_171[0] : i32 from vector<1xi32>
      %ne3A_173 = arith.constant 0 : i32
      %ne3A_174 = arith.cmpi ne, %squeeze3A_172, %ne3A_173 : i32
      %convert_element_type3A_175 = arith.extui %ne3A_174 : i1 to i32
      %cond3A_176 = arith.constant 0 : i32
      %cond3A_177 = arith.cmpi ne, %convert_element_type3A_175, %cond3A_176 : i32
      scf.if %cond3A_177 {
        %dma_start3A = arith.constant 0 : i32
        %dma_start3A_385 = tpu.memref_slice %arg10[%add3A_170, %dma_start3A] : memref<128x64xf32, #tpu.memory_space<vmem>> -> memref<1x64xf32, #tpu.memory_space<vmem>>
        %dma_start3A_386 = arith.constant 0 : i32
        %dma_start3A_387 = tpu.memref_slice %arg3[%squeeze3A_166, %dma_start3A_386] : memref<50000x64xf32, #tpu.memory_space<hbm>> -> memref<1x64xf32, #tpu.memory_space<hbm>>
        %dma_start3A_388 = arith.constant 0 : i32
        %dma_start3A_389 = tpu.memref_slice %arg10[%add3A_170, %dma_start3A_388] : memref<128x64xf32, #tpu.memory_space<vmem>> -> memref<1x64xf32, #tpu.memory_space<vmem>>
        %dma_start3A_390 = arith.constant 0 : i32
        %dma_start3A_391 = tpu.memref_slice %arg3[%squeeze3A_166, %dma_start3A_390] : memref<50000x64xf32, #tpu.memory_space<hbm>> -> memref<1x64xf32, #tpu.memory_space<hbm>>
        tpu.enqueue_dma source(%dma_start3A_391 : memref<1x64xf32, #tpu.memory_space<hbm>>) target(%dma_start3A_389 : memref<1x64xf32, #tpu.memory_space<vmem>>) target_semaphore(%arg12 : memref<!tpu.dma_semaphore, #tpu.memory_space<semaphore_mem>>)
      } else {
      }
      %slice3A_178 = vector.extract_strided_slice %get3A_70 {offsets = [5], sizes = [1], strides = [1]} : vector<16xi32> to vector<1xi32>
      %squeeze3A_179 = vector.extract %slice3A_178[0] : i32 from vector<1xi32>
      %eq3A_180 = arith.constant 0 : i32
      %eq3A_181 = arith.cmpi eq, %squeeze3A_179, %eq3A_180 : i32
      %convert_element_type3A_182 = arith.extui %eq3A_181 : i1 to i32
      %cond3A_183 = arith.constant 0 : i32
      %cond3A_184 = arith.cmpi ne, %convert_element_type3A_182, %cond3A_183 : i32
      scf.if %cond3A_184 {
        %dma_start3A = arith.constant 0 : i32
        %dma_start3A_385 = tpu.memref_slice %arg10[%add3A_170, %dma_start3A] : memref<128x64xf32, #tpu.memory_space<vmem>> -> memref<1x64xf32, #tpu.memory_space<vmem>>
        %dma_start3A_386 = arith.constant 0 : i32
        %dma_start3A_387 = tpu.memref_slice %arg4[%squeeze3A_166, %dma_start3A_386] : memref<450000x64xf32, #tpu.memory_space<hbm>> -> memref<1x64xf32, #tpu.memory_space<hbm>>
        %dma_start3A_388 = arith.constant 0 : i32
        %dma_start3A_389 = tpu.memref_slice %arg10[%add3A_170, %dma_start3A_388] : memref<128x64xf32, #tpu.memory_space<vmem>> -> memref<1x64xf32, #tpu.memory_space<vmem>>
        %dma_start3A_390 = arith.constant 0 : i32
        %dma_start3A_391 = tpu.memref_slice %arg4[%squeeze3A_166, %dma_start3A_390] : memref<450000x64xf32, #tpu.memory_space<hbm>> -> memref<1x64xf32, #tpu.memory_space<hbm>>
        tpu.enqueue_dma source(%dma_start3A_391 : memref<1x64xf32, #tpu.memory_space<hbm>>) target(%dma_start3A_389 : memref<1x64xf32, #tpu.memory_space<vmem>>) target_semaphore(%arg12 : memref<!tpu.dma_semaphore, #tpu.memory_space<semaphore_mem>>)
      } else {
      }
      %slice3A_185 = vector.extract_strided_slice %get3A_68 {offsets = [6], sizes = [1], strides = [1]} : vector<16xi32> to vector<1xi32>
      %squeeze3A_186 = vector.extract %slice3A_185[0] : i32 from vector<1xi32>
      %mul3A_187 = arith.constant 16 : i32
      %mul3A_188 = arith.muli %scan3A_63, %mul3A_187 : i32
      %add3A_189 = arith.constant 6 : i32
      %add3A_190 = arith.addi %mul3A_188, %add3A_189 : i32
      %slice3A_191 = vector.extract_strided_slice %get3A_70 {offsets = [6], sizes = [1], strides = [1]} : vector<16xi32> to vector<1xi32>
      %squeeze3A_192 = vector.extract %slice3A_191[0] : i32 from vector<1xi32>
      %ne3A_193 = arith.constant 0 : i32
      %ne3A_194 = arith.cmpi ne, %squeeze3A_192, %ne3A_193 : i32
      %convert_element_type3A_195 = arith.extui %ne3A_194 : i1 to i32
      %cond3A_196 = arith.constant 0 : i32
      %cond3A_197 = arith.cmpi ne, %convert_element_type3A_195, %cond3A_196 : i32
      scf.if %cond3A_197 {
        %dma_start3A = arith.constant 0 : i32
        %dma_start3A_385 = tpu.memref_slice %arg10[%add3A_190, %dma_start3A] : memref<128x64xf32, #tpu.memory_space<vmem>> -> memref<1x64xf32, #tpu.memory_space<vmem>>
        %dma_start3A_386 = arith.constant 0 : i32
        %dma_start3A_387 = tpu.memref_slice %arg3[%squeeze3A_186, %dma_start3A_386] : memref<50000x64xf32, #tpu.memory_space<hbm>> -> memref<1x64xf32, #tpu.memory_space<hbm>>
        %dma_start3A_388 = arith.constant 0 : i32
        %dma_start3A_389 = tpu.memref_slice %arg10[%add3A_190, %dma_start3A_388] : memref<128x64xf32, #tpu.memory_space<vmem>> -> memref<1x64xf32, #tpu.memory_space<vmem>>
        %dma_start3A_390 = arith.constant 0 : i32
        %dma_start3A_391 = tpu.memref_slice %arg3[%squeeze3A_186, %dma_start3A_390] : memref<50000x64xf32, #tpu.memory_space<hbm>> -> memref<1x64xf32, #tpu.memory_space<hbm>>
        tpu.enqueue_dma source(%dma_start3A_391 : memref<1x64xf32, #tpu.memory_space<hbm>>) target(%dma_start3A_389 : memref<1x64xf32, #tpu.memory_space<vmem>>) target_semaphore(%arg12 : memref<!tpu.dma_semaphore, #tpu.memory_space<semaphore_mem>>)
      } else {
      }
      %slice3A_198 = vector.extract_strided_slice %get3A_70 {offsets = [6], sizes = [1], strides = [1]} : vector<16xi32> to vector<1xi32>
      %squeeze3A_199 = vector.extract %slice3A_198[0] : i32 from vector<1xi32>
      %eq3A_200 = arith.constant 0 : i32
      %eq3A_201 = arith.cmpi eq, %squeeze3A_199, %eq3A_200 : i32
      %convert_element_type3A_202 = arith.extui %eq3A_201 : i1 to i32
      %cond3A_203 = arith.constant 0 : i32
      %cond3A_204 = arith.cmpi ne, %convert_element_type3A_202, %cond3A_203 : i32
      scf.if %cond3A_204 {
        %dma_start3A = arith.constant 0 : i32
        %dma_start3A_385 = tpu.memref_slice %arg10[%add3A_190, %dma_start3A] : memref<128x64xf32, #tpu.memory_space<vmem>> -> memref<1x64xf32, #tpu.memory_space<vmem>>
        %dma_start3A_386 = arith.constant 0 : i32
        %dma_start3A_387 = tpu.memref_slice %arg4[%squeeze3A_186, %dma_start3A_386] : memref<450000x64xf32, #tpu.memory_space<hbm>> -> memref<1x64xf32, #tpu.memory_space<hbm>>
        %dma_start3A_388 = arith.constant 0 : i32
        %dma_start3A_389 = tpu.memref_slice %arg10[%add3A_190, %dma_start3A_388] : memref<128x64xf32, #tpu.memory_space<vmem>> -> memref<1x64xf32, #tpu.memory_space<vmem>>
        %dma_start3A_390 = arith.constant 0 : i32
        %dma_start3A_391 = tpu.memref_slice %arg4[%squeeze3A_186, %dma_start3A_390] : memref<450000x64xf32, #tpu.memory_space<hbm>> -> memref<1x64xf32, #tpu.memory_space<hbm>>
        tpu.enqueue_dma source(%dma_start3A_391 : memref<1x64xf32, #tpu.memory_space<hbm>>) target(%dma_start3A_389 : memref<1x64xf32, #tpu.memory_space<vmem>>) target_semaphore(%arg12 : memref<!tpu.dma_semaphore, #tpu.memory_space<semaphore_mem>>)
      } else {
      }
      %slice3A_205 = vector.extract_strided_slice %get3A_68 {offsets = [7], sizes = [1], strides = [1]} : vector<16xi32> to vector<1xi32>
      %squeeze3A_206 = vector.extract %slice3A_205[0] : i32 from vector<1xi32>
      %mul3A_207 = arith.constant 16 : i32
      %mul3A_208 = arith.muli %scan3A_63, %mul3A_207 : i32
      %add3A_209 = arith.constant 7 : i32
      %add3A_210 = arith.addi %mul3A_208, %add3A_209 : i32
      %slice3A_211 = vector.extract_strided_slice %get3A_70 {offsets = [7], sizes = [1], strides = [1]} : vector<16xi32> to vector<1xi32>
      %squeeze3A_212 = vector.extract %slice3A_211[0] : i32 from vector<1xi32>
      %ne3A_213 = arith.constant 0 : i32
      %ne3A_214 = arith.cmpi ne, %squeeze3A_212, %ne3A_213 : i32
      %convert_element_type3A_215 = arith.extui %ne3A_214 : i1 to i32
      %cond3A_216 = arith.constant 0 : i32
      %cond3A_217 = arith.cmpi ne, %convert_element_type3A_215, %cond3A_216 : i32
      scf.if %cond3A_217 {
        %dma_start3A = arith.constant 0 : i32
        %dma_start3A_385 = tpu.memref_slice %arg10[%add3A_210, %dma_start3A] : memref<128x64xf32, #tpu.memory_space<vmem>> -> memref<1x64xf32, #tpu.memory_space<vmem>>
        %dma_start3A_386 = arith.constant 0 : i32
        %dma_start3A_387 = tpu.memref_slice %arg3[%squeeze3A_206, %dma_start3A_386] : memref<50000x64xf32, #tpu.memory_space<hbm>> -> memref<1x64xf32, #tpu.memory_space<hbm>>
        %dma_start3A_388 = arith.constant 0 : i32
        %dma_start3A_389 = tpu.memref_slice %arg10[%add3A_210, %dma_start3A_388] : memref<128x64xf32, #tpu.memory_space<vmem>> -> memref<1x64xf32, #tpu.memory_space<vmem>>
        %dma_start3A_390 = arith.constant 0 : i32
        %dma_start3A_391 = tpu.memref_slice %arg3[%squeeze3A_206, %dma_start3A_390] : memref<50000x64xf32, #tpu.memory_space<hbm>> -> memref<1x64xf32, #tpu.memory_space<hbm>>
        tpu.enqueue_dma source(%dma_start3A_391 : memref<1x64xf32, #tpu.memory_space<hbm>>) target(%dma_start3A_389 : memref<1x64xf32, #tpu.memory_space<vmem>>) target_semaphore(%arg12 : memref<!tpu.dma_semaphore, #tpu.memory_space<semaphore_mem>>)
      } else {
      }
      %slice3A_218 = vector.extract_strided_slice %get3A_70 {offsets = [7], sizes = [1], strides = [1]} : vector<16xi32> to vector<1xi32>
      %squeeze3A_219 = vector.extract %slice3A_218[0] : i32 from vector<1xi32>
      %eq3A_220 = arith.constant 0 : i32
      %eq3A_221 = arith.cmpi eq, %squeeze3A_219, %eq3A_220 : i32
      %convert_element_type3A_222 = arith.extui %eq3A_221 : i1 to i32
      %cond3A_223 = arith.constant 0 : i32
      %cond3A_224 = arith.cmpi ne, %convert_element_type3A_222, %cond3A_223 : i32
      scf.if %cond3A_224 {
        %dma_start3A = arith.constant 0 : i32
        %dma_start3A_385 = tpu.memref_slice %arg10[%add3A_210, %dma_start3A] : memref<128x64xf32, #tpu.memory_space<vmem>> -> memref<1x64xf32, #tpu.memory_space<vmem>>
        %dma_start3A_386 = arith.constant 0 : i32
        %dma_start3A_387 = tpu.memref_slice %arg4[%squeeze3A_206, %dma_start3A_386] : memref<450000x64xf32, #tpu.memory_space<hbm>> -> memref<1x64xf32, #tpu.memory_space<hbm>>
        %dma_start3A_388 = arith.constant 0 : i32
        %dma_start3A_389 = tpu.memref_slice %arg10[%add3A_210, %dma_start3A_388] : memref<128x64xf32, #tpu.memory_space<vmem>> -> memref<1x64xf32, #tpu.memory_space<vmem>>
        %dma_start3A_390 = arith.constant 0 : i32
        %dma_start3A_391 = tpu.memref_slice %arg4[%squeeze3A_206, %dma_start3A_390] : memref<450000x64xf32, #tpu.memory_space<hbm>> -> memref<1x64xf32, #tpu.memory_space<hbm>>
        tpu.enqueue_dma source(%dma_start3A_391 : memref<1x64xf32, #tpu.memory_space<hbm>>) target(%dma_start3A_389 : memref<1x64xf32, #tpu.memory_space<vmem>>) target_semaphore(%arg12 : memref<!tpu.dma_semaphore, #tpu.memory_space<semaphore_mem>>)
      } else {
      }
      %slice3A_225 = vector.extract_strided_slice %get3A_68 {offsets = [8], sizes = [1], strides = [1]} : vector<16xi32> to vector<1xi32>
      %squeeze3A_226 = vector.extract %slice3A_225[0] : i32 from vector<1xi32>
      %mul3A_227 = arith.constant 16 : i32
      %mul3A_228 = arith.muli %scan3A_63, %mul3A_227 : i32
      %add3A_229 = arith.constant 8 : i32
      %add3A_230 = arith.addi %mul3A_228, %add3A_229 : i32
      %slice3A_231 = vector.extract_strided_slice %get3A_70 {offsets = [8], sizes = [1], strides = [1]} : vector<16xi32> to vector<1xi32>
      %squeeze3A_232 = vector.extract %slice3A_231[0] : i32 from vector<1xi32>
      %ne3A_233 = arith.constant 0 : i32
      %ne3A_234 = arith.cmpi ne, %squeeze3A_232, %ne3A_233 : i32
      %convert_element_type3A_235 = arith.extui %ne3A_234 : i1 to i32
      %cond3A_236 = arith.constant 0 : i32
      %cond3A_237 = arith.cmpi ne, %convert_element_type3A_235, %cond3A_236 : i32
      scf.if %cond3A_237 {
        %dma_start3A = arith.constant 0 : i32
        %dma_start3A_385 = tpu.memref_slice %arg10[%add3A_230, %dma_start3A] : memref<128x64xf32, #tpu.memory_space<vmem>> -> memref<1x64xf32, #tpu.memory_space<vmem>>
        %dma_start3A_386 = arith.constant 0 : i32
        %dma_start3A_387 = tpu.memref_slice %arg3[%squeeze3A_226, %dma_start3A_386] : memref<50000x64xf32, #tpu.memory_space<hbm>> -> memref<1x64xf32, #tpu.memory_space<hbm>>
        %dma_start3A_388 = arith.constant 0 : i32
        %dma_start3A_389 = tpu.memref_slice %arg10[%add3A_230, %dma_start3A_388] : memref<128x64xf32, #tpu.memory_space<vmem>> -> memref<1x64xf32, #tpu.memory_space<vmem>>
        %dma_start3A_390 = arith.constant 0 : i32
        %dma_start3A_391 = tpu.memref_slice %arg3[%squeeze3A_226, %dma_start3A_390] : memref<50000x64xf32, #tpu.memory_space<hbm>> -> memref<1x64xf32, #tpu.memory_space<hbm>>
        tpu.enqueue_dma source(%dma_start3A_391 : memref<1x64xf32, #tpu.memory_space<hbm>>) target(%dma_start3A_389 : memref<1x64xf32, #tpu.memory_space<vmem>>) target_semaphore(%arg12 : memref<!tpu.dma_semaphore, #tpu.memory_space<semaphore_mem>>)
      } else {
      }
      %slice3A_238 = vector.extract_strided_slice %get3A_70 {offsets = [8], sizes = [1], strides = [1]} : vector<16xi32> to vector<1xi32>
      %squeeze3A_239 = vector.extract %slice3A_238[0] : i32 from vector<1xi32>
      %eq3A_240 = arith.constant 0 : i32
      %eq3A_241 = arith.cmpi eq, %squeeze3A_239, %eq3A_240 : i32
      %convert_element_type3A_242 = arith.extui %eq3A_241 : i1 to i32
      %cond3A_243 = arith.constant 0 : i32
      %cond3A_244 = arith.cmpi ne, %convert_element_type3A_242, %cond3A_243 : i32
      scf.if %cond3A_244 {
        %dma_start3A = arith.constant 0 : i32
        %dma_start3A_385 = tpu.memref_slice %arg10[%add3A_230, %dma_start3A] : memref<128x64xf32, #tpu.memory_space<vmem>> -> memref<1x64xf32, #tpu.memory_space<vmem>>
        %dma_start3A_386 = arith.constant 0 : i32
        %dma_start3A_387 = tpu.memref_slice %arg4[%squeeze3A_226, %dma_start3A_386] : memref<450000x64xf32, #tpu.memory_space<hbm>> -> memref<1x64xf32, #tpu.memory_space<hbm>>
        %dma_start3A_388 = arith.constant 0 : i32
        %dma_start3A_389 = tpu.memref_slice %arg10[%add3A_230, %dma_start3A_388] : memref<128x64xf32, #tpu.memory_space<vmem>> -> memref<1x64xf32, #tpu.memory_space<vmem>>
        %dma_start3A_390 = arith.constant 0 : i32
        %dma_start3A_391 = tpu.memref_slice %arg4[%squeeze3A_226, %dma_start3A_390] : memref<450000x64xf32, #tpu.memory_space<hbm>> -> memref<1x64xf32, #tpu.memory_space<hbm>>
        tpu.enqueue_dma source(%dma_start3A_391 : memref<1x64xf32, #tpu.memory_space<hbm>>) target(%dma_start3A_389 : memref<1x64xf32, #tpu.memory_space<vmem>>) target_semaphore(%arg12 : memref<!tpu.dma_semaphore, #tpu.memory_space<semaphore_mem>>)
      } else {
      }
      %slice3A_245 = vector.extract_strided_slice %get3A_68 {offsets = [9], sizes = [1], strides = [1]} : vector<16xi32> to vector<1xi32>
      %squeeze3A_246 = vector.extract %slice3A_245[0] : i32 from vector<1xi32>
      %mul3A_247 = arith.constant 16 : i32
      %mul3A_248 = arith.muli %scan3A_63, %mul3A_247 : i32
      %add3A_249 = arith.constant 9 : i32
      %add3A_250 = arith.addi %mul3A_248, %add3A_249 : i32
      %slice3A_251 = vector.extract_strided_slice %get3A_70 {offsets = [9], sizes = [1], strides = [1]} : vector<16xi32> to vector<1xi32>
      %squeeze3A_252 = vector.extract %slice3A_251[0] : i32 from vector<1xi32>
      %ne3A_253 = arith.constant 0 : i32
      %ne3A_254 = arith.cmpi ne, %squeeze3A_252, %ne3A_253 : i32
      %convert_element_type3A_255 = arith.extui %ne3A_254 : i1 to i32
      %cond3A_256 = arith.constant 0 : i32
      %cond3A_257 = arith.cmpi ne, %convert_element_type3A_255, %cond3A_256 : i32
      scf.if %cond3A_257 {
        %dma_start3A = arith.constant 0 : i32
        %dma_start3A_385 = tpu.memref_slice %arg10[%add3A_250, %dma_start3A] : memref<128x64xf32, #tpu.memory_space<vmem>> -> memref<1x64xf32, #tpu.memory_space<vmem>>
        %dma_start3A_386 = arith.constant 0 : i32
        %dma_start3A_387 = tpu.memref_slice %arg3[%squeeze3A_246, %dma_start3A_386] : memref<50000x64xf32, #tpu.memory_space<hbm>> -> memref<1x64xf32, #tpu.memory_space<hbm>>
        %dma_start3A_388 = arith.constant 0 : i32
        %dma_start3A_389 = tpu.memref_slice %arg10[%add3A_250, %dma_start3A_388] : memref<128x64xf32, #tpu.memory_space<vmem>> -> memref<1x64xf32, #tpu.memory_space<vmem>>
        %dma_start3A_390 = arith.constant 0 : i32
        %dma_start3A_391 = tpu.memref_slice %arg3[%squeeze3A_246, %dma_start3A_390] : memref<50000x64xf32, #tpu.memory_space<hbm>> -> memref<1x64xf32, #tpu.memory_space<hbm>>
        tpu.enqueue_dma source(%dma_start3A_391 : memref<1x64xf32, #tpu.memory_space<hbm>>) target(%dma_start3A_389 : memref<1x64xf32, #tpu.memory_space<vmem>>) target_semaphore(%arg12 : memref<!tpu.dma_semaphore, #tpu.memory_space<semaphore_mem>>)
      } else {
      }
      %slice3A_258 = vector.extract_strided_slice %get3A_70 {offsets = [9], sizes = [1], strides = [1]} : vector<16xi32> to vector<1xi32>
      %squeeze3A_259 = vector.extract %slice3A_258[0] : i32 from vector<1xi32>
      %eq3A_260 = arith.constant 0 : i32
      %eq3A_261 = arith.cmpi eq, %squeeze3A_259, %eq3A_260 : i32
      %convert_element_type3A_262 = arith.extui %eq3A_261 : i1 to i32
      %cond3A_263 = arith.constant 0 : i32
      %cond3A_264 = arith.cmpi ne, %convert_element_type3A_262, %cond3A_263 : i32
      scf.if %cond3A_264 {
        %dma_start3A = arith.constant 0 : i32
        %dma_start3A_385 = tpu.memref_slice %arg10[%add3A_250, %dma_start3A] : memref<128x64xf32, #tpu.memory_space<vmem>> -> memref<1x64xf32, #tpu.memory_space<vmem>>
        %dma_start3A_386 = arith.constant 0 : i32
        %dma_start3A_387 = tpu.memref_slice %arg4[%squeeze3A_246, %dma_start3A_386] : memref<450000x64xf32, #tpu.memory_space<hbm>> -> memref<1x64xf32, #tpu.memory_space<hbm>>
        %dma_start3A_388 = arith.constant 0 : i32
        %dma_start3A_389 = tpu.memref_slice %arg10[%add3A_250, %dma_start3A_388] : memref<128x64xf32, #tpu.memory_space<vmem>> -> memref<1x64xf32, #tpu.memory_space<vmem>>
        %dma_start3A_390 = arith.constant 0 : i32
        %dma_start3A_391 = tpu.memref_slice %arg4[%squeeze3A_246, %dma_start3A_390] : memref<450000x64xf32, #tpu.memory_space<hbm>> -> memref<1x64xf32, #tpu.memory_space<hbm>>
        tpu.enqueue_dma source(%dma_start3A_391 : memref<1x64xf32, #tpu.memory_space<hbm>>) target(%dma_start3A_389 : memref<1x64xf32, #tpu.memory_space<vmem>>) target_semaphore(%arg12 : memref<!tpu.dma_semaphore, #tpu.memory_space<semaphore_mem>>)
      } else {
      }
      %slice3A_265 = vector.extract_strided_slice %get3A_68 {offsets = [10], sizes = [1], strides = [1]} : vector<16xi32> to vector<1xi32>
      %squeeze3A_266 = vector.extract %slice3A_265[0] : i32 from vector<1xi32>
      %mul3A_267 = arith.constant 16 : i32
      %mul3A_268 = arith.muli %scan3A_63, %mul3A_267 : i32
      %add3A_269 = arith.constant 10 : i32
      %add3A_270 = arith.addi %mul3A_268, %add3A_269 : i32
      %slice3A_271 = vector.extract_strided_slice %get3A_70 {offsets = [10], sizes = [1], strides = [1]} : vector<16xi32> to vector<1xi32>
      %squeeze3A_272 = vector.extract %slice3A_271[0] : i32 from vector<1xi32>
      %ne3A_273 = arith.constant 0 : i32
      %ne3A_274 = arith.cmpi ne, %squeeze3A_272, %ne3A_273 : i32
      %convert_element_type3A_275 = arith.extui %ne3A_274 : i1 to i32
      %cond3A_276 = arith.constant 0 : i32
      %cond3A_277 = arith.cmpi ne, %convert_element_type3A_275, %cond3A_276 : i32
      scf.if %cond3A_277 {
        %dma_start3A = arith.constant 0 : i32
        %dma_start3A_385 = tpu.memref_slice %arg10[%add3A_270, %dma_start3A] : memref<128x64xf32, #tpu.memory_space<vmem>> -> memref<1x64xf32, #tpu.memory_space<vmem>>
        %dma_start3A_386 = arith.constant 0 : i32
        %dma_start3A_387 = tpu.memref_slice %arg3[%squeeze3A_266, %dma_start3A_386] : memref<50000x64xf32, #tpu.memory_space<hbm>> -> memref<1x64xf32, #tpu.memory_space<hbm>>
        %dma_start3A_388 = arith.constant 0 : i32
        %dma_start3A_389 = tpu.memref_slice %arg10[%add3A_270, %dma_start3A_388] : memref<128x64xf32, #tpu.memory_space<vmem>> -> memref<1x64xf32, #tpu.memory_space<vmem>>
        %dma_start3A_390 = arith.constant 0 : i32
        %dma_start3A_391 = tpu.memref_slice %arg3[%squeeze3A_266, %dma_start3A_390] : memref<50000x64xf32, #tpu.memory_space<hbm>> -> memref<1x64xf32, #tpu.memory_space<hbm>>
        tpu.enqueue_dma source(%dma_start3A_391 : memref<1x64xf32, #tpu.memory_space<hbm>>) target(%dma_start3A_389 : memref<1x64xf32, #tpu.memory_space<vmem>>) target_semaphore(%arg12 : memref<!tpu.dma_semaphore, #tpu.memory_space<semaphore_mem>>)
      } else {
      }
      %slice3A_278 = vector.extract_strided_slice %get3A_70 {offsets = [10], sizes = [1], strides = [1]} : vector<16xi32> to vector<1xi32>
      %squeeze3A_279 = vector.extract %slice3A_278[0] : i32 from vector<1xi32>
      %eq3A_280 = arith.constant 0 : i32
      %eq3A_281 = arith.cmpi eq, %squeeze3A_279, %eq3A_280 : i32
      %convert_element_type3A_282 = arith.extui %eq3A_281 : i1 to i32
      %cond3A_283 = arith.constant 0 : i32
      %cond3A_284 = arith.cmpi ne, %convert_element_type3A_282, %cond3A_283 : i32
      scf.if %cond3A_284 {
        %dma_start3A = arith.constant 0 : i32
        %dma_start3A_385 = tpu.memref_slice %arg10[%add3A_270, %dma_start3A] : memref<128x64xf32, #tpu.memory_space<vmem>> -> memref<1x64xf32, #tpu.memory_space<vmem>>
        %dma_start3A_386 = arith.constant 0 : i32
        %dma_start3A_387 = tpu.memref_slice %arg4[%squeeze3A_266, %dma_start3A_386] : memref<450000x64xf32, #tpu.memory_space<hbm>> -> memref<1x64xf32, #tpu.memory_space<hbm>>
        %dma_start3A_388 = arith.constant 0 : i32
        %dma_start3A_389 = tpu.memref_slice %arg10[%add3A_270, %dma_start3A_388] : memref<128x64xf32, #tpu.memory_space<vmem>> -> memref<1x64xf32, #tpu.memory_space<vmem>>
        %dma_start3A_390 = arith.constant 0 : i32
        %dma_start3A_391 = tpu.memref_slice %arg4[%squeeze3A_266, %dma_start3A_390] : memref<450000x64xf32, #tpu.memory_space<hbm>> -> memref<1x64xf32, #tpu.memory_space<hbm>>
        tpu.enqueue_dma source(%dma_start3A_391 : memref<1x64xf32, #tpu.memory_space<hbm>>) target(%dma_start3A_389 : memref<1x64xf32, #tpu.memory_space<vmem>>) target_semaphore(%arg12 : memref<!tpu.dma_semaphore, #tpu.memory_space<semaphore_mem>>)
      } else {
      }
      %slice3A_285 = vector.extract_strided_slice %get3A_68 {offsets = [11], sizes = [1], strides = [1]} : vector<16xi32> to vector<1xi32>
      %squeeze3A_286 = vector.extract %slice3A_285[0] : i32 from vector<1xi32>
      %mul3A_287 = arith.constant 16 : i32
      %mul3A_288 = arith.muli %scan3A_63, %mul3A_287 : i32
      %add3A_289 = arith.constant 11 : i32
      %add3A_290 = arith.addi %mul3A_288, %add3A_289 : i32
      %slice3A_291 = vector.extract_strided_slice %get3A_70 {offsets = [11], sizes = [1], strides = [1]} : vector<16xi32> to vector<1xi32>
      %squeeze3A_292 = vector.extract %slice3A_291[0] : i32 from vector<1xi32>
      %ne3A_293 = arith.constant 0 : i32
      %ne3A_294 = arith.cmpi ne, %squeeze3A_292, %ne3A_293 : i32
      %convert_element_type3A_295 = arith.extui %ne3A_294 : i1 to i32
      %cond3A_296 = arith.constant 0 : i32
      %cond3A_297 = arith.cmpi ne, %convert_element_type3A_295, %cond3A_296 : i32
      scf.if %cond3A_297 {
        %dma_start3A = arith.constant 0 : i32
        %dma_start3A_385 = tpu.memref_slice %arg10[%add3A_290, %dma_start3A] : memref<128x64xf32, #tpu.memory_space<vmem>> -> memref<1x64xf32, #tpu.memory_space<vmem>>
        %dma_start3A_386 = arith.constant 0 : i32
        %dma_start3A_387 = tpu.memref_slice %arg3[%squeeze3A_286, %dma_start3A_386] : memref<50000x64xf32, #tpu.memory_space<hbm>> -> memref<1x64xf32, #tpu.memory_space<hbm>>
        %dma_start3A_388 = arith.constant 0 : i32
        %dma_start3A_389 = tpu.memref_slice %arg10[%add3A_290, %dma_start3A_388] : memref<128x64xf32, #tpu.memory_space<vmem>> -> memref<1x64xf32, #tpu.memory_space<vmem>>
        %dma_start3A_390 = arith.constant 0 : i32
        %dma_start3A_391 = tpu.memref_slice %arg3[%squeeze3A_286, %dma_start3A_390] : memref<50000x64xf32, #tpu.memory_space<hbm>> -> memref<1x64xf32, #tpu.memory_space<hbm>>
        tpu.enqueue_dma source(%dma_start3A_391 : memref<1x64xf32, #tpu.memory_space<hbm>>) target(%dma_start3A_389 : memref<1x64xf32, #tpu.memory_space<vmem>>) target_semaphore(%arg12 : memref<!tpu.dma_semaphore, #tpu.memory_space<semaphore_mem>>)
      } else {
      }
      %slice3A_298 = vector.extract_strided_slice %get3A_70 {offsets = [11], sizes = [1], strides = [1]} : vector<16xi32> to vector<1xi32>
      %squeeze3A_299 = vector.extract %slice3A_298[0] : i32 from vector<1xi32>
      %eq3A_300 = arith.constant 0 : i32
      %eq3A_301 = arith.cmpi eq, %squeeze3A_299, %eq3A_300 : i32
      %convert_element_type3A_302 = arith.extui %eq3A_301 : i1 to i32
      %cond3A_303 = arith.constant 0 : i32
      %cond3A_304 = arith.cmpi ne, %convert_element_type3A_302, %cond3A_303 : i32
      scf.if %cond3A_304 {
        %dma_start3A = arith.constant 0 : i32
        %dma_start3A_385 = tpu.memref_slice %arg10[%add3A_290, %dma_start3A] : memref<128x64xf32, #tpu.memory_space<vmem>> -> memref<1x64xf32, #tpu.memory_space<vmem>>
        %dma_start3A_386 = arith.constant 0 : i32
        %dma_start3A_387 = tpu.memref_slice %arg4[%squeeze3A_286, %dma_start3A_386] : memref<450000x64xf32, #tpu.memory_space<hbm>> -> memref<1x64xf32, #tpu.memory_space<hbm>>
        %dma_start3A_388 = arith.constant 0 : i32
        %dma_start3A_389 = tpu.memref_slice %arg10[%add3A_290, %dma_start3A_388] : memref<128x64xf32, #tpu.memory_space<vmem>> -> memref<1x64xf32, #tpu.memory_space<vmem>>
        %dma_start3A_390 = arith.constant 0 : i32
        %dma_start3A_391 = tpu.memref_slice %arg4[%squeeze3A_286, %dma_start3A_390] : memref<450000x64xf32, #tpu.memory_space<hbm>> -> memref<1x64xf32, #tpu.memory_space<hbm>>
        tpu.enqueue_dma source(%dma_start3A_391 : memref<1x64xf32, #tpu.memory_space<hbm>>) target(%dma_start3A_389 : memref<1x64xf32, #tpu.memory_space<vmem>>) target_semaphore(%arg12 : memref<!tpu.dma_semaphore, #tpu.memory_space<semaphore_mem>>)
      } else {
      }
      %slice3A_305 = vector.extract_strided_slice %get3A_68 {offsets = [12], sizes = [1], strides = [1]} : vector<16xi32> to vector<1xi32>
      %squeeze3A_306 = vector.extract %slice3A_305[0] : i32 from vector<1xi32>
      %mul3A_307 = arith.constant 16 : i32
      %mul3A_308 = arith.muli %scan3A_63, %mul3A_307 : i32
      %add3A_309 = arith.constant 12 : i32
      %add3A_310 = arith.addi %mul3A_308, %add3A_309 : i32
      %slice3A_311 = vector.extract_strided_slice %get3A_70 {offsets = [12], sizes = [1], strides = [1]} : vector<16xi32> to vector<1xi32>
      %squeeze3A_312 = vector.extract %slice3A_311[0] : i32 from vector<1xi32>
      %ne3A_313 = arith.constant 0 : i32
      %ne3A_314 = arith.cmpi ne, %squeeze3A_312, %ne3A_313 : i32
      %convert_element_type3A_315 = arith.extui %ne3A_314 : i1 to i32
      %cond3A_316 = arith.constant 0 : i32
      %cond3A_317 = arith.cmpi ne, %convert_element_type3A_315, %cond3A_316 : i32
      scf.if %cond3A_317 {
        %dma_start3A = arith.constant 0 : i32
        %dma_start3A_385 = tpu.memref_slice %arg10[%add3A_310, %dma_start3A] : memref<128x64xf32, #tpu.memory_space<vmem>> -> memref<1x64xf32, #tpu.memory_space<vmem>>
        %dma_start3A_386 = arith.constant 0 : i32
        %dma_start3A_387 = tpu.memref_slice %arg3[%squeeze3A_306, %dma_start3A_386] : memref<50000x64xf32, #tpu.memory_space<hbm>> -> memref<1x64xf32, #tpu.memory_space<hbm>>
        %dma_start3A_388 = arith.constant 0 : i32
        %dma_start3A_389 = tpu.memref_slice %arg10[%add3A_310, %dma_start3A_388] : memref<128x64xf32, #tpu.memory_space<vmem>> -> memref<1x64xf32, #tpu.memory_space<vmem>>
        %dma_start3A_390 = arith.constant 0 : i32
        %dma_start3A_391 = tpu.memref_slice %arg3[%squeeze3A_306, %dma_start3A_390] : memref<50000x64xf32, #tpu.memory_space<hbm>> -> memref<1x64xf32, #tpu.memory_space<hbm>>
        tpu.enqueue_dma source(%dma_start3A_391 : memref<1x64xf32, #tpu.memory_space<hbm>>) target(%dma_start3A_389 : memref<1x64xf32, #tpu.memory_space<vmem>>) target_semaphore(%arg12 : memref<!tpu.dma_semaphore, #tpu.memory_space<semaphore_mem>>)
      } else {
      }
      %slice3A_318 = vector.extract_strided_slice %get3A_70 {offsets = [12], sizes = [1], strides = [1]} : vector<16xi32> to vector<1xi32>
      %squeeze3A_319 = vector.extract %slice3A_318[0] : i32 from vector<1xi32>
      %eq3A_320 = arith.constant 0 : i32
      %eq3A_321 = arith.cmpi eq, %squeeze3A_319, %eq3A_320 : i32
      %convert_element_type3A_322 = arith.extui %eq3A_321 : i1 to i32
      %cond3A_323 = arith.constant 0 : i32
      %cond3A_324 = arith.cmpi ne, %convert_element_type3A_322, %cond3A_323 : i32
      scf.if %cond3A_324 {
        %dma_start3A = arith.constant 0 : i32
        %dma_start3A_385 = tpu.memref_slice %arg10[%add3A_310, %dma_start3A] : memref<128x64xf32, #tpu.memory_space<vmem>> -> memref<1x64xf32, #tpu.memory_space<vmem>>
        %dma_start3A_386 = arith.constant 0 : i32
        %dma_start3A_387 = tpu.memref_slice %arg4[%squeeze3A_306, %dma_start3A_386] : memref<450000x64xf32, #tpu.memory_space<hbm>> -> memref<1x64xf32, #tpu.memory_space<hbm>>
        %dma_start3A_388 = arith.constant 0 : i32
        %dma_start3A_389 = tpu.memref_slice %arg10[%add3A_310, %dma_start3A_388] : memref<128x64xf32, #tpu.memory_space<vmem>> -> memref<1x64xf32, #tpu.memory_space<vmem>>
        %dma_start3A_390 = arith.constant 0 : i32
        %dma_start3A_391 = tpu.memref_slice %arg4[%squeeze3A_306, %dma_start3A_390] : memref<450000x64xf32, #tpu.memory_space<hbm>> -> memref<1x64xf32, #tpu.memory_space<hbm>>
        tpu.enqueue_dma source(%dma_start3A_391 : memref<1x64xf32, #tpu.memory_space<hbm>>) target(%dma_start3A_389 : memref<1x64xf32, #tpu.memory_space<vmem>>) target_semaphore(%arg12 : memref<!tpu.dma_semaphore, #tpu.memory_space<semaphore_mem>>)
      } else {
      }
      %slice3A_325 = vector.extract_strided_slice %get3A_68 {offsets = [13], sizes = [1], strides = [1]} : vector<16xi32> to vector<1xi32>
      %squeeze3A_326 = vector.extract %slice3A_325[0] : i32 from vector<1xi32>
      %mul3A_327 = arith.constant 16 : i32
      %mul3A_328 = arith.muli %scan3A_63, %mul3A_327 : i32
      %add3A_329 = arith.constant 13 : i32
      %add3A_330 = arith.addi %mul3A_328, %add3A_329 : i32
      %slice3A_331 = vector.extract_strided_slice %get3A_70 {offsets = [13], sizes = [1], strides = [1]} : vector<16xi32> to vector<1xi32>
      %squeeze3A_332 = vector.extract %slice3A_331[0] : i32 from vector<1xi32>
      %ne3A_333 = arith.constant 0 : i32
      %ne3A_334 = arith.cmpi ne, %squeeze3A_332, %ne3A_333 : i32
      %convert_element_type3A_335 = arith.extui %ne3A_334 : i1 to i32
      %cond3A_336 = arith.constant 0 : i32
      %cond3A_337 = arith.cmpi ne, %convert_element_type3A_335, %cond3A_336 : i32
      scf.if %cond3A_337 {
        %dma_start3A = arith.constant 0 : i32
        %dma_start3A_385 = tpu.memref_slice %arg10[%add3A_330, %dma_start3A] : memref<128x64xf32, #tpu.memory_space<vmem>> -> memref<1x64xf32, #tpu.memory_space<vmem>>
        %dma_start3A_386 = arith.constant 0 : i32
        %dma_start3A_387 = tpu.memref_slice %arg3[%squeeze3A_326, %dma_start3A_386] : memref<50000x64xf32, #tpu.memory_space<hbm>> -> memref<1x64xf32, #tpu.memory_space<hbm>>
        %dma_start3A_388 = arith.constant 0 : i32
        %dma_start3A_389 = tpu.memref_slice %arg10[%add3A_330, %dma_start3A_388] : memref<128x64xf32, #tpu.memory_space<vmem>> -> memref<1x64xf32, #tpu.memory_space<vmem>>
        %dma_start3A_390 = arith.constant 0 : i32
        %dma_start3A_391 = tpu.memref_slice %arg3[%squeeze3A_326, %dma_start3A_390] : memref<50000x64xf32, #tpu.memory_space<hbm>> -> memref<1x64xf32, #tpu.memory_space<hbm>>
        tpu.enqueue_dma source(%dma_start3A_391 : memref<1x64xf32, #tpu.memory_space<hbm>>) target(%dma_start3A_389 : memref<1x64xf32, #tpu.memory_space<vmem>>) target_semaphore(%arg12 : memref<!tpu.dma_semaphore, #tpu.memory_space<semaphore_mem>>)
      } else {
      }
      %slice3A_338 = vector.extract_strided_slice %get3A_70 {offsets = [13], sizes = [1], strides = [1]} : vector<16xi32> to vector<1xi32>
      %squeeze3A_339 = vector.extract %slice3A_338[0] : i32 from vector<1xi32>
      %eq3A_340 = arith.constant 0 : i32
      %eq3A_341 = arith.cmpi eq, %squeeze3A_339, %eq3A_340 : i32
      %convert_element_type3A_342 = arith.extui %eq3A_341 : i1 to i32
      %cond3A_343 = arith.constant 0 : i32
      %cond3A_344 = arith.cmpi ne, %convert_element_type3A_342, %cond3A_343 : i32
      scf.if %cond3A_344 {
        %dma_start3A = arith.constant 0 : i32
        %dma_start3A_385 = tpu.memref_slice %arg10[%add3A_330, %dma_start3A] : memref<128x64xf32, #tpu.memory_space<vmem>> -> memref<1x64xf32, #tpu.memory_space<vmem>>
        %dma_start3A_386 = arith.constant 0 : i32
        %dma_start3A_387 = tpu.memref_slice %arg4[%squeeze3A_326, %dma_start3A_386] : memref<450000x64xf32, #tpu.memory_space<hbm>> -> memref<1x64xf32, #tpu.memory_space<hbm>>
        %dma_start3A_388 = arith.constant 0 : i32
        %dma_start3A_389 = tpu.memref_slice %arg10[%add3A_330, %dma_start3A_388] : memref<128x64xf32, #tpu.memory_space<vmem>> -> memref<1x64xf32, #tpu.memory_space<vmem>>
        %dma_start3A_390 = arith.constant 0 : i32
        %dma_start3A_391 = tpu.memref_slice %arg4[%squeeze3A_326, %dma_start3A_390] : memref<450000x64xf32, #tpu.memory_space<hbm>> -> memref<1x64xf32, #tpu.memory_space<hbm>>
        tpu.enqueue_dma source(%dma_start3A_391 : memref<1x64xf32, #tpu.memory_space<hbm>>) target(%dma_start3A_389 : memref<1x64xf32, #tpu.memory_space<vmem>>) target_semaphore(%arg12 : memref<!tpu.dma_semaphore, #tpu.memory_space<semaphore_mem>>)
      } else {
      }
      %slice3A_345 = vector.extract_strided_slice %get3A_68 {offsets = [14], sizes = [1], strides = [1]} : vector<16xi32> to vector<1xi32>
      %squeeze3A_346 = vector.extract %slice3A_345[0] : i32 from vector<1xi32>
      %mul3A_347 = arith.constant 16 : i32
      %mul3A_348 = arith.muli %scan3A_63, %mul3A_347 : i32
      %add3A_349 = arith.constant 14 : i32
      %add3A_350 = arith.addi %mul3A_348, %add3A_349 : i32
      %slice3A_351 = vector.extract_strided_slice %get3A_70 {offsets = [14], sizes = [1], strides = [1]} : vector<16xi32> to vector<1xi32>
      %squeeze3A_352 = vector.extract %slice3A_351[0] : i32 from vector<1xi32>
      %ne3A_353 = arith.constant 0 : i32
      %ne3A_354 = arith.cmpi ne, %squeeze3A_352, %ne3A_353 : i32
      %convert_element_type3A_355 = arith.extui %ne3A_354 : i1 to i32
      %cond3A_356 = arith.constant 0 : i32
      %cond3A_357 = arith.cmpi ne, %convert_element_type3A_355, %cond3A_356 : i32
      scf.if %cond3A_357 {
        %dma_start3A = arith.constant 0 : i32
        %dma_start3A_385 = tpu.memref_slice %arg10[%add3A_350, %dma_start3A] : memref<128x64xf32, #tpu.memory_space<vmem>> -> memref<1x64xf32, #tpu.memory_space<vmem>>
        %dma_start3A_386 = arith.constant 0 : i32
        %dma_start3A_387 = tpu.memref_slice %arg3[%squeeze3A_346, %dma_start3A_386] : memref<50000x64xf32, #tpu.memory_space<hbm>> -> memref<1x64xf32, #tpu.memory_space<hbm>>
        %dma_start3A_388 = arith.constant 0 : i32
        %dma_start3A_389 = tpu.memref_slice %arg10[%add3A_350, %dma_start3A_388] : memref<128x64xf32, #tpu.memory_space<vmem>> -> memref<1x64xf32, #tpu.memory_space<vmem>>
        %dma_start3A_390 = arith.constant 0 : i32
        %dma_start3A_391 = tpu.memref_slice %arg3[%squeeze3A_346, %dma_start3A_390] : memref<50000x64xf32, #tpu.memory_space<hbm>> -> memref<1x64xf32, #tpu.memory_space<hbm>>
        tpu.enqueue_dma source(%dma_start3A_391 : memref<1x64xf32, #tpu.memory_space<hbm>>) target(%dma_start3A_389 : memref<1x64xf32, #tpu.memory_space<vmem>>) target_semaphore(%arg12 : memref<!tpu.dma_semaphore, #tpu.memory_space<semaphore_mem>>)
      } else {
      }
      %slice3A_358 = vector.extract_strided_slice %get3A_70 {offsets = [14], sizes = [1], strides = [1]} : vector<16xi32> to vector<1xi32>
      %squeeze3A_359 = vector.extract %slice3A_358[0] : i32 from vector<1xi32>
      %eq3A_360 = arith.constant 0 : i32
      %eq3A_361 = arith.cmpi eq, %squeeze3A_359, %eq3A_360 : i32
      %convert_element_type3A_362 = arith.extui %eq3A_361 : i1 to i32
      %cond3A_363 = arith.constant 0 : i32
      %cond3A_364 = arith.cmpi ne, %convert_element_type3A_362, %cond3A_363 : i32
      scf.if %cond3A_364 {
        %dma_start3A = arith.constant 0 : i32
        %dma_start3A_385 = tpu.memref_slice %arg10[%add3A_350, %dma_start3A] : memref<128x64xf32, #tpu.memory_space<vmem>> -> memref<1x64xf32, #tpu.memory_space<vmem>>
        %dma_start3A_386 = arith.constant 0 : i32
        %dma_start3A_387 = tpu.memref_slice %arg4[%squeeze3A_346, %dma_start3A_386] : memref<450000x64xf32, #tpu.memory_space<hbm>> -> memref<1x64xf32, #tpu.memory_space<hbm>>
        %dma_start3A_388 = arith.constant 0 : i32
        %dma_start3A_389 = tpu.memref_slice %arg10[%add3A_350, %dma_start3A_388] : memref<128x64xf32, #tpu.memory_space<vmem>> -> memref<1x64xf32, #tpu.memory_space<vmem>>
        %dma_start3A_390 = arith.constant 0 : i32
        %dma_start3A_391 = tpu.memref_slice %arg4[%squeeze3A_346, %dma_start3A_390] : memref<450000x64xf32, #tpu.memory_space<hbm>> -> memref<1x64xf32, #tpu.memory_space<hbm>>
        tpu.enqueue_dma source(%dma_start3A_391 : memref<1x64xf32, #tpu.memory_space<hbm>>) target(%dma_start3A_389 : memref<1x64xf32, #tpu.memory_space<vmem>>) target_semaphore(%arg12 : memref<!tpu.dma_semaphore, #tpu.memory_space<semaphore_mem>>)
      } else {
      }
      %slice3A_365 = vector.extract_strided_slice %get3A_68 {offsets = [15], sizes = [1], strides = [1]} : vector<16xi32> to vector<1xi32>
      %squeeze3A_366 = vector.extract %slice3A_365[0] : i32 from vector<1xi32>
      %mul3A_367 = arith.constant 16 : i32
      %mul3A_368 = arith.muli %scan3A_63, %mul3A_367 : i32
      %add3A_369 = arith.constant 15 : i32
      %add3A_370 = arith.addi %mul3A_368, %add3A_369 : i32
      %slice3A_371 = vector.extract_strided_slice %get3A_70 {offsets = [15], sizes = [1], strides = [1]} : vector<16xi32> to vector<1xi32>
      %squeeze3A_372 = vector.extract %slice3A_371[0] : i32 from vector<1xi32>
      %ne3A_373 = arith.constant 0 : i32
      %ne3A_374 = arith.cmpi ne, %squeeze3A_372, %ne3A_373 : i32
      %convert_element_type3A_375 = arith.extui %ne3A_374 : i1 to i32
      %cond3A_376 = arith.constant 0 : i32
      %cond3A_377 = arith.cmpi ne, %convert_element_type3A_375, %cond3A_376 : i32
      scf.if %cond3A_377 {
        %dma_start3A = arith.constant 0 : i32
        %dma_start3A_385 = tpu.memref_slice %arg10[%add3A_370, %dma_start3A] : memref<128x64xf32, #tpu.memory_space<vmem>> -> memref<1x64xf32, #tpu.memory_space<vmem>>
        %dma_start3A_386 = arith.constant 0 : i32
        %dma_start3A_387 = tpu.memref_slice %arg3[%squeeze3A_366, %dma_start3A_386] : memref<50000x64xf32, #tpu.memory_space<hbm>> -> memref<1x64xf32, #tpu.memory_space<hbm>>
        %dma_start3A_388 = arith.constant 0 : i32
        %dma_start3A_389 = tpu.memref_slice %arg10[%add3A_370, %dma_start3A_388] : memref<128x64xf32, #tpu.memory_space<vmem>> -> memref<1x64xf32, #tpu.memory_space<vmem>>
        %dma_start3A_390 = arith.constant 0 : i32
        %dma_start3A_391 = tpu.memref_slice %arg3[%squeeze3A_366, %dma_start3A_390] : memref<50000x64xf32, #tpu.memory_space<hbm>> -> memref<1x64xf32, #tpu.memory_space<hbm>>
        tpu.enqueue_dma source(%dma_start3A_391 : memref<1x64xf32, #tpu.memory_space<hbm>>) target(%dma_start3A_389 : memref<1x64xf32, #tpu.memory_space<vmem>>) target_semaphore(%arg12 : memref<!tpu.dma_semaphore, #tpu.memory_space<semaphore_mem>>)
      } else {
      }
      %slice3A_378 = vector.extract_strided_slice %get3A_70 {offsets = [15], sizes = [1], strides = [1]} : vector<16xi32> to vector<1xi32>
      %squeeze3A_379 = vector.extract %slice3A_378[0] : i32 from vector<1xi32>
      %eq3A_380 = arith.constant 0 : i32
      %eq3A_381 = arith.cmpi eq, %squeeze3A_379, %eq3A_380 : i32
      %convert_element_type3A_382 = arith.extui %eq3A_381 : i1 to i32
      %cond3A_383 = arith.constant 0 : i32
      %cond3A_384 = arith.cmpi ne, %convert_element_type3A_382, %cond3A_383 : i32
      scf.if %cond3A_384 {
        %dma_start3A = arith.constant 0 : i32
        %dma_start3A_385 = tpu.memref_slice %arg10[%add3A_370, %dma_start3A] : memref<128x64xf32, #tpu.memory_space<vmem>> -> memref<1x64xf32, #tpu.memory_space<vmem>>
        %dma_start3A_386 = arith.constant 0 : i32
        %dma_start3A_387 = tpu.memref_slice %arg4[%squeeze3A_366, %dma_start3A_386] : memref<450000x64xf32, #tpu.memory_space<hbm>> -> memref<1x64xf32, #tpu.memory_space<hbm>>
        %dma_start3A_388 = arith.constant 0 : i32
        %dma_start3A_389 = tpu.memref_slice %arg10[%add3A_370, %dma_start3A_388] : memref<128x64xf32, #tpu.memory_space<vmem>> -> memref<1x64xf32, #tpu.memory_space<vmem>>
        %dma_start3A_390 = arith.constant 0 : i32
        %dma_start3A_391 = tpu.memref_slice %arg4[%squeeze3A_366, %dma_start3A_390] : memref<450000x64xf32, #tpu.memory_space<hbm>> -> memref<1x64xf32, #tpu.memory_space<hbm>>
        tpu.enqueue_dma source(%dma_start3A_391 : memref<1x64xf32, #tpu.memory_space<hbm>>) target(%dma_start3A_389 : memref<1x64xf32, #tpu.memory_space<vmem>>) target_semaphore(%arg12 : memref<!tpu.dma_semaphore, #tpu.memory_space<semaphore_mem>>)
      } else {
      }
    }
    %scan3A_46 = arith.constant 8 : i32
    %dma_wait3A_47 = arith.constant 0 : i32
    %dma_wait3A_48 = arith.constant 0 : i32
    %dma_wait3A_49 = tpu.memref_slice %arg3[%dma_wait3A_47, %dma_wait3A_48] : memref<50000x64xf32, #tpu.memory_space<hbm>> -> memref<128x64xf32, #tpu.memory_space<hbm>>
    %dma_wait3A_50 = arith.constant 0 : i32
    %dma_wait3A_51 = arith.constant 0 : i32
    %dma_wait3A_52 = tpu.memref_slice %arg3[%dma_wait3A_50, %dma_wait3A_51] : memref<50000x64xf32, #tpu.memory_space<hbm>> -> memref<128x64xf32, #tpu.memory_space<hbm>>
    tpu.wait_dma2 semaphore(%arg11 : memref<!tpu.dma_semaphore, #tpu.memory_space<semaphore_mem>>) src(%dma_wait3A_52 : memref<128x64xf32, #tpu.memory_space<hbm>>) dst(%arg9 : memref<128x64xf32, #tpu.memory_space<vmem>>)
    %add3A_53 = arith.constant 256 : i32
    %add3A_54 = arith.addi %mul3A_2, %add3A_53 : i32
    "tpu.region"() ({
      %run_scoped3A = tpu.sem_alloc : memref<!tpu.dma_semaphore, #tpu.memory_space<semaphore_mem>>
      %dma_start3A = arith.constant 0 : i32
      %dma_start3A_63 = tpu.memref_slice %arg5[%add3A_54, %dma_start3A] : memref<16384x64xf32, #tpu.memory_space<hbm>> -> memref<128x64xf32, #tpu.memory_space<hbm>>
      %dma_start3A_64 = arith.constant 0 : i32
      %dma_start3A_65 = tpu.memref_slice %arg5[%add3A_54, %dma_start3A_64] : memref<16384x64xf32, #tpu.memory_space<hbm>> -> memref<128x64xf32, #tpu.memory_space<hbm>>
      tpu.enqueue_dma source(%arg9 : memref<128x64xf32, #tpu.memory_space<vmem>>) target(%dma_start3A_65 : memref<128x64xf32, #tpu.memory_space<hbm>>) target_semaphore(%run_scoped3A : memref<!tpu.dma_semaphore, #tpu.memory_space<semaphore_mem>>)
      %dma_wait3A_66 = arith.constant 0 : i32
      %dma_wait3A_67 = tpu.memref_slice %arg5[%add3A_54, %dma_wait3A_66] : memref<16384x64xf32, #tpu.memory_space<hbm>> -> memref<128x64xf32, #tpu.memory_space<hbm>>
      %dma_wait3A_68 = arith.constant 0 : i32
      %dma_wait3A_69 = tpu.memref_slice %arg5[%add3A_54, %dma_wait3A_68] : memref<16384x64xf32, #tpu.memory_space<hbm>> -> memref<128x64xf32, #tpu.memory_space<hbm>>
      tpu.wait_dma2 semaphore(%run_scoped3A : memref<!tpu.dma_semaphore, #tpu.memory_space<semaphore_mem>>) src(%arg9 : memref<128x64xf32, #tpu.memory_space<vmem>>) dst(%dma_wait3A_69 : memref<128x64xf32, #tpu.memory_space<hbm>>)
      tpu.yield
    }) : () -> ()
    %dma_wait3A_55 = arith.constant 0 : i32
    %dma_wait3A_56 = arith.constant 0 : i32
    %dma_wait3A_57 = tpu.memref_slice %arg3[%dma_wait3A_55, %dma_wait3A_56] : memref<50000x64xf32, #tpu.memory_space<hbm>> -> memref<128x64xf32, #tpu.memory_space<hbm>>
    %dma_wait3A_58 = arith.constant 0 : i32
    %dma_wait3A_59 = arith.constant 0 : i32
    %dma_wait3A_60 = tpu.memref_slice %arg3[%dma_wait3A_58, %dma_wait3A_59] : memref<50000x64xf32, #tpu.memory_space<hbm>> -> memref<128x64xf32, #tpu.memory_space<hbm>>
    tpu.wait_dma2 semaphore(%arg12 : memref<!tpu.dma_semaphore, #tpu.memory_space<semaphore_mem>>) src(%dma_wait3A_60 : memref<128x64xf32, #tpu.memory_space<hbm>>) dst(%arg10 : memref<128x64xf32, #tpu.memory_space<vmem>>)
    %add3A_61 = arith.constant 384 : i32
    %add3A_62 = arith.addi %mul3A_2, %add3A_61 : i32
    "tpu.region"() ({
      %run_scoped3A = tpu.sem_alloc : memref<!tpu.dma_semaphore, #tpu.memory_space<semaphore_mem>>
      %dma_start3A = arith.constant 0 : i32
      %dma_start3A_63 = tpu.memref_slice %arg5[%add3A_62, %dma_start3A] : memref<16384x64xf32, #tpu.memory_space<hbm>> -> memref<128x64xf32, #tpu.memory_space<hbm>>
      %dma_start3A_64 = arith.constant 0 : i32
      %dma_start3A_65 = tpu.memref_slice %arg5[%add3A_62, %dma_start3A_64] : memref<16384x64xf32, #tpu.memory_space<hbm>> -> memref<128x64xf32, #tpu.memory_space<hbm>>
      tpu.enqueue_dma source(%arg10 : memref<128x64xf32, #tpu.memory_space<vmem>>) target(%dma_start3A_65 : memref<128x64xf32, #tpu.memory_space<hbm>>) target_semaphore(%run_scoped3A : memref<!tpu.dma_semaphore, #tpu.memory_space<semaphore_mem>>)
      %dma_wait3A_66 = arith.constant 0 : i32
      %dma_wait3A_67 = tpu.memref_slice %arg5[%add3A_62, %dma_wait3A_66] : memref<16384x64xf32, #tpu.memory_space<hbm>> -> memref<128x64xf32, #tpu.memory_space<hbm>>
      %dma_wait3A_68 = arith.constant 0 : i32
      %dma_wait3A_69 = tpu.memref_slice %arg5[%add3A_62, %dma_wait3A_68] : memref<16384x64xf32, #tpu.memory_space<hbm>> -> memref<128x64xf32, #tpu.memory_space<hbm>>
      tpu.wait_dma2 semaphore(%run_scoped3A : memref<!tpu.dma_semaphore, #tpu.memory_space<semaphore_mem>>) src(%arg10 : memref<128x64xf32, #tpu.memory_space<vmem>>) dst(%dma_wait3A_69 : memref<128x64xf32, #tpu.memory_space<hbm>>)
      tpu.yield
    }) : () -> ()
    return
  }
}

</mosaic_0001>

<sc_bundles>
// kernel: kernel.3.cloned.1.call-start
scs
__scs_entry_jumppad:
0x0: {  	(pc) =	sbr.rel $0x88, $3  }
0x1: {  	(tag) =	ssettag $0x0;
	lr =	simm.s32 $0x1  }
0x2: {  	[smem:$0x3F9E] =	sst lr;
	_ =	strace $0xD0000000  }
0x3: {  	_ = 	snop  }
0x4: {  	_ = 	snop  }
0x5: {  	_ = 	snop  }
0x6: {  	_ = 	snop  }
0x7: {  	_ = 	snop  }
__scs_overlays_trampoline_lowered:
0x8: {  	[smem:$0x3FAD] =	sst s0  }
0x9: {  	[smem:$0x3FAE] =	sst s1  }
0xa: {  	[smem:$0x3FAF] =	sst s2  }
0xb: {  	[smem:$0x3FB0] =	sst s3  }
0xc: {  	[smem:$0x3FB1] =	sst s4  }
0xd: {  	[smem:$0x3FB2] =	sst s5  }
0xe: {  	[smem:$0x3FB3] =	sst s6  }
0xf: {  	[smem:$0x3FB4] =	sst s7  }
0x10: {  	[smem:$0x3FB5] =	sst s8  }
0x11: {  	[smem:$0x3FB6] =	sst s9;
	s0 =	simm.s32 @!p0 $0x0  }
0x12: {  	s1 =	sld [smem:$0x3F9C];
	s0 =	simm.s32 @p0 $0x1  }
0x13: {  	[smem:$0x3FB7] =	sst s0;
	s0 =	simm.s32 @!p1 $0x0  }
0x14: {  	s2 =	sld [smem:$0x3F9B];
	s0 =	simm.s32 @p1 $0x1  }
0x15: {  	[smem:$0x3FB8] =	sst s0;
	s0 =	simm.s32 @!p2 $0x0  }
0x16: {  	s3 =	sld [smem:$0x3FDB];
	s0 =	simm.s32 @p2 $0x1  }
0x17: {  	s4 =	simm.s32 $0x1BF5;
	[smem:$0x3FBA] =	sst s0  }
0x18: {  	s0 =	sld [smem:$0x3F9D];
	_ =	swait.ge [sflag:s4], $0x0  }
0x19: {  	s7 =	sld [smem:$0x3F9E]  }
0x1a: {  	s8 =	sadd.s32 $0xFFFFE003, lr  }
0x1b: {  	s9 =	sadd.s32 $0xFFFFFEF7, lr;
	s5 =	simm.s32 $0xFFFFFFFF;
	p2 =	slt.u32 s8, $0xFFFFF086  }
0x1c: {  	p1 =	slt.u32 s9, $0xF7A;
	s5 =	simm.s32 @!p2 $0x0  }
0x1d: {  	s5 =	simm.s32 @p1 $0x1;
	p0 =	seq.s32 s7, s2  }
0x1e: {  	s7 =	smul.u32 @!p0 $0xF7A, s2;
	p2 =	seq.s32 @!p0 s5, $0x0  }
0x1f: {  	s9 =	smul.u32 $0xF7A, s1;
	s8 =	simm.s32 @!p0 $0x1BF5;
	p2 =	por !p2, p0  }
0x20: {  	[sflag:s8] =	ssyncset.s32 @!p0 $0xFFFFF086;
	s6 =	sadd.s32 @!p0 s3, s7;
	s7 =	simm.s32 @!p0 $0x108  }
0x21: {  	s3 =	sadd.s32 s3, s9;
	s6 =	sadd.s32 @!p0 $0x88, s6;
	s7 =	simm.s32 @p2 $0x1082  }
0x22: {  	[simem:s7], [sflag:s8] =	dma.local @!p0 [hbm:s6], $0xF7A  }
0x23: {  	s9 =	sor.u32 $0xD0000000, s2;
	s6 =	simm.s32 $0x108;
	_ =	swait.ge @!p0 [sflag:s8], $0x0  }
0x24: {  	s3 =	sadd.s32 $0x88, s3;
	s6 =	simm.s32 @!p1 $0x1082;
	[sflag:s4] =	ssyncset.s32 $0xFFFFF086  }
0x25: {  	[simem:s6], [sflag:s4] =	dma.local [hbm:s3], $0xF7A  }
0x26: {  	[smem:$0x3F9E] =	sst s1;
	(tag) =	ssettag s2;
	_ =	strace s9  }
0x27: {  	s1 =	sld [smem:$0x3FAE]  }
0x28: {  	s2 =	sld [smem:$0x3FAF]  }
0x29: {  	s4 =	sld [smem:$0x3FB1]  }
0x2a: {  	p0 =	seq.s32 s5, $0x0;
	s5 =	sld [smem:$0x3FB2]  }
0x2b: {  	s6 =	sld [smem:$0x3FB3]  }
0x2c: {  	s7 =	sld [smem:$0x3FB4]  }
0x2d: {  	s3 =	simm.s32 $0x108;
	s8 =	sld [smem:$0x3FB5]  }
0x2e: {  	s3 =	simm.s32 @!p0 $0x1082;
	s9 =	sld [smem:$0x3FB6]  }
0x2f: {  	lr =	sadd.s32 s0, s3;
	s0 =	sld [smem:$0x3FAD]  }
0x30: {  	s3 =	sld [smem:$0x3FB0]  }
0x31: {  	[smem:$0x3FB9] =	sst s10  }
0x32: {  	s10 =	sld [smem:$0x3FB7];
	_ =	sdelay $0x3  }
0x33: {  	p0 =	seq.s32 s10, $0x1;
	s10 =	sld [smem:$0x3FB9];
	_ =	sdelay $0x3  }
0x34: {  	[smem:$0x3FB9] =	sst s10  }
0x35: {  	s10 =	sld [smem:$0x3FB8];
	_ =	sdelay $0x3  }
0x36: {  	p1 =	seq.s32 s10, $0x1;
	s10 =	sld [smem:$0x3FB9];
	_ =	sdelay $0x3  }
0x37: {  	[smem:$0x3FB9] =	sst s10  }
0x38: {  	s10 =	sld [smem:$0x3FBA]  }
0x39: {  	_ = 	snop;
	(pc) =	sbr.ind lr, $3  }
0x3a: {  	_ = 	snop  }
0x3b: {  	_ = 	snop  }
0x3c: {  	p2 =	seq.s32 s10, $0x1;
	s10 =	sld [smem:$0x3FB9]  }
0x3d: {  	_ =	shalt  }
0x3e: {  	_ =	shalt  }
0x3f: {  	_ =	shalt  }
0x40: {  	_ =	shalt  }
0x41: {  	_ =	shalt  }
0x42: {  	_ =	shalt  }
0x43: {  	_ =	shalt  }
0x44: {  	_ =	shalt  }
0x45: {  	_ =	shalt  }
0x46: {  	_ =	shalt  }
0x47: {  	_ =	shalt  }
0x48: {  	_ =	shalt  }
0x49: {  	_ =	shalt  }
0x4a: {  	_ =	shalt  }
0x4b: {  	_ =	shalt  }
0x4c: {  	_ =	shalt  }
0x4d: {  	_ =	shalt  }
0x4e: {  	_ =	shalt  }
0x4f: {  	_ =	shalt  }
0x50: {  	_ =	shalt  }
0x51: {  	_ =	shalt  }
0x52: {  	_ =	shalt  }
0x53: {  	_ =	shalt  }
0x54: {  	_ =	shalt  }
0x55: {  	_ =	shalt  }
0x56: {  	_ =	shalt  }
0x57: {  	_ =	shalt  }
0x58: {  	_ =	shalt  }
0x59: {  	_ =	shalt  }
0x5a: {  	_ =	shalt  }
0x5b: {  	_ =	shalt  }
0x5c: {  	_ =	shalt  }
0x5d: {  	_ =	shalt  }
0x5e: {  	_ =	shalt  }
0x5f: {  	_ =	shalt  }
0x60: {  	_ =	shalt  }
0x61: {  	_ =	shalt  }
0x62: {  	_ =	shalt  }
0x63: {  	_ =	shalt  }
0x64: {  	_ =	shalt  }
0x65: {  	_ =	shalt  }
0x66: {  	_ =	shalt  }
0x67: {  	_ =	shalt  }
0x68: {  	_ =	shalt  }
0x69: {  	_ =	shalt  }
0x6a: {  	_ =	shalt  }
0x6b: {  	_ =	shalt  }
0x6c: {  	_ =	shalt  }
0x6d: {  	_ =	shalt  }
0x6e: {  	_ =	shalt  }
0x6f: {  	_ =	shalt  }
0x70: {  	_ =	shalt  }
0x71: {  	_ =	shalt  }
0x72: {  	_ =	shalt  }
0x73: {  	_ =	shalt  }
0x74: {  	_ =	shalt  }
0x75: {  	_ =	shalt  }
0x76: {  	_ =	shalt  }
0x77: {  	_ =	shalt  }
0x78: {  	_ =	shalt  }
0x79: {  	_ =	shalt  }
0x7a: {  	_ =	shalt  }
0x7b: {  	_ =	shalt  }
0x7c: {  	_ =	shalt  }
0x7d: {  	_ =	shalt  }
0x7e: {  	_ =	shalt  }
0x7f: {  	_ =	shalt  }
0x80: {  	_ =	shalt  }
0x81: {  	_ =	shalt  }
0x82: {  	_ =	shalt  }
0x83: {  	_ =	shalt  }
0x84: {  	_ =	shalt  }
0x85: {  	_ =	shalt  }
0x86: {  	_ =	shalt  }
0x87: {  	_ =	shalt  }
.Lfunc_end0:
.L_simem_size_0:
called_computation_lowered:
.L_overlay_start_0:
0x88: {  	s2 =	sld [smem:$0x3FD9]  }
0x89: {  	s3 =	sld [smem:$0x3FFE];
	_ =	sdelay $0x1  }
0x8a: {  	s1 =	srdreg.scid  }
0x8b: {  	s0 =	sand.u32 $0x1, s1  }
0x8c: {  	s17 =	sshll.u32 s0, $0xA;
	s2 =	sadd.s32 s3, s2  }
0x8d: {  	s2 =	sadd.s32 s2, s17  }
0x8e: {  	[smem:$0x3FC5] =	sst s2  }
0x8f: {  	_ = 	snop  }
0x90: {  	s2 =	sld [smem:$0x3FC9];
	(tm) =	ssettm $0x1  }
0x91: {  	s18 =	sld [smem:$0x3FFB];
	_ =	sdelay $0x3  }
0x92: {  	_ =	strace s18  }
0x93: {  	s3 =	sld [smem:$0x3FFC];
	_ =	sdelay $0x3  }
0x94: {  	_ =	strace s3  }
0x95: {  	s3 =	sld [smem:$0x3FFD];
	_ =	sdelay $0x3  }
0x96: {  	_ =	strace s3  }
0x97: {  	_ =	strace $0x8FFFFFFF  }
0x98: {  	s19 =	sld [smem:$0x3FDB];
	_ =	sdelay $0x1  }
0x99: {  	s4 =	simm.s32 $_scs_section_size  }
0x9a: {  	s5 =	simm.s32 $_size__tile_overlayer_lowered;
	s6 =	simm.s32 $_tile_overlayer_lowered  }
0x9b: {  	s22 =	simm.s32 $0x1BFF;
	s21 =	sshll.u32 s6, $0x1;
	s3 =	sadd.s32 s4, s19  }
0x9c: {  	s7 =	simm.s32 $0x0;
	s20 =	sshll.u32 s5, $0x1;
	s5 =	sadd.s32 s21, s3  }
0x9d: {  	[timem:s7], [sflag:s22] =	dma.local [hbm:s5], s20  }
0x9e: {  	_ =	swait.ge [sflag:s22], s20  }
0x9f: {  	s4 =	ssub.s32 $0x0, s20;
	[sflag:s22] =	ssyncset.done $0x0  }
0xa0: {  	[sflag:s22] =	ssyncadd.s32 s4;
	_ =	sdelay $0x1  }
0xa1: {  	s23 =	simm.s32 $0x1B8B  }
0xa2: {  	_ =	swait.ge [sflag:s23], $0x1  }
0xa3: {  	[sflag:s23] =	ssyncset.done $0x0  }
0xa4: {  	s25 =	simm.s32 $0x1B8E;
	s24 =	sld [smem:$0x3FFE];
	[sflag:s23] =	ssyncadd.s32 $0xFFFFFFFF  }
0xa5: {  	s26 =	simm.s32 $execute0_lowered;
	[smem:$0x3FD2] =	sst s25  }
0xa6: {  	s5 =	sshll.u32 s26, $0x1;
	_ =	strace $0x80000046;
	[dreg:$0x1] =	wrdreg $0xFFFFFFFF  }
0xa7: {  	s28 =	simm.s32 $_size_execute0_lowered;
	s3 =	sadd.s32 s3, s5;
	[dreg:$0x0] =	wrdreg $0x0  }
0xa8: {  	s5 =	sshll.u32 s28, $0x1;
	[dreg:$0x2] =	wrdreg s3  }
0xa9: {  	[dreg:$0x3] =	wrdreg s5  }
0xaa: {  	[dreg:$0x4] =	wrdreg $0xC0  }
0xab: {  	_ =	task [dreg:s7], $0x5FFFF  }
0xac: {  	[dreg:$0x1] =	wrdreg $0xFFFFFFFF  }
0xad: {  	[dreg:$0x0] =	wrdreg $0x60  }
0xae: {  	[dreg:$0x2] =	wrdreg s2  }
0xaf: {  	[dreg:$0x3] =	wrdreg s24  }
0xb0: {  	[dreg:$0x4] =	wrdreg $0x9  }
0xb1: {  	_ =	task.clear_ibuf [dreg:s7], $0x5FFFF;
	_ =	strace $0x90000046  }
0xb2: {  	s29 =	simm.s32 $0x9;
	_ =	strace $0x80000048  }
0xb3: {  	_ =	swait.ge [sflag:s29], $0x1  }
0xb4: {  	[sflag:s29] =	ssyncadd.s32 $0xFFFFFFFF  }
0xb5: {  	_ =	strace $0x90000048  }
0xb6: {  	_ =	sfence  }
0xb7: {  	s30 =	sld [smem:$0x0];
	_ =	sdelay $0x2  }
0xb8: {  	s31 =	sshll.u32 s1, $0xD;
	s1 =	sshrl.u32 s1, $0x2  }
0xb9: {  	s3 =	sand.u32 $0x4000, s31;
	s1 =	sadd.s32 s1, s30  }
0xba: {  	s0 =	sor.u32 s3, s0;
	s1 =	sshll.u32 s1, $0x11  }
0xbb: {  	s0 =	sor.u32 s1, s0  }
0xbc: {  	s0 =	sadd.s32 $0x8F2B, s0  }
0xbd: {  	[sflag:s0] =	ssyncadd.remote.s32 $0x1  }
0xbe: {  	_ =	sfence.sel $0xFFFF  }
0xbf: {  	[dreg:$0x0] =	wrdreg $0xFFFFFFFF;
	(pc) =	sbr.abs _section_cstart, $3  }
0xc0: {  	[dreg:$0x1] =	wrdreg $0xFFFFFFFF  }
0xc1: {  	_ =	task.clear_ibuf [dreg:s7], $0x2FFFF;
	_ =	strace $0x9FFFFFFF  }
0xc2: {  	(tm) =	ssettm $0x7FFFFFFF  }
0xc3: {  	_ =	shalt  }
tec
execute0_lowered:
.L_overlay_start_1:
0x0: {  	(tag) =	ssettag $0x1  }
0x1: {  	s0 =	rddreg [dreg:$0x0]  }
0x2: {  	s1 =	rddreg [dreg:$0x1];
	s6 =	simm.s32 $0x0;
	s2 =	srdreg.scid  }
0x3: {  	s3 =	stileid.u32;
	[smem:$0x7FF] =	sst s6  }
0x4: {  	s2 =	sand.u32 $0x1, s2;
	s3 =	sshll.u32 s3, $0xA;
	s7 =	sadd.s32 $0x400, s1  }
0x5: {  	s8 =	sadd.s32 $0xC3A00, s1;
	_ =	strace $0x80000047;
	s4 =	sshll.u32 s2, $0x9  }
0x6: {  	s2 =	ssub.s32 $0x2, s2;
	[dreg:$0x1a] =	wrdreg s7;
	s3 =	sor.u32 s4, s3  }
0x7: {  	s5 =	sshrl.u32 s2, $0x1;
	s4 =	sshll.u32 s3, $0x4;
	s3 =	sshrl.u32 s3, $0x3  }
0x8: {  	[dreg:$0x1b] =	wrdreg s8;
	s2 =	ssub.s32 s2, s5;
	s0 =	sadd.s32 s0, s3  }
0x9: {  	v0 =	vimm.s32 $0x0;
	v1 =	vimm.s32 $0x6DDD0;
	s1 =	sadd.s32 s4, s1;
	s31 =	smax.u32 s2, $0x1;
	[dreg:$0x1c] =	wrdreg s0  }
0xa: {  	vm0 =	vcmask $0x300;
	vm1 =	vcmask $0x704;
	vm2 =	vcmask $0xB08;
	s26 =	sadd.s32 $0x7A1800, s1;
	[smem:$0x7FD] =	sst s31  }
0xb: {  	vm3 =	vcmask $0xF0C;
	vm4 =	vcmask $0x1310;
	vm5 =	vcmask $0x1714;
	s28 =	sadd.s32 $0x7A2000, s1;
	[dreg:$0x1d] =	wrdreg s26  }
0xc: {  	vm6 =	vcmask $0x1B18;
	vm7 =	vcmask $0x1F1C;
	vm8 =	vcmask $0x2320;
	s29 =	sadd.s32 $0x7A2800, s1;
	[dreg:$0x1e] =	wrdreg s28  }
0xd: {  	vm9 =	vcmask $0x2724;
	vm10 =	vcmask $0x2B28;
	vm11 =	vcmask $0x2F2C;
	s30 =	sadd.s32 $0x7A3000, s1;
	[dreg:$0x1f] =	wrdreg s29  }
0xe: {  	vm12 =	vcmask $0x3330;
	vm13 =	vcmask $0x3734;
	vm14 =	vcmask $0x3B38;
	s4 =	simm.s32 $0x3;
	s1 =	simm.s32 $0x0;
	[smem:$0x7FC] =	sst s30  }
.LBB2_1:
0xf: {  	[smem:$0x7FB] =	sst s1  }
0x10: {  	s0 =	rddreg [dreg:$0x1c]  }
0x11: {  	[tilespmem:s6], [sflag:$0x3] =	stream.linear.gather [hbm4b:s0+s6], $0x200, $0x38;
	[tilespmem:$0x8600] =	vst v63  }
0x12: {  	_ =	swait.ge [sflag:s4], $0x200  }
0x13: {  	[sflag:s4] =	ssyncset.done $0x0  }
0x14: {  	s3 =	simm.s32 $0x0;
	[sflag:s4] =	ssyncadd.s32 $0xFFFFFE00  }
0x15: {  	v2 =	vld [tilespmem:s3+$0x0];
	_ =	sdelay $0x4  }
0x16: {  	v3 =	vsub.s32 $0x0, v2  }
0x17: {  	v3 =	vmin.u32 v2, v3  }
0x18: {  	(v2sf) =	vpush v3, $0xE  }
0x19: {  	(v2sf) =	vpush v3, $0xD  }
0x1a: {  	(v2sf) =	vpush v3, $0xC  }
0x1b: {  	(v2sf) =	vpush v3, $0xB  }
0x1c: {  	(v2sf) =	vpush v3, $0xA  }
0x1d: {  	(v2sf) =	vpush v3, $0x9  }
0x1e: {  	(v2sf) =	vpush v3, $0x8  }
0x1f: {  	(v2sf) =	vpush v3, $0x7  }
0x20: {  	(v2sf) =	vpush v3, $0x6  }
0x21: {  	v2 =	vmul.u32 $0xCCCCCCCD, v2;
	(v2sf) =	vpush v3, $0x5  }
0x22: {  	(v2sf) =	vpush v3, $0x4  }
0x23: {  	v2 =	vadd.s32 $0x19999998, v2;
	(v2sf) =	vpush v3, $0x3  }
0x24: {  	v4 =	vshll.u32 v2, $0x1F;
	v2 =	vshrl.u32 v2, $0x1;
	(v2sf) =	vpush v3, $0x2  }
0x25: {  	v2 =	vor.u32 v4, v2;
	(v2sf) =	vpush v3, $0x1  }
0x26: {  	vm15 =	vle.u32 v2, $0x19999998;
	(v2sf) =	vpush v3, $0x0  }
0x27: {  	v2 =	vsel vm15, $0xC350, v1;
	s0 =	spop (v2sf);
	(v2sf) =	vpush v3, $0xF  }
0x28: {  	s13 =	spop (v2sf);
	(v2sf) =	vpush v2, $0xE  }
0x29: {  	s18 =	spop (v2sf);
	(v2sf) =	vpush v2, $0xD  }
0x2a: {  	s20 =	spop (v2sf);
	(v2sf) =	vpush v2, $0xC  }
0x2b: {  	s31 =	spop (v2sf);
	(v2sf) =	vpush v2, $0xB  }
0x2c: {  	s26 =	spop (v2sf);
	(v2sf) =	vpush v2, $0xA  }
0x2d: {  	s17 =	spop (v2sf);
	(v2sf) =	vpush v2, $0x9  }
0x2e: {  	s29 =	spop (v2sf);
	(v2sf) =	vpush v2, $0x8  }
0x2f: {  	s8 =	spop (v2sf);
	(v2sf) =	vpush v2, $0x7  }
0x30: {  	s19 =	spop (v2sf);
	(v2sf) =	vpush v2, $0x6  }
0x31: {  	s2 =	spop (v2sf);
	(v2sf) =	vpush v2, $0x5  }
0x32: {  	s11 =	spop (v2sf);
	(v2sf) =	vpush v2, $0x4  }
0x33: {  	s30 =	spop (v2sf);
	(v2sf) =	vpush v2, $0x3  }
0x34: {  	s15 =	spop (v2sf);
	(v2sf) =	vpush v2, $0x2  }
0x35: {  	s16 =	spop (v2sf);
	(v2sf) =	vpush v2, $0x1  }
0x36: {  	s28 =	simm.s32 $0x0;
	v3 =	vsel vm15, $0x1, v0;
	(v2sf) =	vpush v2, $0x0;
	s21 =	spop (v2sf)  }
0x37: {  	s1 =	simm.s32 $0x40;
	[dreg:$0x3] =	wrdreg s28;
	[tilespmem:s3+$0x400] =	vst v3;
	(v2sf) =	vpush v2, $0xF;
	s22 =	spop (v2sf)  }
.LBB2_2:
0x38: {  	[dreg:$0x18] =	wrdreg s11  }
0x39: {  	[dreg:$0x17] =	wrdreg s2  }
0x3a: {  	[dreg:$0x4] =	wrdreg s1;
	s3 =	spop (v2sf)  }
0x3b: {  	s2 =	sshra.s32 s2, $0x1F;
	[dreg:$0x12] =	wrdreg s3  }
0x3c: {  	p0 =	sne.s32 s1, $0x7C0;
	s24 =	spop (v2sf);
	[dreg:$0x16] =	wrdreg s2  }
0x3d: {  	s3 =	smov.u32 s16;
	[dreg:$0x10] =	wrdreg s24;
	s25 =	spop (v2sf)  }
0x3e: {  	s2 =	sshra.s32 s21, $0x1F;
	[dreg:$0xf] =	wrdreg s25;
	s28 =	spop (v2sf)  }
0x3f: {  	s25 =	sshra.s32 s1, $0x2;
	s1 =	smov.u32 s8;
	[dreg:$0xe] =	wrdreg s28  }
0x40: {  	s4 =	spop (v2sf);
	[dreg:$0x19] =	wrdreg s25;
	s25 =	sshra.s32 s13, $0x1F  }
0x41: {  	[dreg:$0x6] =	wrdreg s4;
	s5 =	spop (v2sf);
	s4 =	sshra.s32 s8, $0x1F  }
0x42: {  	s8 =	smov.u32 s17;
	[dreg:$0x7] =	wrdreg s5;
	s6 =	spop (v2sf)  }
0x43: {  	s13 =	sxor.u32 s25, s13;
	[dreg:$0x8] =	wrdreg s6;
	s7 =	spop (v2sf)  }
0x44: {  	s13 =	ssub.s32 s13, s25;
	[dreg:$0x9] =	wrdreg s7;
	s9 =	spop (v2sf)  }
0x45: {  	s6 =	sshra.s32 s31, $0x1F;
	[dreg:$0xa] =	wrdreg s9;
	s10 =	spop (v2sf)  }
0x46: {  	s7 =	smov.u32 s30;
	[dreg:$0xb] =	wrdreg s10;
	s12 =	spop (v2sf)  }
0x47: {  	s9 =	smov.u32 s19;
	s10 =	sshra.s32 s26, $0x1F;
	[dreg:$0xc] =	wrdreg s12  }
0x48: {  	s14 =	spop (v2sf);
	s12 =	sshra.s32 s17, $0x1F;
	s17 =	sshra.s32 s11, $0x1F  }
0x49: {  	s11 =	sshra.s32 s19, $0x1F;
	s19 =	sshra.s32 s16, $0x1F;
	s16 =	sshra.s32 s30, $0x1F  }
0x4a: {  	s30 =	sxor.u32 s6, s31;
	s26 =	sxor.u32 s10, s26;
	[dreg:$0xd] =	wrdreg s14  }
0x4b: {  	s23 =	spop (v2sf);
	s14 =	sshra.s32 s29, $0x1F;
	s8 =	sxor.u32 s12, s8  }
0x4c: {  	s3 =	sxor.u32 s19, s3;
	[dreg:$0x11] =	wrdreg s23;
	s24 =	spop (v2sf)  }
0x4d: {  	s23 =	sshra.s32 s18, $0x1F;
	[dreg:$0x14] =	wrdreg s8;
	s8 =	smov.u32 s12  }
0x4e: {  	s12 =	smov.u32 s14;
	[dreg:$0x13] =	wrdreg s24;
	s28 =	spop (v2sf)  }
0x4f: {  	s31 =	sxor.u32 s23, s18;
	s18 =	smov.u32 s10;
	s10 =	rddreg [dreg:$0x12]  }
0x50: {  	s24 =	sshra.s32 s20, $0x1F;
	[dreg:$0x15] =	wrdreg s28;
	s28 =	sshra.s32 s0, $0x1F  }
0x51: {  	s20 =	sxor.u32 s24, s20;
	[dreg:$0x5] =	wrdreg s28;
	s0 =	sxor.u32 s28, s0  }
0x52: {  	s0 =	ssub.s32 s0, s28;
	s28 =	sxor.u32 s14, s29;
	s14 =	smov.u32 s4  }
0x53: {  	s29 =	rddreg [dreg:$0x19];
	(drf) =	srem.u32 s0, s22;
	s0 =	sxor.u32 s4, s1  }
0x54: {  	s4 =	ssub.s32 s31, s23;
	s1 =	ssub.s32 s20, s24;
	s20 =	rddreg [dreg:$0x10]  }
0x55: {  	(drf) =	srem.u32 s13, s10;
	s13 =	sxor.u32 s11, s9;
	s9 =	sxor.u32 s2, s21  }
0x56: {  	s10 =	smov.u32 s6;
	s21 =	rddreg [dreg:$0xf];
	(drf) =	srem.u32 s4, s20  }
0x57: {  	s20 =	ssub.s32 s30, s6;
	s4 =	ssub.s32 s9, s2;
	s9 =	rddreg [dreg:$0xe]  }
0x58: {  	s6 =	ssub.s32 s3, s19;
	s3 =	sxor.u32 s16, s7;
	s7 =	rddreg [dreg:$0x13]  }
0x59: {  	s5 =	sshra.s32 s15, $0x1F;
	(drf) =	srem.u32 s1, s21;
	s21 =	rddreg [dreg:$0x15]  }
0x5a: {  	(drf) =	srem.u32 s20, s9;
	s20 =	sxor.u32 s5, s15;
	s9 =	rddreg [dreg:$0x18]  }
0x5b: {  	s22 =	ssub.s32 s20, s5;
	s20 =	rddreg [dreg:$0x11]  }
0x5c: {  	v2 =	vld [tilespmem:s29+$0x0];
	(drf) =	srem.u32 s4, s21;
	s21 =	rddreg [dreg:$0x17]  }
0x5d: {  	(drf) =	srem.u32 s6, s7;
	s7 =	rddreg [dreg:$0x16]  }
0x5e: {  	s6 =	ssub.s32 s3, s16;
	s3 =	rddreg [dreg:$0xd]  }
0x5f: {  	s15 =	sxor.u32 s17, s9;
	(drf) =	srem.u32 s22, s20;
	s20 =	rddreg [dreg:$0xc]  }
0x60: {  	s4 =	ssub.s32 s15, s17;
	s22 =	sxor.u32 s7, s21;
	s21 =	rddreg [dreg:$0xb]  }
0x61: {  	v3 =	vsub.s32 $0x0, v2;
	(drf) =	srem.u32 s6, s3;
	s15 =	ssub.s32 s22, s7;
	s22 =	rddreg [dreg:$0xa]  }
0x62: {  	v3 =	vmin.u32 v2, v3;
	s3 =	ssub.s32 s28, s12;
	s28 =	rddreg [dreg:$0x7];
	(drf) =	srem.u32 s4, s20  }
0x63: {  	(v2sf) =	vpush v3, $0xE;
	s9 =	spop (drf);
	s20 =	rddreg [dreg:$0x9]  }
0x64: {  	s13 =	ssub.s32 s13, s11;
	(drf) =	srem.u32 s15, s21;
	s4 =	spop (drf)  }
0x65: {  	s21 =	rddreg [dreg:$0x14];
	(drf) =	srem.u32 s13, s22  }
0x66: {  	s0 =	ssub.s32 s0, s14;
	(v2sf) =	vpush v3, $0xD;
	s15 =	spop (drf);
	s22 =	rddreg [dreg:$0x8]  }
0x67: {  	(v2sf) =	vpush v3, $0xC;
	(drf) =	srem.u32 s0, s20;
	s6 =	spop (drf);
	s20 =	smov.u32 s8  }
0x68: {  	(v2sf) =	vpush v3, $0xB;
	s0 =	ssub.s32 s21, s8;
	(drf) =	srem.u32 s3, s22;
	s21 =	spop (drf)  }
0x69: {  	(v2sf) =	vpush v3, $0xA;
	s8 =	ssub.s32 s26, s18;
	s26 =	spop (drf);
	(drf) =	srem.u32 s0, s28  }
0x6a: {  	(v2sf) =	vpush v3, $0x9;
	s1 =	sxor.u32 s2, s26;
	s22 =	spop (drf);
	s26 =	rddreg [dreg:$0x6]  }
0x6b: {  	(v2sf) =	vpush v3, $0x8;
	(drf) =	srem.u32 s8, s26;
	s0 =	ssub.s32 s1, s2;
	s1 =	spop (drf)  }
0x6c: {  	(v2sf) =	vpush v3, $0x7;
	s3 =	spop (drf)  }
0x6d: {  	(v2sf) =	vpush v3, $0x6;
	s28 =	sxor.u32 s19, s22;
	s22 =	spop (drf)  }
0x6e: {  	(v2sf) =	vpush v3, $0x5;
	s8 =	ssub.s32 s28, s19;
	s2 =	sxor.u32 s5, s1;
	s1 =	spop (drf)  }
0x6f: {  	v2 =	vmul.u32 $0xCCCCCCCD, v2;
	v4 =	vmov s0;
	(v2sf) =	vpush v3, $0x4;
	s0 =	ssub.s32 s2, s5;
	s19 =	sxor.u32 s16, s3;
	s5 =	spop (drf)  }
0x70: {  	v4 =	vsel vm0, s8, v4;
	(v2sf) =	vpush v3, $0x3;
	s26 =	ssub.s32 s19, s16;
	s28 =	sxor.u32 s17, s22;
	s13 =	spop (drf)  }
0x71: {  	v2 =	vadd.s32 $0x19999998, v2;
	v4 =	vsel vm1, s0, v4;
	(v2sf) =	vpush v3, $0x2;
	s2 =	ssub.s32 s28, s17;
	s3 =	sxor.u32 s7, s1;
	s19 =	spop (drf)  }
0x72: {  	v5 =	vshll.u32 v2, $0x1F;
	v2 =	vshrl.u32 v2, $0x1;
	v4 =	vsel vm2, s26, v4;
	s7 =	ssub.s32 s3, s7;
	s8 =	sxor.u32 s11, s5;
	s0 =	spop (v2sf)  }
0x73: {  	v2 =	vor.u32 v5, v2;
	(v2sf) =	vpush v3, $0x1;
	v4 =	vsel vm3, s2, v4;
	s16 =	ssub.s32 s8, s11;
	s17 =	sxor.u32 s14, s13;
	s28 =	spop (drf)  }
0x74: {  	vm15 =	vle.u32 v2, $0x19999998;
	(v2sf) =	vpush v3, $0x0;
	v4 =	vsel vm4, s7, v4;
	s22 =	ssub.s32 s17, s14;
	s26 =	sxor.u32 s12, s19;
	s1 =	spop (drf)  }
0x75: {  	v63 =	vsel vm15, $0xC350, v1;
	(v2sf) =	vpush v3, $0xF;
	v4 =	vsel vm5, s16, v4;
	s13 =	spop (v2sf);
	s2 =	ssub.s32 s26, s12;
	s5 =	sxor.u32 s18, s1  }
0x76: {  	v4 =	vsel vm6, s22, v4;
	s3 =	sxor.u32 s20, s28;
	s7 =	ssub.s32 s5, s18;
	s18 =	spop (v2sf);
	(v2sf) =	vpush v63, $0xE  }
0x77: {  	s15 =	sxor.u32 s23, s15;
	v2 =	vsel vm7, s2, v4;
	s3 =	ssub.s32 s3, s20;
	s20 =	spop (v2sf);
	(v2sf) =	vpush v63, $0xD  }
0x78: {  	s8 =	sxor.u32 s10, s21;
	s11 =	sxor.u32 s24, s6;
	v2 =	vsel vm8, s3, v2;
	s31 =	spop (v2sf);
	(v2sf) =	vpush v63, $0xC  }
0x79: {  	s10 =	ssub.s32 s8, s10;
	s17 =	sxor.u32 s25, s4;
	v2 =	vsel vm9, s7, v2;
	s26 =	spop (v2sf);
	(v2sf) =	vpush v63, $0xB  }
0x7a: {  	v3 =	vsel vm15, $0x1, v0;
	s14 =	ssub.s32 s11, s24;
	s19 =	ssub.s32 s17, s25;
	v2 =	vsel vm10, s10, v2;
	s17 =	spop (v2sf);
	(v2sf) =	vpush v63, $0xA  }
0x7b: {  	[tilespmem:s29+$0x400] =	vst v3;
	s16 =	ssub.s32 s15, s23;
	s12 =	smov.u32 s29;
	v2 =	vsel vm11, s14, v2;
	s29 =	spop (v2sf);
	(v2sf) =	vpush v63, $0x9  }
0x7c: {  	v2 =	vsel vm12, s16, v2;
	s8 =	spop (v2sf);
	(v2sf) =	vpush v63, $0x8  }
0x7d: {  	v2 =	vsel vm13, s19, v2;
	s19 =	spop (v2sf);
	(v2sf) =	vpush v63, $0x7  }
0x7e: {  	s2 =	spop (v2sf);
	(v2sf) =	vpush v63, $0x6  }
0x7f: {  	s11 =	spop (v2sf);
	(v2sf) =	vpush v63, $0x5  }
0x80: {  	s30 =	spop (v2sf);
	(v2sf) =	vpush v63, $0x4  }
.Ltmp0:
0x81: {  	s21 =	rddreg [dreg:$0x5];
	(v2sf) =	vpush v63, $0x3;
	(pc) =	sbr.rel @p0 .LBB2_2-.Ltmp0, $4  }
0x82: {  	s22 =	sxor.u32 s21, s9;
	s15 =	spop (v2sf);
	(v2sf) =	vpush v63, $0x2  }
0x83: {  	s24 =	rddreg [dreg:$0x3];
	s23 =	ssub.s32 s22, s21;
	s16 =	spop (v2sf);
	(v2sf) =	vpush v63, $0x1  }
0x84: {  	s28 =	rddreg [dreg:$0x4];
	s25 =	smov.u32 s12;
	v2 =	vsel vm14, s23, v2;
	s21 =	spop (v2sf);
	(v2sf) =	vpush v63, $0x0  }
0x85: {  	[dreg:$0x3] =	wrdreg s25;
	s1 =	sadd.s32 $0x40, s28;
	[tilespmem:s24+$0x200] =	vst v2;
	(v2sf) =	vpush v63, $0xF;
	s22 =	spop (v2sf)  }
0x86: {  	s23 =	smov.u32 s2;
	s28 =	spop (v2sf)  }
0x87: {  	s1 =	sshra.s32 s0, $0x1F;
	s25 =	smov.u32 s11;
	s3 =	spop (v2sf)  }
0x88: {  	s24 =	smov.u32 s19;
	s7 =	sxor.u32 s1, s0;
	s5 =	spop (v2sf)  }
0x89: {  	s0 =	sshra.s32 s13, $0x1F;
	s7 =	ssub.s32 s7, s1;
	s9 =	spop (v2sf)  }
0x8a: {  	s13 =	sxor.u32 s0, s13;
	(drf) =	srem.u32 s7, s22;
	s12 =	spop (v2sf)  }
0x8b: {  	s7 =	sshra.s32 s18, $0x1F;
	s13 =	ssub.s32 s13, s0;
	s10 =	spop (v2sf)  }
0x8c: {  	s22 =	smov.u32 s8;
	s6 =	sxor.u32 s7, s18;
	s11 =	spop (v2sf)  }
0x8d: {  	(drf) =	srem.u32 s13, s28;
	s4 =	ssub.s32 s6, s7;
	s13 =	spop (v2sf)  }
0x8e: {  	(drf) =	srem.u32 s4, s3;
	s3 =	sshra.s32 s20, $0x1F;
	s18 =	spop (v2sf)  }
0x8f: {  	s28 =	sshra.s32 s31, $0x1F;
	s6 =	sxor.u32 s3, s20;
	s19 =	spop (v2sf)  }
0x90: {  	s14 =	sxor.u32 s28, s31;
	s2 =	ssub.s32 s6, s3;
	s8 =	spop (v2sf)  }
0x91: {  	s20 =	ssub.s32 s14, s28;
	(drf) =	srem.u32 s2, s5;
	s6 =	spop (v2sf)  }
0x92: {  	s5 =	sshra.s32 s21, $0x1F;
	(drf) =	srem.u32 s20, s9;
	s2 =	spop (v2sf)  }
0x93: {  	s4 =	sxor.u32 s5, s21;
	s20 =	sshra.s32 s16, $0x1F;
	s9 =	spop (v2sf)  }
0x94: {  	s16 =	sxor.u32 s20, s16;
	s4 =	ssub.s32 s4, s5;
	s31 =	spop (v2sf)  }
0x95: {  	s14 =	ssub.s32 s16, s20;
	s16 =	sshra.s32 s15, $0x1F;
	(drf) =	srem.u32 s4, s31  }
0x96: {  	s21 =	sxor.u32 s16, s15;
	(drf) =	srem.u32 s14, s9;
	s9 =	sshra.s32 s30, $0x1F  }
0x97: {  	s15 =	sshra.s32 s25, $0x1F;
	s4 =	ssub.s32 s21, s16;
	s14 =	sxor.u32 s9, s30  }
0x98: {  	s31 =	sxor.u32 s15, s25;
	(drf) =	srem.u32 s4, s2;
	s30 =	ssub.s32 s14, s9  }
0x99: {  	s21 =	ssub.s32 s31, s15;
	s14 =	sshra.s32 s23, $0x1F;
	(drf) =	srem.u32 s30, s6  }
0x9a: {  	s2 =	spop (drf);
	s25 =	sxor.u32 s14, s23;
	(drf) =	srem.u32 s21, s8  }
0x9b: {  	s8 =	sshra.s32 s24, $0x1F;
	s4 =	ssub.s32 s25, s14;
	s25 =	smov.u32 s17  }
0x9c: {  	(drf) =	srem.u32 s4, s19;
	s19 =	sshra.s32 s22, $0x1F;
	s30 =	sxor.u32 s8, s24  }
0x9d: {  	s4 =	spop (drf);
	s31 =	sxor.u32 s19, s22;
	s22 =	ssub.s32 s30, s8  }
0x9e: {  	s6 =	spop (drf);
	(drf) =	srem.u32 s22, s18;
	s18 =	sshra.s32 s29, $0x1F  }
0x9f: {  	s23 =	ssub.s32 s31, s19;
	s22 =	spop (drf);
	s24 =	sxor.u32 s18, s29  }
0xa0: {  	(drf) =	srem.u32 s23, s13;
	s13 =	sshra.s32 s17, $0x1F;
	s17 =	sshra.s32 s26, $0x1F  }
0xa1: {  	s29 =	ssub.s32 s24, s18;
	s31 =	sxor.u32 s13, s25;
	s24 =	spop (drf)  }
0xa2: {  	(drf) =	srem.u32 s29, s11;
	s11 =	sxor.u32 s17, s26;
	s21 =	ssub.s32 s31, s13  }
0xa3: {  	s25 =	spop (drf);
	(drf) =	srem.u32 s21, s10;
	s23 =	ssub.s32 s11, s17  }
0xa4: {  	s26 =	sxor.u32 s5, s25;
	s29 =	spop (drf);
	(drf) =	srem.u32 s23, s12  }
0xa5: {  	s11 =	sxor.u32 s20, s29;
	s10 =	ssub.s32 s26, s5;
	s30 =	spop (drf)  }
0xa6: {  	s11 =	ssub.s32 s11, s20;
	v2 =	vmov s10;
	s31 =	sxor.u32 s16, s30;
	s5 =	spop (drf)  }
0xa7: {  	v2 =	vsel vm0, s11, v2;
	s10 =	ssub.s32 s31, s16;
	s16 =	sxor.u32 s9, s5;
	s20 =	spop (drf)  }
0xa8: {  	v2 =	vsel vm1, s10, v2;
	s9 =	ssub.s32 s16, s9;
	s21 =	sxor.u32 s15, s20;
	s23 =	spop (drf)  }
0xa9: {  	v2 =	vsel vm2, s9, v2;
	s25 =	ssub.s32 s21, s15;
	s26 =	sxor.u32 s14, s23;
	s29 =	spop (drf)  }
0xaa: {  	v2 =	vsel vm3, s25, v2;
	s30 =	ssub.s32 s26, s14;
	s31 =	sxor.u32 s8, s29;
	s5 =	spop (drf)  }
0xab: {  	v2 =	vsel vm4, s30, v2;
	s8 =	ssub.s32 s31, s8;
	s10 =	sxor.u32 s19, s5;
	s11 =	spop (drf)  }
0xac: {  	v2 =	vsel vm5, s8, v2;
	s12 =	ssub.s32 s10, s19;
	s14 =	sxor.u32 s18, s11;
	s15 =	spop (drf)  }
0xad: {  	v2 =	vsel vm6, s12, v2;
	s16 =	ssub.s32 s14, s18;
	s18 =	sxor.u32 s13, s15;
	s19 =	spop (drf)  }
0xae: {  	v2 =	vsel vm7, s16, v2;
	s20 =	ssub.s32 s18, s13;
	s21 =	sxor.u32 s17, s19  }
0xaf: {  	s24 =	sxor.u32 s28, s24;
	v2 =	vsel vm8, s20, v2;
	s23 =	ssub.s32 s21, s17  }
0xb0: {  	s25 =	ssub.s32 s24, s28;
	s26 =	sxor.u32 s3, s22;
	v2 =	vsel vm9, s23, v2  }
0xb1: {  	s28 =	sxor.u32 s7, s6;
	s3 =	ssub.s32 s26, s3;
	v2 =	vsel vm10, s25, v2  }
0xb2: {  	s4 =	sxor.u32 s0, s4;
	s29 =	ssub.s32 s28, s7;
	v2 =	vsel vm11, s3, v2  }
0xb3: {  	s2 =	sxor.u32 s1, s2;
	s0 =	ssub.s32 s4, s0;
	s31 =	rddreg [dreg:$0x3];
	v2 =	vsel vm12, s29, v2  }
0xb4: {  	s30 =	ssub.s32 s2, s1;
	s7 =	rddreg [dreg:$0x1a];
	v2 =	vsel vm13, s0, v2  }
0xb5: {  	s8 =	rddreg [dreg:$0x1b];
	s18 =	simm.s32 $0x0;
	v2 =	vsel vm14, s30, v2  }
0xb6: {  	s19 =	simm.s32 $0x400;
	s17 =	simm.s32 $0x200;
	s20 =	simm.s32 $0x0;
	[tilespmem:s31+$0x200] =	vst v2  }
.LBB2_4:
0xb7: {  	v3 =	vld [tilespmem:s19+$0x0];
	_ =	sdelay $0x2  }
0xb8: {  	v2 =	vld [tilespmem:s17+$0x0];
	_ =	sdelay $0x1  }
0xb9: {  	(v2sf) =	vpush v3, $0x0;
	_ =	sdelay $0x2  }
0xba: {  	v2 =	vshll.u32 v2, $0x4  }
0xbb: {  	(v2sf) =	vpush v2, $0x0  }
0xbc: {  	(v2sf) =	vpush v3, $0x1;
	_ =	sdelay $0x1  }
0xbd: {  	(v2sf) =	vpush v2, $0x1;
	_ =	sdelay $0x1  }
0xbe: {  	(v2sf) =	vpush v3, $0x2;
	_ =	sdelay $0x3  }
0xbf: {  	(v2sf) =	vpush v2, $0x2;
	_ =	sdelay $0x1  }
0xc0: {  	s0 =	spop (v2sf);
	(v2sf) =	vpush v3, $0x3;
	_ =	sdelay $0x2  }
0xc1: {  	(v2sf) =	vpush v2, $0x3  }
0xc2: {  	s1 =	spop (v2sf)  }
0xc3: {  	s4 =	spop (v2sf);
	(v2sf) =	vpush v3, $0x4;
	_ =	sdelay $0x1  }
0xc4: {  	s2 =	smov.u32 s7;
	p0 =	seq.s32 s0, $0x0;
	s5 =	spop (v2sf);
	(v2sf) =	vpush v2, $0x4  }
0xc5: {  	s0 =	sshra.s32 s20, $0x2;
	s1 =	sand.u32 $0x1FFFFFF0, s1;
	s2 =	smov.u32 @p0 s8  }
0xc6: {  	s3 =	sadd.s32 $0x600, s0;
	s1 =	sadd.s32 s2, s1;
	s9 =	spop (v2sf);
	(v2sf) =	vpush v3, $0x5  }
0xc7: {  	[tilespmem:s3], [sflag:$0x1] =	stream.linear.gather [hbm4b:s1+s18], $0x80, $0x38;
	[tilespmem:$0x8600] =	vst v63  }
0xc8: {  	p0 =	seq.s32 s4, $0x0;
	s1 =	smov.u32 s7  }
0xc9: {  	s2 =	sand.u32 $0x1FFFFFF0, s5;
	s1 =	smov.u32 @p0 s8;
	(v2sf) =	vpush v2, $0x5  }
0xca: {  	s6 =	sadd.s32 $0x680, s0;
	s10 =	spop (v2sf);
	s1 =	sadd.s32 s1, s2  }
0xcb: {  	[tilespmem:s6], [sflag:$0x1] =	stream.linear.gather [hbm4b:s1+s18], $0x80, $0x38;
	[tilespmem:$0x8600] =	vst v63  }
0xcc: {  	s12 =	spop (v2sf);
	(v2sf) =	vpush v3, $0x6  }
0xcd: {  	p0 =	seq.s32 s9, $0x0;
	s1 =	smov.u32 s7  }
0xce: {  	s2 =	sand.u32 $0x1FFFFFF0, s10;
	s1 =	smov.u32 @p0 s8  }
0xcf: {  	s11 =	sadd.s32 $0x700, s0;
	s1 =	sadd.s32 s1, s2;
	s13 =	spop (v2sf);
	(v2sf) =	vpush v2, $0x6  }
0xd0: {  	[tilespmem:s11], [sflag:$0x1] =	stream.linear.gather [hbm4b:s1+s18], $0x80, $0x38;
	[tilespmem:$0x8600] =	vst v63  }
0xd1: {  	s1 =	smov.u32 s7;
	p0 =	seq.s32 s12, $0x0;
	s15 =	spop (v2sf);
	(v2sf) =	vpush v3, $0x7  }
0xd2: {  	s1 =	smov.u32 @p0 s8;
	s2 =	sand.u32 $0x1FFFFFF0, s13  }
0xd3: {  	s14 =	sadd.s32 $0x780, s0;
	s1 =	sadd.s32 s1, s2;
	s16 =	spop (v2sf);
	(v2sf) =	vpush v2, $0x7  }
0xd4: {  	[tilespmem:s14], [sflag:$0x1] =	stream.linear.gather [hbm4b:s1+s18], $0x80, $0x38;
	[tilespmem:$0x8600] =	vst v63  }
0xd5: {  	s22 =	spop (v2sf);
	(v2sf) =	vpush v3, $0x8  }
0xd6: {  	p0 =	seq.s32 s15, $0x0;
	s1 =	smov.u32 s7  }
0xd7: {  	s2 =	sand.u32 $0x1FFFFFF0, s16;
	s1 =	smov.u32 @p0 s8  }
0xd8: {  	s21 =	sadd.s32 $0x800, s0;
	s23 =	spop (v2sf);
	s1 =	sadd.s32 s1, s2  }
0xd9: {  	(v2sf) =	vpush v2, $0x8;
	[tilespmem:s21], [sflag:$0x1] =	stream.linear.gather [hbm4b:s1+s18], $0x80, $0x38;
	[tilespmem:$0x8600] =	vst v63  }
0xda: {  	p0 =	seq.s32 s22, $0x0;
	s1 =	smov.u32 s7  }
0xdb: {  	s2 =	sand.u32 $0x1FFFFFF0, s23;
	s1 =	smov.u32 @p0 s8;
	s25 =	spop (v2sf);
	(v2sf) =	vpush v3, $0x9  }
0xdc: {  	s24 =	sadd.s32 $0x880, s0;
	s1 =	sadd.s32 s1, s2  }
0xdd: {  	[tilespmem:s24], [sflag:$0x1] =	stream.linear.gather [hbm4b:s1+s18], $0x80, $0x38;
	[tilespmem:$0x8600] =	vst v63  }
0xde: {  	s1 =	smov.u32 s7;
	p0 =	seq.s32 s25, $0x0;
	s26 =	spop (v2sf);
	(v2sf) =	vpush v2, $0x9  }
0xdf: {  	s1 =	smov.u32 @p0 s8;
	s2 =	sand.u32 $0x1FFFFFF0, s26  }
0xe0: {  	s28 =	sadd.s32 $0x900, s0;
	s29 =	spop (v2sf);
	(v2sf) =	vpush v3, $0xA;
	s1 =	sadd.s32 s1, s2  }
0xe1: {  	[tilespmem:s28], [sflag:$0x1] =	stream.linear.gather [hbm4b:s1+s18], $0x80, $0x38;
	[tilespmem:$0x8600] =	vst v63  }
0xe2: {  	p0 =	seq.s32 s29, $0x0;
	s30 =	spop (v2sf);
	(v2sf) =	vpush v2, $0xA;
	s1 =	smov.u32 s7  }
0xe3: {  	s2 =	sand.u32 $0x1FFFFFF0, s30;
	s1 =	smov.u32 @p0 s8  }
0xe4: {  	s1 =	sadd.s32 s1, s2;
	s2 =	spop (v2sf);
	(v2sf) =	vpush v3, $0xB;
	_ =	sdelay $0x1  }
0xe5: {  	s31 =	sadd.s32 $0x980, s0;
	(v2sf) =	vpush v2, $0xB  }
0xe6: {  	[tilespmem:s31], [sflag:$0x1] =	stream.linear.gather [hbm4b:s1+s18], $0x80, $0x38;
	[tilespmem:$0x8600] =	vst v63  }
0xe7: {  	s3 =	spop (v2sf);
	(v2sf) =	vpush v3, $0xC  }
0xe8: {  	p0 =	seq.s32 s2, $0x0;
	s1 =	smov.u32 s7  }
0xe9: {  	s1 =	smov.u32 @p0 s8;
	s2 =	sand.u32 $0x1FFFFFF0, s3;
	s5 =	spop (v2sf);
	(v2sf) =	vpush v2, $0xC  }
0xea: {  	s4 =	sadd.s32 $0xA00, s0;
	s1 =	sadd.s32 s1, s2  }
0xeb: {  	[tilespmem:s4], [sflag:$0x1] =	stream.linear.gather [hbm4b:s1+s18], $0x80, $0x38;
	(v2sf) =	vpush v3, $0xD;
	[tilespmem:$0x8600] =	vst v63  }
0xec: {  	s1 =	smov.u32 s7;
	p0 =	seq.s32 s5, $0x0;
	s6 =	spop (v2sf);
	(v2sf) =	vpush v2, $0xD  }
0xed: {  	s1 =	smov.u32 @p0 s8;
	s2 =	sand.u32 $0x1FFFFFF0, s6  }
0xee: {  	s9 =	sadd.s32 $0xA80, s0;
	s10 =	spop (v2sf);
	s1 =	sadd.s32 s1, s2  }
0xef: {  	(v2sf) =	vpush v3, $0xE;
	[tilespmem:s9], [sflag:$0x1] =	stream.linear.gather [hbm4b:s1+s18], $0x80, $0x38;
	[tilespmem:$0x8600] =	vst v63  }
0xf0: {  	p0 =	seq.s32 s10, $0x0;
	s11 =	spop (v2sf);
	s1 =	smov.u32 s7;
	(v2sf) =	vpush v2, $0xE  }
0xf1: {  	s2 =	sand.u32 $0x1FFFFFF0, s11;
	s1 =	smov.u32 @p0 s8  }
0xf2: {  	s12 =	sadd.s32 $0xB00, s0;
	s1 =	sadd.s32 s1, s2;
	s13 =	spop (v2sf)  }
0xf3: {  	(v2sf) =	vpush v3, $0xF;
	[tilespmem:s12], [sflag:$0x1] =	stream.linear.gather [hbm4b:s1+s18], $0x80, $0x38;
	[tilespmem:$0x8600] =	vst v63  }
0xf4: {  	p0 =	seq.s32 s13, $0x0;
	s1 =	smov.u32 s7;
	s14 =	spop (v2sf)  }
0xf5: {  	s1 =	smov.u32 @p0 s8;
	s2 =	sand.u32 $0x1FFFFFF0, s14  }
0xf6: {  	s16 =	sadd.s32 $0xB80, s0;
	s15 =	spop (v2sf);
	s1 =	sadd.s32 s1, s2  }
0xf7: {  	[tilespmem:s16], [sflag:$0x1] =	stream.linear.gather [hbm4b:s1+s18], $0x80, $0x38;
	[tilespmem:$0x8600] =	vst v63  }
0xf8: {  	(v2sf) =	vpush v2, $0xF;
	p0 =	seq.s32 s15, $0x0;
	s2 =	smov.u32 s7;
	s21 =	spop (v2sf)  }
0xf9: {  	s2 =	smov.u32 @p0 s8;
	s1 =	sand.u32 $0x1FFFFFF0, s21  }
0xfa: {  	s23 =	sadd.s32 $0xC00, s0;
	s22 =	spop (v2sf);
	s1 =	sadd.s32 s2, s1  }
0xfb: {  	s24 =	spop (v2sf);
	p0 =	seq.s32 s22, $0x0;
	s2 =	smov.u32 s7  }
0xfc: {  	[tilespmem:s23], [sflag:$0x1] =	stream.linear.gather [hbm4b:s1+s18], $0x80, $0x38;
	[tilespmem:$0x8600] =	vst v63  }
0xfd: {  	s2 =	smov.u32 @p0 s8;
	s1 =	sand.u32 $0x1FFFFFF0, s24  }
0xfe: {  	s26 =	sadd.s32 $0xC80, s0;
	s25 =	spop (v2sf);
	s1 =	sadd.s32 s2, s1  }
0xff: {  	s28 =	spop (v2sf);
	p0 =	seq.s32 s25, $0x0;
	s2 =	smov.u32 s7  }
0x100: {  	[tilespmem:s26], [sflag:$0x1] =	stream.linear.gather [hbm4b:s1+s18], $0x80, $0x38;
	[tilespmem:$0x8600] =	vst v63  }
0x101: {  	s2 =	smov.u32 @p0 s8;
	s1 =	sand.u32 $0x1FFFFFF0, s28  }
0x102: {  	s30 =	sadd.s32 $0xD00, s0;
	s29 =	spop (v2sf);
	s1 =	sadd.s32 s2, s1  }
0x103: {  	[tilespmem:s30], [sflag:$0x1] =	stream.linear.gather [hbm4b:s1+s18], $0x80, $0x38;
	[tilespmem:$0x8600] =	vst v63  }
0x104: {  	p0 =	seq.s32 s29, $0x0;
	s1 =	smov.u32 s7  }
0x105: {  	s1 =	smov.u32 @p0 s8;
	p0 =	sne.s32 s20, $0xE000  }
.Ltmp1:
0x106: {  	_ = 	snop;
	(pc) =	sbr.rel @p0 .LBB2_4-.Ltmp1, $4  }
0x107: {  	s31 =	spop (v2sf)  }
0x108: {  	s17 =	sadd.s32 $0x10, s17;
	s19 =	sadd.s32 $0x10, s19;
	s2 =	sand.u32 $0x1FFFFFF0, s31  }
0x109: {  	s0 =	sadd.s32 $0xD80, s0;
	s20 =	sadd.s32 $0x2000, s20;
	s1 =	sadd.s32 s1, s2  }
0x10a: {  	[tilespmem:s0], [sflag:$0x1] =	stream.linear.gather [hbm4b:s1+s18], $0x80, $0x38;
	[tilespmem:$0x8600] =	vst v63  }
0x10b: {  	s17 =	simm.s32 $0x280;
	s19 =	simm.s32 $0x480  }
0x10c: {  	s6 =	simm.s32 $0x0;
	s4 =	simm.s32 $0x3;
	s5 =	simm.s32 $0x1  }
0x10d: {  	s9 =	simm.s32 $0x600;
	s10 =	simm.s32 $0x2;
	s11 =	simm.s32 $0x4600  }
.LBB2_6:
0x10e: {  	v3 =	vld [tilespmem:s19+$0x0];
	_ =	sdelay $0x2  }
0x10f: {  	v2 =	vld [tilespmem:s17+$0x0];
	_ =	sdelay $0x1  }
0x110: {  	(v2sf) =	vpush v3, $0x0;
	_ =	sdelay $0x2  }
0x111: {  	v2 =	vshll.u32 v2, $0x4  }
0x112: {  	(v2sf) =	vpush v2, $0x0  }
0x113: {  	(v2sf) =	vpush v3, $0x1;
	_ =	sdelay $0x1  }
0x114: {  	(v2sf) =	vpush v2, $0x1;
	_ =	sdelay $0x1  }
0x115: {  	(v2sf) =	vpush v3, $0x2;
	_ =	sdelay $0x4  }
0x116: {  	(v2sf) =	vpush v2, $0x2  }
0x117: {  	s0 =	spop (v2sf);
	(v2sf) =	vpush v3, $0x3;
	_ =	sdelay $0x2  }
0x118: {  	(v2sf) =	vpush v2, $0x3  }
0x119: {  	s1 =	spop (v2sf)  }
0x11a: {  	s2 =	smov.u32 s7;
	p0 =	seq.s32 s0, $0x0;
	s22 =	spop (v2sf);
	(v2sf) =	vpush v3, $0x4  }
0x11b: {  	s0 =	sshra.s32 s18, $0x2;
	s1 =	sand.u32 $0x1FFFFFF0, s1;
	s2 =	smov.u32 @p0 s8  }
0x11c: {  	s3 =	sadd.s32 $0x4600, s0;
	s1 =	sadd.s32 s2, s1;
	s23 =	spop (v2sf);
	(v2sf) =	vpush v2, $0x4  }
0x11d: {  	[tilespmem:s3], [sflag:$0x2] =	stream.linear.gather [hbm4b:s1+s6], $0x80, $0x38;
	[tilespmem:$0x8600] =	vst v63  }
0x11e: {  	s25 =	spop (v2sf);
	(v2sf) =	vpush v3, $0x5  }
0x11f: {  	p0 =	seq.s32 s22, $0x0;
	s1 =	smov.u32 s7  }
0x120: {  	s2 =	sand.u32 $0x1FFFFFF0, s23;
	s1 =	smov.u32 @p0 s8  }
0x121: {  	s24 =	sadd.s32 $0x4680, s0;
	(v2sf) =	vpush v2, $0x5;
	s1 =	sadd.s32 s1, s2  }
0x122: {  	[tilespmem:s24], [sflag:$0x2] =	stream.linear.gather [hbm4b:s1+s6], $0x80, $0x38;
	[tilespmem:$0x8600] =	vst v63  }
0x123: {  	p0 =	seq.s32 s25, $0x0;
	s26 =	spop (v2sf);
	s1 =	smov.u32 s7  }
0x124: {  	s2 =	sand.u32 $0x1FFFFFF0, s26;
	s1 =	smov.u32 @p0 s8;
	s29 =	spop (v2sf);
	(v2sf) =	vpush v3, $0x6  }
0x125: {  	s28 =	sadd.s32 $0x4700, s0;
	s1 =	sadd.s32 s1, s2  }
0x126: {  	[tilespmem:s28], [sflag:$0x2] =	stream.linear.gather [hbm4b:s1+s6], $0x80, $0x38;
	[tilespmem:$0x8600] =	vst v63  }
0x127: {  	s1 =	smov.u32 s7;
	p0 =	seq.s32 s29, $0x0;
	s30 =	spop (v2sf);
	(v2sf) =	vpush v2, $0x6  }
0x128: {  	s1 =	smov.u32 @p0 s8;
	s2 =	sand.u32 $0x1FFFFFF0, s30  }
0x129: {  	s1 =	sadd.s32 s1, s2;
	s2 =	spop (v2sf);
	(v2sf) =	vpush v3, $0x7;
	_ =	sdelay $0x1  }
0x12a: {  	s3 =	spop (v2sf);
	(v2sf) =	vpush v2, $0x7;
	_ =	sdelay $0x1  }
0x12b: {  	s31 =	sadd.s32 $0x4780, s0;
	s13 =	spop (v2sf);
	(v2sf) =	vpush v3, $0x8  }
0x12c: {  	[tilespmem:s31], [sflag:$0x2] =	stream.linear.gather [hbm4b:s1+s6], $0x80, $0x38;
	[tilespmem:$0x8600] =	vst v63  }
0x12d: {  	p0 =	seq.s32 s2, $0x0;
	s1 =	smov.u32 s7  }
0x12e: {  	s1 =	smov.u32 @p0 s8;
	s2 =	sand.u32 $0x1FFFFFF0, s3;
	s14 =	spop (v2sf);
	(v2sf) =	vpush v2, $0x8  }
0x12f: {  	s12 =	sadd.s32 $0x4800, s0;
	s1 =	sadd.s32 s1, s2  }
0x130: {  	[tilespmem:s12], [sflag:$0x2] =	stream.linear.gather [hbm4b:s1+s6], $0x80, $0x38;
	[tilespmem:$0x8600] =	vst v63  }
0x131: {  	s16 =	spop (v2sf);
	(v2sf) =	vpush v3, $0x9  }
0x132: {  	p0 =	seq.s32 s13, $0x0;
	s1 =	smov.u32 s7  }
0x133: {  	s2 =	sand.u32 $0x1FFFFFF0, s14;
	s1 =	smov.u32 @p0 s8  }
0x134: {  	s15 =	sadd.s32 $0x4880, s0;
	s1 =	sadd.s32 s1, s2;
	s20 =	spop (v2sf);
	(v2sf) =	vpush v2, $0x9  }
0x135: {  	[tilespmem:s15], [sflag:$0x2] =	stream.linear.gather [hbm4b:s1+s6], $0x80, $0x38;
	[tilespmem:$0x8600] =	vst v63  }
0x136: {  	s1 =	smov.u32 s7;
	p0 =	seq.s32 s16, $0x0;
	s22 =	spop (v2sf);
	(v2sf) =	vpush v3, $0xA  }
0x137: {  	s1 =	smov.u32 @p0 s8;
	s2 =	sand.u32 $0x1FFFFFF0, s20  }
0x138: {  	s21 =	sadd.s32 $0x4900, s0;
	s1 =	sadd.s32 s1, s2;
	s23 =	spop (v2sf);
	(v2sf) =	vpush v2, $0xA  }
0x139: {  	[tilespmem:s21], [sflag:$0x2] =	stream.linear.gather [hbm4b:s1+s6], $0x80, $0x38;
	[tilespmem:$0x8600] =	vst v63  }
0x13a: {  	s25 =	spop (v2sf);
	(v2sf) =	vpush v3, $0xB  }
0x13b: {  	p0 =	seq.s32 s22, $0x0;
	s1 =	smov.u32 s7  }
0x13c: {  	s1 =	smov.u32 @p0 s8;
	s2 =	sand.u32 $0x1FFFFFF0, s23;
	(v2sf) =	vpush v2, $0xB  }
0x13d: {  	s24 =	sadd.s32 $0x4980, s0;
	s1 =	sadd.s32 s1, s2;
	s26 =	spop (v2sf)  }
0x13e: {  	[tilespmem:s24], [sflag:$0x2] =	stream.linear.gather [hbm4b:s1+s6], $0x80, $0x38;
	(v2sf) =	vpush v3, $0xC;
	[tilespmem:$0x8600] =	vst v63  }
0x13f: {  	p0 =	seq.s32 s25, $0x0;
	s1 =	smov.u32 s7  }
0x140: {  	s2 =	sand.u32 $0x1FFFFFF0, s26;
	s1 =	smov.u32 @p0 s8;
	s29 =	spop (v2sf);
	(v2sf) =	vpush v2, $0xC  }
0x141: {  	s28 =	sadd.s32 $0x4A00, s0;
	s1 =	sadd.s32 s1, s2  }
0x142: {  	[tilespmem:s28], [sflag:$0x2] =	stream.linear.gather [hbm4b:s1+s6], $0x80, $0x38;
	(v2sf) =	vpush v3, $0xD;
	[tilespmem:$0x8600] =	vst v63  }
0x143: {  	s1 =	smov.u32 s7;
	p0 =	seq.s32 s29, $0x0;
	s30 =	spop (v2sf);
	(v2sf) =	vpush v2, $0xD  }
0x144: {  	s1 =	smov.u32 @p0 s8;
	s2 =	sand.u32 $0x1FFFFFF0, s30  }
0x145: {  	s31 =	sadd.s32 $0x4A80, s0;
	s1 =	sadd.s32 s1, s2;
	s3 =	spop (v2sf)  }
0x146: {  	(v2sf) =	vpush v3, $0xE;
	[tilespmem:s31], [sflag:$0x2] =	stream.linear.gather [hbm4b:s1+s6], $0x80, $0x38;
	[tilespmem:$0x8600] =	vst v63  }
0x147: {  	p0 =	seq.s32 s3, $0x0;
	s1 =	smov.u32 s7;
	s12 =	spop (v2sf);
	(v2sf) =	vpush v2, $0xE  }
0x148: {  	s1 =	smov.u32 @p0 s8;
	s2 =	sand.u32 $0x1FFFFFF0, s12  }
0x149: {  	s13 =	sadd.s32 $0x4B00, s0;
	s14 =	spop (v2sf);
	s1 =	sadd.s32 s1, s2  }
0x14a: {  	(v2sf) =	vpush v3, $0xF;
	[tilespmem:s13], [sflag:$0x2] =	stream.linear.gather [hbm4b:s1+s6], $0x80, $0x38;
	[tilespmem:$0x8600] =	vst v63  }
0x14b: {  	p0 =	seq.s32 s14, $0x0;
	s15 =	spop (v2sf);
	s1 =	smov.u32 s7  }
0x14c: {  	s2 =	sand.u32 $0x1FFFFFF0, s15;
	s1 =	smov.u32 @p0 s8  }
0x14d: {  	s20 =	sadd.s32 $0x4B80, s0;
	s16 =	spop (v2sf);
	s1 =	sadd.s32 s1, s2  }
0x14e: {  	[tilespmem:s20], [sflag:$0x2] =	stream.linear.gather [hbm4b:s1+s6], $0x80, $0x38;
	[tilespmem:$0x8600] =	vst v63  }
0x14f: {  	(v2sf) =	vpush v2, $0xF;
	p0 =	seq.s32 s16, $0x0;
	s2 =	smov.u32 s7;
	s21 =	spop (v2sf)  }
0x150: {  	s2 =	smov.u32 @p0 s8;
	s1 =	sand.u32 $0x1FFFFFF0, s21  }
0x151: {  	s23 =	sadd.s32 $0x4C00, s0;
	s22 =	spop (v2sf);
	s1 =	sadd.s32 s2, s1  }
0x152: {  	s24 =	spop (v2sf);
	p0 =	seq.s32 s22, $0x0;
	s2 =	smov.u32 s7  }
0x153: {  	[tilespmem:s23], [sflag:$0x2] =	stream.linear.gather [hbm4b:s1+s6], $0x80, $0x38;
	[tilespmem:$0x8600] =	vst v63  }
0x154: {  	s2 =	smov.u32 @p0 s8;
	s1 =	sand.u32 $0x1FFFFFF0, s24  }
0x155: {  	s26 =	sadd.s32 $0x4C80, s0;
	s25 =	spop (v2sf);
	s1 =	sadd.s32 s2, s1  }
0x156: {  	s28 =	spop (v2sf);
	p0 =	seq.s32 s25, $0x0;
	s2 =	smov.u32 s7  }
0x157: {  	[tilespmem:s26], [sflag:$0x2] =	stream.linear.gather [hbm4b:s1+s6], $0x80, $0x38;
	[tilespmem:$0x8600] =	vst v63  }
0x158: {  	s2 =	smov.u32 @p0 s8;
	s1 =	sand.u32 $0x1FFFFFF0, s28  }
0x159: {  	s30 =	sadd.s32 $0x4D00, s0;
	s29 =	spop (v2sf);
	s1 =	sadd.s32 s2, s1  }
0x15a: {  	[tilespmem:s30], [sflag:$0x2] =	stream.linear.gather [hbm4b:s1+s6], $0x80, $0x38;
	[tilespmem:$0x8600] =	vst v63  }
0x15b: {  	p0 =	seq.s32 s29, $0x0;
	s1 =	smov.u32 s7  }
0x15c: {  	s1 =	smov.u32 @p0 s8;
	p0 =	sne.s32 s18, $0xE000  }
.Ltmp2:
0x15d: {  	_ = 	snop;
	(pc) =	sbr.rel @p0 .LBB2_6-.Ltmp2, $4  }
0x15e: {  	s31 =	spop (v2sf)  }
0x15f: {  	s17 =	sadd.s32 $0x10, s17;
	s19 =	sadd.s32 $0x10, s19;
	s2 =	sand.u32 $0x1FFFFFF0, s31  }
0x160: {  	s0 =	sadd.s32 $0x4D80, s0;
	s18 =	sadd.s32 $0x2000, s18;
	s1 =	sadd.s32 s1, s2  }
0x161: {  	[tilespmem:s0], [sflag:$0x2] =	stream.linear.gather [hbm4b:s1+s6], $0x80, $0x38;
	[tilespmem:$0x8600] =	vst v63  }
0x162: {  	_ =	swait.ge [sflag:s5], $0x4000  }
0x163: {  	[sflag:s5] =	ssyncset.done $0x0  }
0x164: {  	s17 =	simm.s32 $0x0;
	s0 =	rddreg [dreg:$0x1d];
	[sflag:s5] =	ssyncadd.s32 $0xFFFFC000  }
0x165: {  	[hbm4b:s0+s17] =	stream.linear.scatter [tilespmem:s9], [sflag:$0x3], $0x4000, $0x38;
	[tilespmem:$0x8600] =	vst v63  }
0x166: {  	_ =	swait.ge [sflag:s4], $0x4000  }
0x167: {  	[sflag:s4] =	ssyncset.done $0x0  }
0x168: {  	s18 =	simm.s32 $0x300;
	s19 =	simm.s32 $0x500;
	[sflag:s4] =	ssyncadd.s32 $0xFFFFC000  }
.LBB2_8:
0x169: {  	v3 =	vld [tilespmem:s19+$0x0];
	_ =	sdelay $0x2  }
0x16a: {  	v2 =	vld [tilespmem:s18+$0x0];
	_ =	sdelay $0x1  }
0x16b: {  	(v2sf) =	vpush v3, $0x0;
	_ =	sdelay $0x2  }
0x16c: {  	v2 =	vshll.u32 v2, $0x4  }
0x16d: {  	(v2sf) =	vpush v2, $0x0  }
0x16e: {  	(v2sf) =	vpush v3, $0x1;
	_ =	sdelay $0x1  }
0x16f: {  	(v2sf) =	vpush v2, $0x1;
	_ =	sdelay $0x1  }
0x170: {  	(v2sf) =	vpush v3, $0x2;
	_ =	sdelay $0x4  }
0x171: {  	(v2sf) =	vpush v2, $0x2  }
0x172: {  	s0 =	spop (v2sf);
	(v2sf) =	vpush v3, $0x3;
	_ =	sdelay $0x2  }
0x173: {  	(v2sf) =	vpush v2, $0x3  }
0x174: {  	s1 =	spop (v2sf)  }
0x175: {  	s2 =	smov.u32 s7;
	p0 =	seq.s32 s0, $0x0;
	s22 =	spop (v2sf);
	(v2sf) =	vpush v3, $0x4  }
0x176: {  	s0 =	sshra.s32 s17, $0x2;
	s1 =	sand.u32 $0x1FFFFFF0, s1;
	s2 =	smov.u32 @p0 s8  }
0x177: {  	s3 =	sadd.s32 $0x600, s0;
	s1 =	sadd.s32 s2, s1;
	s23 =	spop (v2sf);
	(v2sf) =	vpush v2, $0x4  }
0x178: {  	[tilespmem:s3], [sflag:$0x1] =	stream.linear.gather [hbm4b:s1+s6], $0x80, $0x38;
	[tilespmem:$0x8600] =	vst v63  }
0x179: {  	s25 =	spop (v2sf);
	(v2sf) =	vpush v3, $0x5  }
0x17a: {  	p0 =	seq.s32 s22, $0x0;
	s1 =	smov.u32 s7  }
0x17b: {  	s2 =	sand.u32 $0x1FFFFFF0, s23;
	s1 =	smov.u32 @p0 s8  }
0x17c: {  	s24 =	sadd.s32 $0x680, s0;
	(v2sf) =	vpush v2, $0x5;
	s1 =	sadd.s32 s1, s2  }
0x17d: {  	[tilespmem:s24], [sflag:$0x1] =	stream.linear.gather [hbm4b:s1+s6], $0x80, $0x38;
	[tilespmem:$0x8600] =	vst v63  }
0x17e: {  	p0 =	seq.s32 s25, $0x0;
	s26 =	spop (v2sf);
	s1 =	smov.u32 s7  }
0x17f: {  	s2 =	sand.u32 $0x1FFFFFF0, s26;
	s1 =	smov.u32 @p0 s8;
	s29 =	spop (v2sf);
	(v2sf) =	vpush v3, $0x6  }
0x180: {  	s28 =	sadd.s32 $0x700, s0;
	s1 =	sadd.s32 s1, s2  }
0x181: {  	[tilespmem:s28], [sflag:$0x1] =	stream.linear.gather [hbm4b:s1+s6], $0x80, $0x38;
	[tilespmem:$0x8600] =	vst v63  }
0x182: {  	s1 =	smov.u32 s7;
	p0 =	seq.s32 s29, $0x0;
	s30 =	spop (v2sf);
	(v2sf) =	vpush v2, $0x6  }
0x183: {  	s1 =	smov.u32 @p0 s8;
	s2 =	sand.u32 $0x1FFFFFF0, s30  }
0x184: {  	s1 =	sadd.s32 s1, s2;
	s2 =	spop (v2sf);
	(v2sf) =	vpush v3, $0x7;
	_ =	sdelay $0x1  }
0x185: {  	s3 =	spop (v2sf);
	(v2sf) =	vpush v2, $0x7;
	_ =	sdelay $0x1  }
0x186: {  	s31 =	sadd.s32 $0x780, s0;
	s13 =	spop (v2sf);
	(v2sf) =	vpush v3, $0x8  }
0x187: {  	[tilespmem:s31], [sflag:$0x1] =	stream.linear.gather [hbm4b:s1+s6], $0x80, $0x38;
	[tilespmem:$0x8600] =	vst v63  }
0x188: {  	p0 =	seq.s32 s2, $0x0;
	s1 =	smov.u32 s7  }
0x189: {  	s1 =	smov.u32 @p0 s8;
	s2 =	sand.u32 $0x1FFFFFF0, s3;
	s14 =	spop (v2sf);
	(v2sf) =	vpush v2, $0x8  }
0x18a: {  	s12 =	sadd.s32 $0x800, s0;
	s1 =	sadd.s32 s1, s2  }
0x18b: {  	[tilespmem:s12], [sflag:$0x1] =	stream.linear.gather [hbm4b:s1+s6], $0x80, $0x38;
	[tilespmem:$0x8600] =	vst v63  }
0x18c: {  	s16 =	spop (v2sf);
	(v2sf) =	vpush v3, $0x9  }
0x18d: {  	p0 =	seq.s32 s13, $0x0;
	s1 =	smov.u32 s7  }
0x18e: {  	s2 =	sand.u32 $0x1FFFFFF0, s14;
	s1 =	smov.u32 @p0 s8  }
0x18f: {  	s15 =	sadd.s32 $0x880, s0;
	s1 =	sadd.s32 s1, s2;
	s20 =	spop (v2sf);
	(v2sf) =	vpush v2, $0x9  }
0x190: {  	[tilespmem:s15], [sflag:$0x1] =	stream.linear.gather [hbm4b:s1+s6], $0x80, $0x38;
	[tilespmem:$0x8600] =	vst v63  }
0x191: {  	s1 =	smov.u32 s7;
	p0 =	seq.s32 s16, $0x0;
	s22 =	spop (v2sf);
	(v2sf) =	vpush v3, $0xA  }
0x192: {  	s1 =	smov.u32 @p0 s8;
	s2 =	sand.u32 $0x1FFFFFF0, s20  }
0x193: {  	s21 =	sadd.s32 $0x900, s0;
	s1 =	sadd.s32 s1, s2;
	s23 =	spop (v2sf);
	(v2sf) =	vpush v2, $0xA  }
0x194: {  	[tilespmem:s21], [sflag:$0x1] =	stream.linear.gather [hbm4b:s1+s6], $0x80, $0x38;
	[tilespmem:$0x8600] =	vst v63  }
0x195: {  	s25 =	spop (v2sf);
	(v2sf) =	vpush v3, $0xB  }
0x196: {  	p0 =	seq.s32 s22, $0x0;
	s1 =	smov.u32 s7  }
0x197: {  	s1 =	smov.u32 @p0 s8;
	s2 =	sand.u32 $0x1FFFFFF0, s23;
	(v2sf) =	vpush v2, $0xB  }
0x198: {  	s24 =	sadd.s32 $0x980, s0;
	s1 =	sadd.s32 s1, s2;
	s26 =	spop (v2sf)  }
0x199: {  	[tilespmem:s24], [sflag:$0x1] =	stream.linear.gather [hbm4b:s1+s6], $0x80, $0x38;
	(v2sf) =	vpush v3, $0xC;
	[tilespmem:$0x8600] =	vst v63  }
0x19a: {  	p0 =	seq.s32 s25, $0x0;
	s1 =	smov.u32 s7  }
0x19b: {  	s2 =	sand.u32 $0x1FFFFFF0, s26;
	s1 =	smov.u32 @p0 s8;
	s29 =	spop (v2sf);
	(v2sf) =	vpush v2, $0xC  }
0x19c: {  	s28 =	sadd.s32 $0xA00, s0;
	s1 =	sadd.s32 s1, s2  }
0x19d: {  	[tilespmem:s28], [sflag:$0x1] =	stream.linear.gather [hbm4b:s1+s6], $0x80, $0x38;
	(v2sf) =	vpush v3, $0xD;
	[tilespmem:$0x8600] =	vst v63  }
0x19e: {  	s1 =	smov.u32 s7;
	p0 =	seq.s32 s29, $0x0;
	s30 =	spop (v2sf);
	(v2sf) =	vpush v2, $0xD  }
0x19f: {  	s1 =	smov.u32 @p0 s8;
	s2 =	sand.u32 $0x1FFFFFF0, s30  }
0x1a0: {  	s31 =	sadd.s32 $0xA80, s0;
	s1 =	sadd.s32 s1, s2;
	s3 =	spop (v2sf)  }
0x1a1: {  	(v2sf) =	vpush v3, $0xE;
	[tilespmem:s31], [sflag:$0x1] =	stream.linear.gather [hbm4b:s1+s6], $0x80, $0x38;
	[tilespmem:$0x8600] =	vst v63  }
0x1a2: {  	p0 =	seq.s32 s3, $0x0;
	s1 =	smov.u32 s7;
	s12 =	spop (v2sf);
	(v2sf) =	vpush v2, $0xE  }
0x1a3: {  	s1 =	smov.u32 @p0 s8;
	s2 =	sand.u32 $0x1FFFFFF0, s12  }
0x1a4: {  	s13 =	sadd.s32 $0xB00, s0;
	s14 =	spop (v2sf);
	s1 =	sadd.s32 s1, s2  }
0x1a5: {  	(v2sf) =	vpush v3, $0xF;
	[tilespmem:s13], [sflag:$0x1] =	stream.linear.gather [hbm4b:s1+s6], $0x80, $0x38;
	[tilespmem:$0x8600] =	vst v63  }
0x1a6: {  	p0 =	seq.s32 s14, $0x0;
	s15 =	spop (v2sf);
	s1 =	smov.u32 s7  }
0x1a7: {  	s2 =	sand.u32 $0x1FFFFFF0, s15;
	s1 =	smov.u32 @p0 s8  }
0x1a8: {  	s20 =	sadd.s32 $0xB80, s0;
	s16 =	spop (v2sf);
	s1 =	sadd.s32 s1, s2  }
0x1a9: {  	[tilespmem:s20], [sflag:$0x1] =	stream.linear.gather [hbm4b:s1+s6], $0x80, $0x38;
	[tilespmem:$0x8600] =	vst v63  }
0x1aa: {  	(v2sf) =	vpush v2, $0xF;
	p0 =	seq.s32 s16, $0x0;
	s2 =	smov.u32 s7;
	s21 =	spop (v2sf)  }
0x1ab: {  	s2 =	smov.u32 @p0 s8;
	s1 =	sand.u32 $0x1FFFFFF0, s21  }
0x1ac: {  	s23 =	sadd.s32 $0xC00, s0;
	s22 =	spop (v2sf);
	s1 =	sadd.s32 s2, s1  }
0x1ad: {  	s24 =	spop (v2sf);
	p0 =	seq.s32 s22, $0x0;
	s2 =	smov.u32 s7  }
0x1ae: {  	[tilespmem:s23], [sflag:$0x1] =	stream.linear.gather [hbm4b:s1+s6], $0x80, $0x38;
	[tilespmem:$0x8600] =	vst v63  }
0x1af: {  	s2 =	smov.u32 @p0 s8;
	s1 =	sand.u32 $0x1FFFFFF0, s24  }
0x1b0: {  	s26 =	sadd.s32 $0xC80, s0;
	s25 =	spop (v2sf);
	s1 =	sadd.s32 s2, s1  }
0x1b1: {  	s28 =	spop (v2sf);
	p0 =	seq.s32 s25, $0x0;
	s2 =	smov.u32 s7  }
0x1b2: {  	[tilespmem:s26], [sflag:$0x1] =	stream.linear.gather [hbm4b:s1+s6], $0x80, $0x38;
	[tilespmem:$0x8600] =	vst v63  }
0x1b3: {  	s2 =	smov.u32 @p0 s8;
	s1 =	sand.u32 $0x1FFFFFF0, s28  }
0x1b4: {  	s30 =	sadd.s32 $0xD00, s0;
	s29 =	spop (v2sf);
	s1 =	sadd.s32 s2, s1  }
0x1b5: {  	[tilespmem:s30], [sflag:$0x1] =	stream.linear.gather [hbm4b:s1+s6], $0x80, $0x38;
	[tilespmem:$0x8600] =	vst v63  }
0x1b6: {  	p0 =	seq.s32 s29, $0x0;
	s1 =	smov.u32 s7  }
0x1b7: {  	s1 =	smov.u32 @p0 s8;
	p0 =	sne.s32 s17, $0xE000  }
.Ltmp3:
0x1b8: {  	_ = 	snop;
	(pc) =	sbr.rel @p0 .LBB2_8-.Ltmp3, $4  }
0x1b9: {  	s31 =	spop (v2sf)  }
0x1ba: {  	s18 =	sadd.s32 $0x10, s18;
	s19 =	sadd.s32 $0x10, s19;
	s2 =	sand.u32 $0x1FFFFFF0, s31  }
0x1bb: {  	s0 =	sadd.s32 $0xD80, s0;
	s17 =	sadd.s32 $0x2000, s17;
	s1 =	sadd.s32 s1, s2  }
0x1bc: {  	[tilespmem:s0], [sflag:$0x1] =	stream.linear.gather [hbm4b:s1+s6], $0x80, $0x38;
	[tilespmem:$0x8600] =	vst v63  }
0x1bd: {  	_ =	swait.ge [sflag:s10], $0x4000  }
0x1be: {  	[sflag:s10] =	ssyncset.done $0x0  }
0x1bf: {  	s17 =	simm.s32 $0x0;
	s0 =	rddreg [dreg:$0x1e];
	[sflag:s10] =	ssyncadd.s32 $0xFFFFC000  }
0x1c0: {  	[hbm4b:s0+s17] =	stream.linear.scatter [tilespmem:s11], [sflag:$0x3], $0x4000, $0x38;
	[tilespmem:$0x8600] =	vst v63  }
0x1c1: {  	_ =	swait.ge [sflag:s4], $0x4000  }
0x1c2: {  	[sflag:s4] =	ssyncset.done $0x0  }
0x1c3: {  	s18 =	simm.s32 $0x380;
	s19 =	simm.s32 $0x580;
	[sflag:s4] =	ssyncadd.s32 $0xFFFFC000  }
.LBB2_10:
0x1c4: {  	v3 =	vld [tilespmem:s19+$0x0];
	_ =	sdelay $0x2  }
0x1c5: {  	v2 =	vld [tilespmem:s18+$0x0];
	_ =	sdelay $0x1  }
0x1c6: {  	(v2sf) =	vpush v3, $0x0;
	_ =	sdelay $0x2  }
0x1c7: {  	v2 =	vshll.u32 v2, $0x4  }
0x1c8: {  	(v2sf) =	vpush v2, $0x0  }
0x1c9: {  	(v2sf) =	vpush v3, $0x1;
	_ =	sdelay $0x1  }
0x1ca: {  	(v2sf) =	vpush v2, $0x1;
	_ =	sdelay $0x1  }
0x1cb: {  	(v2sf) =	vpush v3, $0x2;
	_ =	sdelay $0x4  }
0x1cc: {  	(v2sf) =	vpush v2, $0x2  }
0x1cd: {  	s0 =	spop (v2sf);
	(v2sf) =	vpush v3, $0x3;
	_ =	sdelay $0x2  }
0x1ce: {  	(v2sf) =	vpush v2, $0x3  }
0x1cf: {  	s1 =	spop (v2sf)  }
0x1d0: {  	s2 =	smov.u32 s7;
	p0 =	seq.s32 s0, $0x0;
	s22 =	spop (v2sf);
	(v2sf) =	vpush v3, $0x4  }
0x1d1: {  	s0 =	sshra.s32 s17, $0x2;
	s1 =	sand.u32 $0x1FFFFFF0, s1;
	s2 =	smov.u32 @p0 s8  }
0x1d2: {  	s3 =	sadd.s32 $0x4600, s0;
	s1 =	sadd.s32 s2, s1;
	s23 =	spop (v2sf);
	(v2sf) =	vpush v2, $0x4  }
0x1d3: {  	[tilespmem:s3], [sflag:$0x2] =	stream.linear.gather [hbm4b:s1+s6], $0x80, $0x38;
	[tilespmem:$0x8600] =	vst v63  }
0x1d4: {  	s25 =	spop (v2sf);
	(v2sf) =	vpush v3, $0x5  }
0x1d5: {  	p0 =	seq.s32 s22, $0x0;
	s1 =	smov.u32 s7  }
0x1d6: {  	s2 =	sand.u32 $0x1FFFFFF0, s23;
	s1 =	smov.u32 @p0 s8  }
0x1d7: {  	s24 =	sadd.s32 $0x4680, s0;
	(v2sf) =	vpush v2, $0x5;
	s1 =	sadd.s32 s1, s2  }
0x1d8: {  	[tilespmem:s24], [sflag:$0x2] =	stream.linear.gather [hbm4b:s1+s6], $0x80, $0x38;
	[tilespmem:$0x8600] =	vst v63  }
0x1d9: {  	p0 =	seq.s32 s25, $0x0;
	s26 =	spop (v2sf);
	s1 =	smov.u32 s7  }
0x1da: {  	s2 =	sand.u32 $0x1FFFFFF0, s26;
	s1 =	smov.u32 @p0 s8;
	s29 =	spop (v2sf);
	(v2sf) =	vpush v3, $0x6  }
0x1db: {  	s28 =	sadd.s32 $0x4700, s0;
	s1 =	sadd.s32 s1, s2  }
0x1dc: {  	[tilespmem:s28], [sflag:$0x2] =	stream.linear.gather [hbm4b:s1+s6], $0x80, $0x38;
	[tilespmem:$0x8600] =	vst v63  }
0x1dd: {  	s1 =	smov.u32 s7;
	p0 =	seq.s32 s29, $0x0;
	s30 =	spop (v2sf);
	(v2sf) =	vpush v2, $0x6  }
0x1de: {  	s1 =	smov.u32 @p0 s8;
	s2 =	sand.u32 $0x1FFFFFF0, s30  }
0x1df: {  	s1 =	sadd.s32 s1, s2;
	s2 =	spop (v2sf);
	(v2sf) =	vpush v3, $0x7;
	_ =	sdelay $0x1  }
0x1e0: {  	s3 =	spop (v2sf);
	(v2sf) =	vpush v2, $0x7;
	_ =	sdelay $0x1  }
0x1e1: {  	s31 =	sadd.s32 $0x4780, s0;
	s13 =	spop (v2sf);
	(v2sf) =	vpush v3, $0x8  }
0x1e2: {  	[tilespmem:s31], [sflag:$0x2] =	stream.linear.gather [hbm4b:s1+s6], $0x80, $0x38;
	[tilespmem:$0x8600] =	vst v63  }
0x1e3: {  	p0 =	seq.s32 s2, $0x0;
	s1 =	smov.u32 s7  }
0x1e4: {  	s1 =	smov.u32 @p0 s8;
	s2 =	sand.u32 $0x1FFFFFF0, s3;
	s14 =	spop (v2sf);
	(v2sf) =	vpush v2, $0x8  }
0x1e5: {  	s12 =	sadd.s32 $0x4800, s0;
	s1 =	sadd.s32 s1, s2  }
0x1e6: {  	[tilespmem:s12], [sflag:$0x2] =	stream.linear.gather [hbm4b:s1+s6], $0x80, $0x38;
	[tilespmem:$0x8600] =	vst v63  }
0x1e7: {  	s16 =	spop (v2sf);
	(v2sf) =	vpush v3, $0x9  }
0x1e8: {  	p0 =	seq.s32 s13, $0x0;
	s1 =	smov.u32 s7  }
0x1e9: {  	s2 =	sand.u32 $0x1FFFFFF0, s14;
	s1 =	smov.u32 @p0 s8  }
0x1ea: {  	s15 =	sadd.s32 $0x4880, s0;
	s1 =	sadd.s32 s1, s2;
	s20 =	spop (v2sf);
	(v2sf) =	vpush v2, $0x9  }
0x1eb: {  	[tilespmem:s15], [sflag:$0x2] =	stream.linear.gather [hbm4b:s1+s6], $0x80, $0x38;
	[tilespmem:$0x8600] =	vst v63  }
0x1ec: {  	s1 =	smov.u32 s7;
	p0 =	seq.s32 s16, $0x0;
	s22 =	spop (v2sf);
	(v2sf) =	vpush v3, $0xA  }
0x1ed: {  	s1 =	smov.u32 @p0 s8;
	s2 =	sand.u32 $0x1FFFFFF0, s20  }
0x1ee: {  	s21 =	sadd.s32 $0x4900, s0;
	s1 =	sadd.s32 s1, s2;
	s23 =	spop (v2sf);
	(v2sf) =	vpush v2, $0xA  }
0x1ef: {  	[tilespmem:s21], [sflag:$0x2] =	stream.linear.gather [hbm4b:s1+s6], $0x80, $0x38;
	[tilespmem:$0x8600] =	vst v63  }
0x1f0: {  	s25 =	spop (v2sf);
	(v2sf) =	vpush v3, $0xB  }
0x1f1: {  	p0 =	seq.s32 s22, $0x0;
	s1 =	smov.u32 s7  }
0x1f2: {  	s1 =	smov.u32 @p0 s8;
	s2 =	sand.u32 $0x1FFFFFF0, s23;
	(v2sf) =	vpush v2, $0xB  }
0x1f3: {  	s24 =	sadd.s32 $0x4980, s0;
	s1 =	sadd.s32 s1, s2;
	s26 =	spop (v2sf)  }
0x1f4: {  	[tilespmem:s24], [sflag:$0x2] =	stream.linear.gather [hbm4b:s1+s6], $0x80, $0x38;
	(v2sf) =	vpush v3, $0xC;
	[tilespmem:$0x8600] =	vst v63  }
0x1f5: {  	p0 =	seq.s32 s25, $0x0;
	s1 =	smov.u32 s7  }
0x1f6: {  	s2 =	sand.u32 $0x1FFFFFF0, s26;
	s1 =	smov.u32 @p0 s8;
	s29 =	spop (v2sf);
	(v2sf) =	vpush v2, $0xC  }
0x1f7: {  	s28 =	sadd.s32 $0x4A00, s0;
	s1 =	sadd.s32 s1, s2  }
0x1f8: {  	[tilespmem:s28], [sflag:$0x2] =	stream.linear.gather [hbm4b:s1+s6], $0x80, $0x38;
	(v2sf) =	vpush v3, $0xD;
	[tilespmem:$0x8600] =	vst v63  }
0x1f9: {  	s1 =	smov.u32 s7;
	p0 =	seq.s32 s29, $0x0;
	s30 =	spop (v2sf);
	(v2sf) =	vpush v2, $0xD  }
0x1fa: {  	s1 =	smov.u32 @p0 s8;
	s2 =	sand.u32 $0x1FFFFFF0, s30  }
0x1fb: {  	s31 =	sadd.s32 $0x4A80, s0;
	s1 =	sadd.s32 s1, s2;
	s3 =	spop (v2sf)  }
0x1fc: {  	(v2sf) =	vpush v3, $0xE;
	[tilespmem:s31], [sflag:$0x2] =	stream.linear.gather [hbm4b:s1+s6], $0x80, $0x38;
	[tilespmem:$0x8600] =	vst v63  }
0x1fd: {  	p0 =	seq.s32 s3, $0x0;
	s1 =	smov.u32 s7;
	s12 =	spop (v2sf);
	(v2sf) =	vpush v2, $0xE  }
0x1fe: {  	s1 =	smov.u32 @p0 s8;
	s2 =	sand.u32 $0x1FFFFFF0, s12  }
0x1ff: {  	s13 =	sadd.s32 $0x4B00, s0;
	s14 =	spop (v2sf);
	s1 =	sadd.s32 s1, s2  }
0x200: {  	(v2sf) =	vpush v3, $0xF;
	[tilespmem:s13], [sflag:$0x2] =	stream.linear.gather [hbm4b:s1+s6], $0x80, $0x38;
	[tilespmem:$0x8600] =	vst v63  }
0x201: {  	p0 =	seq.s32 s14, $0x0;
	s15 =	spop (v2sf);
	s1 =	smov.u32 s7  }
0x202: {  	s2 =	sand.u32 $0x1FFFFFF0, s15;
	s1 =	smov.u32 @p0 s8  }
0x203: {  	s20 =	sadd.s32 $0x4B80, s0;
	s16 =	spop (v2sf);
	s1 =	sadd.s32 s1, s2  }
0x204: {  	[tilespmem:s20], [sflag:$0x2] =	stream.linear.gather [hbm4b:s1+s6], $0x80, $0x38;
	[tilespmem:$0x8600] =	vst v63  }
0x205: {  	(v2sf) =	vpush v2, $0xF;
	p0 =	seq.s32 s16, $0x0;
	s2 =	smov.u32 s7;
	s21 =	spop (v2sf)  }
0x206: {  	s2 =	smov.u32 @p0 s8;
	s1 =	sand.u32 $0x1FFFFFF0, s21  }
0x207: {  	s23 =	sadd.s32 $0x4C00, s0;
	s22 =	spop (v2sf);
	s1 =	sadd.s32 s2, s1  }
0x208: {  	s24 =	spop (v2sf);
	p0 =	seq.s32 s22, $0x0;
	s2 =	smov.u32 s7  }
0x209: {  	[tilespmem:s23], [sflag:$0x2] =	stream.linear.gather [hbm4b:s1+s6], $0x80, $0x38;
	[tilespmem:$0x8600] =	vst v63  }
0x20a: {  	s2 =	smov.u32 @p0 s8;
	s1 =	sand.u32 $0x1FFFFFF0, s24  }
0x20b: {  	s26 =	sadd.s32 $0x4C80, s0;
	s25 =	spop (v2sf);
	s1 =	sadd.s32 s2, s1  }
0x20c: {  	s28 =	spop (v2sf);
	p0 =	seq.s32 s25, $0x0;
	s2 =	smov.u32 s7  }
0x20d: {  	[tilespmem:s26], [sflag:$0x2] =	stream.linear.gather [hbm4b:s1+s6], $0x80, $0x38;
	[tilespmem:$0x8600] =	vst v63  }
0x20e: {  	s2 =	smov.u32 @p0 s8;
	s1 =	sand.u32 $0x1FFFFFF0, s28  }
0x20f: {  	s30 =	sadd.s32 $0x4D00, s0;
	s29 =	spop (v2sf);
	s1 =	sadd.s32 s2, s1  }
0x210: {  	[tilespmem:s30], [sflag:$0x2] =	stream.linear.gather [hbm4b:s1+s6], $0x80, $0x38;
	[tilespmem:$0x8600] =	vst v63  }
0x211: {  	p0 =	seq.s32 s29, $0x0;
	s1 =	smov.u32 s7  }
0x212: {  	s1 =	smov.u32 @p0 s8;
	p0 =	sne.s32 s17, $0xE000  }
.Ltmp4:
0x213: {  	_ = 	snop;
	(pc) =	sbr.rel @p0 .LBB2_10-.Ltmp4, $4  }
0x214: {  	s31 =	spop (v2sf)  }
0x215: {  	s18 =	sadd.s32 $0x10, s18;
	s19 =	sadd.s32 $0x10, s19;
	s2 =	sand.u32 $0x1FFFFFF0, s31  }
0x216: {  	s0 =	sadd.s32 $0x4D80, s0;
	s17 =	sadd.s32 $0x2000, s17;
	s1 =	sadd.s32 s1, s2  }
0x217: {  	[tilespmem:s0], [sflag:$0x2] =	stream.linear.gather [hbm4b:s1+s6], $0x80, $0x38;
	[tilespmem:$0x8600] =	vst v63  }
0x218: {  	_ =	swait.ge [sflag:s5], $0x4000  }
0x219: {  	[sflag:s5] =	ssyncset.done $0x0  }
0x21a: {  	s0 =	rddreg [dreg:$0x1f];
	[sflag:s5] =	ssyncadd.s32 $0xFFFFC000  }
0x21b: {  	[hbm4b:s0+s6] =	stream.linear.scatter [tilespmem:s9], [sflag:$0x3], $0x4000, $0x38;
	[tilespmem:$0x8600] =	vst v63  }
0x21c: {  	_ =	swait.ge [sflag:s4], $0x4000  }
0x21d: {  	[sflag:s4] =	ssyncset.done $0x0  }
0x21e: {  	[sflag:s4] =	ssyncadd.s32 $0xFFFFC000  }
0x21f: {  	_ =	swait.ge [sflag:s10], $0x4000  }
0x220: {  	s30 =	sld [smem:$0x7FC]  }
0x221: {  	[sflag:s10] =	ssyncset.done $0x0  }
0x222: {  	[sflag:s10] =	ssyncadd.s32 $0xFFFFC000  }
0x223: {  	[hbm4b:s30+s6] =	stream.linear.scatter [tilespmem:s11], [sflag:$0x3], $0x4000, $0x38;
	[tilespmem:$0x8600] =	vst v63  }
0x224: {  	_ =	swait.ge [sflag:s4], $0x4000  }
0x225: {  	s1 =	sld [smem:$0x7FB]  }
0x226: {  	s31 =	sld [smem:$0x7FD];
	_ =	sdelay $0x1  }
0x227: {  	s1 =	sadd.s32 $0x1, s1  }
0x228: {  	p0 =	sne.s32 s1, s31  }
.Ltmp5:
0x229: {  	_ = 	snop;
	(pc) =	sbr.rel @p0 .LBB2_1-.Ltmp5, $3  }
0x22a: {  	_ =	sdelay $0x1  }
0x22b: {  	[sflag:s4] =	ssyncset.done $0x0  }
0x22c: {  	[sflag:s4] =	ssyncadd.s32 $0xFFFFC000  }
0x22d: {  	_ =	sfence.sel $0x180000  }
0x22e: {  	[bflag:$0x0] =	sbarrier.arrive $0xFFFF  }
0x22f: {  	_ =	strace $0x90000047  }
0x230: {  	s0 =	stileid.u32;
	[bflag:$0x2] =	sbarrier.arrive $0xFFFF  }
0x231: {  	p0 =	sne.s32 s0, $0x0;
	s0 =	rddreg [dreg:$0x2]  }
0x232: {  	s0 =	sadd.s32 @!p0 $0x100000, s0  }
0x233: {  	[sflag:s0] =	ssyncadd.tile.s32 @!p0 $0x1;
	_ =	shalt  }
.Lfunc_end2:
_tile_overlayer_lowered:
.L_overlay_start_2:
0x234: {  	(tag) =	ssettag $0x2  }
0x235: {  	s0 =	rddreg [dreg:$0x0];
	s2 =	stileid.u32  }
0x236: {  	s1 =	rddreg [dreg:$0x1];
	p0 =	sne.s32 s2, $0x0  }
0x237: {  	s3 =	rddreg [dreg:$0x2];
	[bflag:$0x3] =	sbarrier.arrive $0xFFFF;
	s2 =	simm.s32 @!p0 $0x1C03  }
0x238: {  	[timem:s3], [sflag:s2] =	dma.local @!p0 [hbm:s0], s1  }
0x239: {  	s0 =	simm.s32 @!p0 $0x3  }
0x23a: {  	_ =	swait.ge @!p0 [sflag:s0], s1  }
0x23b: {  	s1 =	ssub.s32 @!p0 $0x0, s1;
	[sflag:s0] =	ssyncset.done @!p0 $0x0  }
0x23c: {  	[sflag:s0] =	ssyncadd.s32 @!p0 s1  }
0x23d: {  	[bflag:$0x3] =	sbarrier.arrive $0xFFFF  }
0x23e: {  	_ =	shalt  }

</sc_bundles>
